<compile_context>
chip_gen: v7x
topology: tpu7x:2x2x1
jax: 0.10.2.dev20260603
libtpu: 0.0.44.dev20260713+nightly
codegen_flags: <defaults>
</compile_context>

<pallas_src>
import functools

import jax
import jax.numpy as jnp
from jax import lax
from jax.experimental import pallas as pl
from jax.experimental.pallas import tpu as pltpu
from jax.experimental.pallas import tpu_sc as plsc

D = 128
CH = 128
NC = 2
NS = 16
NW = NC * NS
ACC_ROWS = 10112


def _sc_aggregate(table, eb, zeros_blk):
    nch = eb.shape[0]
    base_trips, rem = divmod(nch, NW)
    zrows = ACC_ROWS // NS

    mesh = plsc.VectorSubcoreMesh(
        core_axis_name="c", subcore_axis_name="s",
        num_cores=NC, num_subcores=NS)

    @functools.partial(
        pl.kernel,
        out_type=jax.ShapeDtypeStruct((NC, ACC_ROWS, D), jnp.float32),
        mesh=mesh,
        scratch_types=[
            pltpu.VMEM_SHARED((ACC_ROWS, D), jnp.float32),
            pltpu.VMEM((3, CH, D), jnp.float32),
            pltpu.VMEM((4, 2, CH), jnp.int32),
            pltpu.SemaphoreType.DMA,
            pltpu.SemaphoreType.DMA,
            pltpu.SemaphoreType.DMA,
            pltpu.SemaphoreType.DMA,
            pltpu.SemaphoreType.DMA,
            pltpu.SemaphoreType.DMA,
            pltpu.SemaphoreType.DMA,
            pltpu.SemaphoreType.DMA,
        ],
    )
    def agg(table_hbm, eb_hbm, zeros_hbm, out_hbm,
            acc, rows, ib, isem, g0, g1, g2, s0, s1, s2, wsem):
        gsem = (g0, g1, g2)
        ssem = (s0, s1, s2)
        cid = lax.axis_index("c")
        sid = lax.axis_index("s")
        wid = sid * NC + cid

        zchunks = [(k * CH, CH) for k in range(zrows // CH)]
        tail = zrows - (zrows // CH) * CH
        if tail:
            zchunks.append(((zrows // CH) * CH, tail))

        ntr = base_trips + jnp.where(wid < rem, 1, 0).astype(jnp.int32)

        def i_copy(i):
            return pltpu.make_async_copy(
                eb_hbm.at[wid + i * NW], ib.at[lax.rem(i, 4)], isem)

        def g_copy(i, s):
            return pltpu.make_async_copy(
                table_hbm.at[ib.at[lax.rem(i, 4), 0]],
                rows.at[lax.rem(i, 3)], gsem[s])

        def s_start(i, s):
            pltpu.async_copy(
                rows.at[lax.rem(i, 3)], acc.at[ib.at[lax.rem(i, 4), 1]],
                ssem[s], add=True)

        def s_wait(i, s):
            pltpu.make_async_copy(
                rows.at[lax.rem(i, 3)], acc.at[ib.at[lax.rem(i, 4), 1]],
                ssem[s]).wait()

        for (r0, sz) in zchunks:
            pltpu.async_copy(zeros_hbm.at[pl.ds(0, sz)],
                             acc.at[pl.ds(sid * zrows + r0, sz)], wsem)
        for k in range(2):
            @pl.when(ntr > k)
            def _(k=k):
                i_copy(k).start()
                i_copy(k).wait()
                g_copy(k, k).start()

        @pl.when(ntr > 2)
        def _():
            i_copy(2).start()
        for (r0, sz) in zchunks:
            pltpu.make_async_copy(
                zeros_hbm.at[pl.ds(0, sz)],
                acc.at[pl.ds(sid * zrows + r0, sz)], wsem).wait()
        plsc.subcore_barrier()

        def chunk_step(i, u):
            g_copy(i, u).wait()
            s_start(i, u)
            j = i + 2

            @pl.when(j < ntr)
            def _():
                i_copy(j).wait()

            if u == 0:
                @pl.when(i >= 1)
                def _():
                    s_wait(i - 1, (u + 2) % 3)
            else:
                s_wait(i - 1, (u + 2) % 3)

            @pl.when(j < ntr)
            def _():
                g_copy(j, (u + 2) % 3).start()

            @pl.when(i + 3 < ntr)
            def _():
                i_copy(i + 3).start()

        def body(t, carry):
            for u in range(3):
                i = t * 3 + u

                @pl.when(i < ntr)
                def _(i=i, u=u):
                    chunk_step(i, u)
            return carry

        lax.fori_loop(0, (ntr + 2) // 3, body, 0)
        for u in range(3):
            @pl.when(lax.rem(ntr - 1, 3) == u)
            def _(u=u):
                s_wait(ntr - 1, u)
        plsc.subcore_barrier()

        for (r0, sz) in zchunks:
            ra = sid * zrows + r0
            pltpu.async_copy(acc.at[pl.ds(ra, sz)],
                             out_hbm.at[cid, pl.ds(ra, sz)], wsem)
        for (r0, sz) in zchunks:
            ra = sid * zrows + r0
            pltpu.make_async_copy(
                acc.at[pl.ds(ra, sz)],
                out_hbm.at[cid, pl.ds(ra, sz)], wsem).wait()

    return agg(table, eb, zeros_blk)


def _tc_layer(agg2, hprev, wt, wlt, bias, apply_elu, n):
    bn = 2000
    dout = wt.shape[1]

    def body(p_r, hp_r, wt_r, wlt_r, b_r, o_r):
        aggm = p_r[0] + p_r[1]
        y = jnp.dot(aggm, wt_r[...], preferred_element_type=jnp.float32)
        y = y + jnp.dot(hp_r[...], wlt_r[...], preferred_element_type=jnp.float32)
        y = y + b_r[...]
        if apply_elu:
            y = jnp.where(y > 0, y, jnp.exp(jnp.minimum(y, 0.0)) - 1.0)
        o_r[...] = y

    return pl.pallas_call(
        body,
        grid=(n // bn,),
        in_specs=[
            pl.BlockSpec((NC, bn, D), lambda i: (0, i, 0)),
            pl.BlockSpec((bn, D), lambda i: (i, 0)),
            pl.BlockSpec((D, dout), lambda i: (0, 0)),
            pl.BlockSpec((D, dout), lambda i: (0, 0)),
            pl.BlockSpec((1, dout), lambda i: (0, 0)),
        ],
        out_specs=pl.BlockSpec((bn, dout), lambda i: (i, 0)),
        out_shape=jax.ShapeDtypeStruct((n, dout), jnp.float32),
    )(agg2, hprev, wt, wlt, bias)


def kernel(x, edge_index, W1, b1, W2, b2, W3, b3,
           Wl1, bl1, Wl2, bl2, Wl3, bl3):
    n = x.shape[0]
    e = edge_index.shape[1]
    eb = edge_index.reshape(2, e // CH, CH).transpose(1, 0, 2)
    zeros_blk = jnp.zeros((CH, D), jnp.float32)

    agg1 = _sc_aggregate(x, eb, zeros_blk)
    h1 = _tc_layer(agg1, x, W1.T, Wl1.T, (b1 + bl1)[None, :], True, n)
    agg2 = _sc_aggregate(h1, eb, zeros_blk)
    h2 = _tc_layer(agg2, h1, W2.T, Wl2.T, (b2 + bl2)[None, :], True, n)
    agg3 = _sc_aggregate(h2, eb, zeros_blk)
    return _tc_layer(agg3, h2, W3.T, Wl3.T, (b3 + bl3)[None, :], False, n)

# --- scband reference (transcript-rebuilt; emitter-appended) ---
"""Pipeline reference for scband-gcn-197568496081 (READ-ONLY COPY).

The authoritative reference and input builder live on the scoring server;
editing this copy changes nothing except your own understanding.
"""

import jax, jax.numpy as jnp
import numpy as np

N = 10000
E = 320000
IN_DIM = 128
HID = 128
OUT = 121


def setup_inputs(seed: int = 0) -> dict:
    key = jax.random.key(seed)
    ks = jax.random.split(key, 16)
    x = jax.random.normal(ks[0], (N, IN_DIM), dtype=jnp.float32)
    edge_index = jax.random.randint(ks[1], (2, E), 0, N, dtype=jnp.int32)
    def lin_w(k, out_d, in_d):
        return jax.random.normal(k, (out_d, in_d), dtype=jnp.float32) * (1.0 / np.sqrt(in_d))
    W1 = lin_w(ks[2], HID, IN_DIM); b1 = jnp.zeros((HID,), jnp.float32)
    W2 = lin_w(ks[3], HID, HID);    b2 = jnp.zeros((HID,), jnp.float32)
    W3 = lin_w(ks[4], OUT, HID);    b3 = jnp.zeros((OUT,), jnp.float32)
    Wl1 = lin_w(ks[5], HID, IN_DIM); bl1 = jnp.zeros((HID,), jnp.float32)
    Wl2 = lin_w(ks[6], HID, HID);    bl2 = jnp.zeros((HID,), jnp.float32)
    Wl3 = lin_w(ks[7], OUT, HID);    bl3 = jnp.zeros((OUT,), jnp.float32)
    return {"x": x, "edge_index": edge_index,
            "W1": W1, "b1": b1, "W2": W2, "b2": b2, "W3": W3, "b3": b3,
            "Wl1": Wl1, "bl1": bl1, "Wl2": Wl2, "bl2": bl2, "Wl3": Wl3, "bl3": bl3}


def _gcn_conv(x, W, b, src, dst, n_nodes):
    # PyG GCNConv with normalize=False: h = x @ W^T, then sum-aggregate h[src] into dst, add bias.
    h = x @ W.T
    out = jnp.zeros((n_nodes, W.shape[0]), dtype=h.dtype).at[dst].add(h[src])
    return out + b


def reference(x, edge_index, W1, b1, W2, b2, W3, b3, Wl1, bl1, Wl2, bl2, Wl3, bl3):
    src = edge_index[0]
    dst = edge_index[1]
    n = x.shape[0]
    # dropout is inactive in eval mode
    h = _gcn_conv(x, W1, b1, src, dst, n) + (x @ Wl1.T + bl1)
    h = jax.nn.elu(h)
    h = _gcn_conv(h, W2, b2, src, dst, n) + (h @ Wl2.T + bl2)
    h = jax.nn.elu(h)
    out = _gcn_conv(h, W3, b3, src, dst, n) + (h @ Wl3.T + bl3)
    return out

if __name__ == "__main__":
    import jax
    _d = setup_inputs()
    print(jax.jit(kernel)(*tuple(_d.values())))

</pallas_src>

<mosaic_0001>
#map = affine_map<(d0, d1) -> (0, 0)>
#map1 = affine_map<(d0, d1) -> (0, 0, 0)>
module attributes {stable_mosaic.version = 14 : i64} {
  func.func @agg(%arg0: i32, %arg1: i32, %arg2: memref<10000x128xf32, #tpu.memory_space<hbm>>, %arg3: memref<2500x2x128xi32, #tpu.memory_space<hbm>>, %arg4: memref<128x128xf32, #tpu.memory_space<hbm>>, %arg5: memref<2x10112x128xf32, #tpu.memory_space<hbm>>, %arg6: memref<10112x128xf32, #tpu.memory_space<vmem_shared>>, %arg7: memref<3x128x128xf32, #tpu.memory_space<vmem>>, %arg8: memref<4x2x128xi32, #tpu.memory_space<vmem>>, %arg9: memref<!tpu.dma_semaphore, #tpu.memory_space<semaphore_mem>>, %arg10: memref<!tpu.dma_semaphore, #tpu.memory_space<semaphore_mem>>, %arg11: memref<!tpu.dma_semaphore, #tpu.memory_space<semaphore_mem>>, %arg12: memref<!tpu.dma_semaphore, #tpu.memory_space<semaphore_mem>>, %arg13: memref<!tpu.dma_semaphore, #tpu.memory_space<semaphore_mem>>, %arg14: memref<!tpu.dma_semaphore, #tpu.memory_space<semaphore_mem>>, %arg15: memref<!tpu.dma_semaphore, #tpu.memory_space<semaphore_mem>>, %arg16: memref<!tpu.dma_semaphore, #tpu.memory_space<semaphore_mem>>) attributes {dimension_semantics = [#tpu.dimension_semantics<core_parallel>, #tpu.dimension_semantics<subcore_parallel>], iteration_bounds = array<i64: 2, 16>, scalar_prefetch = 0 : i64, scratch_operands = 11 : i64, tpu.core_type = #tpu.core_type<sc_vector_subcore>, window_params = [{transform_indices = #map}, {transform_indices = #map1}, {transform_indices = #map}, {transform_indices = #map1}]} {
    %mul3A = arith.constant 2 : i32
    %mul3A_0 = arith.muli %arg1, %mul3A : i32
    %add3A = arith.addi %mul3A_0, %arg0 : i32
    %lt3A = arith.constant 4 : i32
    %lt3A_1 = arith.cmpi slt, %add3A, %lt3A : i32
    %jit3A = arith.constant 1 : i32
    %jit3A_2 = arith.constant 0 : i32
    %select_n3A = arith.select %lt3A_1, %jit3A, %jit3A_2 : i32
    %add3A_3 = arith.constant 78 : i32
    %add3A_4 = arith.addi %add3A_3, %select_n3A : i32
    %mul3A_5 = arith.constant 632 : i32
    %mul3A_6 = arith.muli %arg1, %mul3A_5 : i32
    %add3A_7 = arith.constant 0 : i32
    %add3A_8 = arith.addi %mul3A_6, %add3A_7 : i32
    %dma_start3A = arith.constant 0 : i32
    %dma_start3A_9 = tpu.memref_slice %arg6[%add3A_8, %dma_start3A] : memref<10112x128xf32, #tpu.memory_space<vmem_shared>> -> memref<128x128xf32, #tpu.memory_space<vmem_shared>>
    %dma_start3A_10 = arith.constant 0 : i32
    %dma_start3A_11 = arith.constant 0 : i32
    %dma_start3A_12 = tpu.memref_slice %arg4[%dma_start3A_10, %dma_start3A_11] : memref<128x128xf32, #tpu.memory_space<hbm>> -> memref<128x128xf32, #tpu.memory_space<hbm>>
    tpu.enqueue_dma source(%dma_start3A_12 : memref<128x128xf32, #tpu.memory_space<hbm>>) target(%dma_start3A_9 : memref<128x128xf32, #tpu.memory_space<vmem_shared>>) target_semaphore(%arg16 : memref<!tpu.dma_semaphore, #tpu.memory_space<semaphore_mem>>)
    %mul3A_13 = arith.constant 632 : i32
    %mul3A_14 = arith.muli %arg1, %mul3A_13 : i32
    %add3A_15 = arith.constant 128 : i32
    %add3A_16 = arith.addi %mul3A_14, %add3A_15 : i32
    %dma_start3A_17 = arith.constant 0 : i32
    %dma_start3A_18 = tpu.memref_slice %arg6[%add3A_16, %dma_start3A_17] : memref<10112x128xf32, #tpu.memory_space<vmem_shared>> -> memref<128x128xf32, #tpu.memory_space<vmem_shared>>
    %dma_start3A_19 = arith.constant 0 : i32
    %dma_start3A_20 = arith.constant 0 : i32
    %dma_start3A_21 = tpu.memref_slice %arg4[%dma_start3A_19, %dma_start3A_20] : memref<128x128xf32, #tpu.memory_space<hbm>> -> memref<128x128xf32, #tpu.memory_space<hbm>>
    tpu.enqueue_dma source(%dma_start3A_21 : memref<128x128xf32, #tpu.memory_space<hbm>>) target(%dma_start3A_18 : memref<128x128xf32, #tpu.memory_space<vmem_shared>>) target_semaphore(%arg16 : memref<!tpu.dma_semaphore, #tpu.memory_space<semaphore_mem>>)
    %mul3A_22 = arith.constant 632 : i32
    %mul3A_23 = arith.muli %arg1, %mul3A_22 : i32
    %add3A_24 = arith.constant 256 : i32
    %add3A_25 = arith.addi %mul3A_23, %add3A_24 : i32
    %dma_start3A_26 = arith.constant 0 : i32
    %dma_start3A_27 = tpu.memref_slice %arg6[%add3A_25, %dma_start3A_26] : memref<10112x128xf32, #tpu.memory_space<vmem_shared>> -> memref<128x128xf32, #tpu.memory_space<vmem_shared>>
    %dma_start3A_28 = arith.constant 0 : i32
    %dma_start3A_29 = arith.constant 0 : i32
    %dma_start3A_30 = tpu.memref_slice %arg4[%dma_start3A_28, %dma_start3A_29] : memref<128x128xf32, #tpu.memory_space<hbm>> -> memref<128x128xf32, #tpu.memory_space<hbm>>
    tpu.enqueue_dma source(%dma_start3A_30 : memref<128x128xf32, #tpu.memory_space<hbm>>) target(%dma_start3A_27 : memref<128x128xf32, #tpu.memory_space<vmem_shared>>) target_semaphore(%arg16 : memref<!tpu.dma_semaphore, #tpu.memory_space<semaphore_mem>>)
    %mul3A_31 = arith.constant 632 : i32
    %mul3A_32 = arith.muli %arg1, %mul3A_31 : i32
    %add3A_33 = arith.constant 384 : i32
    %add3A_34 = arith.addi %mul3A_32, %add3A_33 : i32
    %dma_start3A_35 = arith.constant 0 : i32
    %dma_start3A_36 = tpu.memref_slice %arg6[%add3A_34, %dma_start3A_35] : memref<10112x128xf32, #tpu.memory_space<vmem_shared>> -> memref<128x128xf32, #tpu.memory_space<vmem_shared>>
    %dma_start3A_37 = arith.constant 0 : i32
    %dma_start3A_38 = arith.constant 0 : i32
    %dma_start3A_39 = tpu.memref_slice %arg4[%dma_start3A_37, %dma_start3A_38] : memref<128x128xf32, #tpu.memory_space<hbm>> -> memref<128x128xf32, #tpu.memory_space<hbm>>
    tpu.enqueue_dma source(%dma_start3A_39 : memref<128x128xf32, #tpu.memory_space<hbm>>) target(%dma_start3A_36 : memref<128x128xf32, #tpu.memory_space<vmem_shared>>) target_semaphore(%arg16 : memref<!tpu.dma_semaphore, #tpu.memory_space<semaphore_mem>>)
    %mul3A_40 = arith.constant 632 : i32
    %mul3A_41 = arith.muli %arg1, %mul3A_40 : i32
    %add3A_42 = arith.constant 512 : i32
    %add3A_43 = arith.addi %mul3A_41, %add3A_42 : i32
    %dma_start3A_44 = arith.constant 0 : i32
    %dma_start3A_45 = tpu.memref_slice %arg6[%add3A_43, %dma_start3A_44] : memref<10112x128xf32, #tpu.memory_space<vmem_shared>> -> memref<120x128xf32, #tpu.memory_space<vmem_shared>>
    %dma_start3A_46 = arith.constant 0 : i32
    %dma_start3A_47 = arith.constant 0 : i32
    %dma_start3A_48 = tpu.memref_slice %arg4[%dma_start3A_46, %dma_start3A_47] : memref<128x128xf32, #tpu.memory_space<hbm>> -> memref<120x128xf32, #tpu.memory_space<hbm>>
    tpu.enqueue_dma source(%dma_start3A_48 : memref<120x128xf32, #tpu.memory_space<hbm>>) target(%dma_start3A_45 : memref<120x128xf32, #tpu.memory_space<vmem_shared>>) target_semaphore(%arg16 : memref<!tpu.dma_semaphore, #tpu.memory_space<semaphore_mem>>)
    %gt3A = arith.constant 0 : i32
    %gt3A_49 = arith.cmpi sgt, %add3A_4, %gt3A : i32
    %convert_element_type3A = arith.extui %gt3A_49 : i1 to i32
    %cond3A = arith.constant 0 : i32
    %cond3A_50 = arith.cmpi ne, %convert_element_type3A, %cond3A : i32
    scf.if %cond3A_50 {
      %add3A_251 = arith.constant 0 : i32
      %add3A_252 = arith.addi %add3A, %add3A_251 : i32
      %rem3A_253 = arith.constant 0 : i32
      %rem3A_254 = arith.constant 4 : i32
      %rem3A_255 = arith.remsi %rem3A_253, %rem3A_254 : i32
      %dma_start3A_256 = arith.constant 0 : i32
      %dma_start3A_257 = arith.constant 0 : i32
      %dma_start3A_258 = tpu.memref_slice %arg8[%rem3A_255, %dma_start3A_256, %dma_start3A_257] : memref<4x2x128xi32, #tpu.memory_space<vmem>> -> memref<1x2x128xi32, #tpu.memory_space<vmem>>
      %dma_start3A_259 = tpu.memref_squeeze %dma_start3A_258 : memref<1x2x128xi32, #tpu.memory_space<vmem>> -> memref<2x128xi32, #tpu.memory_space<vmem>>
      %dma_start3A_260 = arith.constant 0 : i32
      %dma_start3A_261 = arith.constant 0 : i32
      %dma_start3A_262 = tpu.memref_slice %arg3[%add3A_252, %dma_start3A_260, %dma_start3A_261] : memref<2500x2x128xi32, #tpu.memory_space<hbm>> -> memref<1x2x128xi32, #tpu.memory_space<hbm>>
      %dma_start3A_263 = tpu.memref_squeeze %dma_start3A_262 : memref<1x2x128xi32, #tpu.memory_space<hbm>> -> memref<2x128xi32, #tpu.memory_space<hbm>>
      %dma_start3A_264 = arith.constant 0 : i32
      %dma_start3A_265 = arith.constant 0 : i32
      %dma_start3A_266 = tpu.memref_slice %arg8[%rem3A_255, %dma_start3A_264, %dma_start3A_265] : memref<4x2x128xi32, #tpu.memory_space<vmem>> -> memref<1x2x128xi32, #tpu.memory_space<vmem>>
      %dma_start3A_267 = tpu.memref_squeeze %dma_start3A_266 : memref<1x2x128xi32, #tpu.memory_space<vmem>> -> memref<2x128xi32, #tpu.memory_space<vmem>>
      %dma_start3A_268 = arith.constant 0 : i32
      %dma_start3A_269 = arith.constant 0 : i32
      %dma_start3A_270 = tpu.memref_slice %arg3[%add3A_252, %dma_start3A_268, %dma_start3A_269] : memref<2500x2x128xi32, #tpu.memory_space<hbm>> -> memref<1x2x128xi32, #tpu.memory_space<hbm>>
      %dma_start3A_271 = tpu.memref_squeeze %dma_start3A_270 : memref<1x2x128xi32, #tpu.memory_space<hbm>> -> memref<2x128xi32, #tpu.memory_space<hbm>>
      tpu.enqueue_dma source(%dma_start3A_271 : memref<2x128xi32, #tpu.memory_space<hbm>>) target(%dma_start3A_267 : memref<2x128xi32, #tpu.memory_space<vmem>>) target_semaphore(%arg9 : memref<!tpu.dma_semaphore, #tpu.memory_space<semaphore_mem>>)
      %add3A_272 = arith.constant 0 : i32
      %add3A_273 = arith.addi %add3A, %add3A_272 : i32
      %rem3A_274 = arith.constant 0 : i32
      %rem3A_275 = arith.constant 4 : i32
      %rem3A_276 = arith.remsi %rem3A_274, %rem3A_275 : i32
      %dma_wait3A_277 = arith.constant 0 : i32
      %dma_wait3A_278 = arith.constant 0 : i32
      %dma_wait3A_279 = tpu.memref_slice %arg8[%rem3A_276, %dma_wait3A_277, %dma_wait3A_278] : memref<4x2x128xi32, #tpu.memory_space<vmem>> -> memref<1x2x128xi32, #tpu.memory_space<vmem>>
      %dma_wait3A_280 = tpu.memref_squeeze %dma_wait3A_279 : memref<1x2x128xi32, #tpu.memory_space<vmem>> -> memref<2x128xi32, #tpu.memory_space<vmem>>
      %dma_wait3A_281 = arith.constant 0 : i32
      %dma_wait3A_282 = arith.constant 0 : i32
      %dma_wait3A_283 = tpu.memref_slice %arg3[%add3A_273, %dma_wait3A_281, %dma_wait3A_282] : memref<2500x2x128xi32, #tpu.memory_space<hbm>> -> memref<1x2x128xi32, #tpu.memory_space<hbm>>
      %dma_wait3A_284 = tpu.memref_squeeze %dma_wait3A_283 : memref<1x2x128xi32, #tpu.memory_space<hbm>> -> memref<2x128xi32, #tpu.memory_space<hbm>>
      %dma_wait3A_285 = arith.constant 0 : i32
      %dma_wait3A_286 = arith.constant 0 : i32
      %dma_wait3A_287 = tpu.memref_slice %arg8[%rem3A_276, %dma_wait3A_285, %dma_wait3A_286] : memref<4x2x128xi32, #tpu.memory_space<vmem>> -> memref<1x2x128xi32, #tpu.memory_space<vmem>>
      %dma_wait3A_288 = tpu.memref_squeeze %dma_wait3A_287 : memref<1x2x128xi32, #tpu.memory_space<vmem>> -> memref<2x128xi32, #tpu.memory_space<vmem>>
      %dma_wait3A_289 = arith.constant 0 : i32
      %dma_wait3A_290 = arith.constant 0 : i32
      %dma_wait3A_291 = tpu.memref_slice %arg3[%add3A_273, %dma_wait3A_289, %dma_wait3A_290] : memref<2500x2x128xi32, #tpu.memory_space<hbm>> -> memref<1x2x128xi32, #tpu.memory_space<hbm>>
      %dma_wait3A_292 = tpu.memref_squeeze %dma_wait3A_291 : memref<1x2x128xi32, #tpu.memory_space<hbm>> -> memref<2x128xi32, #tpu.memory_space<hbm>>
      tpu.wait_dma2 semaphore(%arg9 : memref<!tpu.dma_semaphore, #tpu.memory_space<semaphore_mem>>) src(%dma_wait3A_292 : memref<2x128xi32, #tpu.memory_space<hbm>>) dst(%dma_wait3A_288 : memref<2x128xi32, #tpu.memory_space<vmem>>)
      %rem3A_293 = arith.constant 0 : i32
      %rem3A_294 = arith.constant 4 : i32
      %rem3A_295 = arith.remsi %rem3A_293, %rem3A_294 : i32
      %rem3A_296 = arith.constant 0 : i32
      %rem3A_297 = arith.constant 3 : i32
      %rem3A_298 = arith.remsi %rem3A_296, %rem3A_297 : i32
      %dma_start3A_299 = arith.constant 0 : i32
      %dma_start3A_300 = arith.constant 0 : i32
      %dma_start3A_301 = arith.constant 0 : i32
      %dma_start3A_302 = tpu.memref_slice %arg7[%rem3A_298, %dma_start3A_300, %dma_start3A_301] : memref<3x128x128xf32, #tpu.memory_space<vmem>> -> memref<1x128x128xf32, #tpu.memory_space<vmem>>
      %dma_start3A_303 = tpu.memref_squeeze %dma_start3A_302 : memref<1x128x128xf32, #tpu.memory_space<vmem>> -> memref<128x128xf32, #tpu.memory_space<vmem>>
      %dma_start3A_304 = arith.constant 0 : i32
      %dma_start3A_305 = tpu.memref_slice %arg8[%rem3A_295, %dma_start3A_299, %dma_start3A_304] : memref<4x2x128xi32, #tpu.memory_space<vmem>> -> memref<1x1x128xi32, #tpu.memory_space<vmem>>
      %dma_start3A_306 = tpu.memref_squeeze %dma_start3A_305 : memref<1x1x128xi32, #tpu.memory_space<vmem>> -> memref<128xi32, #tpu.memory_space<vmem>>
      %dma_start3A_307 = arith.constant 0 : i32
      %dma_start3A_308 = arith.constant 0 : i32
      %dma_start3A_309 = tpu.memref_slice %arg2[%dma_start3A_307, %dma_start3A_308] : memref<10000x128xf32, #tpu.memory_space<hbm>> -> memref<10000x128xf32, #tpu.memory_space<hbm>>
      tpu.enqueue_indirect_dma source(%dma_start3A_309 : memref<10000x128xf32, #tpu.memory_space<hbm>>) target(%dma_start3A_303 : memref<128x128xf32, #tpu.memory_space<vmem>>) offsets(%dma_start3A_306 : memref<128xi32, #tpu.memory_space<vmem>>) semaphore(%arg10 : memref<!tpu.dma_semaphore, #tpu.memory_space<semaphore_mem>>)
    } else {
    }
    %gt3A_51 = arith.constant 1 : i32
    %gt3A_52 = arith.cmpi sgt, %add3A_4, %gt3A_51 : i32
    %convert_element_type3A_53 = arith.extui %gt3A_52 : i1 to i32
    %cond3A_54 = arith.constant 0 : i32
    %cond3A_55 = arith.cmpi ne, %convert_element_type3A_53, %cond3A_54 : i32
    scf.if %cond3A_55 {
      %add3A_251 = arith.constant 32 : i32
      %add3A_252 = arith.addi %add3A, %add3A_251 : i32
      %rem3A_253 = arith.constant 1 : i32
      %rem3A_254 = arith.constant 4 : i32
      %rem3A_255 = arith.remsi %rem3A_253, %rem3A_254 : i32
      %dma_start3A_256 = arith.constant 0 : i32
      %dma_start3A_257 = arith.constant 0 : i32
      %dma_start3A_258 = tpu.memref_slice %arg8[%rem3A_255, %dma_start3A_256, %dma_start3A_257] : memref<4x2x128xi32, #tpu.memory_space<vmem>> -> memref<1x2x128xi32, #tpu.memory_space<vmem>>
      %dma_start3A_259 = tpu.memref_squeeze %dma_start3A_258 : memref<1x2x128xi32, #tpu.memory_space<vmem>> -> memref<2x128xi32, #tpu.memory_space<vmem>>
      %dma_start3A_260 = arith.constant 0 : i32
      %dma_start3A_261 = arith.constant 0 : i32
      %dma_start3A_262 = tpu.memref_slice %arg3[%add3A_252, %dma_start3A_260, %dma_start3A_261] : memref<2500x2x128xi32, #tpu.memory_space<hbm>> -> memref<1x2x128xi32, #tpu.memory_space<hbm>>
      %dma_start3A_263 = tpu.memref_squeeze %dma_start3A_262 : memref<1x2x128xi32, #tpu.memory_space<hbm>> -> memref<2x128xi32, #tpu.memory_space<hbm>>
      %dma_start3A_264 = arith.constant 0 : i32
      %dma_start3A_265 = arith.constant 0 : i32
      %dma_start3A_266 = tpu.memref_slice %arg8[%rem3A_255, %dma_start3A_264, %dma_start3A_265] : memref<4x2x128xi32, #tpu.memory_space<vmem>> -> memref<1x2x128xi32, #tpu.memory_space<vmem>>
      %dma_start3A_267 = tpu.memref_squeeze %dma_start3A_266 : memref<1x2x128xi32, #tpu.memory_space<vmem>> -> memref<2x128xi32, #tpu.memory_space<vmem>>
      %dma_start3A_268 = arith.constant 0 : i32
      %dma_start3A_269 = arith.constant 0 : i32
      %dma_start3A_270 = tpu.memref_slice %arg3[%add3A_252, %dma_start3A_268, %dma_start3A_269] : memref<2500x2x128xi32, #tpu.memory_space<hbm>> -> memref<1x2x128xi32, #tpu.memory_space<hbm>>
      %dma_start3A_271 = tpu.memref_squeeze %dma_start3A_270 : memref<1x2x128xi32, #tpu.memory_space<hbm>> -> memref<2x128xi32, #tpu.memory_space<hbm>>
      tpu.enqueue_dma source(%dma_start3A_271 : memref<2x128xi32, #tpu.memory_space<hbm>>) target(%dma_start3A_267 : memref<2x128xi32, #tpu.memory_space<vmem>>) target_semaphore(%arg9 : memref<!tpu.dma_semaphore, #tpu.memory_space<semaphore_mem>>)
      %add3A_272 = arith.constant 32 : i32
      %add3A_273 = arith.addi %add3A, %add3A_272 : i32
      %rem3A_274 = arith.constant 1 : i32
      %rem3A_275 = arith.constant 4 : i32
      %rem3A_276 = arith.remsi %rem3A_274, %rem3A_275 : i32
      %dma_wait3A_277 = arith.constant 0 : i32
      %dma_wait3A_278 = arith.constant 0 : i32
      %dma_wait3A_279 = tpu.memref_slice %arg8[%rem3A_276, %dma_wait3A_277, %dma_wait3A_278] : memref<4x2x128xi32, #tpu.memory_space<vmem>> -> memref<1x2x128xi32, #tpu.memory_space<vmem>>
      %dma_wait3A_280 = tpu.memref_squeeze %dma_wait3A_279 : memref<1x2x128xi32, #tpu.memory_space<vmem>> -> memref<2x128xi32, #tpu.memory_space<vmem>>
      %dma_wait3A_281 = arith.constant 0 : i32
      %dma_wait3A_282 = arith.constant 0 : i32
      %dma_wait3A_283 = tpu.memref_slice %arg3[%add3A_273, %dma_wait3A_281, %dma_wait3A_282] : memref<2500x2x128xi32, #tpu.memory_space<hbm>> -> memref<1x2x128xi32, #tpu.memory_space<hbm>>
      %dma_wait3A_284 = tpu.memref_squeeze %dma_wait3A_283 : memref<1x2x128xi32, #tpu.memory_space<hbm>> -> memref<2x128xi32, #tpu.memory_space<hbm>>
      %dma_wait3A_285 = arith.constant 0 : i32
      %dma_wait3A_286 = arith.constant 0 : i32
      %dma_wait3A_287 = tpu.memref_slice %arg8[%rem3A_276, %dma_wait3A_285, %dma_wait3A_286] : memref<4x2x128xi32, #tpu.memory_space<vmem>> -> memref<1x2x128xi32, #tpu.memory_space<vmem>>
      %dma_wait3A_288 = tpu.memref_squeeze %dma_wait3A_287 : memref<1x2x128xi32, #tpu.memory_space<vmem>> -> memref<2x128xi32, #tpu.memory_space<vmem>>
      %dma_wait3A_289 = arith.constant 0 : i32
      %dma_wait3A_290 = arith.constant 0 : i32
      %dma_wait3A_291 = tpu.memref_slice %arg3[%add3A_273, %dma_wait3A_289, %dma_wait3A_290] : memref<2500x2x128xi32, #tpu.memory_space<hbm>> -> memref<1x2x128xi32, #tpu.memory_space<hbm>>
      %dma_wait3A_292 = tpu.memref_squeeze %dma_wait3A_291 : memref<1x2x128xi32, #tpu.memory_space<hbm>> -> memref<2x128xi32, #tpu.memory_space<hbm>>
      tpu.wait_dma2 semaphore(%arg9 : memref<!tpu.dma_semaphore, #tpu.memory_space<semaphore_mem>>) src(%dma_wait3A_292 : memref<2x128xi32, #tpu.memory_space<hbm>>) dst(%dma_wait3A_288 : memref<2x128xi32, #tpu.memory_space<vmem>>)
      %rem3A_293 = arith.constant 1 : i32
      %rem3A_294 = arith.constant 4 : i32
      %rem3A_295 = arith.remsi %rem3A_293, %rem3A_294 : i32
      %rem3A_296 = arith.constant 1 : i32
      %rem3A_297 = arith.constant 3 : i32
      %rem3A_298 = arith.remsi %rem3A_296, %rem3A_297 : i32
      %dma_start3A_299 = arith.constant 0 : i32
      %dma_start3A_300 = arith.constant 0 : i32
      %dma_start3A_301 = arith.constant 0 : i32
      %dma_start3A_302 = tpu.memref_slice %arg7[%rem3A_298, %dma_start3A_300, %dma_start3A_301] : memref<3x128x128xf32, #tpu.memory_space<vmem>> -> memref<1x128x128xf32, #tpu.memory_space<vmem>>
      %dma_start3A_303 = tpu.memref_squeeze %dma_start3A_302 : memref<1x128x128xf32, #tpu.memory_space<vmem>> -> memref<128x128xf32, #tpu.memory_space<vmem>>
      %dma_start3A_304 = arith.constant 0 : i32
      %dma_start3A_305 = tpu.memref_slice %arg8[%rem3A_295, %dma_start3A_299, %dma_start3A_304] : memref<4x2x128xi32, #tpu.memory_space<vmem>> -> memref<1x1x128xi32, #tpu.memory_space<vmem>>
      %dma_start3A_306 = tpu.memref_squeeze %dma_start3A_305 : memref<1x1x128xi32, #tpu.memory_space<vmem>> -> memref<128xi32, #tpu.memory_space<vmem>>
      %dma_start3A_307 = arith.constant 0 : i32
      %dma_start3A_308 = arith.constant 0 : i32
      %dma_start3A_309 = tpu.memref_slice %arg2[%dma_start3A_307, %dma_start3A_308] : memref<10000x128xf32, #tpu.memory_space<hbm>> -> memref<10000x128xf32, #tpu.memory_space<hbm>>
      tpu.enqueue_indirect_dma source(%dma_start3A_309 : memref<10000x128xf32, #tpu.memory_space<hbm>>) target(%dma_start3A_303 : memref<128x128xf32, #tpu.memory_space<vmem>>) offsets(%dma_start3A_306 : memref<128xi32, #tpu.memory_space<vmem>>) semaphore(%arg11 : memref<!tpu.dma_semaphore, #tpu.memory_space<semaphore_mem>>)
    } else {
    }
    %gt3A_56 = arith.constant 2 : i32
    %gt3A_57 = arith.cmpi sgt, %add3A_4, %gt3A_56 : i32
    %convert_element_type3A_58 = arith.extui %gt3A_57 : i1 to i32
    %cond3A_59 = arith.constant 0 : i32
    %cond3A_60 = arith.cmpi ne, %convert_element_type3A_58, %cond3A_59 : i32
    scf.if %cond3A_60 {
      %add3A_251 = arith.constant 64 : i32
      %add3A_252 = arith.addi %add3A, %add3A_251 : i32
      %rem3A_253 = arith.constant 2 : i32
      %rem3A_254 = arith.constant 4 : i32
      %rem3A_255 = arith.remsi %rem3A_253, %rem3A_254 : i32
      %dma_start3A_256 = arith.constant 0 : i32
      %dma_start3A_257 = arith.constant 0 : i32
      %dma_start3A_258 = tpu.memref_slice %arg8[%rem3A_255, %dma_start3A_256, %dma_start3A_257] : memref<4x2x128xi32, #tpu.memory_space<vmem>> -> memref<1x2x128xi32, #tpu.memory_space<vmem>>
      %dma_start3A_259 = tpu.memref_squeeze %dma_start3A_258 : memref<1x2x128xi32, #tpu.memory_space<vmem>> -> memref<2x128xi32, #tpu.memory_space<vmem>>
      %dma_start3A_260 = arith.constant 0 : i32
      %dma_start3A_261 = arith.constant 0 : i32
      %dma_start3A_262 = tpu.memref_slice %arg3[%add3A_252, %dma_start3A_260, %dma_start3A_261] : memref<2500x2x128xi32, #tpu.memory_space<hbm>> -> memref<1x2x128xi32, #tpu.memory_space<hbm>>
      %dma_start3A_263 = tpu.memref_squeeze %dma_start3A_262 : memref<1x2x128xi32, #tpu.memory_space<hbm>> -> memref<2x128xi32, #tpu.memory_space<hbm>>
      %dma_start3A_264 = arith.constant 0 : i32
      %dma_start3A_265 = arith.constant 0 : i32
      %dma_start3A_266 = tpu.memref_slice %arg8[%rem3A_255, %dma_start3A_264, %dma_start3A_265] : memref<4x2x128xi32, #tpu.memory_space<vmem>> -> memref<1x2x128xi32, #tpu.memory_space<vmem>>
      %dma_start3A_267 = tpu.memref_squeeze %dma_start3A_266 : memref<1x2x128xi32, #tpu.memory_space<vmem>> -> memref<2x128xi32, #tpu.memory_space<vmem>>
      %dma_start3A_268 = arith.constant 0 : i32
      %dma_start3A_269 = arith.constant 0 : i32
      %dma_start3A_270 = tpu.memref_slice %arg3[%add3A_252, %dma_start3A_268, %dma_start3A_269] : memref<2500x2x128xi32, #tpu.memory_space<hbm>> -> memref<1x2x128xi32, #tpu.memory_space<hbm>>
      %dma_start3A_271 = tpu.memref_squeeze %dma_start3A_270 : memref<1x2x128xi32, #tpu.memory_space<hbm>> -> memref<2x128xi32, #tpu.memory_space<hbm>>
      tpu.enqueue_dma source(%dma_start3A_271 : memref<2x128xi32, #tpu.memory_space<hbm>>) target(%dma_start3A_267 : memref<2x128xi32, #tpu.memory_space<vmem>>) target_semaphore(%arg9 : memref<!tpu.dma_semaphore, #tpu.memory_space<semaphore_mem>>)
    } else {
    }
    %mul3A_61 = arith.constant 632 : i32
    %mul3A_62 = arith.muli %arg1, %mul3A_61 : i32
    %add3A_63 = arith.constant 0 : i32
    %add3A_64 = arith.addi %mul3A_62, %add3A_63 : i32
    %dma_wait3A = arith.constant 0 : i32
    %dma_wait3A_65 = tpu.memref_slice %arg6[%add3A_64, %dma_wait3A] : memref<10112x128xf32, #tpu.memory_space<vmem_shared>> -> memref<128x128xf32, #tpu.memory_space<vmem_shared>>
    %dma_wait3A_66 = arith.constant 0 : i32
    %dma_wait3A_67 = arith.constant 0 : i32
    %dma_wait3A_68 = tpu.memref_slice %arg4[%dma_wait3A_66, %dma_wait3A_67] : memref<128x128xf32, #tpu.memory_space<hbm>> -> memref<128x128xf32, #tpu.memory_space<hbm>>
    tpu.wait_dma2 semaphore(%arg16 : memref<!tpu.dma_semaphore, #tpu.memory_space<semaphore_mem>>) src(%dma_wait3A_68 : memref<128x128xf32, #tpu.memory_space<hbm>>) dst(%dma_wait3A_65 : memref<128x128xf32, #tpu.memory_space<vmem_shared>>)
    %mul3A_69 = arith.constant 632 : i32
    %mul3A_70 = arith.muli %arg1, %mul3A_69 : i32
    %add3A_71 = arith.constant 128 : i32
    %add3A_72 = arith.addi %mul3A_70, %add3A_71 : i32
    %dma_wait3A_73 = arith.constant 0 : i32
    %dma_wait3A_74 = tpu.memref_slice %arg6[%add3A_72, %dma_wait3A_73] : memref<10112x128xf32, #tpu.memory_space<vmem_shared>> -> memref<128x128xf32, #tpu.memory_space<vmem_shared>>
    %dma_wait3A_75 = arith.constant 0 : i32
    %dma_wait3A_76 = arith.constant 0 : i32
    %dma_wait3A_77 = tpu.memref_slice %arg4[%dma_wait3A_75, %dma_wait3A_76] : memref<128x128xf32, #tpu.memory_space<hbm>> -> memref<128x128xf32, #tpu.memory_space<hbm>>
    tpu.wait_dma2 semaphore(%arg16 : memref<!tpu.dma_semaphore, #tpu.memory_space<semaphore_mem>>) src(%dma_wait3A_77 : memref<128x128xf32, #tpu.memory_space<hbm>>) dst(%dma_wait3A_74 : memref<128x128xf32, #tpu.memory_space<vmem_shared>>)
    %mul3A_78 = arith.constant 632 : i32
    %mul3A_79 = arith.muli %arg1, %mul3A_78 : i32
    %add3A_80 = arith.constant 256 : i32
    %add3A_81 = arith.addi %mul3A_79, %add3A_80 : i32
    %dma_wait3A_82 = arith.constant 0 : i32
    %dma_wait3A_83 = tpu.memref_slice %arg6[%add3A_81, %dma_wait3A_82] : memref<10112x128xf32, #tpu.memory_space<vmem_shared>> -> memref<128x128xf32, #tpu.memory_space<vmem_shared>>
    %dma_wait3A_84 = arith.constant 0 : i32
    %dma_wait3A_85 = arith.constant 0 : i32
    %dma_wait3A_86 = tpu.memref_slice %arg4[%dma_wait3A_84, %dma_wait3A_85] : memref<128x128xf32, #tpu.memory_space<hbm>> -> memref<128x128xf32, #tpu.memory_space<hbm>>
    tpu.wait_dma2 semaphore(%arg16 : memref<!tpu.dma_semaphore, #tpu.memory_space<semaphore_mem>>) src(%dma_wait3A_86 : memref<128x128xf32, #tpu.memory_space<hbm>>) dst(%dma_wait3A_83 : memref<128x128xf32, #tpu.memory_space<vmem_shared>>)
    %mul3A_87 = arith.constant 632 : i32
    %mul3A_88 = arith.muli %arg1, %mul3A_87 : i32
    %add3A_89 = arith.constant 384 : i32
    %add3A_90 = arith.addi %mul3A_88, %add3A_89 : i32
    %dma_wait3A_91 = arith.constant 0 : i32
    %dma_wait3A_92 = tpu.memref_slice %arg6[%add3A_90, %dma_wait3A_91] : memref<10112x128xf32, #tpu.memory_space<vmem_shared>> -> memref<128x128xf32, #tpu.memory_space<vmem_shared>>
    %dma_wait3A_93 = arith.constant 0 : i32
    %dma_wait3A_94 = arith.constant 0 : i32
    %dma_wait3A_95 = tpu.memref_slice %arg4[%dma_wait3A_93, %dma_wait3A_94] : memref<128x128xf32, #tpu.memory_space<hbm>> -> memref<128x128xf32, #tpu.memory_space<hbm>>
    tpu.wait_dma2 semaphore(%arg16 : memref<!tpu.dma_semaphore, #tpu.memory_space<semaphore_mem>>) src(%dma_wait3A_95 : memref<128x128xf32, #tpu.memory_space<hbm>>) dst(%dma_wait3A_92 : memref<128x128xf32, #tpu.memory_space<vmem_shared>>)
    %mul3A_96 = arith.constant 632 : i32
    %mul3A_97 = arith.muli %arg1, %mul3A_96 : i32
    %add3A_98 = arith.constant 512 : i32
    %add3A_99 = arith.addi %mul3A_97, %add3A_98 : i32
    %dma_wait3A_100 = arith.constant 0 : i32
    %dma_wait3A_101 = tpu.memref_slice %arg6[%add3A_99, %dma_wait3A_100] : memref<10112x128xf32, #tpu.memory_space<vmem_shared>> -> memref<120x128xf32, #tpu.memory_space<vmem_shared>>
    %dma_wait3A_102 = arith.constant 0 : i32
    %dma_wait3A_103 = arith.constant 0 : i32
    %dma_wait3A_104 = tpu.memref_slice %arg4[%dma_wait3A_102, %dma_wait3A_103] : memref<128x128xf32, #tpu.memory_space<hbm>> -> memref<120x128xf32, #tpu.memory_space<hbm>>
    tpu.wait_dma2 semaphore(%arg16 : memref<!tpu.dma_semaphore, #tpu.memory_space<semaphore_mem>>) src(%dma_wait3A_104 : memref<120x128xf32, #tpu.memory_space<hbm>>) dst(%dma_wait3A_101 : memref<120x128xf32, #tpu.memory_space<vmem_shared>>)
    %barrier3A = arith.constant 0 : index
    tpu.barrier barrier_id(%barrier3A)
    %add3A_105 = arith.constant 2 : i32
    %add3A_106 = arith.addi %add3A_4, %add3A_105 : i32
    %jit3A_107 = arith.constant 3 : i32
    %div3A = arith.divsi %add3A_106, %jit3A_107 : i32
    %sign3A = arith.constant 0 : i32
    %sign3A_108 = arith.cmpi sgt, %add3A_106, %sign3A : i32
    %sign3A_109 = arith.extui %sign3A_108 : i1 to i32
    %sign3A_110 = arith.constant 0 : i32
    %sign3A_111 = arith.cmpi slt, %add3A_106, %sign3A_110 : i32
    %sign3A_112 = arith.extui %sign3A_111 : i1 to i32
    %sign3A_113 = arith.subi %sign3A_109, %sign3A_112 : i32
    %sign3A_114 = arith.constant 0 : i32
    %sign3A_115 = arith.cmpi sgt, %jit3A_107, %sign3A_114 : i32
    %sign3A_116 = arith.extui %sign3A_115 : i1 to i32
    %sign3A_117 = arith.constant 0 : i32
    %sign3A_118 = arith.cmpi slt, %jit3A_107, %sign3A_117 : i32
    %sign3A_119 = arith.extui %sign3A_118 : i1 to i32
    %sign3A_120 = arith.subi %sign3A_116, %sign3A_119 : i32
    %ne3A = arith.cmpi ne, %sign3A_113, %sign3A_120 : i32
    %rem3A = arith.remsi %add3A_106, %jit3A_107 : i32
    %ne3A_121 = arith.constant 0 : i32
    %ne3A_122 = arith.cmpi ne, %rem3A, %ne3A_121 : i32
    %and3A = arith.andi %ne3A, %ne3A_122 : i1
    %sub3A = arith.constant 1 : i32
    %sub3A_123 = arith.subi %div3A, %sub3A : i32
    %select_n3A_124 = arith.select %and3A, %sub3A_123, %div3A : i32
    %while3A = arith.constant 0 : i32
    %while3A_125 = arith.constant 0 : i32
    %while3A_126 = arith.subi %select_n3A_124, %while3A_125 : i32
    %while3A_127 = arith.addi %while3A_125, %while3A_126 : i32
    %while3A_128 = arith.constant 1 : i32
    %while3A_129 = arith.divsi %while3A_126, %while3A_128 : i32
    %while3A_130 = arith.muli %while3A_129, %while3A_128 : i32
    %while3A_131 = arith.addi %while3A_125, %while3A_130 : i32
    %while3A_132 = arith.constant 1 : i32
    scf.for %while3A_251 = %while3A_125 to %while3A_131 step %while3A_132  : i32 {
      %mul3A_252 = arith.constant 3 : i32
      %mul3A_253 = arith.muli %while3A_251, %mul3A_252 : i32
      %add3A_254 = arith.constant 0 : i32
      %add3A_255 = arith.addi %mul3A_253, %add3A_254 : i32
      %lt3A_256 = arith.cmpi slt, %add3A_255, %add3A_4 : i32
      %convert_element_type3A_257 = arith.extui %lt3A_256 : i1 to i32
      %cond3A_258 = arith.constant 0 : i32
      %cond3A_259 = arith.cmpi ne, %convert_element_type3A_257, %cond3A_258 : i32
      scf.if %cond3A_259 {
        %rem3A_276 = arith.constant 4 : i32
        %rem3A_277 = arith.remsi %add3A_255, %rem3A_276 : i32
        %rem3A_278 = arith.constant 3 : i32
        %rem3A_279 = arith.remsi %add3A_255, %rem3A_278 : i32
        %dma_wait3A_280 = arith.constant 0 : i32
        %dma_wait3A_281 = arith.constant 0 : i32
        %dma_wait3A_282 = arith.constant 0 : i32
        %dma_wait3A_283 = tpu.memref_slice %arg7[%rem3A_279, %dma_wait3A_281, %dma_wait3A_282] : memref<3x128x128xf32, #tpu.memory_space<vmem>> -> memref<1x128x128xf32, #tpu.memory_space<vmem>>
        %dma_wait3A_284 = tpu.memref_squeeze %dma_wait3A_283 : memref<1x128x128xf32, #tpu.memory_space<vmem>> -> memref<128x128xf32, #tpu.memory_space<vmem>>
        %dma_wait3A_285 = arith.constant 0 : i32
        %dma_wait3A_286 = tpu.memref_slice %arg8[%rem3A_277, %dma_wait3A_280, %dma_wait3A_285] : memref<4x2x128xi32, #tpu.memory_space<vmem>> -> memref<1x1x128xi32, #tpu.memory_space<vmem>>
        %dma_wait3A_287 = tpu.memref_squeeze %dma_wait3A_286 : memref<1x1x128xi32, #tpu.memory_space<vmem>> -> memref<128xi32, #tpu.memory_space<vmem>>
        %dma_wait3A_288 = arith.constant 0 : i32
        %dma_wait3A_289 = arith.constant 0 : i32
        %dma_wait3A_290 = tpu.memref_slice %arg2[%dma_wait3A_288, %dma_wait3A_289] : memref<10000x128xf32, #tpu.memory_space<hbm>> -> memref<10000x128xf32, #tpu.memory_space<hbm>>
        tpu.wait_indirect_dma semaphore(%arg10 : memref<!tpu.dma_semaphore, #tpu.memory_space<semaphore_mem>>) src(%dma_wait3A_290 : memref<10000x128xf32, #tpu.memory_space<hbm>>) dst(%dma_wait3A_284 : memref<128x128xf32, #tpu.memory_space<vmem>>)
        %rem3A_291 = arith.constant 3 : i32
        %rem3A_292 = arith.remsi %add3A_255, %rem3A_291 : i32
        %rem3A_293 = arith.constant 4 : i32
        %rem3A_294 = arith.remsi %add3A_255, %rem3A_293 : i32
        %dma_start3A_295 = arith.constant 1 : i32
        %dma_start3A_296 = arith.constant 0 : i32
        %dma_start3A_297 = arith.constant 0 : i32
        %dma_start3A_298 = tpu.memref_slice %arg7[%rem3A_292, %dma_start3A_296, %dma_start3A_297] : memref<3x128x128xf32, #tpu.memory_space<vmem>> -> memref<1x128x128xf32, #tpu.memory_space<vmem>>
        %dma_start3A_299 = tpu.memref_squeeze %dma_start3A_298 : memref<1x128x128xf32, #tpu.memory_space<vmem>> -> memref<128x128xf32, #tpu.memory_space<vmem>>
        %dma_start3A_300 = arith.constant 0 : i32
        %dma_start3A_301 = tpu.memref_slice %arg8[%rem3A_294, %dma_start3A_295, %dma_start3A_300] : memref<4x2x128xi32, #tpu.memory_space<vmem>> -> memref<1x1x128xi32, #tpu.memory_space<vmem>>
        %dma_start3A_302 = tpu.memref_squeeze %dma_start3A_301 : memref<1x1x128xi32, #tpu.memory_space<vmem>> -> memref<128xi32, #tpu.memory_space<vmem>>
        %dma_start3A_303 = arith.constant 0 : i32
        %dma_start3A_304 = arith.constant 0 : i32
        %dma_start3A_305 = tpu.memref_slice %arg6[%dma_start3A_303, %dma_start3A_304] : memref<10112x128xf32, #tpu.memory_space<vmem_shared>> -> memref<10112x128xf32, #tpu.memory_space<vmem_shared>>
        tpu.enqueue_indirect_dma source(%dma_start3A_299 : memref<128x128xf32, #tpu.memory_space<vmem>>) target(%dma_start3A_305 : memref<10112x128xf32, #tpu.memory_space<vmem_shared>>) offsets(%dma_start3A_302 : memref<128xi32, #tpu.memory_space<vmem>>) semaphore(%arg13 : memref<!tpu.dma_semaphore, #tpu.memory_space<semaphore_mem>>) {add = true}
        %add3A_306 = arith.constant 2 : i32
        %add3A_307 = arith.addi %add3A_255, %add3A_306 : i32
        %lt3A_308 = arith.cmpi slt, %add3A_307, %add3A_4 : i32
        %convert_element_type3A_309 = arith.extui %lt3A_308 : i1 to i32
        %cond3A_310 = arith.constant 0 : i32
        %cond3A_311 = arith.cmpi ne, %convert_element_type3A_309, %cond3A_310 : i32
        scf.if %cond3A_311 {
          %mul3A_326 = arith.constant 32 : i32
          %mul3A_327 = arith.muli %add3A_307, %mul3A_326 : i32
          %add3A_328 = arith.addi %add3A, %mul3A_327 : i32
          %rem3A_329 = arith.constant 4 : i32
          %rem3A_330 = arith.remsi %add3A_307, %rem3A_329 : i32
          %dma_wait3A_331 = arith.constant 0 : i32
          %dma_wait3A_332 = arith.constant 0 : i32
          %dma_wait3A_333 = tpu.memref_slice %arg8[%rem3A_330, %dma_wait3A_331, %dma_wait3A_332] : memref<4x2x128xi32, #tpu.memory_space<vmem>> -> memref<1x2x128xi32, #tpu.memory_space<vmem>>
          %dma_wait3A_334 = tpu.memref_squeeze %dma_wait3A_333 : memref<1x2x128xi32, #tpu.memory_space<vmem>> -> memref<2x128xi32, #tpu.memory_space<vmem>>
          %dma_wait3A_335 = arith.constant 0 : i32
          %dma_wait3A_336 = arith.constant 0 : i32
          %dma_wait3A_337 = tpu.memref_slice %arg3[%add3A_328, %dma_wait3A_335, %dma_wait3A_336] : memref<2500x2x128xi32, #tpu.memory_space<hbm>> -> memref<1x2x128xi32, #tpu.memory_space<hbm>>
          %dma_wait3A_338 = tpu.memref_squeeze %dma_wait3A_337 : memref<1x2x128xi32, #tpu.memory_space<hbm>> -> memref<2x128xi32, #tpu.memory_space<hbm>>
          %dma_wait3A_339 = arith.constant 0 : i32
          %dma_wait3A_340 = arith.constant 0 : i32
          %dma_wait3A_341 = tpu.memref_slice %arg8[%rem3A_330, %dma_wait3A_339, %dma_wait3A_340] : memref<4x2x128xi32, #tpu.memory_space<vmem>> -> memref<1x2x128xi32, #tpu.memory_space<vmem>>
          %dma_wait3A_342 = tpu.memref_squeeze %dma_wait3A_341 : memref<1x2x128xi32, #tpu.memory_space<vmem>> -> memref<2x128xi32, #tpu.memory_space<vmem>>
          %dma_wait3A_343 = arith.constant 0 : i32
          %dma_wait3A_344 = arith.constant 0 : i32
          %dma_wait3A_345 = tpu.memref_slice %arg3[%add3A_328, %dma_wait3A_343, %dma_wait3A_344] : memref<2500x2x128xi32, #tpu.memory_space<hbm>> -> memref<1x2x128xi32, #tpu.memory_space<hbm>>
          %dma_wait3A_346 = tpu.memref_squeeze %dma_wait3A_345 : memref<1x2x128xi32, #tpu.memory_space<hbm>> -> memref<2x128xi32, #tpu.memory_space<hbm>>
          tpu.wait_dma2 semaphore(%arg9 : memref<!tpu.dma_semaphore, #tpu.memory_space<semaphore_mem>>) src(%dma_wait3A_346 : memref<2x128xi32, #tpu.memory_space<hbm>>) dst(%dma_wait3A_342 : memref<2x128xi32, #tpu.memory_space<vmem>>)
        } else {
        }
        %ge3A = arith.constant 1 : i32
        %ge3A_312 = arith.cmpi sge, %add3A_255, %ge3A : i32
        %convert_element_type3A_313 = arith.extui %ge3A_312 : i1 to i32
        %cond3A_314 = arith.constant 0 : i32
        %cond3A_315 = arith.cmpi ne, %convert_element_type3A_313, %cond3A_314 : i32
        scf.if %cond3A_315 {
          %sub3A_326 = arith.constant 1 : i32
          %sub3A_327 = arith.subi %add3A_255, %sub3A_326 : i32
          %rem3A_328 = arith.constant 3 : i32
          %rem3A_329 = arith.remsi %sub3A_327, %rem3A_328 : i32
          %rem3A_330 = arith.constant 4 : i32
          %rem3A_331 = arith.remsi %sub3A_327, %rem3A_330 : i32
          %dma_wait3A_332 = arith.constant 1 : i32
          %dma_wait3A_333 = arith.constant 0 : i32
          %dma_wait3A_334 = arith.constant 0 : i32
          %dma_wait3A_335 = tpu.memref_slice %arg7[%rem3A_329, %dma_wait3A_333, %dma_wait3A_334] : memref<3x128x128xf32, #tpu.memory_space<vmem>> -> memref<1x128x128xf32, #tpu.memory_space<vmem>>
          %dma_wait3A_336 = tpu.memref_squeeze %dma_wait3A_335 : memref<1x128x128xf32, #tpu.memory_space<vmem>> -> memref<128x128xf32, #tpu.memory_space<vmem>>
          %dma_wait3A_337 = arith.constant 0 : i32
          %dma_wait3A_338 = tpu.memref_slice %arg8[%rem3A_331, %dma_wait3A_332, %dma_wait3A_337] : memref<4x2x128xi32, #tpu.memory_space<vmem>> -> memref<1x1x128xi32, #tpu.memory_space<vmem>>
          %dma_wait3A_339 = tpu.memref_squeeze %dma_wait3A_338 : memref<1x1x128xi32, #tpu.memory_space<vmem>> -> memref<128xi32, #tpu.memory_space<vmem>>
          %dma_wait3A_340 = arith.constant 0 : i32
          %dma_wait3A_341 = arith.constant 0 : i32
          %dma_wait3A_342 = tpu.memref_slice %arg6[%dma_wait3A_340, %dma_wait3A_341] : memref<10112x128xf32, #tpu.memory_space<vmem_shared>> -> memref<10112x128xf32, #tpu.memory_space<vmem_shared>>
          tpu.wait_indirect_dma semaphore(%arg15 : memref<!tpu.dma_semaphore, #tpu.memory_space<semaphore_mem>>) src(%dma_wait3A_336 : memref<128x128xf32, #tpu.memory_space<vmem>>) dst(%dma_wait3A_342 : memref<10112x128xf32, #tpu.memory_space<vmem_shared>>)
        } else {
        }
        %lt3A_316 = arith.cmpi slt, %add3A_307, %add3A_4 : i32
        %convert_element_type3A_317 = arith.extui %lt3A_316 : i1 to i32
        %cond3A_318 = arith.constant 0 : i32
        %cond3A_319 = arith.cmpi ne, %convert_element_type3A_317, %cond3A_318 : i32
        scf.if %cond3A_319 {
          %rem3A_326 = arith.constant 4 : i32
          %rem3A_327 = arith.remsi %add3A_307, %rem3A_326 : i32
          %rem3A_328 = arith.constant 3 : i32
          %rem3A_329 = arith.remsi %add3A_307, %rem3A_328 : i32
          %dma_start3A_330 = arith.constant 0 : i32
          %dma_start3A_331 = arith.constant 0 : i32
          %dma_start3A_332 = arith.constant 0 : i32
          %dma_start3A_333 = tpu.memref_slice %arg7[%rem3A_329, %dma_start3A_331, %dma_start3A_332] : memref<3x128x128xf32, #tpu.memory_space<vmem>> -> memref<1x128x128xf32, #tpu.memory_space<vmem>>
          %dma_start3A_334 = tpu.memref_squeeze %dma_start3A_333 : memref<1x128x128xf32, #tpu.memory_space<vmem>> -> memref<128x128xf32, #tpu.memory_space<vmem>>
          %dma_start3A_335 = arith.constant 0 : i32
          %dma_start3A_336 = tpu.memref_slice %arg8[%rem3A_327, %dma_start3A_330, %dma_start3A_335] : memref<4x2x128xi32, #tpu.memory_space<vmem>> -> memref<1x1x128xi32, #tpu.memory_space<vmem>>
          %dma_start3A_337 = tpu.memref_squeeze %dma_start3A_336 : memref<1x1x128xi32, #tpu.memory_space<vmem>> -> memref<128xi32, #tpu.memory_space<vmem>>
          %dma_start3A_338 = arith.constant 0 : i32
          %dma_start3A_339 = arith.constant 0 : i32
          %dma_start3A_340 = tpu.memref_slice %arg2[%dma_start3A_338, %dma_start3A_339] : memref<10000x128xf32, #tpu.memory_space<hbm>> -> memref<10000x128xf32, #tpu.memory_space<hbm>>
          tpu.enqueue_indirect_dma source(%dma_start3A_340 : memref<10000x128xf32, #tpu.memory_space<hbm>>) target(%dma_start3A_334 : memref<128x128xf32, #tpu.memory_space<vmem>>) offsets(%dma_start3A_337 : memref<128xi32, #tpu.memory_space<vmem>>) semaphore(%arg12 : memref<!tpu.dma_semaphore, #tpu.memory_space<semaphore_mem>>)
        } else {
        }
        %add3A_320 = arith.constant 3 : i32
        %add3A_321 = arith.addi %add3A_255, %add3A_320 : i32
        %lt3A_322 = arith.cmpi slt, %add3A_321, %add3A_4 : i32
        %convert_element_type3A_323 = arith.extui %lt3A_322 : i1 to i32
        %cond3A_324 = arith.constant 0 : i32
        %cond3A_325 = arith.cmpi ne, %convert_element_type3A_323, %cond3A_324 : i32
        scf.if %cond3A_325 {
          %add3A_326 = arith.constant 3 : i32
          %add3A_327 = arith.addi %add3A_255, %add3A_326 : i32
          %mul3A_328 = arith.constant 32 : i32
          %mul3A_329 = arith.muli %add3A_327, %mul3A_328 : i32
          %add3A_330 = arith.addi %add3A, %mul3A_329 : i32
          %rem3A_331 = arith.constant 4 : i32
          %rem3A_332 = arith.remsi %add3A_327, %rem3A_331 : i32
          %dma_start3A_333 = arith.constant 0 : i32
          %dma_start3A_334 = arith.constant 0 : i32
          %dma_start3A_335 = tpu.memref_slice %arg8[%rem3A_332, %dma_start3A_333, %dma_start3A_334] : memref<4x2x128xi32, #tpu.memory_space<vmem>> -> memref<1x2x128xi32, #tpu.memory_space<vmem>>
          %dma_start3A_336 = tpu.memref_squeeze %dma_start3A_335 : memref<1x2x128xi32, #tpu.memory_space<vmem>> -> memref<2x128xi32, #tpu.memory_space<vmem>>
          %dma_start3A_337 = arith.constant 0 : i32
          %dma_start3A_338 = arith.constant 0 : i32
          %dma_start3A_339 = tpu.memref_slice %arg3[%add3A_330, %dma_start3A_337, %dma_start3A_338] : memref<2500x2x128xi32, #tpu.memory_space<hbm>> -> memref<1x2x128xi32, #tpu.memory_space<hbm>>
          %dma_start3A_340 = tpu.memref_squeeze %dma_start3A_339 : memref<1x2x128xi32, #tpu.memory_space<hbm>> -> memref<2x128xi32, #tpu.memory_space<hbm>>
          %dma_start3A_341 = arith.constant 0 : i32
          %dma_start3A_342 = arith.constant 0 : i32
          %dma_start3A_343 = tpu.memref_slice %arg8[%rem3A_332, %dma_start3A_341, %dma_start3A_342] : memref<4x2x128xi32, #tpu.memory_space<vmem>> -> memref<1x2x128xi32, #tpu.memory_space<vmem>>
          %dma_start3A_344 = tpu.memref_squeeze %dma_start3A_343 : memref<1x2x128xi32, #tpu.memory_space<vmem>> -> memref<2x128xi32, #tpu.memory_space<vmem>>
          %dma_start3A_345 = arith.constant 0 : i32
          %dma_start3A_346 = arith.constant 0 : i32
          %dma_start3A_347 = tpu.memref_slice %arg3[%add3A_330, %dma_start3A_345, %dma_start3A_346] : memref<2500x2x128xi32, #tpu.memory_space<hbm>> -> memref<1x2x128xi32, #tpu.memory_space<hbm>>
          %dma_start3A_348 = tpu.memref_squeeze %dma_start3A_347 : memref<1x2x128xi32, #tpu.memory_space<hbm>> -> memref<2x128xi32, #tpu.memory_space<hbm>>
          tpu.enqueue_dma source(%dma_start3A_348 : memref<2x128xi32, #tpu.memory_space<hbm>>) target(%dma_start3A_344 : memref<2x128xi32, #tpu.memory_space<vmem>>) target_semaphore(%arg9 : memref<!tpu.dma_semaphore, #tpu.memory_space<semaphore_mem>>)
        } else {
        }
      } else {
      }
      %mul3A_260 = arith.constant 3 : i32
      %mul3A_261 = arith.muli %while3A_251, %mul3A_260 : i32
      %add3A_262 = arith.constant 1 : i32
      %add3A_263 = arith.addi %mul3A_261, %add3A_262 : i32
      %lt3A_264 = arith.cmpi slt, %add3A_263, %add3A_4 : i32
      %convert_element_type3A_265 = arith.extui %lt3A_264 : i1 to i32
      %cond3A_266 = arith.constant 0 : i32
      %cond3A_267 = arith.cmpi ne, %convert_element_type3A_265, %cond3A_266 : i32
      scf.if %cond3A_267 {
        %rem3A_276 = arith.constant 4 : i32
        %rem3A_277 = arith.remsi %add3A_263, %rem3A_276 : i32
        %rem3A_278 = arith.constant 3 : i32
        %rem3A_279 = arith.remsi %add3A_263, %rem3A_278 : i32
        %dma_wait3A_280 = arith.constant 0 : i32
        %dma_wait3A_281 = arith.constant 0 : i32
        %dma_wait3A_282 = arith.constant 0 : i32
        %dma_wait3A_283 = tpu.memref_slice %arg7[%rem3A_279, %dma_wait3A_281, %dma_wait3A_282] : memref<3x128x128xf32, #tpu.memory_space<vmem>> -> memref<1x128x128xf32, #tpu.memory_space<vmem>>
        %dma_wait3A_284 = tpu.memref_squeeze %dma_wait3A_283 : memref<1x128x128xf32, #tpu.memory_space<vmem>> -> memref<128x128xf32, #tpu.memory_space<vmem>>
        %dma_wait3A_285 = arith.constant 0 : i32
        %dma_wait3A_286 = tpu.memref_slice %arg8[%rem3A_277, %dma_wait3A_280, %dma_wait3A_285] : memref<4x2x128xi32, #tpu.memory_space<vmem>> -> memref<1x1x128xi32, #tpu.memory_space<vmem>>
        %dma_wait3A_287 = tpu.memref_squeeze %dma_wait3A_286 : memref<1x1x128xi32, #tpu.memory_space<vmem>> -> memref<128xi32, #tpu.memory_space<vmem>>
        %dma_wait3A_288 = arith.constant 0 : i32
        %dma_wait3A_289 = arith.constant 0 : i32
        %dma_wait3A_290 = tpu.memref_slice %arg2[%dma_wait3A_288, %dma_wait3A_289] : memref<10000x128xf32, #tpu.memory_space<hbm>> -> memref<10000x128xf32, #tpu.memory_space<hbm>>
        tpu.wait_indirect_dma semaphore(%arg11 : memref<!tpu.dma_semaphore, #tpu.memory_space<semaphore_mem>>) src(%dma_wait3A_290 : memref<10000x128xf32, #tpu.memory_space<hbm>>) dst(%dma_wait3A_284 : memref<128x128xf32, #tpu.memory_space<vmem>>)
        %rem3A_291 = arith.constant 3 : i32
        %rem3A_292 = arith.remsi %add3A_263, %rem3A_291 : i32
        %rem3A_293 = arith.constant 4 : i32
        %rem3A_294 = arith.remsi %add3A_263, %rem3A_293 : i32
        %dma_start3A_295 = arith.constant 1 : i32
        %dma_start3A_296 = arith.constant 0 : i32
        %dma_start3A_297 = arith.constant 0 : i32
        %dma_start3A_298 = tpu.memref_slice %arg7[%rem3A_292, %dma_start3A_296, %dma_start3A_297] : memref<3x128x128xf32, #tpu.memory_space<vmem>> -> memref<1x128x128xf32, #tpu.memory_space<vmem>>
        %dma_start3A_299 = tpu.memref_squeeze %dma_start3A_298 : memref<1x128x128xf32, #tpu.memory_space<vmem>> -> memref<128x128xf32, #tpu.memory_space<vmem>>
        %dma_start3A_300 = arith.constant 0 : i32
        %dma_start3A_301 = tpu.memref_slice %arg8[%rem3A_294, %dma_start3A_295, %dma_start3A_300] : memref<4x2x128xi32, #tpu.memory_space<vmem>> -> memref<1x1x128xi32, #tpu.memory_space<vmem>>
        %dma_start3A_302 = tpu.memref_squeeze %dma_start3A_301 : memref<1x1x128xi32, #tpu.memory_space<vmem>> -> memref<128xi32, #tpu.memory_space<vmem>>
        %dma_start3A_303 = arith.constant 0 : i32
        %dma_start3A_304 = arith.constant 0 : i32
        %dma_start3A_305 = tpu.memref_slice %arg6[%dma_start3A_303, %dma_start3A_304] : memref<10112x128xf32, #tpu.memory_space<vmem_shared>> -> memref<10112x128xf32, #tpu.memory_space<vmem_shared>>
        tpu.enqueue_indirect_dma source(%dma_start3A_299 : memref<128x128xf32, #tpu.memory_space<vmem>>) target(%dma_start3A_305 : memref<10112x128xf32, #tpu.memory_space<vmem_shared>>) offsets(%dma_start3A_302 : memref<128xi32, #tpu.memory_space<vmem>>) semaphore(%arg14 : memref<!tpu.dma_semaphore, #tpu.memory_space<semaphore_mem>>) {add = true}
        %add3A_306 = arith.constant 2 : i32
        %add3A_307 = arith.addi %add3A_263, %add3A_306 : i32
        %lt3A_308 = arith.cmpi slt, %add3A_307, %add3A_4 : i32
        %convert_element_type3A_309 = arith.extui %lt3A_308 : i1 to i32
        %cond3A_310 = arith.constant 0 : i32
        %cond3A_311 = arith.cmpi ne, %convert_element_type3A_309, %cond3A_310 : i32
        scf.if %cond3A_311 {
          %mul3A_339 = arith.constant 32 : i32
          %mul3A_340 = arith.muli %add3A_307, %mul3A_339 : i32
          %add3A_341 = arith.addi %add3A, %mul3A_340 : i32
          %rem3A_342 = arith.constant 4 : i32
          %rem3A_343 = arith.remsi %add3A_307, %rem3A_342 : i32
          %dma_wait3A_344 = arith.constant 0 : i32
          %dma_wait3A_345 = arith.constant 0 : i32
          %dma_wait3A_346 = tpu.memref_slice %arg8[%rem3A_343, %dma_wait3A_344, %dma_wait3A_345] : memref<4x2x128xi32, #tpu.memory_space<vmem>> -> memref<1x2x128xi32, #tpu.memory_space<vmem>>
          %dma_wait3A_347 = tpu.memref_squeeze %dma_wait3A_346 : memref<1x2x128xi32, #tpu.memory_space<vmem>> -> memref<2x128xi32, #tpu.memory_space<vmem>>
          %dma_wait3A_348 = arith.constant 0 : i32
          %dma_wait3A_349 = arith.constant 0 : i32
          %dma_wait3A_350 = tpu.memref_slice %arg3[%add3A_341, %dma_wait3A_348, %dma_wait3A_349] : memref<2500x2x128xi32, #tpu.memory_space<hbm>> -> memref<1x2x128xi32, #tpu.memory_space<hbm>>
          %dma_wait3A_351 = tpu.memref_squeeze %dma_wait3A_350 : memref<1x2x128xi32, #tpu.memory_space<hbm>> -> memref<2x128xi32, #tpu.memory_space<hbm>>
          %dma_wait3A_352 = arith.constant 0 : i32
          %dma_wait3A_353 = arith.constant 0 : i32
          %dma_wait3A_354 = tpu.memref_slice %arg8[%rem3A_343, %dma_wait3A_352, %dma_wait3A_353] : memref<4x2x128xi32, #tpu.memory_space<vmem>> -> memref<1x2x128xi32, #tpu.memory_space<vmem>>
          %dma_wait3A_355 = tpu.memref_squeeze %dma_wait3A_354 : memref<1x2x128xi32, #tpu.memory_space<vmem>> -> memref<2x128xi32, #tpu.memory_space<vmem>>
          %dma_wait3A_356 = arith.constant 0 : i32
          %dma_wait3A_357 = arith.constant 0 : i32
          %dma_wait3A_358 = tpu.memref_slice %arg3[%add3A_341, %dma_wait3A_356, %dma_wait3A_357] : memref<2500x2x128xi32, #tpu.memory_space<hbm>> -> memref<1x2x128xi32, #tpu.memory_space<hbm>>
          %dma_wait3A_359 = tpu.memref_squeeze %dma_wait3A_358 : memref<1x2x128xi32, #tpu.memory_space<hbm>> -> memref<2x128xi32, #tpu.memory_space<hbm>>
          tpu.wait_dma2 semaphore(%arg9 : memref<!tpu.dma_semaphore, #tpu.memory_space<semaphore_mem>>) src(%dma_wait3A_359 : memref<2x128xi32, #tpu.memory_space<hbm>>) dst(%dma_wait3A_355 : memref<2x128xi32, #tpu.memory_space<vmem>>)
        } else {
        }
        %sub3A_312 = arith.constant 1 : i32
        %sub3A_313 = arith.subi %add3A_263, %sub3A_312 : i32
        %rem3A_314 = arith.constant 3 : i32
        %rem3A_315 = arith.remsi %sub3A_313, %rem3A_314 : i32
        %rem3A_316 = arith.constant 4 : i32
        %rem3A_317 = arith.remsi %sub3A_313, %rem3A_316 : i32
        %dma_wait3A_318 = arith.constant 1 : i32
        %dma_wait3A_319 = arith.constant 0 : i32
        %dma_wait3A_320 = arith.constant 0 : i32
        %dma_wait3A_321 = tpu.memref_slice %arg7[%rem3A_315, %dma_wait3A_319, %dma_wait3A_320] : memref<3x128x128xf32, #tpu.memory_space<vmem>> -> memref<1x128x128xf32, #tpu.memory_space<vmem>>
        %dma_wait3A_322 = tpu.memref_squeeze %dma_wait3A_321 : memref<1x128x128xf32, #tpu.memory_space<vmem>> -> memref<128x128xf32, #tpu.memory_space<vmem>>
        %dma_wait3A_323 = arith.constant 0 : i32
        %dma_wait3A_324 = tpu.memref_slice %arg8[%rem3A_317, %dma_wait3A_318, %dma_wait3A_323] : memref<4x2x128xi32, #tpu.memory_space<vmem>> -> memref<1x1x128xi32, #tpu.memory_space<vmem>>
        %dma_wait3A_325 = tpu.memref_squeeze %dma_wait3A_324 : memref<1x1x128xi32, #tpu.memory_space<vmem>> -> memref<128xi32, #tpu.memory_space<vmem>>
        %dma_wait3A_326 = arith.constant 0 : i32
        %dma_wait3A_327 = arith.constant 0 : i32
        %dma_wait3A_328 = tpu.memref_slice %arg6[%dma_wait3A_326, %dma_wait3A_327] : memref<10112x128xf32, #tpu.memory_space<vmem_shared>> -> memref<10112x128xf32, #tpu.memory_space<vmem_shared>>
        tpu.wait_indirect_dma semaphore(%arg13 : memref<!tpu.dma_semaphore, #tpu.memory_space<semaphore_mem>>) src(%dma_wait3A_322 : memref<128x128xf32, #tpu.memory_space<vmem>>) dst(%dma_wait3A_328 : memref<10112x128xf32, #tpu.memory_space<vmem_shared>>)
        %lt3A_329 = arith.cmpi slt, %add3A_307, %add3A_4 : i32
        %convert_element_type3A_330 = arith.extui %lt3A_329 : i1 to i32
        %cond3A_331 = arith.constant 0 : i32
        %cond3A_332 = arith.cmpi ne, %convert_element_type3A_330, %cond3A_331 : i32
        scf.if %cond3A_332 {
          %rem3A_339 = arith.constant 4 : i32
          %rem3A_340 = arith.remsi %add3A_307, %rem3A_339 : i32
          %rem3A_341 = arith.constant 3 : i32
          %rem3A_342 = arith.remsi %add3A_307, %rem3A_341 : i32
          %dma_start3A_343 = arith.constant 0 : i32
          %dma_start3A_344 = arith.constant 0 : i32
          %dma_start3A_345 = arith.constant 0 : i32
          %dma_start3A_346 = tpu.memref_slice %arg7[%rem3A_342, %dma_start3A_344, %dma_start3A_345] : memref<3x128x128xf32, #tpu.memory_space<vmem>> -> memref<1x128x128xf32, #tpu.memory_space<vmem>>
          %dma_start3A_347 = tpu.memref_squeeze %dma_start3A_346 : memref<1x128x128xf32, #tpu.memory_space<vmem>> -> memref<128x128xf32, #tpu.memory_space<vmem>>
          %dma_start3A_348 = arith.constant 0 : i32
          %dma_start3A_349 = tpu.memref_slice %arg8[%rem3A_340, %dma_start3A_343, %dma_start3A_348] : memref<4x2x128xi32, #tpu.memory_space<vmem>> -> memref<1x1x128xi32, #tpu.memory_space<vmem>>
          %dma_start3A_350 = tpu.memref_squeeze %dma_start3A_349 : memref<1x1x128xi32, #tpu.memory_space<vmem>> -> memref<128xi32, #tpu.memory_space<vmem>>
          %dma_start3A_351 = arith.constant 0 : i32
          %dma_start3A_352 = arith.constant 0 : i32
          %dma_start3A_353 = tpu.memref_slice %arg2[%dma_start3A_351, %dma_start3A_352] : memref<10000x128xf32, #tpu.memory_space<hbm>> -> memref<10000x128xf32, #tpu.memory_space<hbm>>
          tpu.enqueue_indirect_dma source(%dma_start3A_353 : memref<10000x128xf32, #tpu.memory_space<hbm>>) target(%dma_start3A_347 : memref<128x128xf32, #tpu.memory_space<vmem>>) offsets(%dma_start3A_350 : memref<128xi32, #tpu.memory_space<vmem>>) semaphore(%arg10 : memref<!tpu.dma_semaphore, #tpu.memory_space<semaphore_mem>>)
        } else {
        }
        %add3A_333 = arith.constant 3 : i32
        %add3A_334 = arith.addi %add3A_263, %add3A_333 : i32
        %lt3A_335 = arith.cmpi slt, %add3A_334, %add3A_4 : i32
        %convert_element_type3A_336 = arith.extui %lt3A_335 : i1 to i32
        %cond3A_337 = arith.constant 0 : i32
        %cond3A_338 = arith.cmpi ne, %convert_element_type3A_336, %cond3A_337 : i32
        scf.if %cond3A_338 {
          %add3A_339 = arith.constant 3 : i32
          %add3A_340 = arith.addi %add3A_263, %add3A_339 : i32
          %mul3A_341 = arith.constant 32 : i32
          %mul3A_342 = arith.muli %add3A_340, %mul3A_341 : i32
          %add3A_343 = arith.addi %add3A, %mul3A_342 : i32
          %rem3A_344 = arith.constant 4 : i32
          %rem3A_345 = arith.remsi %add3A_340, %rem3A_344 : i32
          %dma_start3A_346 = arith.constant 0 : i32
          %dma_start3A_347 = arith.constant 0 : i32
          %dma_start3A_348 = tpu.memref_slice %arg8[%rem3A_345, %dma_start3A_346, %dma_start3A_347] : memref<4x2x128xi32, #tpu.memory_space<vmem>> -> memref<1x2x128xi32, #tpu.memory_space<vmem>>
          %dma_start3A_349 = tpu.memref_squeeze %dma_start3A_348 : memref<1x2x128xi32, #tpu.memory_space<vmem>> -> memref<2x128xi32, #tpu.memory_space<vmem>>
          %dma_start3A_350 = arith.constant 0 : i32
          %dma_start3A_351 = arith.constant 0 : i32
          %dma_start3A_352 = tpu.memref_slice %arg3[%add3A_343, %dma_start3A_350, %dma_start3A_351] : memref<2500x2x128xi32, #tpu.memory_space<hbm>> -> memref<1x2x128xi32, #tpu.memory_space<hbm>>
          %dma_start3A_353 = tpu.memref_squeeze %dma_start3A_352 : memref<1x2x128xi32, #tpu.memory_space<hbm>> -> memref<2x128xi32, #tpu.memory_space<hbm>>
          %dma_start3A_354 = arith.constant 0 : i32
          %dma_start3A_355 = arith.constant 0 : i32
          %dma_start3A_356 = tpu.memref_slice %arg8[%rem3A_345, %dma_start3A_354, %dma_start3A_355] : memref<4x2x128xi32, #tpu.memory_space<vmem>> -> memref<1x2x128xi32, #tpu.memory_space<vmem>>
          %dma_start3A_357 = tpu.memref_squeeze %dma_start3A_356 : memref<1x2x128xi32, #tpu.memory_space<vmem>> -> memref<2x128xi32, #tpu.memory_space<vmem>>
          %dma_start3A_358 = arith.constant 0 : i32
          %dma_start3A_359 = arith.constant 0 : i32
          %dma_start3A_360 = tpu.memref_slice %arg3[%add3A_343, %dma_start3A_358, %dma_start3A_359] : memref<2500x2x128xi32, #tpu.memory_space<hbm>> -> memref<1x2x128xi32, #tpu.memory_space<hbm>>
          %dma_start3A_361 = tpu.memref_squeeze %dma_start3A_360 : memref<1x2x128xi32, #tpu.memory_space<hbm>> -> memref<2x128xi32, #tpu.memory_space<hbm>>
          tpu.enqueue_dma source(%dma_start3A_361 : memref<2x128xi32, #tpu.memory_space<hbm>>) target(%dma_start3A_357 : memref<2x128xi32, #tpu.memory_space<vmem>>) target_semaphore(%arg9 : memref<!tpu.dma_semaphore, #tpu.memory_space<semaphore_mem>>)
        } else {
        }
      } else {
      }
      %mul3A_268 = arith.constant 3 : i32
      %mul3A_269 = arith.muli %while3A_251, %mul3A_268 : i32
      %add3A_270 = arith.constant 2 : i32
      %add3A_271 = arith.addi %mul3A_269, %add3A_270 : i32
      %lt3A_272 = arith.cmpi slt, %add3A_271, %add3A_4 : i32
      %convert_element_type3A_273 = arith.extui %lt3A_272 : i1 to i32
      %cond3A_274 = arith.constant 0 : i32
      %cond3A_275 = arith.cmpi ne, %convert_element_type3A_273, %cond3A_274 : i32
      scf.if %cond3A_275 {
        %rem3A_276 = arith.constant 4 : i32
        %rem3A_277 = arith.remsi %add3A_271, %rem3A_276 : i32
        %rem3A_278 = arith.constant 3 : i32
        %rem3A_279 = arith.remsi %add3A_271, %rem3A_278 : i32
        %dma_wait3A_280 = arith.constant 0 : i32
        %dma_wait3A_281 = arith.constant 0 : i32
        %dma_wait3A_282 = arith.constant 0 : i32
        %dma_wait3A_283 = tpu.memref_slice %arg7[%rem3A_279, %dma_wait3A_281, %dma_wait3A_282] : memref<3x128x128xf32, #tpu.memory_space<vmem>> -> memref<1x128x128xf32, #tpu.memory_space<vmem>>
        %dma_wait3A_284 = tpu.memref_squeeze %dma_wait3A_283 : memref<1x128x128xf32, #tpu.memory_space<vmem>> -> memref<128x128xf32, #tpu.memory_space<vmem>>
        %dma_wait3A_285 = arith.constant 0 : i32
        %dma_wait3A_286 = tpu.memref_slice %arg8[%rem3A_277, %dma_wait3A_280, %dma_wait3A_285] : memref<4x2x128xi32, #tpu.memory_space<vmem>> -> memref<1x1x128xi32, #tpu.memory_space<vmem>>
        %dma_wait3A_287 = tpu.memref_squeeze %dma_wait3A_286 : memref<1x1x128xi32, #tpu.memory_space<vmem>> -> memref<128xi32, #tpu.memory_space<vmem>>
        %dma_wait3A_288 = arith.constant 0 : i32
        %dma_wait3A_289 = arith.constant 0 : i32
        %dma_wait3A_290 = tpu.memref_slice %arg2[%dma_wait3A_288, %dma_wait3A_289] : memref<10000x128xf32, #tpu.memory_space<hbm>> -> memref<10000x128xf32, #tpu.memory_space<hbm>>
        tpu.wait_indirect_dma semaphore(%arg12 : memref<!tpu.dma_semaphore, #tpu.memory_space<semaphore_mem>>) src(%dma_wait3A_290 : memref<10000x128xf32, #tpu.memory_space<hbm>>) dst(%dma_wait3A_284 : memref<128x128xf32, #tpu.memory_space<vmem>>)
        %rem3A_291 = arith.constant 3 : i32
        %rem3A_292 = arith.remsi %add3A_271, %rem3A_291 : i32
        %rem3A_293 = arith.constant 4 : i32
        %rem3A_294 = arith.remsi %add3A_271, %rem3A_293 : i32
        %dma_start3A_295 = arith.constant 1 : i32
        %dma_start3A_296 = arith.constant 0 : i32
        %dma_start3A_297 = arith.constant 0 : i32
        %dma_start3A_298 = tpu.memref_slice %arg7[%rem3A_292, %dma_start3A_296, %dma_start3A_297] : memref<3x128x128xf32, #tpu.memory_space<vmem>> -> memref<1x128x128xf32, #tpu.memory_space<vmem>>
        %dma_start3A_299 = tpu.memref_squeeze %dma_start3A_298 : memref<1x128x128xf32, #tpu.memory_space<vmem>> -> memref<128x128xf32, #tpu.memory_space<vmem>>
        %dma_start3A_300 = arith.constant 0 : i32
        %dma_start3A_301 = tpu.memref_slice %arg8[%rem3A_294, %dma_start3A_295, %dma_start3A_300] : memref<4x2x128xi32, #tpu.memory_space<vmem>> -> memref<1x1x128xi32, #tpu.memory_space<vmem>>
        %dma_start3A_302 = tpu.memref_squeeze %dma_start3A_301 : memref<1x1x128xi32, #tpu.memory_space<vmem>> -> memref<128xi32, #tpu.memory_space<vmem>>
        %dma_start3A_303 = arith.constant 0 : i32
        %dma_start3A_304 = arith.constant 0 : i32
        %dma_start3A_305 = tpu.memref_slice %arg6[%dma_start3A_303, %dma_start3A_304] : memref<10112x128xf32, #tpu.memory_space<vmem_shared>> -> memref<10112x128xf32, #tpu.memory_space<vmem_shared>>
        tpu.enqueue_indirect_dma source(%dma_start3A_299 : memref<128x128xf32, #tpu.memory_space<vmem>>) target(%dma_start3A_305 : memref<10112x128xf32, #tpu.memory_space<vmem_shared>>) offsets(%dma_start3A_302 : memref<128xi32, #tpu.memory_space<vmem>>) semaphore(%arg15 : memref<!tpu.dma_semaphore, #tpu.memory_space<semaphore_mem>>) {add = true}
        %add3A_306 = arith.constant 2 : i32
        %add3A_307 = arith.addi %add3A_271, %add3A_306 : i32
        %lt3A_308 = arith.cmpi slt, %add3A_307, %add3A_4 : i32
        %convert_element_type3A_309 = arith.extui %lt3A_308 : i1 to i32
        %cond3A_310 = arith.constant 0 : i32
        %cond3A_311 = arith.cmpi ne, %convert_element_type3A_309, %cond3A_310 : i32
        scf.if %cond3A_311 {
          %mul3A_339 = arith.constant 32 : i32
          %mul3A_340 = arith.muli %add3A_307, %mul3A_339 : i32
          %add3A_341 = arith.addi %add3A, %mul3A_340 : i32
          %rem3A_342 = arith.constant 4 : i32
          %rem3A_343 = arith.remsi %add3A_307, %rem3A_342 : i32
          %dma_wait3A_344 = arith.constant 0 : i32
          %dma_wait3A_345 = arith.constant 0 : i32
          %dma_wait3A_346 = tpu.memref_slice %arg8[%rem3A_343, %dma_wait3A_344, %dma_wait3A_345] : memref<4x2x128xi32, #tpu.memory_space<vmem>> -> memref<1x2x128xi32, #tpu.memory_space<vmem>>
          %dma_wait3A_347 = tpu.memref_squeeze %dma_wait3A_346 : memref<1x2x128xi32, #tpu.memory_space<vmem>> -> memref<2x128xi32, #tpu.memory_space<vmem>>
          %dma_wait3A_348 = arith.constant 0 : i32
          %dma_wait3A_349 = arith.constant 0 : i32
          %dma_wait3A_350 = tpu.memref_slice %arg3[%add3A_341, %dma_wait3A_348, %dma_wait3A_349] : memref<2500x2x128xi32, #tpu.memory_space<hbm>> -> memref<1x2x128xi32, #tpu.memory_space<hbm>>
          %dma_wait3A_351 = tpu.memref_squeeze %dma_wait3A_350 : memref<1x2x128xi32, #tpu.memory_space<hbm>> -> memref<2x128xi32, #tpu.memory_space<hbm>>
          %dma_wait3A_352 = arith.constant 0 : i32
          %dma_wait3A_353 = arith.constant 0 : i32
          %dma_wait3A_354 = tpu.memref_slice %arg8[%rem3A_343, %dma_wait3A_352, %dma_wait3A_353] : memref<4x2x128xi32, #tpu.memory_space<vmem>> -> memref<1x2x128xi32, #tpu.memory_space<vmem>>
          %dma_wait3A_355 = tpu.memref_squeeze %dma_wait3A_354 : memref<1x2x128xi32, #tpu.memory_space<vmem>> -> memref<2x128xi32, #tpu.memory_space<vmem>>
          %dma_wait3A_356 = arith.constant 0 : i32
          %dma_wait3A_357 = arith.constant 0 : i32
          %dma_wait3A_358 = tpu.memref_slice %arg3[%add3A_341, %dma_wait3A_356, %dma_wait3A_357] : memref<2500x2x128xi32, #tpu.memory_space<hbm>> -> memref<1x2x128xi32, #tpu.memory_space<hbm>>
          %dma_wait3A_359 = tpu.memref_squeeze %dma_wait3A_358 : memref<1x2x128xi32, #tpu.memory_space<hbm>> -> memref<2x128xi32, #tpu.memory_space<hbm>>
          tpu.wait_dma2 semaphore(%arg9 : memref<!tpu.dma_semaphore, #tpu.memory_space<semaphore_mem>>) src(%dma_wait3A_359 : memref<2x128xi32, #tpu.memory_space<hbm>>) dst(%dma_wait3A_355 : memref<2x128xi32, #tpu.memory_space<vmem>>)
        } else {
        }
        %sub3A_312 = arith.constant 1 : i32
        %sub3A_313 = arith.subi %add3A_271, %sub3A_312 : i32
        %rem3A_314 = arith.constant 3 : i32
        %rem3A_315 = arith.remsi %sub3A_313, %rem3A_314 : i32
        %rem3A_316 = arith.constant 4 : i32
        %rem3A_317 = arith.remsi %sub3A_313, %rem3A_316 : i32
        %dma_wait3A_318 = arith.constant 1 : i32
        %dma_wait3A_319 = arith.constant 0 : i32
        %dma_wait3A_320 = arith.constant 0 : i32
        %dma_wait3A_321 = tpu.memref_slice %arg7[%rem3A_315, %dma_wait3A_319, %dma_wait3A_320] : memref<3x128x128xf32, #tpu.memory_space<vmem>> -> memref<1x128x128xf32, #tpu.memory_space<vmem>>
        %dma_wait3A_322 = tpu.memref_squeeze %dma_wait3A_321 : memref<1x128x128xf32, #tpu.memory_space<vmem>> -> memref<128x128xf32, #tpu.memory_space<vmem>>
        %dma_wait3A_323 = arith.constant 0 : i32
        %dma_wait3A_324 = tpu.memref_slice %arg8[%rem3A_317, %dma_wait3A_318, %dma_wait3A_323] : memref<4x2x128xi32, #tpu.memory_space<vmem>> -> memref<1x1x128xi32, #tpu.memory_space<vmem>>
        %dma_wait3A_325 = tpu.memref_squeeze %dma_wait3A_324 : memref<1x1x128xi32, #tpu.memory_space<vmem>> -> memref<128xi32, #tpu.memory_space<vmem>>
        %dma_wait3A_326 = arith.constant 0 : i32
        %dma_wait3A_327 = arith.constant 0 : i32
        %dma_wait3A_328 = tpu.memref_slice %arg6[%dma_wait3A_326, %dma_wait3A_327] : memref<10112x128xf32, #tpu.memory_space<vmem_shared>> -> memref<10112x128xf32, #tpu.memory_space<vmem_shared>>
        tpu.wait_indirect_dma semaphore(%arg14 : memref<!tpu.dma_semaphore, #tpu.memory_space<semaphore_mem>>) src(%dma_wait3A_322 : memref<128x128xf32, #tpu.memory_space<vmem>>) dst(%dma_wait3A_328 : memref<10112x128xf32, #tpu.memory_space<vmem_shared>>)
        %lt3A_329 = arith.cmpi slt, %add3A_307, %add3A_4 : i32
        %convert_element_type3A_330 = arith.extui %lt3A_329 : i1 to i32
        %cond3A_331 = arith.constant 0 : i32
        %cond3A_332 = arith.cmpi ne, %convert_element_type3A_330, %cond3A_331 : i32
        scf.if %cond3A_332 {
          %rem3A_339 = arith.constant 4 : i32
          %rem3A_340 = arith.remsi %add3A_307, %rem3A_339 : i32
          %rem3A_341 = arith.constant 3 : i32
          %rem3A_342 = arith.remsi %add3A_307, %rem3A_341 : i32
          %dma_start3A_343 = arith.constant 0 : i32
          %dma_start3A_344 = arith.constant 0 : i32
          %dma_start3A_345 = arith.constant 0 : i32
          %dma_start3A_346 = tpu.memref_slice %arg7[%rem3A_342, %dma_start3A_344, %dma_start3A_345] : memref<3x128x128xf32, #tpu.memory_space<vmem>> -> memref<1x128x128xf32, #tpu.memory_space<vmem>>
          %dma_start3A_347 = tpu.memref_squeeze %dma_start3A_346 : memref<1x128x128xf32, #tpu.memory_space<vmem>> -> memref<128x128xf32, #tpu.memory_space<vmem>>
          %dma_start3A_348 = arith.constant 0 : i32
          %dma_start3A_349 = tpu.memref_slice %arg8[%rem3A_340, %dma_start3A_343, %dma_start3A_348] : memref<4x2x128xi32, #tpu.memory_space<vmem>> -> memref<1x1x128xi32, #tpu.memory_space<vmem>>
          %dma_start3A_350 = tpu.memref_squeeze %dma_start3A_349 : memref<1x1x128xi32, #tpu.memory_space<vmem>> -> memref<128xi32, #tpu.memory_space<vmem>>
          %dma_start3A_351 = arith.constant 0 : i32
          %dma_start3A_352 = arith.constant 0 : i32
          %dma_start3A_353 = tpu.memref_slice %arg2[%dma_start3A_351, %dma_start3A_352] : memref<10000x128xf32, #tpu.memory_space<hbm>> -> memref<10000x128xf32, #tpu.memory_space<hbm>>
          tpu.enqueue_indirect_dma source(%dma_start3A_353 : memref<10000x128xf32, #tpu.memory_space<hbm>>) target(%dma_start3A_347 : memref<128x128xf32, #tpu.memory_space<vmem>>) offsets(%dma_start3A_350 : memref<128xi32, #tpu.memory_space<vmem>>) semaphore(%arg11 : memref<!tpu.dma_semaphore, #tpu.memory_space<semaphore_mem>>)
        } else {
        }
        %add3A_333 = arith.constant 3 : i32
        %add3A_334 = arith.addi %add3A_271, %add3A_333 : i32
        %lt3A_335 = arith.cmpi slt, %add3A_334, %add3A_4 : i32
        %convert_element_type3A_336 = arith.extui %lt3A_335 : i1 to i32
        %cond3A_337 = arith.constant 0 : i32
        %cond3A_338 = arith.cmpi ne, %convert_element_type3A_336, %cond3A_337 : i32
        scf.if %cond3A_338 {
          %add3A_339 = arith.constant 3 : i32
          %add3A_340 = arith.addi %add3A_271, %add3A_339 : i32
          %mul3A_341 = arith.constant 32 : i32
          %mul3A_342 = arith.muli %add3A_340, %mul3A_341 : i32
          %add3A_343 = arith.addi %add3A, %mul3A_342 : i32
          %rem3A_344 = arith.constant 4 : i32
          %rem3A_345 = arith.remsi %add3A_340, %rem3A_344 : i32
          %dma_start3A_346 = arith.constant 0 : i32
          %dma_start3A_347 = arith.constant 0 : i32
          %dma_start3A_348 = tpu.memref_slice %arg8[%rem3A_345, %dma_start3A_346, %dma_start3A_347] : memref<4x2x128xi32, #tpu.memory_space<vmem>> -> memref<1x2x128xi32, #tpu.memory_space<vmem>>
          %dma_start3A_349 = tpu.memref_squeeze %dma_start3A_348 : memref<1x2x128xi32, #tpu.memory_space<vmem>> -> memref<2x128xi32, #tpu.memory_space<vmem>>
          %dma_start3A_350 = arith.constant 0 : i32
          %dma_start3A_351 = arith.constant 0 : i32
          %dma_start3A_352 = tpu.memref_slice %arg3[%add3A_343, %dma_start3A_350, %dma_start3A_351] : memref<2500x2x128xi32, #tpu.memory_space<hbm>> -> memref<1x2x128xi32, #tpu.memory_space<hbm>>
          %dma_start3A_353 = tpu.memref_squeeze %dma_start3A_352 : memref<1x2x128xi32, #tpu.memory_space<hbm>> -> memref<2x128xi32, #tpu.memory_space<hbm>>
          %dma_start3A_354 = arith.constant 0 : i32
          %dma_start3A_355 = arith.constant 0 : i32
          %dma_start3A_356 = tpu.memref_slice %arg8[%rem3A_345, %dma_start3A_354, %dma_start3A_355] : memref<4x2x128xi32, #tpu.memory_space<vmem>> -> memref<1x2x128xi32, #tpu.memory_space<vmem>>
          %dma_start3A_357 = tpu.memref_squeeze %dma_start3A_356 : memref<1x2x128xi32, #tpu.memory_space<vmem>> -> memref<2x128xi32, #tpu.memory_space<vmem>>
          %dma_start3A_358 = arith.constant 0 : i32
          %dma_start3A_359 = arith.constant 0 : i32
          %dma_start3A_360 = tpu.memref_slice %arg3[%add3A_343, %dma_start3A_358, %dma_start3A_359] : memref<2500x2x128xi32, #tpu.memory_space<hbm>> -> memref<1x2x128xi32, #tpu.memory_space<hbm>>
          %dma_start3A_361 = tpu.memref_squeeze %dma_start3A_360 : memref<1x2x128xi32, #tpu.memory_space<hbm>> -> memref<2x128xi32, #tpu.memory_space<hbm>>
          tpu.enqueue_dma source(%dma_start3A_361 : memref<2x128xi32, #tpu.memory_space<hbm>>) target(%dma_start3A_357 : memref<2x128xi32, #tpu.memory_space<vmem>>) target_semaphore(%arg9 : memref<!tpu.dma_semaphore, #tpu.memory_space<semaphore_mem>>)
        } else {
        }
      } else {
      }
    }
    %while3A_133 = arith.constant 1 : i32
    scf.for %while3A_251 = %while3A_131 to %while3A_127 step %while3A_133  : i32 {
      %mul3A_252 = arith.constant 3 : i32
      %mul3A_253 = arith.muli %while3A_251, %mul3A_252 : i32
      %add3A_254 = arith.constant 0 : i32
      %add3A_255 = arith.addi %mul3A_253, %add3A_254 : i32
      %lt3A_256 = arith.cmpi slt, %add3A_255, %add3A_4 : i32
      %convert_element_type3A_257 = arith.extui %lt3A_256 : i1 to i32
      %cond3A_258 = arith.constant 0 : i32
      %cond3A_259 = arith.cmpi ne, %convert_element_type3A_257, %cond3A_258 : i32
      scf.if %cond3A_259 {
        %rem3A_276 = arith.constant 4 : i32
        %rem3A_277 = arith.remsi %add3A_255, %rem3A_276 : i32
        %rem3A_278 = arith.constant 3 : i32
        %rem3A_279 = arith.remsi %add3A_255, %rem3A_278 : i32
        %dma_wait3A_280 = arith.constant 0 : i32
        %dma_wait3A_281 = arith.constant 0 : i32
        %dma_wait3A_282 = arith.constant 0 : i32
        %dma_wait3A_283 = tpu.memref_slice %arg7[%rem3A_279, %dma_wait3A_281, %dma_wait3A_282] : memref<3x128x128xf32, #tpu.memory_space<vmem>> -> memref<1x128x128xf32, #tpu.memory_space<vmem>>
        %dma_wait3A_284 = tpu.memref_squeeze %dma_wait3A_283 : memref<1x128x128xf32, #tpu.memory_space<vmem>> -> memref<128x128xf32, #tpu.memory_space<vmem>>
        %dma_wait3A_285 = arith.constant 0 : i32
        %dma_wait3A_286 = tpu.memref_slice %arg8[%rem3A_277, %dma_wait3A_280, %dma_wait3A_285] : memref<4x2x128xi32, #tpu.memory_space<vmem>> -> memref<1x1x128xi32, #tpu.memory_space<vmem>>
        %dma_wait3A_287 = tpu.memref_squeeze %dma_wait3A_286 : memref<1x1x128xi32, #tpu.memory_space<vmem>> -> memref<128xi32, #tpu.memory_space<vmem>>
        %dma_wait3A_288 = arith.constant 0 : i32
        %dma_wait3A_289 = arith.constant 0 : i32
        %dma_wait3A_290 = tpu.memref_slice %arg2[%dma_wait3A_288, %dma_wait3A_289] : memref<10000x128xf32, #tpu.memory_space<hbm>> -> memref<10000x128xf32, #tpu.memory_space<hbm>>
        tpu.wait_indirect_dma semaphore(%arg10 : memref<!tpu.dma_semaphore, #tpu.memory_space<semaphore_mem>>) src(%dma_wait3A_290 : memref<10000x128xf32, #tpu.memory_space<hbm>>) dst(%dma_wait3A_284 : memref<128x128xf32, #tpu.memory_space<vmem>>)
        %rem3A_291 = arith.constant 3 : i32
        %rem3A_292 = arith.remsi %add3A_255, %rem3A_291 : i32
        %rem3A_293 = arith.constant 4 : i32
        %rem3A_294 = arith.remsi %add3A_255, %rem3A_293 : i32
        %dma_start3A_295 = arith.constant 1 : i32
        %dma_start3A_296 = arith.constant 0 : i32
        %dma_start3A_297 = arith.constant 0 : i32
        %dma_start3A_298 = tpu.memref_slice %arg7[%rem3A_292, %dma_start3A_296, %dma_start3A_297] : memref<3x128x128xf32, #tpu.memory_space<vmem>> -> memref<1x128x128xf32, #tpu.memory_space<vmem>>
        %dma_start3A_299 = tpu.memref_squeeze %dma_start3A_298 : memref<1x128x128xf32, #tpu.memory_space<vmem>> -> memref<128x128xf32, #tpu.memory_space<vmem>>
        %dma_start3A_300 = arith.constant 0 : i32
        %dma_start3A_301 = tpu.memref_slice %arg8[%rem3A_294, %dma_start3A_295, %dma_start3A_300] : memref<4x2x128xi32, #tpu.memory_space<vmem>> -> memref<1x1x128xi32, #tpu.memory_space<vmem>>
        %dma_start3A_302 = tpu.memref_squeeze %dma_start3A_301 : memref<1x1x128xi32, #tpu.memory_space<vmem>> -> memref<128xi32, #tpu.memory_space<vmem>>
        %dma_start3A_303 = arith.constant 0 : i32
        %dma_start3A_304 = arith.constant 0 : i32
        %dma_start3A_305 = tpu.memref_slice %arg6[%dma_start3A_303, %dma_start3A_304] : memref<10112x128xf32, #tpu.memory_space<vmem_shared>> -> memref<10112x128xf32, #tpu.memory_space<vmem_shared>>
        tpu.enqueue_indirect_dma source(%dma_start3A_299 : memref<128x128xf32, #tpu.memory_space<vmem>>) target(%dma_start3A_305 : memref<10112x128xf32, #tpu.memory_space<vmem_shared>>) offsets(%dma_start3A_302 : memref<128xi32, #tpu.memory_space<vmem>>) semaphore(%arg13 : memref<!tpu.dma_semaphore, #tpu.memory_space<semaphore_mem>>) {add = true}
        %add3A_306 = arith.constant 2 : i32
        %add3A_307 = arith.addi %add3A_255, %add3A_306 : i32
        %lt3A_308 = arith.cmpi slt, %add3A_307, %add3A_4 : i32
        %convert_element_type3A_309 = arith.extui %lt3A_308 : i1 to i32
        %cond3A_310 = arith.constant 0 : i32
        %cond3A_311 = arith.cmpi ne, %convert_element_type3A_309, %cond3A_310 : i32
        scf.if %cond3A_311 {
          %mul3A_326 = arith.constant 32 : i32
          %mul3A_327 = arith.muli %add3A_307, %mul3A_326 : i32
          %add3A_328 = arith.addi %add3A, %mul3A_327 : i32
          %rem3A_329 = arith.constant 4 : i32
          %rem3A_330 = arith.remsi %add3A_307, %rem3A_329 : i32
          %dma_wait3A_331 = arith.constant 0 : i32
          %dma_wait3A_332 = arith.constant 0 : i32
          %dma_wait3A_333 = tpu.memref_slice %arg8[%rem3A_330, %dma_wait3A_331, %dma_wait3A_332] : memref<4x2x128xi32, #tpu.memory_space<vmem>> -> memref<1x2x128xi32, #tpu.memory_space<vmem>>
          %dma_wait3A_334 = tpu.memref_squeeze %dma_wait3A_333 : memref<1x2x128xi32, #tpu.memory_space<vmem>> -> memref<2x128xi32, #tpu.memory_space<vmem>>
          %dma_wait3A_335 = arith.constant 0 : i32
          %dma_wait3A_336 = arith.constant 0 : i32
          %dma_wait3A_337 = tpu.memref_slice %arg3[%add3A_328, %dma_wait3A_335, %dma_wait3A_336] : memref<2500x2x128xi32, #tpu.memory_space<hbm>> -> memref<1x2x128xi32, #tpu.memory_space<hbm>>
          %dma_wait3A_338 = tpu.memref_squeeze %dma_wait3A_337 : memref<1x2x128xi32, #tpu.memory_space<hbm>> -> memref<2x128xi32, #tpu.memory_space<hbm>>
          %dma_wait3A_339 = arith.constant 0 : i32
          %dma_wait3A_340 = arith.constant 0 : i32
          %dma_wait3A_341 = tpu.memref_slice %arg8[%rem3A_330, %dma_wait3A_339, %dma_wait3A_340] : memref<4x2x128xi32, #tpu.memory_space<vmem>> -> memref<1x2x128xi32, #tpu.memory_space<vmem>>
          %dma_wait3A_342 = tpu.memref_squeeze %dma_wait3A_341 : memref<1x2x128xi32, #tpu.memory_space<vmem>> -> memref<2x128xi32, #tpu.memory_space<vmem>>
          %dma_wait3A_343 = arith.constant 0 : i32
          %dma_wait3A_344 = arith.constant 0 : i32
          %dma_wait3A_345 = tpu.memref_slice %arg3[%add3A_328, %dma_wait3A_343, %dma_wait3A_344] : memref<2500x2x128xi32, #tpu.memory_space<hbm>> -> memref<1x2x128xi32, #tpu.memory_space<hbm>>
          %dma_wait3A_346 = tpu.memref_squeeze %dma_wait3A_345 : memref<1x2x128xi32, #tpu.memory_space<hbm>> -> memref<2x128xi32, #tpu.memory_space<hbm>>
          tpu.wait_dma2 semaphore(%arg9 : memref<!tpu.dma_semaphore, #tpu.memory_space<semaphore_mem>>) src(%dma_wait3A_346 : memref<2x128xi32, #tpu.memory_space<hbm>>) dst(%dma_wait3A_342 : memref<2x128xi32, #tpu.memory_space<vmem>>)
        } else {
        }
        %ge3A = arith.constant 1 : i32
        %ge3A_312 = arith.cmpi sge, %add3A_255, %ge3A : i32
        %convert_element_type3A_313 = arith.extui %ge3A_312 : i1 to i32
        %cond3A_314 = arith.constant 0 : i32
        %cond3A_315 = arith.cmpi ne, %convert_element_type3A_313, %cond3A_314 : i32
        scf.if %cond3A_315 {
          %sub3A_326 = arith.constant 1 : i32
          %sub3A_327 = arith.subi %add3A_255, %sub3A_326 : i32
          %rem3A_328 = arith.constant 3 : i32
          %rem3A_329 = arith.remsi %sub3A_327, %rem3A_328 : i32
          %rem3A_330 = arith.constant 4 : i32
          %rem3A_331 = arith.remsi %sub3A_327, %rem3A_330 : i32
          %dma_wait3A_332 = arith.constant 1 : i32
          %dma_wait3A_333 = arith.constant 0 : i32
          %dma_wait3A_334 = arith.constant 0 : i32
          %dma_wait3A_335 = tpu.memref_slice %arg7[%rem3A_329, %dma_wait3A_333, %dma_wait3A_334] : memref<3x128x128xf32, #tpu.memory_space<vmem>> -> memref<1x128x128xf32, #tpu.memory_space<vmem>>
          %dma_wait3A_336 = tpu.memref_squeeze %dma_wait3A_335 : memref<1x128x128xf32, #tpu.memory_space<vmem>> -> memref<128x128xf32, #tpu.memory_space<vmem>>
          %dma_wait3A_337 = arith.constant 0 : i32
          %dma_wait3A_338 = tpu.memref_slice %arg8[%rem3A_331, %dma_wait3A_332, %dma_wait3A_337] : memref<4x2x128xi32, #tpu.memory_space<vmem>> -> memref<1x1x128xi32, #tpu.memory_space<vmem>>
          %dma_wait3A_339 = tpu.memref_squeeze %dma_wait3A_338 : memref<1x1x128xi32, #tpu.memory_space<vmem>> -> memref<128xi32, #tpu.memory_space<vmem>>
          %dma_wait3A_340 = arith.constant 0 : i32
          %dma_wait3A_341 = arith.constant 0 : i32
          %dma_wait3A_342 = tpu.memref_slice %arg6[%dma_wait3A_340, %dma_wait3A_341] : memref<10112x128xf32, #tpu.memory_space<vmem_shared>> -> memref<10112x128xf32, #tpu.memory_space<vmem_shared>>
          tpu.wait_indirect_dma semaphore(%arg15 : memref<!tpu.dma_semaphore, #tpu.memory_space<semaphore_mem>>) src(%dma_wait3A_336 : memref<128x128xf32, #tpu.memory_space<vmem>>) dst(%dma_wait3A_342 : memref<10112x128xf32, #tpu.memory_space<vmem_shared>>)
        } else {
        }
        %lt3A_316 = arith.cmpi slt, %add3A_307, %add3A_4 : i32
        %convert_element_type3A_317 = arith.extui %lt3A_316 : i1 to i32
        %cond3A_318 = arith.constant 0 : i32
        %cond3A_319 = arith.cmpi ne, %convert_element_type3A_317, %cond3A_318 : i32
        scf.if %cond3A_319 {
          %rem3A_326 = arith.constant 4 : i32
          %rem3A_327 = arith.remsi %add3A_307, %rem3A_326 : i32
          %rem3A_328 = arith.constant 3 : i32
          %rem3A_329 = arith.remsi %add3A_307, %rem3A_328 : i32
          %dma_start3A_330 = arith.constant 0 : i32
          %dma_start3A_331 = arith.constant 0 : i32
          %dma_start3A_332 = arith.constant 0 : i32
          %dma_start3A_333 = tpu.memref_slice %arg7[%rem3A_329, %dma_start3A_331, %dma_start3A_332] : memref<3x128x128xf32, #tpu.memory_space<vmem>> -> memref<1x128x128xf32, #tpu.memory_space<vmem>>
          %dma_start3A_334 = tpu.memref_squeeze %dma_start3A_333 : memref<1x128x128xf32, #tpu.memory_space<vmem>> -> memref<128x128xf32, #tpu.memory_space<vmem>>
          %dma_start3A_335 = arith.constant 0 : i32
          %dma_start3A_336 = tpu.memref_slice %arg8[%rem3A_327, %dma_start3A_330, %dma_start3A_335] : memref<4x2x128xi32, #tpu.memory_space<vmem>> -> memref<1x1x128xi32, #tpu.memory_space<vmem>>
          %dma_start3A_337 = tpu.memref_squeeze %dma_start3A_336 : memref<1x1x128xi32, #tpu.memory_space<vmem>> -> memref<128xi32, #tpu.memory_space<vmem>>
          %dma_start3A_338 = arith.constant 0 : i32
          %dma_start3A_339 = arith.constant 0 : i32
          %dma_start3A_340 = tpu.memref_slice %arg2[%dma_start3A_338, %dma_start3A_339] : memref<10000x128xf32, #tpu.memory_space<hbm>> -> memref<10000x128xf32, #tpu.memory_space<hbm>>
          tpu.enqueue_indirect_dma source(%dma_start3A_340 : memref<10000x128xf32, #tpu.memory_space<hbm>>) target(%dma_start3A_334 : memref<128x128xf32, #tpu.memory_space<vmem>>) offsets(%dma_start3A_337 : memref<128xi32, #tpu.memory_space<vmem>>) semaphore(%arg12 : memref<!tpu.dma_semaphore, #tpu.memory_space<semaphore_mem>>)
        } else {
        }
        %add3A_320 = arith.constant 3 : i32
        %add3A_321 = arith.addi %add3A_255, %add3A_320 : i32
        %lt3A_322 = arith.cmpi slt, %add3A_321, %add3A_4 : i32
        %convert_element_type3A_323 = arith.extui %lt3A_322 : i1 to i32
        %cond3A_324 = arith.constant 0 : i32
        %cond3A_325 = arith.cmpi ne, %convert_element_type3A_323, %cond3A_324 : i32
        scf.if %cond3A_325 {
          %add3A_326 = arith.constant 3 : i32
          %add3A_327 = arith.addi %add3A_255, %add3A_326 : i32
          %mul3A_328 = arith.constant 32 : i32
          %mul3A_329 = arith.muli %add3A_327, %mul3A_328 : i32
          %add3A_330 = arith.addi %add3A, %mul3A_329 : i32
          %rem3A_331 = arith.constant 4 : i32
          %rem3A_332 = arith.remsi %add3A_327, %rem3A_331 : i32
          %dma_start3A_333 = arith.constant 0 : i32
          %dma_start3A_334 = arith.constant 0 : i32
          %dma_start3A_335 = tpu.memref_slice %arg8[%rem3A_332, %dma_start3A_333, %dma_start3A_334] : memref<4x2x128xi32, #tpu.memory_space<vmem>> -> memref<1x2x128xi32, #tpu.memory_space<vmem>>
          %dma_start3A_336 = tpu.memref_squeeze %dma_start3A_335 : memref<1x2x128xi32, #tpu.memory_space<vmem>> -> memref<2x128xi32, #tpu.memory_space<vmem>>
          %dma_start3A_337 = arith.constant 0 : i32
          %dma_start3A_338 = arith.constant 0 : i32
          %dma_start3A_339 = tpu.memref_slice %arg3[%add3A_330, %dma_start3A_337, %dma_start3A_338] : memref<2500x2x128xi32, #tpu.memory_space<hbm>> -> memref<1x2x128xi32, #tpu.memory_space<hbm>>
          %dma_start3A_340 = tpu.memref_squeeze %dma_start3A_339 : memref<1x2x128xi32, #tpu.memory_space<hbm>> -> memref<2x128xi32, #tpu.memory_space<hbm>>
          %dma_start3A_341 = arith.constant 0 : i32
          %dma_start3A_342 = arith.constant 0 : i32
          %dma_start3A_343 = tpu.memref_slice %arg8[%rem3A_332, %dma_start3A_341, %dma_start3A_342] : memref<4x2x128xi32, #tpu.memory_space<vmem>> -> memref<1x2x128xi32, #tpu.memory_space<vmem>>
          %dma_start3A_344 = tpu.memref_squeeze %dma_start3A_343 : memref<1x2x128xi32, #tpu.memory_space<vmem>> -> memref<2x128xi32, #tpu.memory_space<vmem>>
          %dma_start3A_345 = arith.constant 0 : i32
          %dma_start3A_346 = arith.constant 0 : i32
          %dma_start3A_347 = tpu.memref_slice %arg3[%add3A_330, %dma_start3A_345, %dma_start3A_346] : memref<2500x2x128xi32, #tpu.memory_space<hbm>> -> memref<1x2x128xi32, #tpu.memory_space<hbm>>
          %dma_start3A_348 = tpu.memref_squeeze %dma_start3A_347 : memref<1x2x128xi32, #tpu.memory_space<hbm>> -> memref<2x128xi32, #tpu.memory_space<hbm>>
          tpu.enqueue_dma source(%dma_start3A_348 : memref<2x128xi32, #tpu.memory_space<hbm>>) target(%dma_start3A_344 : memref<2x128xi32, #tpu.memory_space<vmem>>) target_semaphore(%arg9 : memref<!tpu.dma_semaphore, #tpu.memory_space<semaphore_mem>>)
        } else {
        }
      } else {
      }
      %mul3A_260 = arith.constant 3 : i32
      %mul3A_261 = arith.muli %while3A_251, %mul3A_260 : i32
      %add3A_262 = arith.constant 1 : i32
      %add3A_263 = arith.addi %mul3A_261, %add3A_262 : i32
      %lt3A_264 = arith.cmpi slt, %add3A_263, %add3A_4 : i32
      %convert_element_type3A_265 = arith.extui %lt3A_264 : i1 to i32
      %cond3A_266 = arith.constant 0 : i32
      %cond3A_267 = arith.cmpi ne, %convert_element_type3A_265, %cond3A_266 : i32
      scf.if %cond3A_267 {
        %rem3A_276 = arith.constant 4 : i32
        %rem3A_277 = arith.remsi %add3A_263, %rem3A_276 : i32
        %rem3A_278 = arith.constant 3 : i32
        %rem3A_279 = arith.remsi %add3A_263, %rem3A_278 : i32
        %dma_wait3A_280 = arith.constant 0 : i32
        %dma_wait3A_281 = arith.constant 0 : i32
        %dma_wait3A_282 = arith.constant 0 : i32
        %dma_wait3A_283 = tpu.memref_slice %arg7[%rem3A_279, %dma_wait3A_281, %dma_wait3A_282] : memref<3x128x128xf32, #tpu.memory_space<vmem>> -> memref<1x128x128xf32, #tpu.memory_space<vmem>>
        %dma_wait3A_284 = tpu.memref_squeeze %dma_wait3A_283 : memref<1x128x128xf32, #tpu.memory_space<vmem>> -> memref<128x128xf32, #tpu.memory_space<vmem>>
        %dma_wait3A_285 = arith.constant 0 : i32
        %dma_wait3A_286 = tpu.memref_slice %arg8[%rem3A_277, %dma_wait3A_280, %dma_wait3A_285] : memref<4x2x128xi32, #tpu.memory_space<vmem>> -> memref<1x1x128xi32, #tpu.memory_space<vmem>>
        %dma_wait3A_287 = tpu.memref_squeeze %dma_wait3A_286 : memref<1x1x128xi32, #tpu.memory_space<vmem>> -> memref<128xi32, #tpu.memory_space<vmem>>
        %dma_wait3A_288 = arith.constant 0 : i32
        %dma_wait3A_289 = arith.constant 0 : i32
        %dma_wait3A_290 = tpu.memref_slice %arg2[%dma_wait3A_288, %dma_wait3A_289] : memref<10000x128xf32, #tpu.memory_space<hbm>> -> memref<10000x128xf32, #tpu.memory_space<hbm>>
        tpu.wait_indirect_dma semaphore(%arg11 : memref<!tpu.dma_semaphore, #tpu.memory_space<semaphore_mem>>) src(%dma_wait3A_290 : memref<10000x128xf32, #tpu.memory_space<hbm>>) dst(%dma_wait3A_284 : memref<128x128xf32, #tpu.memory_space<vmem>>)
        %rem3A_291 = arith.constant 3 : i32
        %rem3A_292 = arith.remsi %add3A_263, %rem3A_291 : i32
        %rem3A_293 = arith.constant 4 : i32
        %rem3A_294 = arith.remsi %add3A_263, %rem3A_293 : i32
        %dma_start3A_295 = arith.constant 1 : i32
        %dma_start3A_296 = arith.constant 0 : i32
        %dma_start3A_297 = arith.constant 0 : i32
        %dma_start3A_298 = tpu.memref_slice %arg7[%rem3A_292, %dma_start3A_296, %dma_start3A_297] : memref<3x128x128xf32, #tpu.memory_space<vmem>> -> memref<1x128x128xf32, #tpu.memory_space<vmem>>
        %dma_start3A_299 = tpu.memref_squeeze %dma_start3A_298 : memref<1x128x128xf32, #tpu.memory_space<vmem>> -> memref<128x128xf32, #tpu.memory_space<vmem>>
        %dma_start3A_300 = arith.constant 0 : i32
        %dma_start3A_301 = tpu.memref_slice %arg8[%rem3A_294, %dma_start3A_295, %dma_start3A_300] : memref<4x2x128xi32, #tpu.memory_space<vmem>> -> memref<1x1x128xi32, #tpu.memory_space<vmem>>
        %dma_start3A_302 = tpu.memref_squeeze %dma_start3A_301 : memref<1x1x128xi32, #tpu.memory_space<vmem>> -> memref<128xi32, #tpu.memory_space<vmem>>
        %dma_start3A_303 = arith.constant 0 : i32
        %dma_start3A_304 = arith.constant 0 : i32
        %dma_start3A_305 = tpu.memref_slice %arg6[%dma_start3A_303, %dma_start3A_304] : memref<10112x128xf32, #tpu.memory_space<vmem_shared>> -> memref<10112x128xf32, #tpu.memory_space<vmem_shared>>
        tpu.enqueue_indirect_dma source(%dma_start3A_299 : memref<128x128xf32, #tpu.memory_space<vmem>>) target(%dma_start3A_305 : memref<10112x128xf32, #tpu.memory_space<vmem_shared>>) offsets(%dma_start3A_302 : memref<128xi32, #tpu.memory_space<vmem>>) semaphore(%arg14 : memref<!tpu.dma_semaphore, #tpu.memory_space<semaphore_mem>>) {add = true}
        %add3A_306 = arith.constant 2 : i32
        %add3A_307 = arith.addi %add3A_263, %add3A_306 : i32
        %lt3A_308 = arith.cmpi slt, %add3A_307, %add3A_4 : i32
        %convert_element_type3A_309 = arith.extui %lt3A_308 : i1 to i32
        %cond3A_310 = arith.constant 0 : i32
        %cond3A_311 = arith.cmpi ne, %convert_element_type3A_309, %cond3A_310 : i32
        scf.if %cond3A_311 {
          %mul3A_339 = arith.constant 32 : i32
          %mul3A_340 = arith.muli %add3A_307, %mul3A_339 : i32
          %add3A_341 = arith.addi %add3A, %mul3A_340 : i32
          %rem3A_342 = arith.constant 4 : i32
          %rem3A_343 = arith.remsi %add3A_307, %rem3A_342 : i32
          %dma_wait3A_344 = arith.constant 0 : i32
          %dma_wait3A_345 = arith.constant 0 : i32
          %dma_wait3A_346 = tpu.memref_slice %arg8[%rem3A_343, %dma_wait3A_344, %dma_wait3A_345] : memref<4x2x128xi32, #tpu.memory_space<vmem>> -> memref<1x2x128xi32, #tpu.memory_space<vmem>>
          %dma_wait3A_347 = tpu.memref_squeeze %dma_wait3A_346 : memref<1x2x128xi32, #tpu.memory_space<vmem>> -> memref<2x128xi32, #tpu.memory_space<vmem>>
          %dma_wait3A_348 = arith.constant 0 : i32
          %dma_wait3A_349 = arith.constant 0 : i32
          %dma_wait3A_350 = tpu.memref_slice %arg3[%add3A_341, %dma_wait3A_348, %dma_wait3A_349] : memref<2500x2x128xi32, #tpu.memory_space<hbm>> -> memref<1x2x128xi32, #tpu.memory_space<hbm>>
          %dma_wait3A_351 = tpu.memref_squeeze %dma_wait3A_350 : memref<1x2x128xi32, #tpu.memory_space<hbm>> -> memref<2x128xi32, #tpu.memory_space<hbm>>
          %dma_wait3A_352 = arith.constant 0 : i32
          %dma_wait3A_353 = arith.constant 0 : i32
          %dma_wait3A_354 = tpu.memref_slice %arg8[%rem3A_343, %dma_wait3A_352, %dma_wait3A_353] : memref<4x2x128xi32, #tpu.memory_space<vmem>> -> memref<1x2x128xi32, #tpu.memory_space<vmem>>
          %dma_wait3A_355 = tpu.memref_squeeze %dma_wait3A_354 : memref<1x2x128xi32, #tpu.memory_space<vmem>> -> memref<2x128xi32, #tpu.memory_space<vmem>>
          %dma_wait3A_356 = arith.constant 0 : i32
          %dma_wait3A_357 = arith.constant 0 : i32
          %dma_wait3A_358 = tpu.memref_slice %arg3[%add3A_341, %dma_wait3A_356, %dma_wait3A_357] : memref<2500x2x128xi32, #tpu.memory_space<hbm>> -> memref<1x2x128xi32, #tpu.memory_space<hbm>>
          %dma_wait3A_359 = tpu.memref_squeeze %dma_wait3A_358 : memref<1x2x128xi32, #tpu.memory_space<hbm>> -> memref<2x128xi32, #tpu.memory_space<hbm>>
          tpu.wait_dma2 semaphore(%arg9 : memref<!tpu.dma_semaphore, #tpu.memory_space<semaphore_mem>>) src(%dma_wait3A_359 : memref<2x128xi32, #tpu.memory_space<hbm>>) dst(%dma_wait3A_355 : memref<2x128xi32, #tpu.memory_space<vmem>>)
        } else {
        }
        %sub3A_312 = arith.constant 1 : i32
        %sub3A_313 = arith.subi %add3A_263, %sub3A_312 : i32
        %rem3A_314 = arith.constant 3 : i32
        %rem3A_315 = arith.remsi %sub3A_313, %rem3A_314 : i32
        %rem3A_316 = arith.constant 4 : i32
        %rem3A_317 = arith.remsi %sub3A_313, %rem3A_316 : i32
        %dma_wait3A_318 = arith.constant 1 : i32
        %dma_wait3A_319 = arith.constant 0 : i32
        %dma_wait3A_320 = arith.constant 0 : i32
        %dma_wait3A_321 = tpu.memref_slice %arg7[%rem3A_315, %dma_wait3A_319, %dma_wait3A_320] : memref<3x128x128xf32, #tpu.memory_space<vmem>> -> memref<1x128x128xf32, #tpu.memory_space<vmem>>
        %dma_wait3A_322 = tpu.memref_squeeze %dma_wait3A_321 : memref<1x128x128xf32, #tpu.memory_space<vmem>> -> memref<128x128xf32, #tpu.memory_space<vmem>>
        %dma_wait3A_323 = arith.constant 0 : i32
        %dma_wait3A_324 = tpu.memref_slice %arg8[%rem3A_317, %dma_wait3A_318, %dma_wait3A_323] : memref<4x2x128xi32, #tpu.memory_space<vmem>> -> memref<1x1x128xi32, #tpu.memory_space<vmem>>
        %dma_wait3A_325 = tpu.memref_squeeze %dma_wait3A_324 : memref<1x1x128xi32, #tpu.memory_space<vmem>> -> memref<128xi32, #tpu.memory_space<vmem>>
        %dma_wait3A_326 = arith.constant 0 : i32
        %dma_wait3A_327 = arith.constant 0 : i32
        %dma_wait3A_328 = tpu.memref_slice %arg6[%dma_wait3A_326, %dma_wait3A_327] : memref<10112x128xf32, #tpu.memory_space<vmem_shared>> -> memref<10112x128xf32, #tpu.memory_space<vmem_shared>>
        tpu.wait_indirect_dma semaphore(%arg13 : memref<!tpu.dma_semaphore, #tpu.memory_space<semaphore_mem>>) src(%dma_wait3A_322 : memref<128x128xf32, #tpu.memory_space<vmem>>) dst(%dma_wait3A_328 : memref<10112x128xf32, #tpu.memory_space<vmem_shared>>)
        %lt3A_329 = arith.cmpi slt, %add3A_307, %add3A_4 : i32
        %convert_element_type3A_330 = arith.extui %lt3A_329 : i1 to i32
        %cond3A_331 = arith.constant 0 : i32
        %cond3A_332 = arith.cmpi ne, %convert_element_type3A_330, %cond3A_331 : i32
        scf.if %cond3A_332 {
          %rem3A_339 = arith.constant 4 : i32
          %rem3A_340 = arith.remsi %add3A_307, %rem3A_339 : i32
          %rem3A_341 = arith.constant 3 : i32
          %rem3A_342 = arith.remsi %add3A_307, %rem3A_341 : i32
          %dma_start3A_343 = arith.constant 0 : i32
          %dma_start3A_344 = arith.constant 0 : i32
          %dma_start3A_345 = arith.constant 0 : i32
          %dma_start3A_346 = tpu.memref_slice %arg7[%rem3A_342, %dma_start3A_344, %dma_start3A_345] : memref<3x128x128xf32, #tpu.memory_space<vmem>> -> memref<1x128x128xf32, #tpu.memory_space<vmem>>
          %dma_start3A_347 = tpu.memref_squeeze %dma_start3A_346 : memref<1x128x128xf32, #tpu.memory_space<vmem>> -> memref<128x128xf32, #tpu.memory_space<vmem>>
          %dma_start3A_348 = arith.constant 0 : i32
          %dma_start3A_349 = tpu.memref_slice %arg8[%rem3A_340, %dma_start3A_343, %dma_start3A_348] : memref<4x2x128xi32, #tpu.memory_space<vmem>> -> memref<1x1x128xi32, #tpu.memory_space<vmem>>
          %dma_start3A_350 = tpu.memref_squeeze %dma_start3A_349 : memref<1x1x128xi32, #tpu.memory_space<vmem>> -> memref<128xi32, #tpu.memory_space<vmem>>
          %dma_start3A_351 = arith.constant 0 : i32
          %dma_start3A_352 = arith.constant 0 : i32
          %dma_start3A_353 = tpu.memref_slice %arg2[%dma_start3A_351, %dma_start3A_352] : memref<10000x128xf32, #tpu.memory_space<hbm>> -> memref<10000x128xf32, #tpu.memory_space<hbm>>
          tpu.enqueue_indirect_dma source(%dma_start3A_353 : memref<10000x128xf32, #tpu.memory_space<hbm>>) target(%dma_start3A_347 : memref<128x128xf32, #tpu.memory_space<vmem>>) offsets(%dma_start3A_350 : memref<128xi32, #tpu.memory_space<vmem>>) semaphore(%arg10 : memref<!tpu.dma_semaphore, #tpu.memory_space<semaphore_mem>>)
        } else {
        }
        %add3A_333 = arith.constant 3 : i32
        %add3A_334 = arith.addi %add3A_263, %add3A_333 : i32
        %lt3A_335 = arith.cmpi slt, %add3A_334, %add3A_4 : i32
        %convert_element_type3A_336 = arith.extui %lt3A_335 : i1 to i32
        %cond3A_337 = arith.constant 0 : i32
        %cond3A_338 = arith.cmpi ne, %convert_element_type3A_336, %cond3A_337 : i32
        scf.if %cond3A_338 {
          %add3A_339 = arith.constant 3 : i32
          %add3A_340 = arith.addi %add3A_263, %add3A_339 : i32
          %mul3A_341 = arith.constant 32 : i32
          %mul3A_342 = arith.muli %add3A_340, %mul3A_341 : i32
          %add3A_343 = arith.addi %add3A, %mul3A_342 : i32
          %rem3A_344 = arith.constant 4 : i32
          %rem3A_345 = arith.remsi %add3A_340, %rem3A_344 : i32
          %dma_start3A_346 = arith.constant 0 : i32
          %dma_start3A_347 = arith.constant 0 : i32
          %dma_start3A_348 = tpu.memref_slice %arg8[%rem3A_345, %dma_start3A_346, %dma_start3A_347] : memref<4x2x128xi32, #tpu.memory_space<vmem>> -> memref<1x2x128xi32, #tpu.memory_space<vmem>>
          %dma_start3A_349 = tpu.memref_squeeze %dma_start3A_348 : memref<1x2x128xi32, #tpu.memory_space<vmem>> -> memref<2x128xi32, #tpu.memory_space<vmem>>
          %dma_start3A_350 = arith.constant 0 : i32
          %dma_start3A_351 = arith.constant 0 : i32
          %dma_start3A_352 = tpu.memref_slice %arg3[%add3A_343, %dma_start3A_350, %dma_start3A_351] : memref<2500x2x128xi32, #tpu.memory_space<hbm>> -> memref<1x2x128xi32, #tpu.memory_space<hbm>>
          %dma_start3A_353 = tpu.memref_squeeze %dma_start3A_352 : memref<1x2x128xi32, #tpu.memory_space<hbm>> -> memref<2x128xi32, #tpu.memory_space<hbm>>
          %dma_start3A_354 = arith.constant 0 : i32
          %dma_start3A_355 = arith.constant 0 : i32
          %dma_start3A_356 = tpu.memref_slice %arg8[%rem3A_345, %dma_start3A_354, %dma_start3A_355] : memref<4x2x128xi32, #tpu.memory_space<vmem>> -> memref<1x2x128xi32, #tpu.memory_space<vmem>>
          %dma_start3A_357 = tpu.memref_squeeze %dma_start3A_356 : memref<1x2x128xi32, #tpu.memory_space<vmem>> -> memref<2x128xi32, #tpu.memory_space<vmem>>
          %dma_start3A_358 = arith.constant 0 : i32
          %dma_start3A_359 = arith.constant 0 : i32
          %dma_start3A_360 = tpu.memref_slice %arg3[%add3A_343, %dma_start3A_358, %dma_start3A_359] : memref<2500x2x128xi32, #tpu.memory_space<hbm>> -> memref<1x2x128xi32, #tpu.memory_space<hbm>>
          %dma_start3A_361 = tpu.memref_squeeze %dma_start3A_360 : memref<1x2x128xi32, #tpu.memory_space<hbm>> -> memref<2x128xi32, #tpu.memory_space<hbm>>
          tpu.enqueue_dma source(%dma_start3A_361 : memref<2x128xi32, #tpu.memory_space<hbm>>) target(%dma_start3A_357 : memref<2x128xi32, #tpu.memory_space<vmem>>) target_semaphore(%arg9 : memref<!tpu.dma_semaphore, #tpu.memory_space<semaphore_mem>>)
        } else {
        }
      } else {
      }
      %mul3A_268 = arith.constant 3 : i32
      %mul3A_269 = arith.muli %while3A_251, %mul3A_268 : i32
      %add3A_270 = arith.constant 2 : i32
      %add3A_271 = arith.addi %mul3A_269, %add3A_270 : i32
      %lt3A_272 = arith.cmpi slt, %add3A_271, %add3A_4 : i32
      %convert_element_type3A_273 = arith.extui %lt3A_272 : i1 to i32
      %cond3A_274 = arith.constant 0 : i32
      %cond3A_275 = arith.cmpi ne, %convert_element_type3A_273, %cond3A_274 : i32
      scf.if %cond3A_275 {
        %rem3A_276 = arith.constant 4 : i32
        %rem3A_277 = arith.remsi %add3A_271, %rem3A_276 : i32
        %rem3A_278 = arith.constant 3 : i32
        %rem3A_279 = arith.remsi %add3A_271, %rem3A_278 : i32
        %dma_wait3A_280 = arith.constant 0 : i32
        %dma_wait3A_281 = arith.constant 0 : i32
        %dma_wait3A_282 = arith.constant 0 : i32
        %dma_wait3A_283 = tpu.memref_slice %arg7[%rem3A_279, %dma_wait3A_281, %dma_wait3A_282] : memref<3x128x128xf32, #tpu.memory_space<vmem>> -> memref<1x128x128xf32, #tpu.memory_space<vmem>>
        %dma_wait3A_284 = tpu.memref_squeeze %dma_wait3A_283 : memref<1x128x128xf32, #tpu.memory_space<vmem>> -> memref<128x128xf32, #tpu.memory_space<vmem>>
        %dma_wait3A_285 = arith.constant 0 : i32
        %dma_wait3A_286 = tpu.memref_slice %arg8[%rem3A_277, %dma_wait3A_280, %dma_wait3A_285] : memref<4x2x128xi32, #tpu.memory_space<vmem>> -> memref<1x1x128xi32, #tpu.memory_space<vmem>>
        %dma_wait3A_287 = tpu.memref_squeeze %dma_wait3A_286 : memref<1x1x128xi32, #tpu.memory_space<vmem>> -> memref<128xi32, #tpu.memory_space<vmem>>
        %dma_wait3A_288 = arith.constant 0 : i32
        %dma_wait3A_289 = arith.constant 0 : i32
        %dma_wait3A_290 = tpu.memref_slice %arg2[%dma_wait3A_288, %dma_wait3A_289] : memref<10000x128xf32, #tpu.memory_space<hbm>> -> memref<10000x128xf32, #tpu.memory_space<hbm>>
        tpu.wait_indirect_dma semaphore(%arg12 : memref<!tpu.dma_semaphore, #tpu.memory_space<semaphore_mem>>) src(%dma_wait3A_290 : memref<10000x128xf32, #tpu.memory_space<hbm>>) dst(%dma_wait3A_284 : memref<128x128xf32, #tpu.memory_space<vmem>>)
        %rem3A_291 = arith.constant 3 : i32
        %rem3A_292 = arith.remsi %add3A_271, %rem3A_291 : i32
        %rem3A_293 = arith.constant 4 : i32
        %rem3A_294 = arith.remsi %add3A_271, %rem3A_293 : i32
        %dma_start3A_295 = arith.constant 1 : i32
        %dma_start3A_296 = arith.constant 0 : i32
        %dma_start3A_297 = arith.constant 0 : i32
        %dma_start3A_298 = tpu.memref_slice %arg7[%rem3A_292, %dma_start3A_296, %dma_start3A_297] : memref<3x128x128xf32, #tpu.memory_space<vmem>> -> memref<1x128x128xf32, #tpu.memory_space<vmem>>
        %dma_start3A_299 = tpu.memref_squeeze %dma_start3A_298 : memref<1x128x128xf32, #tpu.memory_space<vmem>> -> memref<128x128xf32, #tpu.memory_space<vmem>>
        %dma_start3A_300 = arith.constant 0 : i32
        %dma_start3A_301 = tpu.memref_slice %arg8[%rem3A_294, %dma_start3A_295, %dma_start3A_300] : memref<4x2x128xi32, #tpu.memory_space<vmem>> -> memref<1x1x128xi32, #tpu.memory_space<vmem>>
        %dma_start3A_302 = tpu.memref_squeeze %dma_start3A_301 : memref<1x1x128xi32, #tpu.memory_space<vmem>> -> memref<128xi32, #tpu.memory_space<vmem>>
        %dma_start3A_303 = arith.constant 0 : i32
        %dma_start3A_304 = arith.constant 0 : i32
        %dma_start3A_305 = tpu.memref_slice %arg6[%dma_start3A_303, %dma_start3A_304] : memref<10112x128xf32, #tpu.memory_space<vmem_shared>> -> memref<10112x128xf32, #tpu.memory_space<vmem_shared>>
        tpu.enqueue_indirect_dma source(%dma_start3A_299 : memref<128x128xf32, #tpu.memory_space<vmem>>) target(%dma_start3A_305 : memref<10112x128xf32, #tpu.memory_space<vmem_shared>>) offsets(%dma_start3A_302 : memref<128xi32, #tpu.memory_space<vmem>>) semaphore(%arg15 : memref<!tpu.dma_semaphore, #tpu.memory_space<semaphore_mem>>) {add = true}
        %add3A_306 = arith.constant 2 : i32
        %add3A_307 = arith.addi %add3A_271, %add3A_306 : i32
        %lt3A_308 = arith.cmpi slt, %add3A_307, %add3A_4 : i32
        %convert_element_type3A_309 = arith.extui %lt3A_308 : i1 to i32
        %cond3A_310 = arith.constant 0 : i32
        %cond3A_311 = arith.cmpi ne, %convert_element_type3A_309, %cond3A_310 : i32
        scf.if %cond3A_311 {
          %mul3A_339 = arith.constant 32 : i32
          %mul3A_340 = arith.muli %add3A_307, %mul3A_339 : i32
          %add3A_341 = arith.addi %add3A, %mul3A_340 : i32
          %rem3A_342 = arith.constant 4 : i32
          %rem3A_343 = arith.remsi %add3A_307, %rem3A_342 : i32
          %dma_wait3A_344 = arith.constant 0 : i32
          %dma_wait3A_345 = arith.constant 0 : i32
          %dma_wait3A_346 = tpu.memref_slice %arg8[%rem3A_343, %dma_wait3A_344, %dma_wait3A_345] : memref<4x2x128xi32, #tpu.memory_space<vmem>> -> memref<1x2x128xi32, #tpu.memory_space<vmem>>
          %dma_wait3A_347 = tpu.memref_squeeze %dma_wait3A_346 : memref<1x2x128xi32, #tpu.memory_space<vmem>> -> memref<2x128xi32, #tpu.memory_space<vmem>>
          %dma_wait3A_348 = arith.constant 0 : i32
          %dma_wait3A_349 = arith.constant 0 : i32
          %dma_wait3A_350 = tpu.memref_slice %arg3[%add3A_341, %dma_wait3A_348, %dma_wait3A_349] : memref<2500x2x128xi32, #tpu.memory_space<hbm>> -> memref<1x2x128xi32, #tpu.memory_space<hbm>>
          %dma_wait3A_351 = tpu.memref_squeeze %dma_wait3A_350 : memref<1x2x128xi32, #tpu.memory_space<hbm>> -> memref<2x128xi32, #tpu.memory_space<hbm>>
          %dma_wait3A_352 = arith.constant 0 : i32
          %dma_wait3A_353 = arith.constant 0 : i32
          %dma_wait3A_354 = tpu.memref_slice %arg8[%rem3A_343, %dma_wait3A_352, %dma_wait3A_353] : memref<4x2x128xi32, #tpu.memory_space<vmem>> -> memref<1x2x128xi32, #tpu.memory_space<vmem>>
          %dma_wait3A_355 = tpu.memref_squeeze %dma_wait3A_354 : memref<1x2x128xi32, #tpu.memory_space<vmem>> -> memref<2x128xi32, #tpu.memory_space<vmem>>
          %dma_wait3A_356 = arith.constant 0 : i32
          %dma_wait3A_357 = arith.constant 0 : i32
          %dma_wait3A_358 = tpu.memref_slice %arg3[%add3A_341, %dma_wait3A_356, %dma_wait3A_357] : memref<2500x2x128xi32, #tpu.memory_space<hbm>> -> memref<1x2x128xi32, #tpu.memory_space<hbm>>
          %dma_wait3A_359 = tpu.memref_squeeze %dma_wait3A_358 : memref<1x2x128xi32, #tpu.memory_space<hbm>> -> memref<2x128xi32, #tpu.memory_space<hbm>>
          tpu.wait_dma2 semaphore(%arg9 : memref<!tpu.dma_semaphore, #tpu.memory_space<semaphore_mem>>) src(%dma_wait3A_359 : memref<2x128xi32, #tpu.memory_space<hbm>>) dst(%dma_wait3A_355 : memref<2x128xi32, #tpu.memory_space<vmem>>)
        } else {
        }
        %sub3A_312 = arith.constant 1 : i32
        %sub3A_313 = arith.subi %add3A_271, %sub3A_312 : i32
        %rem3A_314 = arith.constant 3 : i32
        %rem3A_315 = arith.remsi %sub3A_313, %rem3A_314 : i32
        %rem3A_316 = arith.constant 4 : i32
        %rem3A_317 = arith.remsi %sub3A_313, %rem3A_316 : i32
        %dma_wait3A_318 = arith.constant 1 : i32
        %dma_wait3A_319 = arith.constant 0 : i32
        %dma_wait3A_320 = arith.constant 0 : i32
        %dma_wait3A_321 = tpu.memref_slice %arg7[%rem3A_315, %dma_wait3A_319, %dma_wait3A_320] : memref<3x128x128xf32, #tpu.memory_space<vmem>> -> memref<1x128x128xf32, #tpu.memory_space<vmem>>
        %dma_wait3A_322 = tpu.memref_squeeze %dma_wait3A_321 : memref<1x128x128xf32, #tpu.memory_space<vmem>> -> memref<128x128xf32, #tpu.memory_space<vmem>>
        %dma_wait3A_323 = arith.constant 0 : i32
        %dma_wait3A_324 = tpu.memref_slice %arg8[%rem3A_317, %dma_wait3A_318, %dma_wait3A_323] : memref<4x2x128xi32, #tpu.memory_space<vmem>> -> memref<1x1x128xi32, #tpu.memory_space<vmem>>
        %dma_wait3A_325 = tpu.memref_squeeze %dma_wait3A_324 : memref<1x1x128xi32, #tpu.memory_space<vmem>> -> memref<128xi32, #tpu.memory_space<vmem>>
        %dma_wait3A_326 = arith.constant 0 : i32
        %dma_wait3A_327 = arith.constant 0 : i32
        %dma_wait3A_328 = tpu.memref_slice %arg6[%dma_wait3A_326, %dma_wait3A_327] : memref<10112x128xf32, #tpu.memory_space<vmem_shared>> -> memref<10112x128xf32, #tpu.memory_space<vmem_shared>>
        tpu.wait_indirect_dma semaphore(%arg14 : memref<!tpu.dma_semaphore, #tpu.memory_space<semaphore_mem>>) src(%dma_wait3A_322 : memref<128x128xf32, #tpu.memory_space<vmem>>) dst(%dma_wait3A_328 : memref<10112x128xf32, #tpu.memory_space<vmem_shared>>)
        %lt3A_329 = arith.cmpi slt, %add3A_307, %add3A_4 : i32
        %convert_element_type3A_330 = arith.extui %lt3A_329 : i1 to i32
        %cond3A_331 = arith.constant 0 : i32
        %cond3A_332 = arith.cmpi ne, %convert_element_type3A_330, %cond3A_331 : i32
        scf.if %cond3A_332 {
          %rem3A_339 = arith.constant 4 : i32
          %rem3A_340 = arith.remsi %add3A_307, %rem3A_339 : i32
          %rem3A_341 = arith.constant 3 : i32
          %rem3A_342 = arith.remsi %add3A_307, %rem3A_341 : i32
          %dma_start3A_343 = arith.constant 0 : i32
          %dma_start3A_344 = arith.constant 0 : i32
          %dma_start3A_345 = arith.constant 0 : i32
          %dma_start3A_346 = tpu.memref_slice %arg7[%rem3A_342, %dma_start3A_344, %dma_start3A_345] : memref<3x128x128xf32, #tpu.memory_space<vmem>> -> memref<1x128x128xf32, #tpu.memory_space<vmem>>
          %dma_start3A_347 = tpu.memref_squeeze %dma_start3A_346 : memref<1x128x128xf32, #tpu.memory_space<vmem>> -> memref<128x128xf32, #tpu.memory_space<vmem>>
          %dma_start3A_348 = arith.constant 0 : i32
          %dma_start3A_349 = tpu.memref_slice %arg8[%rem3A_340, %dma_start3A_343, %dma_start3A_348] : memref<4x2x128xi32, #tpu.memory_space<vmem>> -> memref<1x1x128xi32, #tpu.memory_space<vmem>>
          %dma_start3A_350 = tpu.memref_squeeze %dma_start3A_349 : memref<1x1x128xi32, #tpu.memory_space<vmem>> -> memref<128xi32, #tpu.memory_space<vmem>>
          %dma_start3A_351 = arith.constant 0 : i32
          %dma_start3A_352 = arith.constant 0 : i32
          %dma_start3A_353 = tpu.memref_slice %arg2[%dma_start3A_351, %dma_start3A_352] : memref<10000x128xf32, #tpu.memory_space<hbm>> -> memref<10000x128xf32, #tpu.memory_space<hbm>>
          tpu.enqueue_indirect_dma source(%dma_start3A_353 : memref<10000x128xf32, #tpu.memory_space<hbm>>) target(%dma_start3A_347 : memref<128x128xf32, #tpu.memory_space<vmem>>) offsets(%dma_start3A_350 : memref<128xi32, #tpu.memory_space<vmem>>) semaphore(%arg11 : memref<!tpu.dma_semaphore, #tpu.memory_space<semaphore_mem>>)
        } else {
        }
        %add3A_333 = arith.constant 3 : i32
        %add3A_334 = arith.addi %add3A_271, %add3A_333 : i32
        %lt3A_335 = arith.cmpi slt, %add3A_334, %add3A_4 : i32
        %convert_element_type3A_336 = arith.extui %lt3A_335 : i1 to i32
        %cond3A_337 = arith.constant 0 : i32
        %cond3A_338 = arith.cmpi ne, %convert_element_type3A_336, %cond3A_337 : i32
        scf.if %cond3A_338 {
          %add3A_339 = arith.constant 3 : i32
          %add3A_340 = arith.addi %add3A_271, %add3A_339 : i32
          %mul3A_341 = arith.constant 32 : i32
          %mul3A_342 = arith.muli %add3A_340, %mul3A_341 : i32
          %add3A_343 = arith.addi %add3A, %mul3A_342 : i32
          %rem3A_344 = arith.constant 4 : i32
          %rem3A_345 = arith.remsi %add3A_340, %rem3A_344 : i32
          %dma_start3A_346 = arith.constant 0 : i32
          %dma_start3A_347 = arith.constant 0 : i32
          %dma_start3A_348 = tpu.memref_slice %arg8[%rem3A_345, %dma_start3A_346, %dma_start3A_347] : memref<4x2x128xi32, #tpu.memory_space<vmem>> -> memref<1x2x128xi32, #tpu.memory_space<vmem>>
          %dma_start3A_349 = tpu.memref_squeeze %dma_start3A_348 : memref<1x2x128xi32, #tpu.memory_space<vmem>> -> memref<2x128xi32, #tpu.memory_space<vmem>>
          %dma_start3A_350 = arith.constant 0 : i32
          %dma_start3A_351 = arith.constant 0 : i32
          %dma_start3A_352 = tpu.memref_slice %arg3[%add3A_343, %dma_start3A_350, %dma_start3A_351] : memref<2500x2x128xi32, #tpu.memory_space<hbm>> -> memref<1x2x128xi32, #tpu.memory_space<hbm>>
          %dma_start3A_353 = tpu.memref_squeeze %dma_start3A_352 : memref<1x2x128xi32, #tpu.memory_space<hbm>> -> memref<2x128xi32, #tpu.memory_space<hbm>>
          %dma_start3A_354 = arith.constant 0 : i32
          %dma_start3A_355 = arith.constant 0 : i32
          %dma_start3A_356 = tpu.memref_slice %arg8[%rem3A_345, %dma_start3A_354, %dma_start3A_355] : memref<4x2x128xi32, #tpu.memory_space<vmem>> -> memref<1x2x128xi32, #tpu.memory_space<vmem>>
          %dma_start3A_357 = tpu.memref_squeeze %dma_start3A_356 : memref<1x2x128xi32, #tpu.memory_space<vmem>> -> memref<2x128xi32, #tpu.memory_space<vmem>>
          %dma_start3A_358 = arith.constant 0 : i32
          %dma_start3A_359 = arith.constant 0 : i32
          %dma_start3A_360 = tpu.memref_slice %arg3[%add3A_343, %dma_start3A_358, %dma_start3A_359] : memref<2500x2x128xi32, #tpu.memory_space<hbm>> -> memref<1x2x128xi32, #tpu.memory_space<hbm>>
          %dma_start3A_361 = tpu.memref_squeeze %dma_start3A_360 : memref<1x2x128xi32, #tpu.memory_space<hbm>> -> memref<2x128xi32, #tpu.memory_space<hbm>>
          tpu.enqueue_dma source(%dma_start3A_361 : memref<2x128xi32, #tpu.memory_space<hbm>>) target(%dma_start3A_357 : memref<2x128xi32, #tpu.memory_space<vmem>>) target_semaphore(%arg9 : memref<!tpu.dma_semaphore, #tpu.memory_space<semaphore_mem>>)
        } else {
        }
      } else {
      }
    }
    %sub3A_134 = arith.constant 1 : i32
    %sub3A_135 = arith.subi %add3A_4, %sub3A_134 : i32
    %rem3A_136 = arith.constant 3 : i32
    %rem3A_137 = arith.remsi %sub3A_135, %rem3A_136 : i32
    %eq3A = arith.constant 0 : i32
    %eq3A_138 = arith.cmpi eq, %rem3A_137, %eq3A : i32
    %convert_element_type3A_139 = arith.extui %eq3A_138 : i1 to i32
    %cond3A_140 = arith.constant 0 : i32
    %cond3A_141 = arith.cmpi ne, %convert_element_type3A_139, %cond3A_140 : i32
    scf.if %cond3A_141 {
      %sub3A_251 = arith.constant 1 : i32
      %sub3A_252 = arith.subi %add3A_4, %sub3A_251 : i32
      %rem3A_253 = arith.constant 3 : i32
      %rem3A_254 = arith.remsi %sub3A_252, %rem3A_253 : i32
      %rem3A_255 = arith.constant 4 : i32
      %rem3A_256 = arith.remsi %sub3A_252, %rem3A_255 : i32
      %dma_wait3A_257 = arith.constant 1 : i32
      %dma_wait3A_258 = arith.constant 0 : i32
      %dma_wait3A_259 = arith.constant 0 : i32
      %dma_wait3A_260 = tpu.memref_slice %arg7[%rem3A_254, %dma_wait3A_258, %dma_wait3A_259] : memref<3x128x128xf32, #tpu.memory_space<vmem>> -> memref<1x128x128xf32, #tpu.memory_space<vmem>>
      %dma_wait3A_261 = tpu.memref_squeeze %dma_wait3A_260 : memref<1x128x128xf32, #tpu.memory_space<vmem>> -> memref<128x128xf32, #tpu.memory_space<vmem>>
      %dma_wait3A_262 = arith.constant 0 : i32
      %dma_wait3A_263 = tpu.memref_slice %arg8[%rem3A_256, %dma_wait3A_257, %dma_wait3A_262] : memref<4x2x128xi32, #tpu.memory_space<vmem>> -> memref<1x1x128xi32, #tpu.memory_space<vmem>>
      %dma_wait3A_264 = tpu.memref_squeeze %dma_wait3A_263 : memref<1x1x128xi32, #tpu.memory_space<vmem>> -> memref<128xi32, #tpu.memory_space<vmem>>
      %dma_wait3A_265 = arith.constant 0 : i32
      %dma_wait3A_266 = arith.constant 0 : i32
      %dma_wait3A_267 = tpu.memref_slice %arg6[%dma_wait3A_265, %dma_wait3A_266] : memref<10112x128xf32, #tpu.memory_space<vmem_shared>> -> memref<10112x128xf32, #tpu.memory_space<vmem_shared>>
      tpu.wait_indirect_dma semaphore(%arg13 : memref<!tpu.dma_semaphore, #tpu.memory_space<semaphore_mem>>) src(%dma_wait3A_261 : memref<128x128xf32, #tpu.memory_space<vmem>>) dst(%dma_wait3A_267 : memref<10112x128xf32, #tpu.memory_space<vmem_shared>>)
    } else {
    }
    %sub3A_142 = arith.constant 1 : i32
    %sub3A_143 = arith.subi %add3A_4, %sub3A_142 : i32
    %rem3A_144 = arith.constant 3 : i32
    %rem3A_145 = arith.remsi %sub3A_143, %rem3A_144 : i32
    %eq3A_146 = arith.constant 1 : i32
    %eq3A_147 = arith.cmpi eq, %rem3A_145, %eq3A_146 : i32
    %convert_element_type3A_148 = arith.extui %eq3A_147 : i1 to i32
    %cond3A_149 = arith.constant 0 : i32
    %cond3A_150 = arith.cmpi ne, %convert_element_type3A_148, %cond3A_149 : i32
    scf.if %cond3A_150 {
      %sub3A_251 = arith.constant 1 : i32
      %sub3A_252 = arith.subi %add3A_4, %sub3A_251 : i32
      %rem3A_253 = arith.constant 3 : i32
      %rem3A_254 = arith.remsi %sub3A_252, %rem3A_253 : i32
      %rem3A_255 = arith.constant 4 : i32
      %rem3A_256 = arith.remsi %sub3A_252, %rem3A_255 : i32
      %dma_wait3A_257 = arith.constant 1 : i32
      %dma_wait3A_258 = arith.constant 0 : i32
      %dma_wait3A_259 = arith.constant 0 : i32
      %dma_wait3A_260 = tpu.memref_slice %arg7[%rem3A_254, %dma_wait3A_258, %dma_wait3A_259] : memref<3x128x128xf32, #tpu.memory_space<vmem>> -> memref<1x128x128xf32, #tpu.memory_space<vmem>>
      %dma_wait3A_261 = tpu.memref_squeeze %dma_wait3A_260 : memref<1x128x128xf32, #tpu.memory_space<vmem>> -> memref<128x128xf32, #tpu.memory_space<vmem>>
      %dma_wait3A_262 = arith.constant 0 : i32
      %dma_wait3A_263 = tpu.memref_slice %arg8[%rem3A_256, %dma_wait3A_257, %dma_wait3A_262] : memref<4x2x128xi32, #tpu.memory_space<vmem>> -> memref<1x1x128xi32, #tpu.memory_space<vmem>>
      %dma_wait3A_264 = tpu.memref_squeeze %dma_wait3A_263 : memref<1x1x128xi32, #tpu.memory_space<vmem>> -> memref<128xi32, #tpu.memory_space<vmem>>
      %dma_wait3A_265 = arith.constant 0 : i32
      %dma_wait3A_266 = arith.constant 0 : i32
      %dma_wait3A_267 = tpu.memref_slice %arg6[%dma_wait3A_265, %dma_wait3A_266] : memref<10112x128xf32, #tpu.memory_space<vmem_shared>> -> memref<10112x128xf32, #tpu.memory_space<vmem_shared>>
      tpu.wait_indirect_dma semaphore(%arg14 : memref<!tpu.dma_semaphore, #tpu.memory_space<semaphore_mem>>) src(%dma_wait3A_261 : memref<128x128xf32, #tpu.memory_space<vmem>>) dst(%dma_wait3A_267 : memref<10112x128xf32, #tpu.memory_space<vmem_shared>>)
    } else {
    }
    %sub3A_151 = arith.constant 1 : i32
    %sub3A_152 = arith.subi %add3A_4, %sub3A_151 : i32
    %rem3A_153 = arith.constant 3 : i32
    %rem3A_154 = arith.remsi %sub3A_152, %rem3A_153 : i32
    %eq3A_155 = arith.constant 2 : i32
    %eq3A_156 = arith.cmpi eq, %rem3A_154, %eq3A_155 : i32
    %convert_element_type3A_157 = arith.extui %eq3A_156 : i1 to i32
    %cond3A_158 = arith.constant 0 : i32
    %cond3A_159 = arith.cmpi ne, %convert_element_type3A_157, %cond3A_158 : i32
    scf.if %cond3A_159 {
      %sub3A_251 = arith.constant 1 : i32
      %sub3A_252 = arith.subi %add3A_4, %sub3A_251 : i32
      %rem3A_253 = arith.constant 3 : i32
      %rem3A_254 = arith.remsi %sub3A_252, %rem3A_253 : i32
      %rem3A_255 = arith.constant 4 : i32
      %rem3A_256 = arith.remsi %sub3A_252, %rem3A_255 : i32
      %dma_wait3A_257 = arith.constant 1 : i32
      %dma_wait3A_258 = arith.constant 0 : i32
      %dma_wait3A_259 = arith.constant 0 : i32
      %dma_wait3A_260 = tpu.memref_slice %arg7[%rem3A_254, %dma_wait3A_258, %dma_wait3A_259] : memref<3x128x128xf32, #tpu.memory_space<vmem>> -> memref<1x128x128xf32, #tpu.memory_space<vmem>>
      %dma_wait3A_261 = tpu.memref_squeeze %dma_wait3A_260 : memref<1x128x128xf32, #tpu.memory_space<vmem>> -> memref<128x128xf32, #tpu.memory_space<vmem>>
      %dma_wait3A_262 = arith.constant 0 : i32
      %dma_wait3A_263 = tpu.memref_slice %arg8[%rem3A_256, %dma_wait3A_257, %dma_wait3A_262] : memref<4x2x128xi32, #tpu.memory_space<vmem>> -> memref<1x1x128xi32, #tpu.memory_space<vmem>>
      %dma_wait3A_264 = tpu.memref_squeeze %dma_wait3A_263 : memref<1x1x128xi32, #tpu.memory_space<vmem>> -> memref<128xi32, #tpu.memory_space<vmem>>
      %dma_wait3A_265 = arith.constant 0 : i32
      %dma_wait3A_266 = arith.constant 0 : i32
      %dma_wait3A_267 = tpu.memref_slice %arg6[%dma_wait3A_265, %dma_wait3A_266] : memref<10112x128xf32, #tpu.memory_space<vmem_shared>> -> memref<10112x128xf32, #tpu.memory_space<vmem_shared>>
      tpu.wait_indirect_dma semaphore(%arg15 : memref<!tpu.dma_semaphore, #tpu.memory_space<semaphore_mem>>) src(%dma_wait3A_261 : memref<128x128xf32, #tpu.memory_space<vmem>>) dst(%dma_wait3A_267 : memref<10112x128xf32, #tpu.memory_space<vmem_shared>>)
    } else {
    }
    %barrier3A_160 = arith.constant 0 : index
    tpu.barrier barrier_id(%barrier3A_160)
    %mul3A_161 = arith.constant 632 : i32
    %mul3A_162 = arith.muli %arg1, %mul3A_161 : i32
    %add3A_163 = arith.constant 0 : i32
    %add3A_164 = arith.addi %mul3A_162, %add3A_163 : i32
    %dma_start3A_165 = arith.constant 0 : i32
    %dma_start3A_166 = tpu.memref_slice %arg5[%arg0, %add3A_164, %dma_start3A_165] : memref<2x10112x128xf32, #tpu.memory_space<hbm>> -> memref<1x128x128xf32, #tpu.memory_space<hbm>>
    %dma_start3A_167 = tpu.memref_squeeze %dma_start3A_166 : memref<1x128x128xf32, #tpu.memory_space<hbm>> -> memref<128x128xf32, #tpu.memory_space<hbm>>
    %dma_start3A_168 = arith.constant 0 : i32
    %dma_start3A_169 = tpu.memref_slice %arg6[%add3A_164, %dma_start3A_168] : memref<10112x128xf32, #tpu.memory_space<vmem_shared>> -> memref<128x128xf32, #tpu.memory_space<vmem_shared>>
    tpu.enqueue_dma source(%dma_start3A_169 : memref<128x128xf32, #tpu.memory_space<vmem_shared>>) target(%dma_start3A_167 : memref<128x128xf32, #tpu.memory_space<hbm>>) target_semaphore(%arg16 : memref<!tpu.dma_semaphore, #tpu.memory_space<semaphore_mem>>)
    %mul3A_170 = arith.constant 632 : i32
    %mul3A_171 = arith.muli %arg1, %mul3A_170 : i32
    %add3A_172 = arith.constant 128 : i32
    %add3A_173 = arith.addi %mul3A_171, %add3A_172 : i32
    %dma_start3A_174 = arith.constant 0 : i32
    %dma_start3A_175 = tpu.memref_slice %arg5[%arg0, %add3A_173, %dma_start3A_174] : memref<2x10112x128xf32, #tpu.memory_space<hbm>> -> memref<1x128x128xf32, #tpu.memory_space<hbm>>
    %dma_start3A_176 = tpu.memref_squeeze %dma_start3A_175 : memref<1x128x128xf32, #tpu.memory_space<hbm>> -> memref<128x128xf32, #tpu.memory_space<hbm>>
    %dma_start3A_177 = arith.constant 0 : i32
    %dma_start3A_178 = tpu.memref_slice %arg6[%add3A_173, %dma_start3A_177] : memref<10112x128xf32, #tpu.memory_space<vmem_shared>> -> memref<128x128xf32, #tpu.memory_space<vmem_shared>>
    tpu.enqueue_dma source(%dma_start3A_178 : memref<128x128xf32, #tpu.memory_space<vmem_shared>>) target(%dma_start3A_176 : memref<128x128xf32, #tpu.memory_space<hbm>>) target_semaphore(%arg16 : memref<!tpu.dma_semaphore, #tpu.memory_space<semaphore_mem>>)
    %mul3A_179 = arith.constant 632 : i32
    %mul3A_180 = arith.muli %arg1, %mul3A_179 : i32
    %add3A_181 = arith.constant 256 : i32
    %add3A_182 = arith.addi %mul3A_180, %add3A_181 : i32
    %dma_start3A_183 = arith.constant 0 : i32
    %dma_start3A_184 = tpu.memref_slice %arg5[%arg0, %add3A_182, %dma_start3A_183] : memref<2x10112x128xf32, #tpu.memory_space<hbm>> -> memref<1x128x128xf32, #tpu.memory_space<hbm>>
    %dma_start3A_185 = tpu.memref_squeeze %dma_start3A_184 : memref<1x128x128xf32, #tpu.memory_space<hbm>> -> memref<128x128xf32, #tpu.memory_space<hbm>>
    %dma_start3A_186 = arith.constant 0 : i32
    %dma_start3A_187 = tpu.memref_slice %arg6[%add3A_182, %dma_start3A_186] : memref<10112x128xf32, #tpu.memory_space<vmem_shared>> -> memref<128x128xf32, #tpu.memory_space<vmem_shared>>
    tpu.enqueue_dma source(%dma_start3A_187 : memref<128x128xf32, #tpu.memory_space<vmem_shared>>) target(%dma_start3A_185 : memref<128x128xf32, #tpu.memory_space<hbm>>) target_semaphore(%arg16 : memref<!tpu.dma_semaphore, #tpu.memory_space<semaphore_mem>>)
    %mul3A_188 = arith.constant 632 : i32
    %mul3A_189 = arith.muli %arg1, %mul3A_188 : i32
    %add3A_190 = arith.constant 384 : i32
    %add3A_191 = arith.addi %mul3A_189, %add3A_190 : i32
    %dma_start3A_192 = arith.constant 0 : i32
    %dma_start3A_193 = tpu.memref_slice %arg5[%arg0, %add3A_191, %dma_start3A_192] : memref<2x10112x128xf32, #tpu.memory_space<hbm>> -> memref<1x128x128xf32, #tpu.memory_space<hbm>>
    %dma_start3A_194 = tpu.memref_squeeze %dma_start3A_193 : memref<1x128x128xf32, #tpu.memory_space<hbm>> -> memref<128x128xf32, #tpu.memory_space<hbm>>
    %dma_start3A_195 = arith.constant 0 : i32
    %dma_start3A_196 = tpu.memref_slice %arg6[%add3A_191, %dma_start3A_195] : memref<10112x128xf32, #tpu.memory_space<vmem_shared>> -> memref<128x128xf32, #tpu.memory_space<vmem_shared>>
    tpu.enqueue_dma source(%dma_start3A_196 : memref<128x128xf32, #tpu.memory_space<vmem_shared>>) target(%dma_start3A_194 : memref<128x128xf32, #tpu.memory_space<hbm>>) target_semaphore(%arg16 : memref<!tpu.dma_semaphore, #tpu.memory_space<semaphore_mem>>)
    %mul3A_197 = arith.constant 632 : i32
    %mul3A_198 = arith.muli %arg1, %mul3A_197 : i32
    %add3A_199 = arith.constant 512 : i32
    %add3A_200 = arith.addi %mul3A_198, %add3A_199 : i32
    %dma_start3A_201 = arith.constant 0 : i32
    %dma_start3A_202 = tpu.memref_slice %arg5[%arg0, %add3A_200, %dma_start3A_201] : memref<2x10112x128xf32, #tpu.memory_space<hbm>> -> memref<1x120x128xf32, #tpu.memory_space<hbm>>
    %dma_start3A_203 = tpu.memref_squeeze %dma_start3A_202 : memref<1x120x128xf32, #tpu.memory_space<hbm>> -> memref<120x128xf32, #tpu.memory_space<hbm>>
    %dma_start3A_204 = arith.constant 0 : i32
    %dma_start3A_205 = tpu.memref_slice %arg6[%add3A_200, %dma_start3A_204] : memref<10112x128xf32, #tpu.memory_space<vmem_shared>> -> memref<120x128xf32, #tpu.memory_space<vmem_shared>>
    tpu.enqueue_dma source(%dma_start3A_205 : memref<120x128xf32, #tpu.memory_space<vmem_shared>>) target(%dma_start3A_203 : memref<120x128xf32, #tpu.memory_space<hbm>>) target_semaphore(%arg16 : memref<!tpu.dma_semaphore, #tpu.memory_space<semaphore_mem>>)
    %mul3A_206 = arith.constant 632 : i32
    %mul3A_207 = arith.muli %arg1, %mul3A_206 : i32
    %add3A_208 = arith.constant 0 : i32
    %add3A_209 = arith.addi %mul3A_207, %add3A_208 : i32
    %dma_wait3A_210 = arith.constant 0 : i32
    %dma_wait3A_211 = tpu.memref_slice %arg5[%arg0, %add3A_209, %dma_wait3A_210] : memref<2x10112x128xf32, #tpu.memory_space<hbm>> -> memref<1x128x128xf32, #tpu.memory_space<hbm>>
    %dma_wait3A_212 = tpu.memref_squeeze %dma_wait3A_211 : memref<1x128x128xf32, #tpu.memory_space<hbm>> -> memref<128x128xf32, #tpu.memory_space<hbm>>
    %dma_wait3A_213 = arith.constant 0 : i32
    %dma_wait3A_214 = tpu.memref_slice %arg6[%add3A_209, %dma_wait3A_213] : memref<10112x128xf32, #tpu.memory_space<vmem_shared>> -> memref<128x128xf32, #tpu.memory_space<vmem_shared>>
    tpu.wait_dma2 semaphore(%arg16 : memref<!tpu.dma_semaphore, #tpu.memory_space<semaphore_mem>>) src(%dma_wait3A_214 : memref<128x128xf32, #tpu.memory_space<vmem_shared>>) dst(%dma_wait3A_212 : memref<128x128xf32, #tpu.memory_space<hbm>>)
    %mul3A_215 = arith.constant 632 : i32
    %mul3A_216 = arith.muli %arg1, %mul3A_215 : i32
    %add3A_217 = arith.constant 128 : i32
    %add3A_218 = arith.addi %mul3A_216, %add3A_217 : i32
    %dma_wait3A_219 = arith.constant 0 : i32
    %dma_wait3A_220 = tpu.memref_slice %arg5[%arg0, %add3A_218, %dma_wait3A_219] : memref<2x10112x128xf32, #tpu.memory_space<hbm>> -> memref<1x128x128xf32, #tpu.memory_space<hbm>>
    %dma_wait3A_221 = tpu.memref_squeeze %dma_wait3A_220 : memref<1x128x128xf32, #tpu.memory_space<hbm>> -> memref<128x128xf32, #tpu.memory_space<hbm>>
    %dma_wait3A_222 = arith.constant 0 : i32
    %dma_wait3A_223 = tpu.memref_slice %arg6[%add3A_218, %dma_wait3A_222] : memref<10112x128xf32, #tpu.memory_space<vmem_shared>> -> memref<128x128xf32, #tpu.memory_space<vmem_shared>>
    tpu.wait_dma2 semaphore(%arg16 : memref<!tpu.dma_semaphore, #tpu.memory_space<semaphore_mem>>) src(%dma_wait3A_223 : memref<128x128xf32, #tpu.memory_space<vmem_shared>>) dst(%dma_wait3A_221 : memref<128x128xf32, #tpu.memory_space<hbm>>)
    %mul3A_224 = arith.constant 632 : i32
    %mul3A_225 = arith.muli %arg1, %mul3A_224 : i32
    %add3A_226 = arith.constant 256 : i32
    %add3A_227 = arith.addi %mul3A_225, %add3A_226 : i32
    %dma_wait3A_228 = arith.constant 0 : i32
    %dma_wait3A_229 = tpu.memref_slice %arg5[%arg0, %add3A_227, %dma_wait3A_228] : memref<2x10112x128xf32, #tpu.memory_space<hbm>> -> memref<1x128x128xf32, #tpu.memory_space<hbm>>
    %dma_wait3A_230 = tpu.memref_squeeze %dma_wait3A_229 : memref<1x128x128xf32, #tpu.memory_space<hbm>> -> memref<128x128xf32, #tpu.memory_space<hbm>>
    %dma_wait3A_231 = arith.constant 0 : i32
    %dma_wait3A_232 = tpu.memref_slice %arg6[%add3A_227, %dma_wait3A_231] : memref<10112x128xf32, #tpu.memory_space<vmem_shared>> -> memref<128x128xf32, #tpu.memory_space<vmem_shared>>
    tpu.wait_dma2 semaphore(%arg16 : memref<!tpu.dma_semaphore, #tpu.memory_space<semaphore_mem>>) src(%dma_wait3A_232 : memref<128x128xf32, #tpu.memory_space<vmem_shared>>) dst(%dma_wait3A_230 : memref<128x128xf32, #tpu.memory_space<hbm>>)
    %mul3A_233 = arith.constant 632 : i32
    %mul3A_234 = arith.muli %arg1, %mul3A_233 : i32
    %add3A_235 = arith.constant 384 : i32
    %add3A_236 = arith.addi %mul3A_234, %add3A_235 : i32
    %dma_wait3A_237 = arith.constant 0 : i32
    %dma_wait3A_238 = tpu.memref_slice %arg5[%arg0, %add3A_236, %dma_wait3A_237] : memref<2x10112x128xf32, #tpu.memory_space<hbm>> -> memref<1x128x128xf32, #tpu.memory_space<hbm>>
    %dma_wait3A_239 = tpu.memref_squeeze %dma_wait3A_238 : memref<1x128x128xf32, #tpu.memory_space<hbm>> -> memref<128x128xf32, #tpu.memory_space<hbm>>
    %dma_wait3A_240 = arith.constant 0 : i32
    %dma_wait3A_241 = tpu.memref_slice %arg6[%add3A_236, %dma_wait3A_240] : memref<10112x128xf32, #tpu.memory_space<vmem_shared>> -> memref<128x128xf32, #tpu.memory_space<vmem_shared>>
    tpu.wait_dma2 semaphore(%arg16 : memref<!tpu.dma_semaphore, #tpu.memory_space<semaphore_mem>>) src(%dma_wait3A_241 : memref<128x128xf32, #tpu.memory_space<vmem_shared>>) dst(%dma_wait3A_239 : memref<128x128xf32, #tpu.memory_space<hbm>>)
    %mul3A_242 = arith.constant 632 : i32
    %mul3A_243 = arith.muli %arg1, %mul3A_242 : i32
    %add3A_244 = arith.constant 512 : i32
    %add3A_245 = arith.addi %mul3A_243, %add3A_244 : i32
    %dma_wait3A_246 = arith.constant 0 : i32
    %dma_wait3A_247 = tpu.memref_slice %arg5[%arg0, %add3A_245, %dma_wait3A_246] : memref<2x10112x128xf32, #tpu.memory_space<hbm>> -> memref<1x120x128xf32, #tpu.memory_space<hbm>>
    %dma_wait3A_248 = tpu.memref_squeeze %dma_wait3A_247 : memref<1x120x128xf32, #tpu.memory_space<hbm>> -> memref<120x128xf32, #tpu.memory_space<hbm>>
    %dma_wait3A_249 = arith.constant 0 : i32
    %dma_wait3A_250 = tpu.memref_slice %arg6[%add3A_245, %dma_wait3A_249] : memref<10112x128xf32, #tpu.memory_space<vmem_shared>> -> memref<120x128xf32, #tpu.memory_space<vmem_shared>>
    tpu.wait_dma2 semaphore(%arg16 : memref<!tpu.dma_semaphore, #tpu.memory_space<semaphore_mem>>) src(%dma_wait3A_250 : memref<120x128xf32, #tpu.memory_space<vmem_shared>>) dst(%dma_wait3A_248 : memref<120x128xf32, #tpu.memory_space<hbm>>)
    return
  }
}

#map = affine_map<(d0, d1) -> (0, 0)>
#map1 = affine_map<(d0, d1) -> (0, 0, 0)>
module attributes {stable_mosaic.version = 14 : i64} {
  func.func @agg(%arg0: i32, %arg1: i32, %arg2: memref<10000x128xf32, #tpu.memory_space<hbm>>, %arg3: memref<2500x2x128xi32, #tpu.memory_space<hbm>>, %arg4: memref<128x128xf32, #tpu.memory_space<hbm>>, %arg5: memref<2x10112x128xf32, #tpu.memory_space<hbm>>, %arg6: memref<10112x128xf32, #tpu.memory_space<vmem_shared>>, %arg7: memref<3x128x128xf32, #tpu.memory_space<vmem>>, %arg8: memref<4x2x128xi32, #tpu.memory_space<vmem>>, %arg9: memref<!tpu.dma_semaphore, #tpu.memory_space<semaphore_mem>>, %arg10: memref<!tpu.dma_semaphore, #tpu.memory_space<semaphore_mem>>, %arg11: memref<!tpu.dma_semaphore, #tpu.memory_space<semaphore_mem>>, %arg12: memref<!tpu.dma_semaphore, #tpu.memory_space<semaphore_mem>>, %arg13: memref<!tpu.dma_semaphore, #tpu.memory_space<semaphore_mem>>, %arg14: memref<!tpu.dma_semaphore, #tpu.memory_space<semaphore_mem>>, %arg15: memref<!tpu.dma_semaphore, #tpu.memory_space<semaphore_mem>>, %arg16: memref<!tpu.dma_semaphore, #tpu.memory_space<semaphore_mem>>) attributes {dimension_semantics = [#tpu.dimension_semantics<core_parallel>, #tpu.dimension_semantics<subcore_parallel>], iteration_bounds = array<i64: 2, 16>, scalar_prefetch = 0 : i64, scratch_operands = 11 : i64, tpu.core_type = #tpu.core_type<sc_vector_subcore>, window_params = [{transform_indices = #map}, {transform_indices = #map1}, {transform_indices = #map}, {transform_indices = #map1}]} {
    %mul3A = arith.constant 2 : i32
    %mul3A_0 = arith.muli %arg1, %mul3A : i32
    %add3A = arith.addi %mul3A_0, %arg0 : i32
    %lt3A = arith.constant 4 : i32
    %lt3A_1 = arith.cmpi slt, %add3A, %lt3A : i32
    %jit3A = arith.constant 1 : i32
    %jit3A_2 = arith.constant 0 : i32
    %select_n3A = arith.select %lt3A_1, %jit3A, %jit3A_2 : i32
    %add3A_3 = arith.constant 78 : i32
    %add3A_4 = arith.addi %add3A_3, %select_n3A : i32
    %mul3A_5 = arith.constant 632 : i32
    %mul3A_6 = arith.muli %arg1, %mul3A_5 : i32
    %add3A_7 = arith.constant 0 : i32
    %add3A_8 = arith.addi %mul3A_6, %add3A_7 : i32
    %dma_start3A = arith.constant 0 : i32
    %dma_start3A_9 = tpu.memref_slice %arg6[%add3A_8, %dma_start3A] : memref<10112x128xf32, #tpu.memory_space<vmem_shared>> -> memref<128x128xf32, #tpu.memory_space<vmem_shared>>
    %dma_start3A_10 = arith.constant 0 : i32
    %dma_start3A_11 = arith.constant 0 : i32
    %dma_start3A_12 = tpu.memref_slice %arg4[%dma_start3A_10, %dma_start3A_11] : memref<128x128xf32, #tpu.memory_space<hbm>> -> memref<128x128xf32, #tpu.memory_space<hbm>>
    tpu.enqueue_dma source(%dma_start3A_12 : memref<128x128xf32, #tpu.memory_space<hbm>>) target(%dma_start3A_9 : memref<128x128xf32, #tpu.memory_space<vmem_shared>>) target_semaphore(%arg16 : memref<!tpu.dma_semaphore, #tpu.memory_space<semaphore_mem>>)
    %mul3A_13 = arith.constant 632 : i32
    %mul3A_14 = arith.muli %arg1, %mul3A_13 : i32
    %add3A_15 = arith.constant 128 : i32
    %add3A_16 = arith.addi %mul3A_14, %add3A_15 : i32
    %dma_start3A_17 = arith.constant 0 : i32
    %dma_start3A_18 = tpu.memref_slice %arg6[%add3A_16, %dma_start3A_17] : memref<10112x128xf32, #tpu.memory_space<vmem_shared>> -> memref<128x128xf32, #tpu.memory_space<vmem_shared>>
    %dma_start3A_19 = arith.constant 0 : i32
    %dma_start3A_20 = arith.constant 0 : i32
    %dma_start3A_21 = tpu.memref_slice %arg4[%dma_start3A_19, %dma_start3A_20] : memref<128x128xf32, #tpu.memory_space<hbm>> -> memref<128x128xf32, #tpu.memory_space<hbm>>
    tpu.enqueue_dma source(%dma_start3A_21 : memref<128x128xf32, #tpu.memory_space<hbm>>) target(%dma_start3A_18 : memref<128x128xf32, #tpu.memory_space<vmem_shared>>) target_semaphore(%arg16 : memref<!tpu.dma_semaphore, #tpu.memory_space<semaphore_mem>>)
    %mul3A_22 = arith.constant 632 : i32
    %mul3A_23 = arith.muli %arg1, %mul3A_22 : i32
    %add3A_24 = arith.constant 256 : i32
    %add3A_25 = arith.addi %mul3A_23, %add3A_24 : i32
    %dma_start3A_26 = arith.constant 0 : i32
    %dma_start3A_27 = tpu.memref_slice %arg6[%add3A_25, %dma_start3A_26] : memref<10112x128xf32, #tpu.memory_space<vmem_shared>> -> memref<128x128xf32, #tpu.memory_space<vmem_shared>>
    %dma_start3A_28 = arith.constant 0 : i32
    %dma_start3A_29 = arith.constant 0 : i32
    %dma_start3A_30 = tpu.memref_slice %arg4[%dma_start3A_28, %dma_start3A_29] : memref<128x128xf32, #tpu.memory_space<hbm>> -> memref<128x128xf32, #tpu.memory_space<hbm>>
    tpu.enqueue_dma source(%dma_start3A_30 : memref<128x128xf32, #tpu.memory_space<hbm>>) target(%dma_start3A_27 : memref<128x128xf32, #tpu.memory_space<vmem_shared>>) target_semaphore(%arg16 : memref<!tpu.dma_semaphore, #tpu.memory_space<semaphore_mem>>)
    %mul3A_31 = arith.constant 632 : i32
    %mul3A_32 = arith.muli %arg1, %mul3A_31 : i32
    %add3A_33 = arith.constant 384 : i32
    %add3A_34 = arith.addi %mul3A_32, %add3A_33 : i32
    %dma_start3A_35 = arith.constant 0 : i32
    %dma_start3A_36 = tpu.memref_slice %arg6[%add3A_34, %dma_start3A_35] : memref<10112x128xf32, #tpu.memory_space<vmem_shared>> -> memref<128x128xf32, #tpu.memory_space<vmem_shared>>
    %dma_start3A_37 = arith.constant 0 : i32
    %dma_start3A_38 = arith.constant 0 : i32
    %dma_start3A_39 = tpu.memref_slice %arg4[%dma_start3A_37, %dma_start3A_38] : memref<128x128xf32, #tpu.memory_space<hbm>> -> memref<128x128xf32, #tpu.memory_space<hbm>>
    tpu.enqueue_dma source(%dma_start3A_39 : memref<128x128xf32, #tpu.memory_space<hbm>>) target(%dma_start3A_36 : memref<128x128xf32, #tpu.memory_space<vmem_shared>>) target_semaphore(%arg16 : memref<!tpu.dma_semaphore, #tpu.memory_space<semaphore_mem>>)
    %mul3A_40 = arith.constant 632 : i32
    %mul3A_41 = arith.muli %arg1, %mul3A_40 : i32
    %add3A_42 = arith.constant 512 : i32
    %add3A_43 = arith.addi %mul3A_41, %add3A_42 : i32
    %dma_start3A_44 = arith.constant 0 : i32
    %dma_start3A_45 = tpu.memref_slice %arg6[%add3A_43, %dma_start3A_44] : memref<10112x128xf32, #tpu.memory_space<vmem_shared>> -> memref<120x128xf32, #tpu.memory_space<vmem_shared>>
    %dma_start3A_46 = arith.constant 0 : i32
    %dma_start3A_47 = arith.constant 0 : i32
    %dma_start3A_48 = tpu.memref_slice %arg4[%dma_start3A_46, %dma_start3A_47] : memref<128x128xf32, #tpu.memory_space<hbm>> -> memref<120x128xf32, #tpu.memory_space<hbm>>
    tpu.enqueue_dma source(%dma_start3A_48 : memref<120x128xf32, #tpu.memory_space<hbm>>) target(%dma_start3A_45 : memref<120x128xf32, #tpu.memory_space<vmem_shared>>) target_semaphore(%arg16 : memref<!tpu.dma_semaphore, #tpu.memory_space<semaphore_mem>>)
    %gt3A = arith.constant 0 : i32
    %gt3A_49 = arith.cmpi sgt, %add3A_4, %gt3A : i32
    %convert_element_type3A = arith.extui %gt3A_49 : i1 to i32
    %cond3A = arith.constant 0 : i32
    %cond3A_50 = arith.cmpi ne, %convert_element_type3A, %cond3A : i32
    scf.if %cond3A_50 {
      %add3A_251 = arith.constant 0 : i32
      %add3A_252 = arith.addi %add3A, %add3A_251 : i32
      %rem3A_253 = arith.constant 0 : i32
      %rem3A_254 = arith.constant 4 : i32
      %rem3A_255 = arith.remsi %rem3A_253, %rem3A_254 : i32
      %dma_start3A_256 = arith.constant 0 : i32
      %dma_start3A_257 = arith.constant 0 : i32
      %dma_start3A_258 = tpu.memref_slice %arg8[%rem3A_255, %dma_start3A_256, %dma_start3A_257] : memref<4x2x128xi32, #tpu.memory_space<vmem>> -> memref<1x2x128xi32, #tpu.memory_space<vmem>>
      %dma_start3A_259 = tpu.memref_squeeze %dma_start3A_258 : memref<1x2x128xi32, #tpu.memory_space<vmem>> -> memref<2x128xi32, #tpu.memory_space<vmem>>
      %dma_start3A_260 = arith.constant 0 : i32
      %dma_start3A_261 = arith.constant 0 : i32
      %dma_start3A_262 = tpu.memref_slice %arg3[%add3A_252, %dma_start3A_260, %dma_start3A_261] : memref<2500x2x128xi32, #tpu.memory_space<hbm>> -> memref<1x2x128xi32, #tpu.memory_space<hbm>>
      %dma_start3A_263 = tpu.memref_squeeze %dma_start3A_262 : memref<1x2x128xi32, #tpu.memory_space<hbm>> -> memref<2x128xi32, #tpu.memory_space<hbm>>
      %dma_start3A_264 = arith.constant 0 : i32
      %dma_start3A_265 = arith.constant 0 : i32
      %dma_start3A_266 = tpu.memref_slice %arg8[%rem3A_255, %dma_start3A_264, %dma_start3A_265] : memref<4x2x128xi32, #tpu.memory_space<vmem>> -> memref<1x2x128xi32, #tpu.memory_space<vmem>>
      %dma_start3A_267 = tpu.memref_squeeze %dma_start3A_266 : memref<1x2x128xi32, #tpu.memory_space<vmem>> -> memref<2x128xi32, #tpu.memory_space<vmem>>
      %dma_start3A_268 = arith.constant 0 : i32
      %dma_start3A_269 = arith.constant 0 : i32
      %dma_start3A_270 = tpu.memref_slice %arg3[%add3A_252, %dma_start3A_268, %dma_start3A_269] : memref<2500x2x128xi32, #tpu.memory_space<hbm>> -> memref<1x2x128xi32, #tpu.memory_space<hbm>>
      %dma_start3A_271 = tpu.memref_squeeze %dma_start3A_270 : memref<1x2x128xi32, #tpu.memory_space<hbm>> -> memref<2x128xi32, #tpu.memory_space<hbm>>
      tpu.enqueue_dma source(%dma_start3A_271 : memref<2x128xi32, #tpu.memory_space<hbm>>) target(%dma_start3A_267 : memref<2x128xi32, #tpu.memory_space<vmem>>) target_semaphore(%arg9 : memref<!tpu.dma_semaphore, #tpu.memory_space<semaphore_mem>>)
      %add3A_272 = arith.constant 0 : i32
      %add3A_273 = arith.addi %add3A, %add3A_272 : i32
      %rem3A_274 = arith.constant 0 : i32
      %rem3A_275 = arith.constant 4 : i32
      %rem3A_276 = arith.remsi %rem3A_274, %rem3A_275 : i32
      %dma_wait3A_277 = arith.constant 0 : i32
      %dma_wait3A_278 = arith.constant 0 : i32
      %dma_wait3A_279 = tpu.memref_slice %arg8[%rem3A_276, %dma_wait3A_277, %dma_wait3A_278] : memref<4x2x128xi32, #tpu.memory_space<vmem>> -> memref<1x2x128xi32, #tpu.memory_space<vmem>>
      %dma_wait3A_280 = tpu.memref_squeeze %dma_wait3A_279 : memref<1x2x128xi32, #tpu.memory_space<vmem>> -> memref<2x128xi32, #tpu.memory_space<vmem>>
      %dma_wait3A_281 = arith.constant 0 : i32
      %dma_wait3A_282 = arith.constant 0 : i32
      %dma_wait3A_283 = tpu.memref_slice %arg3[%add3A_273, %dma_wait3A_281, %dma_wait3A_282] : memref<2500x2x128xi32, #tpu.memory_space<hbm>> -> memref<1x2x128xi32, #tpu.memory_space<hbm>>
      %dma_wait3A_284 = tpu.memref_squeeze %dma_wait3A_283 : memref<1x2x128xi32, #tpu.memory_space<hbm>> -> memref<2x128xi32, #tpu.memory_space<hbm>>
      %dma_wait3A_285 = arith.constant 0 : i32
      %dma_wait3A_286 = arith.constant 0 : i32
      %dma_wait3A_287 = tpu.memref_slice %arg8[%rem3A_276, %dma_wait3A_285, %dma_wait3A_286] : memref<4x2x128xi32, #tpu.memory_space<vmem>> -> memref<1x2x128xi32, #tpu.memory_space<vmem>>
      %dma_wait3A_288 = tpu.memref_squeeze %dma_wait3A_287 : memref<1x2x128xi32, #tpu.memory_space<vmem>> -> memref<2x128xi32, #tpu.memory_space<vmem>>
      %dma_wait3A_289 = arith.constant 0 : i32
      %dma_wait3A_290 = arith.constant 0 : i32
      %dma_wait3A_291 = tpu.memref_slice %arg3[%add3A_273, %dma_wait3A_289, %dma_wait3A_290] : memref<2500x2x128xi32, #tpu.memory_space<hbm>> -> memref<1x2x128xi32, #tpu.memory_space<hbm>>
      %dma_wait3A_292 = tpu.memref_squeeze %dma_wait3A_291 : memref<1x2x128xi32, #tpu.memory_space<hbm>> -> memref<2x128xi32, #tpu.memory_space<hbm>>
      tpu.wait_dma2 semaphore(%arg9 : memref<!tpu.dma_semaphore, #tpu.memory_space<semaphore_mem>>) src(%dma_wait3A_292 : memref<2x128xi32, #tpu.memory_space<hbm>>) dst(%dma_wait3A_288 : memref<2x128xi32, #tpu.memory_space<vmem>>)
      %rem3A_293 = arith.constant 0 : i32
      %rem3A_294 = arith.constant 4 : i32
      %rem3A_295 = arith.remsi %rem3A_293, %rem3A_294 : i32
      %rem3A_296 = arith.constant 0 : i32
      %rem3A_297 = arith.constant 3 : i32
      %rem3A_298 = arith.remsi %rem3A_296, %rem3A_297 : i32
      %dma_start3A_299 = arith.constant 0 : i32
      %dma_start3A_300 = arith.constant 0 : i32
      %dma_start3A_301 = arith.constant 0 : i32
      %dma_start3A_302 = tpu.memref_slice %arg7[%rem3A_298, %dma_start3A_300, %dma_start3A_301] : memref<3x128x128xf32, #tpu.memory_space<vmem>> -> memref<1x128x128xf32, #tpu.memory_space<vmem>>
      %dma_start3A_303 = tpu.memref_squeeze %dma_start3A_302 : memref<1x128x128xf32, #tpu.memory_space<vmem>> -> memref<128x128xf32, #tpu.memory_space<vmem>>
      %dma_start3A_304 = arith.constant 0 : i32
      %dma_start3A_305 = tpu.memref_slice %arg8[%rem3A_295, %dma_start3A_299, %dma_start3A_304] : memref<4x2x128xi32, #tpu.memory_space<vmem>> -> memref<1x1x128xi32, #tpu.memory_space<vmem>>
      %dma_start3A_306 = tpu.memref_squeeze %dma_start3A_305 : memref<1x1x128xi32, #tpu.memory_space<vmem>> -> memref<128xi32, #tpu.memory_space<vmem>>
      %dma_start3A_307 = arith.constant 0 : i32
      %dma_start3A_308 = arith.constant 0 : i32
      %dma_start3A_309 = tpu.memref_slice %arg2[%dma_start3A_307, %dma_start3A_308] : memref<10000x128xf32, #tpu.memory_space<hbm>> -> memref<10000x128xf32, #tpu.memory_space<hbm>>
      tpu.enqueue_indirect_dma source(%dma_start3A_309 : memref<10000x128xf32, #tpu.memory_space<hbm>>) target(%dma_start3A_303 : memref<128x128xf32, #tpu.memory_space<vmem>>) offsets(%dma_start3A_306 : memref<128xi32, #tpu.memory_space<vmem>>) semaphore(%arg10 : memref<!tpu.dma_semaphore, #tpu.memory_space<semaphore_mem>>)
    } else {
    }
    %gt3A_51 = arith.constant 1 : i32
    %gt3A_52 = arith.cmpi sgt, %add3A_4, %gt3A_51 : i32
    %convert_element_type3A_53 = arith.extui %gt3A_52 : i1 to i32
    %cond3A_54 = arith.constant 0 : i32
    %cond3A_55 = arith.cmpi ne, %convert_element_type3A_53, %cond3A_54 : i32
    scf.if %cond3A_55 {
      %add3A_251 = arith.constant 32 : i32
      %add3A_252 = arith.addi %add3A, %add3A_251 : i32
      %rem3A_253 = arith.constant 1 : i32
      %rem3A_254 = arith.constant 4 : i32
      %rem3A_255 = arith.remsi %rem3A_253, %rem3A_254 : i32
      %dma_start3A_256 = arith.constant 0 : i32
      %dma_start3A_257 = arith.constant 0 : i32
      %dma_start3A_258 = tpu.memref_slice %arg8[%rem3A_255, %dma_start3A_256, %dma_start3A_257] : memref<4x2x128xi32, #tpu.memory_space<vmem>> -> memref<1x2x128xi32, #tpu.memory_space<vmem>>
      %dma_start3A_259 = tpu.memref_squeeze %dma_start3A_258 : memref<1x2x128xi32, #tpu.memory_space<vmem>> -> memref<2x128xi32, #tpu.memory_space<vmem>>
      %dma_start3A_260 = arith.constant 0 : i32
      %dma_start3A_261 = arith.constant 0 : i32
      %dma_start3A_262 = tpu.memref_slice %arg3[%add3A_252, %dma_start3A_260, %dma_start3A_261] : memref<2500x2x128xi32, #tpu.memory_space<hbm>> -> memref<1x2x128xi32, #tpu.memory_space<hbm>>
      %dma_start3A_263 = tpu.memref_squeeze %dma_start3A_262 : memref<1x2x128xi32, #tpu.memory_space<hbm>> -> memref<2x128xi32, #tpu.memory_space<hbm>>
      %dma_start3A_264 = arith.constant 0 : i32
      %dma_start3A_265 = arith.constant 0 : i32
      %dma_start3A_266 = tpu.memref_slice %arg8[%rem3A_255, %dma_start3A_264, %dma_start3A_265] : memref<4x2x128xi32, #tpu.memory_space<vmem>> -> memref<1x2x128xi32, #tpu.memory_space<vmem>>
      %dma_start3A_267 = tpu.memref_squeeze %dma_start3A_266 : memref<1x2x128xi32, #tpu.memory_space<vmem>> -> memref<2x128xi32, #tpu.memory_space<vmem>>
      %dma_start3A_268 = arith.constant 0 : i32
      %dma_start3A_269 = arith.constant 0 : i32
      %dma_start3A_270 = tpu.memref_slice %arg3[%add3A_252, %dma_start3A_268, %dma_start3A_269] : memref<2500x2x128xi32, #tpu.memory_space<hbm>> -> memref<1x2x128xi32, #tpu.memory_space<hbm>>
      %dma_start3A_271 = tpu.memref_squeeze %dma_start3A_270 : memref<1x2x128xi32, #tpu.memory_space<hbm>> -> memref<2x128xi32, #tpu.memory_space<hbm>>
      tpu.enqueue_dma source(%dma_start3A_271 : memref<2x128xi32, #tpu.memory_space<hbm>>) target(%dma_start3A_267 : memref<2x128xi32, #tpu.memory_space<vmem>>) target_semaphore(%arg9 : memref<!tpu.dma_semaphore, #tpu.memory_space<semaphore_mem>>)
      %add3A_272 = arith.constant 32 : i32
      %add3A_273 = arith.addi %add3A, %add3A_272 : i32
      %rem3A_274 = arith.constant 1 : i32
      %rem3A_275 = arith.constant 4 : i32
      %rem3A_276 = arith.remsi %rem3A_274, %rem3A_275 : i32
      %dma_wait3A_277 = arith.constant 0 : i32
      %dma_wait3A_278 = arith.constant 0 : i32
      %dma_wait3A_279 = tpu.memref_slice %arg8[%rem3A_276, %dma_wait3A_277, %dma_wait3A_278] : memref<4x2x128xi32, #tpu.memory_space<vmem>> -> memref<1x2x128xi32, #tpu.memory_space<vmem>>
      %dma_wait3A_280 = tpu.memref_squeeze %dma_wait3A_279 : memref<1x2x128xi32, #tpu.memory_space<vmem>> -> memref<2x128xi32, #tpu.memory_space<vmem>>
      %dma_wait3A_281 = arith.constant 0 : i32
      %dma_wait3A_282 = arith.constant 0 : i32
      %dma_wait3A_283 = tpu.memref_slice %arg3[%add3A_273, %dma_wait3A_281, %dma_wait3A_282] : memref<2500x2x128xi32, #tpu.memory_space<hbm>> -> memref<1x2x128xi32, #tpu.memory_space<hbm>>
      %dma_wait3A_284 = tpu.memref_squeeze %dma_wait3A_283 : memref<1x2x128xi32, #tpu.memory_space<hbm>> -> memref<2x128xi32, #tpu.memory_space<hbm>>
      %dma_wait3A_285 = arith.constant 0 : i32
      %dma_wait3A_286 = arith.constant 0 : i32
      %dma_wait3A_287 = tpu.memref_slice %arg8[%rem3A_276, %dma_wait3A_285, %dma_wait3A_286] : memref<4x2x128xi32, #tpu.memory_space<vmem>> -> memref<1x2x128xi32, #tpu.memory_space<vmem>>
      %dma_wait3A_288 = tpu.memref_squeeze %dma_wait3A_287 : memref<1x2x128xi32, #tpu.memory_space<vmem>> -> memref<2x128xi32, #tpu.memory_space<vmem>>
      %dma_wait3A_289 = arith.constant 0 : i32
      %dma_wait3A_290 = arith.constant 0 : i32
      %dma_wait3A_291 = tpu.memref_slice %arg3[%add3A_273, %dma_wait3A_289, %dma_wait3A_290] : memref<2500x2x128xi32, #tpu.memory_space<hbm>> -> memref<1x2x128xi32, #tpu.memory_space<hbm>>
      %dma_wait3A_292 = tpu.memref_squeeze %dma_wait3A_291 : memref<1x2x128xi32, #tpu.memory_space<hbm>> -> memref<2x128xi32, #tpu.memory_space<hbm>>
      tpu.wait_dma2 semaphore(%arg9 : memref<!tpu.dma_semaphore, #tpu.memory_space<semaphore_mem>>) src(%dma_wait3A_292 : memref<2x128xi32, #tpu.memory_space<hbm>>) dst(%dma_wait3A_288 : memref<2x128xi32, #tpu.memory_space<vmem>>)
      %rem3A_293 = arith.constant 1 : i32
      %rem3A_294 = arith.constant 4 : i32
      %rem3A_295 = arith.remsi %rem3A_293, %rem3A_294 : i32
      %rem3A_296 = arith.constant 1 : i32
      %rem3A_297 = arith.constant 3 : i32
      %rem3A_298 = arith.remsi %rem3A_296, %rem3A_297 : i32
      %dma_start3A_299 = arith.constant 0 : i32
      %dma_start3A_300 = arith.constant 0 : i32
      %dma_start3A_301 = arith.constant 0 : i32
      %dma_start3A_302 = tpu.memref_slice %arg7[%rem3A_298, %dma_start3A_300, %dma_start3A_301] : memref<3x128x128xf32, #tpu.memory_space<vmem>> -> memref<1x128x128xf32, #tpu.memory_space<vmem>>
      %dma_start3A_303 = tpu.memref_squeeze %dma_start3A_302 : memref<1x128x128xf32, #tpu.memory_space<vmem>> -> memref<128x128xf32, #tpu.memory_space<vmem>>
      %dma_start3A_304 = arith.constant 0 : i32
      %dma_start3A_305 = tpu.memref_slice %arg8[%rem3A_295, %dma_start3A_299, %dma_start3A_304] : memref<4x2x128xi32, #tpu.memory_space<vmem>> -> memref<1x1x128xi32, #tpu.memory_space<vmem>>
      %dma_start3A_306 = tpu.memref_squeeze %dma_start3A_305 : memref<1x1x128xi32, #tpu.memory_space<vmem>> -> memref<128xi32, #tpu.memory_space<vmem>>
      %dma_start3A_307 = arith.constant 0 : i32
      %dma_start3A_308 = arith.constant 0 : i32
      %dma_start3A_309 = tpu.memref_slice %arg2[%dma_start3A_307, %dma_start3A_308] : memref<10000x128xf32, #tpu.memory_space<hbm>> -> memref<10000x128xf32, #tpu.memory_space<hbm>>
      tpu.enqueue_indirect_dma source(%dma_start3A_309 : memref<10000x128xf32, #tpu.memory_space<hbm>>) target(%dma_start3A_303 : memref<128x128xf32, #tpu.memory_space<vmem>>) offsets(%dma_start3A_306 : memref<128xi32, #tpu.memory_space<vmem>>) semaphore(%arg11 : memref<!tpu.dma_semaphore, #tpu.memory_space<semaphore_mem>>)
    } else {
    }
    %gt3A_56 = arith.constant 2 : i32
    %gt3A_57 = arith.cmpi sgt, %add3A_4, %gt3A_56 : i32
    %convert_element_type3A_58 = arith.extui %gt3A_57 : i1 to i32
    %cond3A_59 = arith.constant 0 : i32
    %cond3A_60 = arith.cmpi ne, %convert_element_type3A_58, %cond3A_59 : i32
    scf.if %cond3A_60 {
      %add3A_251 = arith.constant 64 : i32
      %add3A_252 = arith.addi %add3A, %add3A_251 : i32
      %rem3A_253 = arith.constant 2 : i32
      %rem3A_254 = arith.constant 4 : i32
      %rem3A_255 = arith.remsi %rem3A_253, %rem3A_254 : i32
      %dma_start3A_256 = arith.constant 0 : i32
      %dma_start3A_257 = arith.constant 0 : i32
      %dma_start3A_258 = tpu.memref_slice %arg8[%rem3A_255, %dma_start3A_256, %dma_start3A_257] : memref<4x2x128xi32, #tpu.memory_space<vmem>> -> memref<1x2x128xi32, #tpu.memory_space<vmem>>
      %dma_start3A_259 = tpu.memref_squeeze %dma_start3A_258 : memref<1x2x128xi32, #tpu.memory_space<vmem>> -> memref<2x128xi32, #tpu.memory_space<vmem>>
      %dma_start3A_260 = arith.constant 0 : i32
      %dma_start3A_261 = arith.constant 0 : i32
      %dma_start3A_262 = tpu.memref_slice %arg3[%add3A_252, %dma_start3A_260, %dma_start3A_261] : memref<2500x2x128xi32, #tpu.memory_space<hbm>> -> memref<1x2x128xi32, #tpu.memory_space<hbm>>
      %dma_start3A_263 = tpu.memref_squeeze %dma_start3A_262 : memref<1x2x128xi32, #tpu.memory_space<hbm>> -> memref<2x128xi32, #tpu.memory_space<hbm>>
      %dma_start3A_264 = arith.constant 0 : i32
      %dma_start3A_265 = arith.constant 0 : i32
      %dma_start3A_266 = tpu.memref_slice %arg8[%rem3A_255, %dma_start3A_264, %dma_start3A_265] : memref<4x2x128xi32, #tpu.memory_space<vmem>> -> memref<1x2x128xi32, #tpu.memory_space<vmem>>
      %dma_start3A_267 = tpu.memref_squeeze %dma_start3A_266 : memref<1x2x128xi32, #tpu.memory_space<vmem>> -> memref<2x128xi32, #tpu.memory_space<vmem>>
      %dma_start3A_268 = arith.constant 0 : i32
      %dma_start3A_269 = arith.constant 0 : i32
      %dma_start3A_270 = tpu.memref_slice %arg3[%add3A_252, %dma_start3A_268, %dma_start3A_269] : memref<2500x2x128xi32, #tpu.memory_space<hbm>> -> memref<1x2x128xi32, #tpu.memory_space<hbm>>
      %dma_start3A_271 = tpu.memref_squeeze %dma_start3A_270 : memref<1x2x128xi32, #tpu.memory_space<hbm>> -> memref<2x128xi32, #tpu.memory_space<hbm>>
      tpu.enqueue_dma source(%dma_start3A_271 : memref<2x128xi32, #tpu.memory_space<hbm>>) target(%dma_start3A_267 : memref<2x128xi32, #tpu.memory_space<vmem>>) target_semaphore(%arg9 : memref<!tpu.dma_semaphore, #tpu.memory_space<semaphore_mem>>)
    } else {
    }
    %mul3A_61 = arith.constant 632 : i32
    %mul3A_62 = arith.muli %arg1, %mul3A_61 : i32
    %add3A_63 = arith.constant 0 : i32
    %add3A_64 = arith.addi %mul3A_62, %add3A_63 : i32
    %dma_wait3A = arith.constant 0 : i32
    %dma_wait3A_65 = tpu.memref_slice %arg6[%add3A_64, %dma_wait3A] : memref<10112x128xf32, #tpu.memory_space<vmem_shared>> -> memref<128x128xf32, #tpu.memory_space<vmem_shared>>
    %dma_wait3A_66 = arith.constant 0 : i32
    %dma_wait3A_67 = arith.constant 0 : i32
    %dma_wait3A_68 = tpu.memref_slice %arg4[%dma_wait3A_66, %dma_wait3A_67] : memref<128x128xf32, #tpu.memory_space<hbm>> -> memref<128x128xf32, #tpu.memory_space<hbm>>
    tpu.wait_dma2 semaphore(%arg16 : memref<!tpu.dma_semaphore, #tpu.memory_space<semaphore_mem>>) src(%dma_wait3A_68 : memref<128x128xf32, #tpu.memory_space<hbm>>) dst(%dma_wait3A_65 : memref<128x128xf32, #tpu.memory_space<vmem_shared>>)
    %mul3A_69 = arith.constant 632 : i32
    %mul3A_70 = arith.muli %arg1, %mul3A_69 : i32
    %add3A_71 = arith.constant 128 : i32
    %add3A_72 = arith.addi %mul3A_70, %add3A_71 : i32
    %dma_wait3A_73 = arith.constant 0 : i32
    %dma_wait3A_74 = tpu.memref_slice %arg6[%add3A_72, %dma_wait3A_73] : memref<10112x128xf32, #tpu.memory_space<vmem_shared>> -> memref<128x128xf32, #tpu.memory_space<vmem_shared>>
    %dma_wait3A_75 = arith.constant 0 : i32
    %dma_wait3A_76 = arith.constant 0 : i32
    %dma_wait3A_77 = tpu.memref_slice %arg4[%dma_wait3A_75, %dma_wait3A_76] : memref<128x128xf32, #tpu.memory_space<hbm>> -> memref<128x128xf32, #tpu.memory_space<hbm>>
    tpu.wait_dma2 semaphore(%arg16 : memref<!tpu.dma_semaphore, #tpu.memory_space<semaphore_mem>>) src(%dma_wait3A_77 : memref<128x128xf32, #tpu.memory_space<hbm>>) dst(%dma_wait3A_74 : memref<128x128xf32, #tpu.memory_space<vmem_shared>>)
    %mul3A_78 = arith.constant 632 : i32
    %mul3A_79 = arith.muli %arg1, %mul3A_78 : i32
    %add3A_80 = arith.constant 256 : i32
    %add3A_81 = arith.addi %mul3A_79, %add3A_80 : i32
    %dma_wait3A_82 = arith.constant 0 : i32
    %dma_wait3A_83 = tpu.memref_slice %arg6[%add3A_81, %dma_wait3A_82] : memref<10112x128xf32, #tpu.memory_space<vmem_shared>> -> memref<128x128xf32, #tpu.memory_space<vmem_shared>>
    %dma_wait3A_84 = arith.constant 0 : i32
    %dma_wait3A_85 = arith.constant 0 : i32
    %dma_wait3A_86 = tpu.memref_slice %arg4[%dma_wait3A_84, %dma_wait3A_85] : memref<128x128xf32, #tpu.memory_space<hbm>> -> memref<128x128xf32, #tpu.memory_space<hbm>>
    tpu.wait_dma2 semaphore(%arg16 : memref<!tpu.dma_semaphore, #tpu.memory_space<semaphore_mem>>) src(%dma_wait3A_86 : memref<128x128xf32, #tpu.memory_space<hbm>>) dst(%dma_wait3A_83 : memref<128x128xf32, #tpu.memory_space<vmem_shared>>)
    %mul3A_87 = arith.constant 632 : i32
    %mul3A_88 = arith.muli %arg1, %mul3A_87 : i32
    %add3A_89 = arith.constant 384 : i32
    %add3A_90 = arith.addi %mul3A_88, %add3A_89 : i32
    %dma_wait3A_91 = arith.constant 0 : i32
    %dma_wait3A_92 = tpu.memref_slice %arg6[%add3A_90, %dma_wait3A_91] : memref<10112x128xf32, #tpu.memory_space<vmem_shared>> -> memref<128x128xf32, #tpu.memory_space<vmem_shared>>
    %dma_wait3A_93 = arith.constant 0 : i32
    %dma_wait3A_94 = arith.constant 0 : i32
    %dma_wait3A_95 = tpu.memref_slice %arg4[%dma_wait3A_93, %dma_wait3A_94] : memref<128x128xf32, #tpu.memory_space<hbm>> -> memref<128x128xf32, #tpu.memory_space<hbm>>
    tpu.wait_dma2 semaphore(%arg16 : memref<!tpu.dma_semaphore, #tpu.memory_space<semaphore_mem>>) src(%dma_wait3A_95 : memref<128x128xf32, #tpu.memory_space<hbm>>) dst(%dma_wait3A_92 : memref<128x128xf32, #tpu.memory_space<vmem_shared>>)
    %mul3A_96 = arith.constant 632 : i32
    %mul3A_97 = arith.muli %arg1, %mul3A_96 : i32
    %add3A_98 = arith.constant 512 : i32
    %add3A_99 = arith.addi %mul3A_97, %add3A_98 : i32
    %dma_wait3A_100 = arith.constant 0 : i32
    %dma_wait3A_101 = tpu.memref_slice %arg6[%add3A_99, %dma_wait3A_100] : memref<10112x128xf32, #tpu.memory_space<vmem_shared>> -> memref<120x128xf32, #tpu.memory_space<vmem_shared>>
    %dma_wait3A_102 = arith.constant 0 : i32
    %dma_wait3A_103 = arith.constant 0 : i32
    %dma_wait3A_104 = tpu.memref_slice %arg4[%dma_wait3A_102, %dma_wait3A_103] : memref<128x128xf32, #tpu.memory_space<hbm>> -> memref<120x128xf32, #tpu.memory_space<hbm>>
    tpu.wait_dma2 semaphore(%arg16 : memref<!tpu.dma_semaphore, #tpu.memory_space<semaphore_mem>>) src(%dma_wait3A_104 : memref<120x128xf32, #tpu.memory_space<hbm>>) dst(%dma_wait3A_101 : memref<120x128xf32, #tpu.memory_space<vmem_shared>>)
    %barrier3A = arith.constant 0 : index
    tpu.barrier barrier_id(%barrier3A)
    %add3A_105 = arith.constant 2 : i32
    %add3A_106 = arith.addi %add3A_4, %add3A_105 : i32
    %jit3A_107 = arith.constant 3 : i32
    %div3A = arith.divsi %add3A_106, %jit3A_107 : i32
    %sign3A = arith.constant 0 : i32
    %sign3A_108 = arith.cmpi sgt, %add3A_106, %sign3A : i32
    %sign3A_109 = arith.extui %sign3A_108 : i1 to i32
    %sign3A_110 = arith.constant 0 : i32
    %sign3A_111 = arith.cmpi slt, %add3A_106, %sign3A_110 : i32
    %sign3A_112 = arith.extui %sign3A_111 : i1 to i32
    %sign3A_113 = arith.subi %sign3A_109, %sign3A_112 : i32
    %sign3A_114 = arith.constant 0 : i32
    %sign3A_115 = arith.cmpi sgt, %jit3A_107, %sign3A_114 : i32
    %sign3A_116 = arith.extui %sign3A_115 : i1 to i32
    %sign3A_117 = arith.constant 0 : i32
    %sign3A_118 = arith.cmpi slt, %jit3A_107, %sign3A_117 : i32
    %sign3A_119 = arith.extui %sign3A_118 : i1 to i32
    %sign3A_120 = arith.subi %sign3A_116, %sign3A_119 : i32
    %ne3A = arith.cmpi ne, %sign3A_113, %sign3A_120 : i32
    %rem3A = arith.remsi %add3A_106, %jit3A_107 : i32
    %ne3A_121 = arith.constant 0 : i32
    %ne3A_122 = arith.cmpi ne, %rem3A, %ne3A_121 : i32
    %and3A = arith.andi %ne3A, %ne3A_122 : i1
    %sub3A = arith.constant 1 : i32
    %sub3A_123 = arith.subi %div3A, %sub3A : i32
    %select_n3A_124 = arith.select %and3A, %sub3A_123, %div3A : i32
    %while3A = arith.constant 0 : i32
    %while3A_125 = arith.constant 0 : i32
    %while3A_126 = arith.subi %select_n3A_124, %while3A_125 : i32
    %while3A_127 = arith.addi %while3A_125, %while3A_126 : i32
    %while3A_128 = arith.constant 1 : i32
    %while3A_129 = arith.divsi %while3A_126, %while3A_128 : i32
    %while3A_130 = arith.muli %while3A_129, %while3A_128 : i32
    %while3A_131 = arith.addi %while3A_125, %while3A_130 : i32
    %while3A_132 = arith.constant 1 : i32
    scf.for %while3A_251 = %while3A_125 to %while3A_131 step %while3A_132  : i32 {
      %mul3A_252 = arith.constant 3 : i32
      %mul3A_253 = arith.muli %while3A_251, %mul3A_252 : i32
      %add3A_254 = arith.constant 0 : i32
      %add3A_255 = arith.addi %mul3A_253, %add3A_254 : i32
      %lt3A_256 = arith.cmpi slt, %add3A_255, %add3A_4 : i32
      %convert_element_type3A_257 = arith.extui %lt3A_256 : i1 to i32
      %cond3A_258 = arith.constant 0 : i32
      %cond3A_259 = arith.cmpi ne, %convert_element_type3A_257, %cond3A_258 : i32
      scf.if %cond3A_259 {
        %rem3A_276 = arith.constant 4 : i32
        %rem3A_277 = arith.remsi %add3A_255, %rem3A_276 : i32
        %rem3A_278 = arith.constant 3 : i32
        %rem3A_279 = arith.remsi %add3A_255, %rem3A_278 : i32
        %dma_wait3A_280 = arith.constant 0 : i32
        %dma_wait3A_281 = arith.constant 0 : i32
        %dma_wait3A_282 = arith.constant 0 : i32
        %dma_wait3A_283 = tpu.memref_slice %arg7[%rem3A_279, %dma_wait3A_281, %dma_wait3A_282] : memref<3x128x128xf32, #tpu.memory_space<vmem>> -> memref<1x128x128xf32, #tpu.memory_space<vmem>>
        %dma_wait3A_284 = tpu.memref_squeeze %dma_wait3A_283 : memref<1x128x128xf32, #tpu.memory_space<vmem>> -> memref<128x128xf32, #tpu.memory_space<vmem>>
        %dma_wait3A_285 = arith.constant 0 : i32
        %dma_wait3A_286 = tpu.memref_slice %arg8[%rem3A_277, %dma_wait3A_280, %dma_wait3A_285] : memref<4x2x128xi32, #tpu.memory_space<vmem>> -> memref<1x1x128xi32, #tpu.memory_space<vmem>>
        %dma_wait3A_287 = tpu.memref_squeeze %dma_wait3A_286 : memref<1x1x128xi32, #tpu.memory_space<vmem>> -> memref<128xi32, #tpu.memory_space<vmem>>
        %dma_wait3A_288 = arith.constant 0 : i32
        %dma_wait3A_289 = arith.constant 0 : i32
        %dma_wait3A_290 = tpu.memref_slice %arg2[%dma_wait3A_288, %dma_wait3A_289] : memref<10000x128xf32, #tpu.memory_space<hbm>> -> memref<10000x128xf32, #tpu.memory_space<hbm>>
        tpu.wait_indirect_dma semaphore(%arg10 : memref<!tpu.dma_semaphore, #tpu.memory_space<semaphore_mem>>) src(%dma_wait3A_290 : memref<10000x128xf32, #tpu.memory_space<hbm>>) dst(%dma_wait3A_284 : memref<128x128xf32, #tpu.memory_space<vmem>>)
        %rem3A_291 = arith.constant 3 : i32
        %rem3A_292 = arith.remsi %add3A_255, %rem3A_291 : i32
        %rem3A_293 = arith.constant 4 : i32
        %rem3A_294 = arith.remsi %add3A_255, %rem3A_293 : i32
        %dma_start3A_295 = arith.constant 1 : i32
        %dma_start3A_296 = arith.constant 0 : i32
        %dma_start3A_297 = arith.constant 0 : i32
        %dma_start3A_298 = tpu.memref_slice %arg7[%rem3A_292, %dma_start3A_296, %dma_start3A_297] : memref<3x128x128xf32, #tpu.memory_space<vmem>> -> memref<1x128x128xf32, #tpu.memory_space<vmem>>
        %dma_start3A_299 = tpu.memref_squeeze %dma_start3A_298 : memref<1x128x128xf32, #tpu.memory_space<vmem>> -> memref<128x128xf32, #tpu.memory_space<vmem>>
        %dma_start3A_300 = arith.constant 0 : i32
        %dma_start3A_301 = tpu.memref_slice %arg8[%rem3A_294, %dma_start3A_295, %dma_start3A_300] : memref<4x2x128xi32, #tpu.memory_space<vmem>> -> memref<1x1x128xi32, #tpu.memory_space<vmem>>
        %dma_start3A_302 = tpu.memref_squeeze %dma_start3A_301 : memref<1x1x128xi32, #tpu.memory_space<vmem>> -> memref<128xi32, #tpu.memory_space<vmem>>
        %dma_start3A_303 = arith.constant 0 : i32
        %dma_start3A_304 = arith.constant 0 : i32
        %dma_start3A_305 = tpu.memref_slice %arg6[%dma_start3A_303, %dma_start3A_304] : memref<10112x128xf32, #tpu.memory_space<vmem_shared>> -> memref<10112x128xf32, #tpu.memory_space<vmem_shared>>
        tpu.enqueue_indirect_dma source(%dma_start3A_299 : memref<128x128xf32, #tpu.memory_space<vmem>>) target(%dma_start3A_305 : memref<10112x128xf32, #tpu.memory_space<vmem_shared>>) offsets(%dma_start3A_302 : memref<128xi32, #tpu.memory_space<vmem>>) semaphore(%arg13 : memref<!tpu.dma_semaphore, #tpu.memory_space<semaphore_mem>>) {add = true}
        %add3A_306 = arith.constant 2 : i32
        %add3A_307 = arith.addi %add3A_255, %add3A_306 : i32
        %lt3A_308 = arith.cmpi slt, %add3A_307, %add3A_4 : i32
        %convert_element_type3A_309 = arith.extui %lt3A_308 : i1 to i32
        %cond3A_310 = arith.constant 0 : i32
        %cond3A_311 = arith.cmpi ne, %convert_element_type3A_309, %cond3A_310 : i32
        scf.if %cond3A_311 {
          %mul3A_326 = arith.constant 32 : i32
          %mul3A_327 = arith.muli %add3A_307, %mul3A_326 : i32
          %add3A_328 = arith.addi %add3A, %mul3A_327 : i32
          %rem3A_329 = arith.constant 4 : i32
          %rem3A_330 = arith.remsi %add3A_307, %rem3A_329 : i32
          %dma_wait3A_331 = arith.constant 0 : i32
          %dma_wait3A_332 = arith.constant 0 : i32
          %dma_wait3A_333 = tpu.memref_slice %arg8[%rem3A_330, %dma_wait3A_331, %dma_wait3A_332] : memref<4x2x128xi32, #tpu.memory_space<vmem>> -> memref<1x2x128xi32, #tpu.memory_space<vmem>>
          %dma_wait3A_334 = tpu.memref_squeeze %dma_wait3A_333 : memref<1x2x128xi32, #tpu.memory_space<vmem>> -> memref<2x128xi32, #tpu.memory_space<vmem>>
          %dma_wait3A_335 = arith.constant 0 : i32
          %dma_wait3A_336 = arith.constant 0 : i32
          %dma_wait3A_337 = tpu.memref_slice %arg3[%add3A_328, %dma_wait3A_335, %dma_wait3A_336] : memref<2500x2x128xi32, #tpu.memory_space<hbm>> -> memref<1x2x128xi32, #tpu.memory_space<hbm>>
          %dma_wait3A_338 = tpu.memref_squeeze %dma_wait3A_337 : memref<1x2x128xi32, #tpu.memory_space<hbm>> -> memref<2x128xi32, #tpu.memory_space<hbm>>
          %dma_wait3A_339 = arith.constant 0 : i32
          %dma_wait3A_340 = arith.constant 0 : i32
          %dma_wait3A_341 = tpu.memref_slice %arg8[%rem3A_330, %dma_wait3A_339, %dma_wait3A_340] : memref<4x2x128xi32, #tpu.memory_space<vmem>> -> memref<1x2x128xi32, #tpu.memory_space<vmem>>
          %dma_wait3A_342 = tpu.memref_squeeze %dma_wait3A_341 : memref<1x2x128xi32, #tpu.memory_space<vmem>> -> memref<2x128xi32, #tpu.memory_space<vmem>>
          %dma_wait3A_343 = arith.constant 0 : i32
          %dma_wait3A_344 = arith.constant 0 : i32
          %dma_wait3A_345 = tpu.memref_slice %arg3[%add3A_328, %dma_wait3A_343, %dma_wait3A_344] : memref<2500x2x128xi32, #tpu.memory_space<hbm>> -> memref<1x2x128xi32, #tpu.memory_space<hbm>>
          %dma_wait3A_346 = tpu.memref_squeeze %dma_wait3A_345 : memref<1x2x128xi32, #tpu.memory_space<hbm>> -> memref<2x128xi32, #tpu.memory_space<hbm>>
          tpu.wait_dma2 semaphore(%arg9 : memref<!tpu.dma_semaphore, #tpu.memory_space<semaphore_mem>>) src(%dma_wait3A_346 : memref<2x128xi32, #tpu.memory_space<hbm>>) dst(%dma_wait3A_342 : memref<2x128xi32, #tpu.memory_space<vmem>>)
        } else {
        }
        %ge3A = arith.constant 1 : i32
        %ge3A_312 = arith.cmpi sge, %add3A_255, %ge3A : i32
        %convert_element_type3A_313 = arith.extui %ge3A_312 : i1 to i32
        %cond3A_314 = arith.constant 0 : i32
        %cond3A_315 = arith.cmpi ne, %convert_element_type3A_313, %cond3A_314 : i32
        scf.if %cond3A_315 {
          %sub3A_326 = arith.constant 1 : i32
          %sub3A_327 = arith.subi %add3A_255, %sub3A_326 : i32
          %rem3A_328 = arith.constant 3 : i32
          %rem3A_329 = arith.remsi %sub3A_327, %rem3A_328 : i32
          %rem3A_330 = arith.constant 4 : i32
          %rem3A_331 = arith.remsi %sub3A_327, %rem3A_330 : i32
          %dma_wait3A_332 = arith.constant 1 : i32
          %dma_wait3A_333 = arith.constant 0 : i32
          %dma_wait3A_334 = arith.constant 0 : i32
          %dma_wait3A_335 = tpu.memref_slice %arg7[%rem3A_329, %dma_wait3A_333, %dma_wait3A_334] : memref<3x128x128xf32, #tpu.memory_space<vmem>> -> memref<1x128x128xf32, #tpu.memory_space<vmem>>
          %dma_wait3A_336 = tpu.memref_squeeze %dma_wait3A_335 : memref<1x128x128xf32, #tpu.memory_space<vmem>> -> memref<128x128xf32, #tpu.memory_space<vmem>>
          %dma_wait3A_337 = arith.constant 0 : i32
          %dma_wait3A_338 = tpu.memref_slice %arg8[%rem3A_331, %dma_wait3A_332, %dma_wait3A_337] : memref<4x2x128xi32, #tpu.memory_space<vmem>> -> memref<1x1x128xi32, #tpu.memory_space<vmem>>
          %dma_wait3A_339 = tpu.memref_squeeze %dma_wait3A_338 : memref<1x1x128xi32, #tpu.memory_space<vmem>> -> memref<128xi32, #tpu.memory_space<vmem>>
          %dma_wait3A_340 = arith.constant 0 : i32
          %dma_wait3A_341 = arith.constant 0 : i32
          %dma_wait3A_342 = tpu.memref_slice %arg6[%dma_wait3A_340, %dma_wait3A_341] : memref<10112x128xf32, #tpu.memory_space<vmem_shared>> -> memref<10112x128xf32, #tpu.memory_space<vmem_shared>>
          tpu.wait_indirect_dma semaphore(%arg15 : memref<!tpu.dma_semaphore, #tpu.memory_space<semaphore_mem>>) src(%dma_wait3A_336 : memref<128x128xf32, #tpu.memory_space<vmem>>) dst(%dma_wait3A_342 : memref<10112x128xf32, #tpu.memory_space<vmem_shared>>)
        } else {
        }
        %lt3A_316 = arith.cmpi slt, %add3A_307, %add3A_4 : i32
        %convert_element_type3A_317 = arith.extui %lt3A_316 : i1 to i32
        %cond3A_318 = arith.constant 0 : i32
        %cond3A_319 = arith.cmpi ne, %convert_element_type3A_317, %cond3A_318 : i32
        scf.if %cond3A_319 {
          %rem3A_326 = arith.constant 4 : i32
          %rem3A_327 = arith.remsi %add3A_307, %rem3A_326 : i32
          %rem3A_328 = arith.constant 3 : i32
          %rem3A_329 = arith.remsi %add3A_307, %rem3A_328 : i32
          %dma_start3A_330 = arith.constant 0 : i32
          %dma_start3A_331 = arith.constant 0 : i32
          %dma_start3A_332 = arith.constant 0 : i32
          %dma_start3A_333 = tpu.memref_slice %arg7[%rem3A_329, %dma_start3A_331, %dma_start3A_332] : memref<3x128x128xf32, #tpu.memory_space<vmem>> -> memref<1x128x128xf32, #tpu.memory_space<vmem>>
          %dma_start3A_334 = tpu.memref_squeeze %dma_start3A_333 : memref<1x128x128xf32, #tpu.memory_space<vmem>> -> memref<128x128xf32, #tpu.memory_space<vmem>>
          %dma_start3A_335 = arith.constant 0 : i32
          %dma_start3A_336 = tpu.memref_slice %arg8[%rem3A_327, %dma_start3A_330, %dma_start3A_335] : memref<4x2x128xi32, #tpu.memory_space<vmem>> -> memref<1x1x128xi32, #tpu.memory_space<vmem>>
          %dma_start3A_337 = tpu.memref_squeeze %dma_start3A_336 : memref<1x1x128xi32, #tpu.memory_space<vmem>> -> memref<128xi32, #tpu.memory_space<vmem>>
          %dma_start3A_338 = arith.constant 0 : i32
          %dma_start3A_339 = arith.constant 0 : i32
          %dma_start3A_340 = tpu.memref_slice %arg2[%dma_start3A_338, %dma_start3A_339] : memref<10000x128xf32, #tpu.memory_space<hbm>> -> memref<10000x128xf32, #tpu.memory_space<hbm>>
          tpu.enqueue_indirect_dma source(%dma_start3A_340 : memref<10000x128xf32, #tpu.memory_space<hbm>>) target(%dma_start3A_334 : memref<128x128xf32, #tpu.memory_space<vmem>>) offsets(%dma_start3A_337 : memref<128xi32, #tpu.memory_space<vmem>>) semaphore(%arg12 : memref<!tpu.dma_semaphore, #tpu.memory_space<semaphore_mem>>)
        } else {
        }
        %add3A_320 = arith.constant 3 : i32
        %add3A_321 = arith.addi %add3A_255, %add3A_320 : i32
        %lt3A_322 = arith.cmpi slt, %add3A_321, %add3A_4 : i32
        %convert_element_type3A_323 = arith.extui %lt3A_322 : i1 to i32
        %cond3A_324 = arith.constant 0 : i32
        %cond3A_325 = arith.cmpi ne, %convert_element_type3A_323, %cond3A_324 : i32
        scf.if %cond3A_325 {
          %add3A_326 = arith.constant 3 : i32
          %add3A_327 = arith.addi %add3A_255, %add3A_326 : i32
          %mul3A_328 = arith.constant 32 : i32
          %mul3A_329 = arith.muli %add3A_327, %mul3A_328 : i32
          %add3A_330 = arith.addi %add3A, %mul3A_329 : i32
          %rem3A_331 = arith.constant 4 : i32
          %rem3A_332 = arith.remsi %add3A_327, %rem3A_331 : i32
          %dma_start3A_333 = arith.constant 0 : i32
          %dma_start3A_334 = arith.constant 0 : i32
          %dma_start3A_335 = tpu.memref_slice %arg8[%rem3A_332, %dma_start3A_333, %dma_start3A_334] : memref<4x2x128xi32, #tpu.memory_space<vmem>> -> memref<1x2x128xi32, #tpu.memory_space<vmem>>
          %dma_start3A_336 = tpu.memref_squeeze %dma_start3A_335 : memref<1x2x128xi32, #tpu.memory_space<vmem>> -> memref<2x128xi32, #tpu.memory_space<vmem>>
          %dma_start3A_337 = arith.constant 0 : i32
          %dma_start3A_338 = arith.constant 0 : i32
          %dma_start3A_339 = tpu.memref_slice %arg3[%add3A_330, %dma_start3A_337, %dma_start3A_338] : memref<2500x2x128xi32, #tpu.memory_space<hbm>> -> memref<1x2x128xi32, #tpu.memory_space<hbm>>
          %dma_start3A_340 = tpu.memref_squeeze %dma_start3A_339 : memref<1x2x128xi32, #tpu.memory_space<hbm>> -> memref<2x128xi32, #tpu.memory_space<hbm>>
          %dma_start3A_341 = arith.constant 0 : i32
          %dma_start3A_342 = arith.constant 0 : i32
          %dma_start3A_343 = tpu.memref_slice %arg8[%rem3A_332, %dma_start3A_341, %dma_start3A_342] : memref<4x2x128xi32, #tpu.memory_space<vmem>> -> memref<1x2x128xi32, #tpu.memory_space<vmem>>
          %dma_start3A_344 = tpu.memref_squeeze %dma_start3A_343 : memref<1x2x128xi32, #tpu.memory_space<vmem>> -> memref<2x128xi32, #tpu.memory_space<vmem>>
          %dma_start3A_345 = arith.constant 0 : i32
          %dma_start3A_346 = arith.constant 0 : i32
          %dma_start3A_347 = tpu.memref_slice %arg3[%add3A_330, %dma_start3A_345, %dma_start3A_346] : memref<2500x2x128xi32, #tpu.memory_space<hbm>> -> memref<1x2x128xi32, #tpu.memory_space<hbm>>
          %dma_start3A_348 = tpu.memref_squeeze %dma_start3A_347 : memref<1x2x128xi32, #tpu.memory_space<hbm>> -> memref<2x128xi32, #tpu.memory_space<hbm>>
          tpu.enqueue_dma source(%dma_start3A_348 : memref<2x128xi32, #tpu.memory_space<hbm>>) target(%dma_start3A_344 : memref<2x128xi32, #tpu.memory_space<vmem>>) target_semaphore(%arg9 : memref<!tpu.dma_semaphore, #tpu.memory_space<semaphore_mem>>)
        } else {
        }
      } else {
      }
      %mul3A_260 = arith.constant 3 : i32
      %mul3A_261 = arith.muli %while3A_251, %mul3A_260 : i32
      %add3A_262 = arith.constant 1 : i32
      %add3A_263 = arith.addi %mul3A_261, %add3A_262 : i32
      %lt3A_264 = arith.cmpi slt, %add3A_263, %add3A_4 : i32
      %convert_element_type3A_265 = arith.extui %lt3A_264 : i1 to i32
      %cond3A_266 = arith.constant 0 : i32
      %cond3A_267 = arith.cmpi ne, %convert_element_type3A_265, %cond3A_266 : i32
      scf.if %cond3A_267 {
        %rem3A_276 = arith.constant 4 : i32
        %rem3A_277 = arith.remsi %add3A_263, %rem3A_276 : i32
        %rem3A_278 = arith.constant 3 : i32
        %rem3A_279 = arith.remsi %add3A_263, %rem3A_278 : i32
        %dma_wait3A_280 = arith.constant 0 : i32
        %dma_wait3A_281 = arith.constant 0 : i32
        %dma_wait3A_282 = arith.constant 0 : i32
        %dma_wait3A_283 = tpu.memref_slice %arg7[%rem3A_279, %dma_wait3A_281, %dma_wait3A_282] : memref<3x128x128xf32, #tpu.memory_space<vmem>> -> memref<1x128x128xf32, #tpu.memory_space<vmem>>
        %dma_wait3A_284 = tpu.memref_squeeze %dma_wait3A_283 : memref<1x128x128xf32, #tpu.memory_space<vmem>> -> memref<128x128xf32, #tpu.memory_space<vmem>>
        %dma_wait3A_285 = arith.constant 0 : i32
        %dma_wait3A_286 = tpu.memref_slice %arg8[%rem3A_277, %dma_wait3A_280, %dma_wait3A_285] : memref<4x2x128xi32, #tpu.memory_space<vmem>> -> memref<1x1x128xi32, #tpu.memory_space<vmem>>
        %dma_wait3A_287 = tpu.memref_squeeze %dma_wait3A_286 : memref<1x1x128xi32, #tpu.memory_space<vmem>> -> memref<128xi32, #tpu.memory_space<vmem>>
        %dma_wait3A_288 = arith.constant 0 : i32
        %dma_wait3A_289 = arith.constant 0 : i32
        %dma_wait3A_290 = tpu.memref_slice %arg2[%dma_wait3A_288, %dma_wait3A_289] : memref<10000x128xf32, #tpu.memory_space<hbm>> -> memref<10000x128xf32, #tpu.memory_space<hbm>>
        tpu.wait_indirect_dma semaphore(%arg11 : memref<!tpu.dma_semaphore, #tpu.memory_space<semaphore_mem>>) src(%dma_wait3A_290 : memref<10000x128xf32, #tpu.memory_space<hbm>>) dst(%dma_wait3A_284 : memref<128x128xf32, #tpu.memory_space<vmem>>)
        %rem3A_291 = arith.constant 3 : i32
        %rem3A_292 = arith.remsi %add3A_263, %rem3A_291 : i32
        %rem3A_293 = arith.constant 4 : i32
        %rem3A_294 = arith.remsi %add3A_263, %rem3A_293 : i32
        %dma_start3A_295 = arith.constant 1 : i32
        %dma_start3A_296 = arith.constant 0 : i32
        %dma_start3A_297 = arith.constant 0 : i32
        %dma_start3A_298 = tpu.memref_slice %arg7[%rem3A_292, %dma_start3A_296, %dma_start3A_297] : memref<3x128x128xf32, #tpu.memory_space<vmem>> -> memref<1x128x128xf32, #tpu.memory_space<vmem>>
        %dma_start3A_299 = tpu.memref_squeeze %dma_start3A_298 : memref<1x128x128xf32, #tpu.memory_space<vmem>> -> memref<128x128xf32, #tpu.memory_space<vmem>>
        %dma_start3A_300 = arith.constant 0 : i32
        %dma_start3A_301 = tpu.memref_slice %arg8[%rem3A_294, %dma_start3A_295, %dma_start3A_300] : memref<4x2x128xi32, #tpu.memory_space<vmem>> -> memref<1x1x128xi32, #tpu.memory_space<vmem>>
        %dma_start3A_302 = tpu.memref_squeeze %dma_start3A_301 : memref<1x1x128xi32, #tpu.memory_space<vmem>> -> memref<128xi32, #tpu.memory_space<vmem>>
        %dma_start3A_303 = arith.constant 0 : i32
        %dma_start3A_304 = arith.constant 0 : i32
        %dma_start3A_305 = tpu.memref_slice %arg6[%dma_start3A_303, %dma_start3A_304] : memref<10112x128xf32, #tpu.memory_space<vmem_shared>> -> memref<10112x128xf32, #tpu.memory_space<vmem_shared>>
        tpu.enqueue_indirect_dma source(%dma_start3A_299 : memref<128x128xf32, #tpu.memory_space<vmem>>) target(%dma_start3A_305 : memref<10112x128xf32, #tpu.memory_space<vmem_shared>>) offsets(%dma_start3A_302 : memref<128xi32, #tpu.memory_space<vmem>>) semaphore(%arg14 : memref<!tpu.dma_semaphore, #tpu.memory_space<semaphore_mem>>) {add = true}
        %add3A_306 = arith.constant 2 : i32
        %add3A_307 = arith.addi %add3A_263, %add3A_306 : i32
        %lt3A_308 = arith.cmpi slt, %add3A_307, %add3A_4 : i32
        %convert_element_type3A_309 = arith.extui %lt3A_308 : i1 to i32
        %cond3A_310 = arith.constant 0 : i32
        %cond3A_311 = arith.cmpi ne, %convert_element_type3A_309, %cond3A_310 : i32
        scf.if %cond3A_311 {
          %mul3A_339 = arith.constant 32 : i32
          %mul3A_340 = arith.muli %add3A_307, %mul3A_339 : i32
          %add3A_341 = arith.addi %add3A, %mul3A_340 : i32
          %rem3A_342 = arith.constant 4 : i32
          %rem3A_343 = arith.remsi %add3A_307, %rem3A_342 : i32
          %dma_wait3A_344 = arith.constant 0 : i32
          %dma_wait3A_345 = arith.constant 0 : i32
          %dma_wait3A_346 = tpu.memref_slice %arg8[%rem3A_343, %dma_wait3A_344, %dma_wait3A_345] : memref<4x2x128xi32, #tpu.memory_space<vmem>> -> memref<1x2x128xi32, #tpu.memory_space<vmem>>
          %dma_wait3A_347 = tpu.memref_squeeze %dma_wait3A_346 : memref<1x2x128xi32, #tpu.memory_space<vmem>> -> memref<2x128xi32, #tpu.memory_space<vmem>>
          %dma_wait3A_348 = arith.constant 0 : i32
          %dma_wait3A_349 = arith.constant 0 : i32
          %dma_wait3A_350 = tpu.memref_slice %arg3[%add3A_341, %dma_wait3A_348, %dma_wait3A_349] : memref<2500x2x128xi32, #tpu.memory_space<hbm>> -> memref<1x2x128xi32, #tpu.memory_space<hbm>>
          %dma_wait3A_351 = tpu.memref_squeeze %dma_wait3A_350 : memref<1x2x128xi32, #tpu.memory_space<hbm>> -> memref<2x128xi32, #tpu.memory_space<hbm>>
          %dma_wait3A_352 = arith.constant 0 : i32
          %dma_wait3A_353 = arith.constant 0 : i32
          %dma_wait3A_354 = tpu.memref_slice %arg8[%rem3A_343, %dma_wait3A_352, %dma_wait3A_353] : memref<4x2x128xi32, #tpu.memory_space<vmem>> -> memref<1x2x128xi32, #tpu.memory_space<vmem>>
          %dma_wait3A_355 = tpu.memref_squeeze %dma_wait3A_354 : memref<1x2x128xi32, #tpu.memory_space<vmem>> -> memref<2x128xi32, #tpu.memory_space<vmem>>
          %dma_wait3A_356 = arith.constant 0 : i32
          %dma_wait3A_357 = arith.constant 0 : i32
          %dma_wait3A_358 = tpu.memref_slice %arg3[%add3A_341, %dma_wait3A_356, %dma_wait3A_357] : memref<2500x2x128xi32, #tpu.memory_space<hbm>> -> memref<1x2x128xi32, #tpu.memory_space<hbm>>
          %dma_wait3A_359 = tpu.memref_squeeze %dma_wait3A_358 : memref<1x2x128xi32, #tpu.memory_space<hbm>> -> memref<2x128xi32, #tpu.memory_space<hbm>>
          tpu.wait_dma2 semaphore(%arg9 : memref<!tpu.dma_semaphore, #tpu.memory_space<semaphore_mem>>) src(%dma_wait3A_359 : memref<2x128xi32, #tpu.memory_space<hbm>>) dst(%dma_wait3A_355 : memref<2x128xi32, #tpu.memory_space<vmem>>)
        } else {
        }
        %sub3A_312 = arith.constant 1 : i32
        %sub3A_313 = arith.subi %add3A_263, %sub3A_312 : i32
        %rem3A_314 = arith.constant 3 : i32
        %rem3A_315 = arith.remsi %sub3A_313, %rem3A_314 : i32
        %rem3A_316 = arith.constant 4 : i32
        %rem3A_317 = arith.remsi %sub3A_313, %rem3A_316 : i32
        %dma_wait3A_318 = arith.constant 1 : i32
        %dma_wait3A_319 = arith.constant 0 : i32
        %dma_wait3A_320 = arith.constant 0 : i32
        %dma_wait3A_321 = tpu.memref_slice %arg7[%rem3A_315, %dma_wait3A_319, %dma_wait3A_320] : memref<3x128x128xf32, #tpu.memory_space<vmem>> -> memref<1x128x128xf32, #tpu.memory_space<vmem>>
        %dma_wait3A_322 = tpu.memref_squeeze %dma_wait3A_321 : memref<1x128x128xf32, #tpu.memory_space<vmem>> -> memref<128x128xf32, #tpu.memory_space<vmem>>
        %dma_wait3A_323 = arith.constant 0 : i32
        %dma_wait3A_324 = tpu.memref_slice %arg8[%rem3A_317, %dma_wait3A_318, %dma_wait3A_323] : memref<4x2x128xi32, #tpu.memory_space<vmem>> -> memref<1x1x128xi32, #tpu.memory_space<vmem>>
        %dma_wait3A_325 = tpu.memref_squeeze %dma_wait3A_324 : memref<1x1x128xi32, #tpu.memory_space<vmem>> -> memref<128xi32, #tpu.memory_space<vmem>>
        %dma_wait3A_326 = arith.constant 0 : i32
        %dma_wait3A_327 = arith.constant 0 : i32
        %dma_wait3A_328 = tpu.memref_slice %arg6[%dma_wait3A_326, %dma_wait3A_327] : memref<10112x128xf32, #tpu.memory_space<vmem_shared>> -> memref<10112x128xf32, #tpu.memory_space<vmem_shared>>
        tpu.wait_indirect_dma semaphore(%arg13 : memref<!tpu.dma_semaphore, #tpu.memory_space<semaphore_mem>>) src(%dma_wait3A_322 : memref<128x128xf32, #tpu.memory_space<vmem>>) dst(%dma_wait3A_328 : memref<10112x128xf32, #tpu.memory_space<vmem_shared>>)
        %lt3A_329 = arith.cmpi slt, %add3A_307, %add3A_4 : i32
        %convert_element_type3A_330 = arith.extui %lt3A_329 : i1 to i32
        %cond3A_331 = arith.constant 0 : i32
        %cond3A_332 = arith.cmpi ne, %convert_element_type3A_330, %cond3A_331 : i32
        scf.if %cond3A_332 {
          %rem3A_339 = arith.constant 4 : i32
          %rem3A_340 = arith.remsi %add3A_307, %rem3A_339 : i32
          %rem3A_341 = arith.constant 3 : i32
          %rem3A_342 = arith.remsi %add3A_307, %rem3A_341 : i32
          %dma_start3A_343 = arith.constant 0 : i32
          %dma_start3A_344 = arith.constant 0 : i32
          %dma_start3A_345 = arith.constant 0 : i32
          %dma_start3A_346 = tpu.memref_slice %arg7[%rem3A_342, %dma_start3A_344, %dma_start3A_345] : memref<3x128x128xf32, #tpu.memory_space<vmem>> -> memref<1x128x128xf32, #tpu.memory_space<vmem>>
          %dma_start3A_347 = tpu.memref_squeeze %dma_start3A_346 : memref<1x128x128xf32, #tpu.memory_space<vmem>> -> memref<128x128xf32, #tpu.memory_space<vmem>>
          %dma_start3A_348 = arith.constant 0 : i32
          %dma_start3A_349 = tpu.memref_slice %arg8[%rem3A_340, %dma_start3A_343, %dma_start3A_348] : memref<4x2x128xi32, #tpu.memory_space<vmem>> -> memref<1x1x128xi32, #tpu.memory_space<vmem>>
          %dma_start3A_350 = tpu.memref_squeeze %dma_start3A_349 : memref<1x1x128xi32, #tpu.memory_space<vmem>> -> memref<128xi32, #tpu.memory_space<vmem>>
          %dma_start3A_351 = arith.constant 0 : i32
          %dma_start3A_352 = arith.constant 0 : i32
          %dma_start3A_353 = tpu.memref_slice %arg2[%dma_start3A_351, %dma_start3A_352] : memref<10000x128xf32, #tpu.memory_space<hbm>> -> memref<10000x128xf32, #tpu.memory_space<hbm>>
          tpu.enqueue_indirect_dma source(%dma_start3A_353 : memref<10000x128xf32, #tpu.memory_space<hbm>>) target(%dma_start3A_347 : memref<128x128xf32, #tpu.memory_space<vmem>>) offsets(%dma_start3A_350 : memref<128xi32, #tpu.memory_space<vmem>>) semaphore(%arg10 : memref<!tpu.dma_semaphore, #tpu.memory_space<semaphore_mem>>)
        } else {
        }
        %add3A_333 = arith.constant 3 : i32
        %add3A_334 = arith.addi %add3A_263, %add3A_333 : i32
        %lt3A_335 = arith.cmpi slt, %add3A_334, %add3A_4 : i32
        %convert_element_type3A_336 = arith.extui %lt3A_335 : i1 to i32
        %cond3A_337 = arith.constant 0 : i32
        %cond3A_338 = arith.cmpi ne, %convert_element_type3A_336, %cond3A_337 : i32
        scf.if %cond3A_338 {
          %add3A_339 = arith.constant 3 : i32
          %add3A_340 = arith.addi %add3A_263, %add3A_339 : i32
          %mul3A_341 = arith.constant 32 : i32
          %mul3A_342 = arith.muli %add3A_340, %mul3A_341 : i32
          %add3A_343 = arith.addi %add3A, %mul3A_342 : i32
          %rem3A_344 = arith.constant 4 : i32
          %rem3A_345 = arith.remsi %add3A_340, %rem3A_344 : i32
          %dma_start3A_346 = arith.constant 0 : i32
          %dma_start3A_347 = arith.constant 0 : i32
          %dma_start3A_348 = tpu.memref_slice %arg8[%rem3A_345, %dma_start3A_346, %dma_start3A_347] : memref<4x2x128xi32, #tpu.memory_space<vmem>> -> memref<1x2x128xi32, #tpu.memory_space<vmem>>
          %dma_start3A_349 = tpu.memref_squeeze %dma_start3A_348 : memref<1x2x128xi32, #tpu.memory_space<vmem>> -> memref<2x128xi32, #tpu.memory_space<vmem>>
          %dma_start3A_350 = arith.constant 0 : i32
          %dma_start3A_351 = arith.constant 0 : i32
          %dma_start3A_352 = tpu.memref_slice %arg3[%add3A_343, %dma_start3A_350, %dma_start3A_351] : memref<2500x2x128xi32, #tpu.memory_space<hbm>> -> memref<1x2x128xi32, #tpu.memory_space<hbm>>
          %dma_start3A_353 = tpu.memref_squeeze %dma_start3A_352 : memref<1x2x128xi32, #tpu.memory_space<hbm>> -> memref<2x128xi32, #tpu.memory_space<hbm>>
          %dma_start3A_354 = arith.constant 0 : i32
          %dma_start3A_355 = arith.constant 0 : i32
          %dma_start3A_356 = tpu.memref_slice %arg8[%rem3A_345, %dma_start3A_354, %dma_start3A_355] : memref<4x2x128xi32, #tpu.memory_space<vmem>> -> memref<1x2x128xi32, #tpu.memory_space<vmem>>
          %dma_start3A_357 = tpu.memref_squeeze %dma_start3A_356 : memref<1x2x128xi32, #tpu.memory_space<vmem>> -> memref<2x128xi32, #tpu.memory_space<vmem>>
          %dma_start3A_358 = arith.constant 0 : i32
          %dma_start3A_359 = arith.constant 0 : i32
          %dma_start3A_360 = tpu.memref_slice %arg3[%add3A_343, %dma_start3A_358, %dma_start3A_359] : memref<2500x2x128xi32, #tpu.memory_space<hbm>> -> memref<1x2x128xi32, #tpu.memory_space<hbm>>
          %dma_start3A_361 = tpu.memref_squeeze %dma_start3A_360 : memref<1x2x128xi32, #tpu.memory_space<hbm>> -> memref<2x128xi32, #tpu.memory_space<hbm>>
          tpu.enqueue_dma source(%dma_start3A_361 : memref<2x128xi32, #tpu.memory_space<hbm>>) target(%dma_start3A_357 : memref<2x128xi32, #tpu.memory_space<vmem>>) target_semaphore(%arg9 : memref<!tpu.dma_semaphore, #tpu.memory_space<semaphore_mem>>)
        } else {
        }
      } else {
      }
      %mul3A_268 = arith.constant 3 : i32
      %mul3A_269 = arith.muli %while3A_251, %mul3A_268 : i32
      %add3A_270 = arith.constant 2 : i32
      %add3A_271 = arith.addi %mul3A_269, %add3A_270 : i32
      %lt3A_272 = arith.cmpi slt, %add3A_271, %add3A_4 : i32
      %convert_element_type3A_273 = arith.extui %lt3A_272 : i1 to i32
      %cond3A_274 = arith.constant 0 : i32
      %cond3A_275 = arith.cmpi ne, %convert_element_type3A_273, %cond3A_274 : i32
      scf.if %cond3A_275 {
        %rem3A_276 = arith.constant 4 : i32
        %rem3A_277 = arith.remsi %add3A_271, %rem3A_276 : i32
        %rem3A_278 = arith.constant 3 : i32
        %rem3A_279 = arith.remsi %add3A_271, %rem3A_278 : i32
        %dma_wait3A_280 = arith.constant 0 : i32
        %dma_wait3A_281 = arith.constant 0 : i32
        %dma_wait3A_282 = arith.constant 0 : i32
        %dma_wait3A_283 = tpu.memref_slice %arg7[%rem3A_279, %dma_wait3A_281, %dma_wait3A_282] : memref<3x128x128xf32, #tpu.memory_space<vmem>> -> memref<1x128x128xf32, #tpu.memory_space<vmem>>
        %dma_wait3A_284 = tpu.memref_squeeze %dma_wait3A_283 : memref<1x128x128xf32, #tpu.memory_space<vmem>> -> memref<128x128xf32, #tpu.memory_space<vmem>>
        %dma_wait3A_285 = arith.constant 0 : i32
        %dma_wait3A_286 = tpu.memref_slice %arg8[%rem3A_277, %dma_wait3A_280, %dma_wait3A_285] : memref<4x2x128xi32, #tpu.memory_space<vmem>> -> memref<1x1x128xi32, #tpu.memory_space<vmem>>
        %dma_wait3A_287 = tpu.memref_squeeze %dma_wait3A_286 : memref<1x1x128xi32, #tpu.memory_space<vmem>> -> memref<128xi32, #tpu.memory_space<vmem>>
        %dma_wait3A_288 = arith.constant 0 : i32
        %dma_wait3A_289 = arith.constant 0 : i32
        %dma_wait3A_290 = tpu.memref_slice %arg2[%dma_wait3A_288, %dma_wait3A_289] : memref<10000x128xf32, #tpu.memory_space<hbm>> -> memref<10000x128xf32, #tpu.memory_space<hbm>>
        tpu.wait_indirect_dma semaphore(%arg12 : memref<!tpu.dma_semaphore, #tpu.memory_space<semaphore_mem>>) src(%dma_wait3A_290 : memref<10000x128xf32, #tpu.memory_space<hbm>>) dst(%dma_wait3A_284 : memref<128x128xf32, #tpu.memory_space<vmem>>)
        %rem3A_291 = arith.constant 3 : i32
        %rem3A_292 = arith.remsi %add3A_271, %rem3A_291 : i32
        %rem3A_293 = arith.constant 4 : i32
        %rem3A_294 = arith.remsi %add3A_271, %rem3A_293 : i32
        %dma_start3A_295 = arith.constant 1 : i32
        %dma_start3A_296 = arith.constant 0 : i32
        %dma_start3A_297 = arith.constant 0 : i32
        %dma_start3A_298 = tpu.memref_slice %arg7[%rem3A_292, %dma_start3A_296, %dma_start3A_297] : memref<3x128x128xf32, #tpu.memory_space<vmem>> -> memref<1x128x128xf32, #tpu.memory_space<vmem>>
        %dma_start3A_299 = tpu.memref_squeeze %dma_start3A_298 : memref<1x128x128xf32, #tpu.memory_space<vmem>> -> memref<128x128xf32, #tpu.memory_space<vmem>>
        %dma_start3A_300 = arith.constant 0 : i32
        %dma_start3A_301 = tpu.memref_slice %arg8[%rem3A_294, %dma_start3A_295, %dma_start3A_300] : memref<4x2x128xi32, #tpu.memory_space<vmem>> -> memref<1x1x128xi32, #tpu.memory_space<vmem>>
        %dma_start3A_302 = tpu.memref_squeeze %dma_start3A_301 : memref<1x1x128xi32, #tpu.memory_space<vmem>> -> memref<128xi32, #tpu.memory_space<vmem>>
        %dma_start3A_303 = arith.constant 0 : i32
        %dma_start3A_304 = arith.constant 0 : i32
        %dma_start3A_305 = tpu.memref_slice %arg6[%dma_start3A_303, %dma_start3A_304] : memref<10112x128xf32, #tpu.memory_space<vmem_shared>> -> memref<10112x128xf32, #tpu.memory_space<vmem_shared>>
        tpu.enqueue_indirect_dma source(%dma_start3A_299 : memref<128x128xf32, #tpu.memory_space<vmem>>) target(%dma_start3A_305 : memref<10112x128xf32, #tpu.memory_space<vmem_shared>>) offsets(%dma_start3A_302 : memref<128xi32, #tpu.memory_space<vmem>>) semaphore(%arg15 : memref<!tpu.dma_semaphore, #tpu.memory_space<semaphore_mem>>) {add = true}
        %add3A_306 = arith.constant 2 : i32
        %add3A_307 = arith.addi %add3A_271, %add3A_306 : i32
        %lt3A_308 = arith.cmpi slt, %add3A_307, %add3A_4 : i32
        %convert_element_type3A_309 = arith.extui %lt3A_308 : i1 to i32
        %cond3A_310 = arith.constant 0 : i32
        %cond3A_311 = arith.cmpi ne, %convert_element_type3A_309, %cond3A_310 : i32
        scf.if %cond3A_311 {
          %mul3A_339 = arith.constant 32 : i32
          %mul3A_340 = arith.muli %add3A_307, %mul3A_339 : i32
          %add3A_341 = arith.addi %add3A, %mul3A_340 : i32
          %rem3A_342 = arith.constant 4 : i32
          %rem3A_343 = arith.remsi %add3A_307, %rem3A_342 : i32
          %dma_wait3A_344 = arith.constant 0 : i32
          %dma_wait3A_345 = arith.constant 0 : i32
          %dma_wait3A_346 = tpu.memref_slice %arg8[%rem3A_343, %dma_wait3A_344, %dma_wait3A_345] : memref<4x2x128xi32, #tpu.memory_space<vmem>> -> memref<1x2x128xi32, #tpu.memory_space<vmem>>
          %dma_wait3A_347 = tpu.memref_squeeze %dma_wait3A_346 : memref<1x2x128xi32, #tpu.memory_space<vmem>> -> memref<2x128xi32, #tpu.memory_space<vmem>>
          %dma_wait3A_348 = arith.constant 0 : i32
          %dma_wait3A_349 = arith.constant 0 : i32
          %dma_wait3A_350 = tpu.memref_slice %arg3[%add3A_341, %dma_wait3A_348, %dma_wait3A_349] : memref<2500x2x128xi32, #tpu.memory_space<hbm>> -> memref<1x2x128xi32, #tpu.memory_space<hbm>>
          %dma_wait3A_351 = tpu.memref_squeeze %dma_wait3A_350 : memref<1x2x128xi32, #tpu.memory_space<hbm>> -> memref<2x128xi32, #tpu.memory_space<hbm>>
          %dma_wait3A_352 = arith.constant 0 : i32
          %dma_wait3A_353 = arith.constant 0 : i32
          %dma_wait3A_354 = tpu.memref_slice %arg8[%rem3A_343, %dma_wait3A_352, %dma_wait3A_353] : memref<4x2x128xi32, #tpu.memory_space<vmem>> -> memref<1x2x128xi32, #tpu.memory_space<vmem>>
          %dma_wait3A_355 = tpu.memref_squeeze %dma_wait3A_354 : memref<1x2x128xi32, #tpu.memory_space<vmem>> -> memref<2x128xi32, #tpu.memory_space<vmem>>
          %dma_wait3A_356 = arith.constant 0 : i32
          %dma_wait3A_357 = arith.constant 0 : i32
          %dma_wait3A_358 = tpu.memref_slice %arg3[%add3A_341, %dma_wait3A_356, %dma_wait3A_357] : memref<2500x2x128xi32, #tpu.memory_space<hbm>> -> memref<1x2x128xi32, #tpu.memory_space<hbm>>
          %dma_wait3A_359 = tpu.memref_squeeze %dma_wait3A_358 : memref<1x2x128xi32, #tpu.memory_space<hbm>> -> memref<2x128xi32, #tpu.memory_space<hbm>>
          tpu.wait_dma2 semaphore(%arg9 : memref<!tpu.dma_semaphore, #tpu.memory_space<semaphore_mem>>) src(%dma_wait3A_359 : memref<2x128xi32, #tpu.memory_space<hbm>>) dst(%dma_wait3A_355 : memref<2x128xi32, #tpu.memory_space<vmem>>)
        } else {
        }
        %sub3A_312 = arith.constant 1 : i32
        %sub3A_313 = arith.subi %add3A_271, %sub3A_312 : i32
        %rem3A_314 = arith.constant 3 : i32
        %rem3A_315 = arith.remsi %sub3A_313, %rem3A_314 : i32
        %rem3A_316 = arith.constant 4 : i32
        %rem3A_317 = arith.remsi %sub3A_313, %rem3A_316 : i32
        %dma_wait3A_318 = arith.constant 1 : i32
        %dma_wait3A_319 = arith.constant 0 : i32
        %dma_wait3A_320 = arith.constant 0 : i32
        %dma_wait3A_321 = tpu.memref_slice %arg7[%rem3A_315, %dma_wait3A_319, %dma_wait3A_320] : memref<3x128x128xf32, #tpu.memory_space<vmem>> -> memref<1x128x128xf32, #tpu.memory_space<vmem>>
        %dma_wait3A_322 = tpu.memref_squeeze %dma_wait3A_321 : memref<1x128x128xf32, #tpu.memory_space<vmem>> -> memref<128x128xf32, #tpu.memory_space<vmem>>
        %dma_wait3A_323 = arith.constant 0 : i32
        %dma_wait3A_324 = tpu.memref_slice %arg8[%rem3A_317, %dma_wait3A_318, %dma_wait3A_323] : memref<4x2x128xi32, #tpu.memory_space<vmem>> -> memref<1x1x128xi32, #tpu.memory_space<vmem>>
        %dma_wait3A_325 = tpu.memref_squeeze %dma_wait3A_324 : memref<1x1x128xi32, #tpu.memory_space<vmem>> -> memref<128xi32, #tpu.memory_space<vmem>>
        %dma_wait3A_326 = arith.constant 0 : i32
        %dma_wait3A_327 = arith.constant 0 : i32
        %dma_wait3A_328 = tpu.memref_slice %arg6[%dma_wait3A_326, %dma_wait3A_327] : memref<10112x128xf32, #tpu.memory_space<vmem_shared>> -> memref<10112x128xf32, #tpu.memory_space<vmem_shared>>
        tpu.wait_indirect_dma semaphore(%arg14 : memref<!tpu.dma_semaphore, #tpu.memory_space<semaphore_mem>>) src(%dma_wait3A_322 : memref<128x128xf32, #tpu.memory_space<vmem>>) dst(%dma_wait3A_328 : memref<10112x128xf32, #tpu.memory_space<vmem_shared>>)
        %lt3A_329 = arith.cmpi slt, %add3A_307, %add3A_4 : i32
        %convert_element_type3A_330 = arith.extui %lt3A_329 : i1 to i32
        %cond3A_331 = arith.constant 0 : i32
        %cond3A_332 = arith.cmpi ne, %convert_element_type3A_330, %cond3A_331 : i32
        scf.if %cond3A_332 {
          %rem3A_339 = arith.constant 4 : i32
          %rem3A_340 = arith.remsi %add3A_307, %rem3A_339 : i32
          %rem3A_341 = arith.constant 3 : i32
          %rem3A_342 = arith.remsi %add3A_307, %rem3A_341 : i32
          %dma_start3A_343 = arith.constant 0 : i32
          %dma_start3A_344 = arith.constant 0 : i32
          %dma_start3A_345 = arith.constant 0 : i32
          %dma_start3A_346 = tpu.memref_slice %arg7[%rem3A_342, %dma_start3A_344, %dma_start3A_345] : memref<3x128x128xf32, #tpu.memory_space<vmem>> -> memref<1x128x128xf32, #tpu.memory_space<vmem>>
          %dma_start3A_347 = tpu.memref_squeeze %dma_start3A_346 : memref<1x128x128xf32, #tpu.memory_space<vmem>> -> memref<128x128xf32, #tpu.memory_space<vmem>>
          %dma_start3A_348 = arith.constant 0 : i32
          %dma_start3A_349 = tpu.memref_slice %arg8[%rem3A_340, %dma_start3A_343, %dma_start3A_348] : memref<4x2x128xi32, #tpu.memory_space<vmem>> -> memref<1x1x128xi32, #tpu.memory_space<vmem>>
          %dma_start3A_350 = tpu.memref_squeeze %dma_start3A_349 : memref<1x1x128xi32, #tpu.memory_space<vmem>> -> memref<128xi32, #tpu.memory_space<vmem>>
          %dma_start3A_351 = arith.constant 0 : i32
          %dma_start3A_352 = arith.constant 0 : i32
          %dma_start3A_353 = tpu.memref_slice %arg2[%dma_start3A_351, %dma_start3A_352] : memref<10000x128xf32, #tpu.memory_space<hbm>> -> memref<10000x128xf32, #tpu.memory_space<hbm>>
          tpu.enqueue_indirect_dma source(%dma_start3A_353 : memref<10000x128xf32, #tpu.memory_space<hbm>>) target(%dma_start3A_347 : memref<128x128xf32, #tpu.memory_space<vmem>>) offsets(%dma_start3A_350 : memref<128xi32, #tpu.memory_space<vmem>>) semaphore(%arg11 : memref<!tpu.dma_semaphore, #tpu.memory_space<semaphore_mem>>)
        } else {
        }
        %add3A_333 = arith.constant 3 : i32
        %add3A_334 = arith.addi %add3A_271, %add3A_333 : i32
        %lt3A_335 = arith.cmpi slt, %add3A_334, %add3A_4 : i32
        %convert_element_type3A_336 = arith.extui %lt3A_335 : i1 to i32
        %cond3A_337 = arith.constant 0 : i32
        %cond3A_338 = arith.cmpi ne, %convert_element_type3A_336, %cond3A_337 : i32
        scf.if %cond3A_338 {
          %add3A_339 = arith.constant 3 : i32
          %add3A_340 = arith.addi %add3A_271, %add3A_339 : i32
          %mul3A_341 = arith.constant 32 : i32
          %mul3A_342 = arith.muli %add3A_340, %mul3A_341 : i32
          %add3A_343 = arith.addi %add3A, %mul3A_342 : i32
          %rem3A_344 = arith.constant 4 : i32
          %rem3A_345 = arith.remsi %add3A_340, %rem3A_344 : i32
          %dma_start3A_346 = arith.constant 0 : i32
          %dma_start3A_347 = arith.constant 0 : i32
          %dma_start3A_348 = tpu.memref_slice %arg8[%rem3A_345, %dma_start3A_346, %dma_start3A_347] : memref<4x2x128xi32, #tpu.memory_space<vmem>> -> memref<1x2x128xi32, #tpu.memory_space<vmem>>
          %dma_start3A_349 = tpu.memref_squeeze %dma_start3A_348 : memref<1x2x128xi32, #tpu.memory_space<vmem>> -> memref<2x128xi32, #tpu.memory_space<vmem>>
          %dma_start3A_350 = arith.constant 0 : i32
          %dma_start3A_351 = arith.constant 0 : i32
          %dma_start3A_352 = tpu.memref_slice %arg3[%add3A_343, %dma_start3A_350, %dma_start3A_351] : memref<2500x2x128xi32, #tpu.memory_space<hbm>> -> memref<1x2x128xi32, #tpu.memory_space<hbm>>
          %dma_start3A_353 = tpu.memref_squeeze %dma_start3A_352 : memref<1x2x128xi32, #tpu.memory_space<hbm>> -> memref<2x128xi32, #tpu.memory_space<hbm>>
          %dma_start3A_354 = arith.constant 0 : i32
          %dma_start3A_355 = arith.constant 0 : i32
          %dma_start3A_356 = tpu.memref_slice %arg8[%rem3A_345, %dma_start3A_354, %dma_start3A_355] : memref<4x2x128xi32, #tpu.memory_space<vmem>> -> memref<1x2x128xi32, #tpu.memory_space<vmem>>
          %dma_start3A_357 = tpu.memref_squeeze %dma_start3A_356 : memref<1x2x128xi32, #tpu.memory_space<vmem>> -> memref<2x128xi32, #tpu.memory_space<vmem>>
          %dma_start3A_358 = arith.constant 0 : i32
          %dma_start3A_359 = arith.constant 0 : i32
          %dma_start3A_360 = tpu.memref_slice %arg3[%add3A_343, %dma_start3A_358, %dma_start3A_359] : memref<2500x2x128xi32, #tpu.memory_space<hbm>> -> memref<1x2x128xi32, #tpu.memory_space<hbm>>
          %dma_start3A_361 = tpu.memref_squeeze %dma_start3A_360 : memref<1x2x128xi32, #tpu.memory_space<hbm>> -> memref<2x128xi32, #tpu.memory_space<hbm>>
          tpu.enqueue_dma source(%dma_start3A_361 : memref<2x128xi32, #tpu.memory_space<hbm>>) target(%dma_start3A_357 : memref<2x128xi32, #tpu.memory_space<vmem>>) target_semaphore(%arg9 : memref<!tpu.dma_semaphore, #tpu.memory_space<semaphore_mem>>)
        } else {
        }
      } else {
      }
    }
    %while3A_133 = arith.constant 1 : i32
    scf.for %while3A_251 = %while3A_131 to %while3A_127 step %while3A_133  : i32 {
      %mul3A_252 = arith.constant 3 : i32
      %mul3A_253 = arith.muli %while3A_251, %mul3A_252 : i32
      %add3A_254 = arith.constant 0 : i32
      %add3A_255 = arith.addi %mul3A_253, %add3A_254 : i32
      %lt3A_256 = arith.cmpi slt, %add3A_255, %add3A_4 : i32
      %convert_element_type3A_257 = arith.extui %lt3A_256 : i1 to i32
      %cond3A_258 = arith.constant 0 : i32
      %cond3A_259 = arith.cmpi ne, %convert_element_type3A_257, %cond3A_258 : i32
      scf.if %cond3A_259 {
        %rem3A_276 = arith.constant 4 : i32
        %rem3A_277 = arith.remsi %add3A_255, %rem3A_276 : i32
        %rem3A_278 = arith.constant 3 : i32
        %rem3A_279 = arith.remsi %add3A_255, %rem3A_278 : i32
        %dma_wait3A_280 = arith.constant 0 : i32
        %dma_wait3A_281 = arith.constant 0 : i32
        %dma_wait3A_282 = arith.constant 0 : i32
        %dma_wait3A_283 = tpu.memref_slice %arg7[%rem3A_279, %dma_wait3A_281, %dma_wait3A_282] : memref<3x128x128xf32, #tpu.memory_space<vmem>> -> memref<1x128x128xf32, #tpu.memory_space<vmem>>
        %dma_wait3A_284 = tpu.memref_squeeze %dma_wait3A_283 : memref<1x128x128xf32, #tpu.memory_space<vmem>> -> memref<128x128xf32, #tpu.memory_space<vmem>>
        %dma_wait3A_285 = arith.constant 0 : i32
        %dma_wait3A_286 = tpu.memref_slice %arg8[%rem3A_277, %dma_wait3A_280, %dma_wait3A_285] : memref<4x2x128xi32, #tpu.memory_space<vmem>> -> memref<1x1x128xi32, #tpu.memory_space<vmem>>
        %dma_wait3A_287 = tpu.memref_squeeze %dma_wait3A_286 : memref<1x1x128xi32, #tpu.memory_space<vmem>> -> memref<128xi32, #tpu.memory_space<vmem>>
        %dma_wait3A_288 = arith.constant 0 : i32
        %dma_wait3A_289 = arith.constant 0 : i32
        %dma_wait3A_290 = tpu.memref_slice %arg2[%dma_wait3A_288, %dma_wait3A_289] : memref<10000x128xf32, #tpu.memory_space<hbm>> -> memref<10000x128xf32, #tpu.memory_space<hbm>>
        tpu.wait_indirect_dma semaphore(%arg10 : memref<!tpu.dma_semaphore, #tpu.memory_space<semaphore_mem>>) src(%dma_wait3A_290 : memref<10000x128xf32, #tpu.memory_space<hbm>>) dst(%dma_wait3A_284 : memref<128x128xf32, #tpu.memory_space<vmem>>)
        %rem3A_291 = arith.constant 3 : i32
        %rem3A_292 = arith.remsi %add3A_255, %rem3A_291 : i32
        %rem3A_293 = arith.constant 4 : i32
        %rem3A_294 = arith.remsi %add3A_255, %rem3A_293 : i32
        %dma_start3A_295 = arith.constant 1 : i32
        %dma_start3A_296 = arith.constant 0 : i32
        %dma_start3A_297 = arith.constant 0 : i32
        %dma_start3A_298 = tpu.memref_slice %arg7[%rem3A_292, %dma_start3A_296, %dma_start3A_297] : memref<3x128x128xf32, #tpu.memory_space<vmem>> -> memref<1x128x128xf32, #tpu.memory_space<vmem>>
        %dma_start3A_299 = tpu.memref_squeeze %dma_start3A_298 : memref<1x128x128xf32, #tpu.memory_space<vmem>> -> memref<128x128xf32, #tpu.memory_space<vmem>>
        %dma_start3A_300 = arith.constant 0 : i32
        %dma_start3A_301 = tpu.memref_slice %arg8[%rem3A_294, %dma_start3A_295, %dma_start3A_300] : memref<4x2x128xi32, #tpu.memory_space<vmem>> -> memref<1x1x128xi32, #tpu.memory_space<vmem>>
        %dma_start3A_302 = tpu.memref_squeeze %dma_start3A_301 : memref<1x1x128xi32, #tpu.memory_space<vmem>> -> memref<128xi32, #tpu.memory_space<vmem>>
        %dma_start3A_303 = arith.constant 0 : i32
        %dma_start3A_304 = arith.constant 0 : i32
        %dma_start3A_305 = tpu.memref_slice %arg6[%dma_start3A_303, %dma_start3A_304] : memref<10112x128xf32, #tpu.memory_space<vmem_shared>> -> memref<10112x128xf32, #tpu.memory_space<vmem_shared>>
        tpu.enqueue_indirect_dma source(%dma_start3A_299 : memref<128x128xf32, #tpu.memory_space<vmem>>) target(%dma_start3A_305 : memref<10112x128xf32, #tpu.memory_space<vmem_shared>>) offsets(%dma_start3A_302 : memref<128xi32, #tpu.memory_space<vmem>>) semaphore(%arg13 : memref<!tpu.dma_semaphore, #tpu.memory_space<semaphore_mem>>) {add = true}
        %add3A_306 = arith.constant 2 : i32
        %add3A_307 = arith.addi %add3A_255, %add3A_306 : i32
        %lt3A_308 = arith.cmpi slt, %add3A_307, %add3A_4 : i32
        %convert_element_type3A_309 = arith.extui %lt3A_308 : i1 to i32
        %cond3A_310 = arith.constant 0 : i32
        %cond3A_311 = arith.cmpi ne, %convert_element_type3A_309, %cond3A_310 : i32
        scf.if %cond3A_311 {
          %mul3A_326 = arith.constant 32 : i32
          %mul3A_327 = arith.muli %add3A_307, %mul3A_326 : i32
          %add3A_328 = arith.addi %add3A, %mul3A_327 : i32
          %rem3A_329 = arith.constant 4 : i32
          %rem3A_330 = arith.remsi %add3A_307, %rem3A_329 : i32
          %dma_wait3A_331 = arith.constant 0 : i32
          %dma_wait3A_332 = arith.constant 0 : i32
          %dma_wait3A_333 = tpu.memref_slice %arg8[%rem3A_330, %dma_wait3A_331, %dma_wait3A_332] : memref<4x2x128xi32, #tpu.memory_space<vmem>> -> memref<1x2x128xi32, #tpu.memory_space<vmem>>
          %dma_wait3A_334 = tpu.memref_squeeze %dma_wait3A_333 : memref<1x2x128xi32, #tpu.memory_space<vmem>> -> memref<2x128xi32, #tpu.memory_space<vmem>>
          %dma_wait3A_335 = arith.constant 0 : i32
          %dma_wait3A_336 = arith.constant 0 : i32
          %dma_wait3A_337 = tpu.memref_slice %arg3[%add3A_328, %dma_wait3A_335, %dma_wait3A_336] : memref<2500x2x128xi32, #tpu.memory_space<hbm>> -> memref<1x2x128xi32, #tpu.memory_space<hbm>>
          %dma_wait3A_338 = tpu.memref_squeeze %dma_wait3A_337 : memref<1x2x128xi32, #tpu.memory_space<hbm>> -> memref<2x128xi32, #tpu.memory_space<hbm>>
          %dma_wait3A_339 = arith.constant 0 : i32
          %dma_wait3A_340 = arith.constant 0 : i32
          %dma_wait3A_341 = tpu.memref_slice %arg8[%rem3A_330, %dma_wait3A_339, %dma_wait3A_340] : memref<4x2x128xi32, #tpu.memory_space<vmem>> -> memref<1x2x128xi32, #tpu.memory_space<vmem>>
          %dma_wait3A_342 = tpu.memref_squeeze %dma_wait3A_341 : memref<1x2x128xi32, #tpu.memory_space<vmem>> -> memref<2x128xi32, #tpu.memory_space<vmem>>
          %dma_wait3A_343 = arith.constant 0 : i32
          %dma_wait3A_344 = arith.constant 0 : i32
          %dma_wait3A_345 = tpu.memref_slice %arg3[%add3A_328, %dma_wait3A_343, %dma_wait3A_344] : memref<2500x2x128xi32, #tpu.memory_space<hbm>> -> memref<1x2x128xi32, #tpu.memory_space<hbm>>
          %dma_wait3A_346 = tpu.memref_squeeze %dma_wait3A_345 : memref<1x2x128xi32, #tpu.memory_space<hbm>> -> memref<2x128xi32, #tpu.memory_space<hbm>>
          tpu.wait_dma2 semaphore(%arg9 : memref<!tpu.dma_semaphore, #tpu.memory_space<semaphore_mem>>) src(%dma_wait3A_346 : memref<2x128xi32, #tpu.memory_space<hbm>>) dst(%dma_wait3A_342 : memref<2x128xi32, #tpu.memory_space<vmem>>)
        } else {
        }
        %ge3A = arith.constant 1 : i32
        %ge3A_312 = arith.cmpi sge, %add3A_255, %ge3A : i32
        %convert_element_type3A_313 = arith.extui %ge3A_312 : i1 to i32
        %cond3A_314 = arith.constant 0 : i32
        %cond3A_315 = arith.cmpi ne, %convert_element_type3A_313, %cond3A_314 : i32
        scf.if %cond3A_315 {
          %sub3A_326 = arith.constant 1 : i32
          %sub3A_327 = arith.subi %add3A_255, %sub3A_326 : i32
          %rem3A_328 = arith.constant 3 : i32
          %rem3A_329 = arith.remsi %sub3A_327, %rem3A_328 : i32
          %rem3A_330 = arith.constant 4 : i32
          %rem3A_331 = arith.remsi %sub3A_327, %rem3A_330 : i32
          %dma_wait3A_332 = arith.constant 1 : i32
          %dma_wait3A_333 = arith.constant 0 : i32
          %dma_wait3A_334 = arith.constant 0 : i32
          %dma_wait3A_335 = tpu.memref_slice %arg7[%rem3A_329, %dma_wait3A_333, %dma_wait3A_334] : memref<3x128x128xf32, #tpu.memory_space<vmem>> -> memref<1x128x128xf32, #tpu.memory_space<vmem>>
          %dma_wait3A_336 = tpu.memref_squeeze %dma_wait3A_335 : memref<1x128x128xf32, #tpu.memory_space<vmem>> -> memref<128x128xf32, #tpu.memory_space<vmem>>
          %dma_wait3A_337 = arith.constant 0 : i32
          %dma_wait3A_338 = tpu.memref_slice %arg8[%rem3A_331, %dma_wait3A_332, %dma_wait3A_337] : memref<4x2x128xi32, #tpu.memory_space<vmem>> -> memref<1x1x128xi32, #tpu.memory_space<vmem>>
          %dma_wait3A_339 = tpu.memref_squeeze %dma_wait3A_338 : memref<1x1x128xi32, #tpu.memory_space<vmem>> -> memref<128xi32, #tpu.memory_space<vmem>>
          %dma_wait3A_340 = arith.constant 0 : i32
          %dma_wait3A_341 = arith.constant 0 : i32
          %dma_wait3A_342 = tpu.memref_slice %arg6[%dma_wait3A_340, %dma_wait3A_341] : memref<10112x128xf32, #tpu.memory_space<vmem_shared>> -> memref<10112x128xf32, #tpu.memory_space<vmem_shared>>
          tpu.wait_indirect_dma semaphore(%arg15 : memref<!tpu.dma_semaphore, #tpu.memory_space<semaphore_mem>>) src(%dma_wait3A_336 : memref<128x128xf32, #tpu.memory_space<vmem>>) dst(%dma_wait3A_342 : memref<10112x128xf32, #tpu.memory_space<vmem_shared>>)
        } else {
        }
        %lt3A_316 = arith.cmpi slt, %add3A_307, %add3A_4 : i32
        %convert_element_type3A_317 = arith.extui %lt3A_316 : i1 to i32
        %cond3A_318 = arith.constant 0 : i32
        %cond3A_319 = arith.cmpi ne, %convert_element_type3A_317, %cond3A_318 : i32
        scf.if %cond3A_319 {
          %rem3A_326 = arith.constant 4 : i32
          %rem3A_327 = arith.remsi %add3A_307, %rem3A_326 : i32
          %rem3A_328 = arith.constant 3 : i32
          %rem3A_329 = arith.remsi %add3A_307, %rem3A_328 : i32
          %dma_start3A_330 = arith.constant 0 : i32
          %dma_start3A_331 = arith.constant 0 : i32
          %dma_start3A_332 = arith.constant 0 : i32
          %dma_start3A_333 = tpu.memref_slice %arg7[%rem3A_329, %dma_start3A_331, %dma_start3A_332] : memref<3x128x128xf32, #tpu.memory_space<vmem>> -> memref<1x128x128xf32, #tpu.memory_space<vmem>>
          %dma_start3A_334 = tpu.memref_squeeze %dma_start3A_333 : memref<1x128x128xf32, #tpu.memory_space<vmem>> -> memref<128x128xf32, #tpu.memory_space<vmem>>
          %dma_start3A_335 = arith.constant 0 : i32
          %dma_start3A_336 = tpu.memref_slice %arg8[%rem3A_327, %dma_start3A_330, %dma_start3A_335] : memref<4x2x128xi32, #tpu.memory_space<vmem>> -> memref<1x1x128xi32, #tpu.memory_space<vmem>>
          %dma_start3A_337 = tpu.memref_squeeze %dma_start3A_336 : memref<1x1x128xi32, #tpu.memory_space<vmem>> -> memref<128xi32, #tpu.memory_space<vmem>>
          %dma_start3A_338 = arith.constant 0 : i32
          %dma_start3A_339 = arith.constant 0 : i32
          %dma_start3A_340 = tpu.memref_slice %arg2[%dma_start3A_338, %dma_start3A_339] : memref<10000x128xf32, #tpu.memory_space<hbm>> -> memref<10000x128xf32, #tpu.memory_space<hbm>>
          tpu.enqueue_indirect_dma source(%dma_start3A_340 : memref<10000x128xf32, #tpu.memory_space<hbm>>) target(%dma_start3A_334 : memref<128x128xf32, #tpu.memory_space<vmem>>) offsets(%dma_start3A_337 : memref<128xi32, #tpu.memory_space<vmem>>) semaphore(%arg12 : memref<!tpu.dma_semaphore, #tpu.memory_space<semaphore_mem>>)
        } else {
        }
        %add3A_320 = arith.constant 3 : i32
        %add3A_321 = arith.addi %add3A_255, %add3A_320 : i32
        %lt3A_322 = arith.cmpi slt, %add3A_321, %add3A_4 : i32
        %convert_element_type3A_323 = arith.extui %lt3A_322 : i1 to i32
        %cond3A_324 = arith.constant 0 : i32
        %cond3A_325 = arith.cmpi ne, %convert_element_type3A_323, %cond3A_324 : i32
        scf.if %cond3A_325 {
          %add3A_326 = arith.constant 3 : i32
          %add3A_327 = arith.addi %add3A_255, %add3A_326 : i32
          %mul3A_328 = arith.constant 32 : i32
          %mul3A_329 = arith.muli %add3A_327, %mul3A_328 : i32
          %add3A_330 = arith.addi %add3A, %mul3A_329 : i32
          %rem3A_331 = arith.constant 4 : i32
          %rem3A_332 = arith.remsi %add3A_327, %rem3A_331 : i32
          %dma_start3A_333 = arith.constant 0 : i32
          %dma_start3A_334 = arith.constant 0 : i32
          %dma_start3A_335 = tpu.memref_slice %arg8[%rem3A_332, %dma_start3A_333, %dma_start3A_334] : memref<4x2x128xi32, #tpu.memory_space<vmem>> -> memref<1x2x128xi32, #tpu.memory_space<vmem>>
          %dma_start3A_336 = tpu.memref_squeeze %dma_start3A_335 : memref<1x2x128xi32, #tpu.memory_space<vmem>> -> memref<2x128xi32, #tpu.memory_space<vmem>>
          %dma_start3A_337 = arith.constant 0 : i32
          %dma_start3A_338 = arith.constant 0 : i32
          %dma_start3A_339 = tpu.memref_slice %arg3[%add3A_330, %dma_start3A_337, %dma_start3A_338] : memref<2500x2x128xi32, #tpu.memory_space<hbm>> -> memref<1x2x128xi32, #tpu.memory_space<hbm>>
          %dma_start3A_340 = tpu.memref_squeeze %dma_start3A_339 : memref<1x2x128xi32, #tpu.memory_space<hbm>> -> memref<2x128xi32, #tpu.memory_space<hbm>>
          %dma_start3A_341 = arith.constant 0 : i32
          %dma_start3A_342 = arith.constant 0 : i32
          %dma_start3A_343 = tpu.memref_slice %arg8[%rem3A_332, %dma_start3A_341, %dma_start3A_342] : memref<4x2x128xi32, #tpu.memory_space<vmem>> -> memref<1x2x128xi32, #tpu.memory_space<vmem>>
          %dma_start3A_344 = tpu.memref_squeeze %dma_start3A_343 : memref<1x2x128xi32, #tpu.memory_space<vmem>> -> memref<2x128xi32, #tpu.memory_space<vmem>>
          %dma_start3A_345 = arith.constant 0 : i32
          %dma_start3A_346 = arith.constant 0 : i32
          %dma_start3A_347 = tpu.memref_slice %arg3[%add3A_330, %dma_start3A_345, %dma_start3A_346] : memref<2500x2x128xi32, #tpu.memory_space<hbm>> -> memref<1x2x128xi32, #tpu.memory_space<hbm>>
          %dma_start3A_348 = tpu.memref_squeeze %dma_start3A_347 : memref<1x2x128xi32, #tpu.memory_space<hbm>> -> memref<2x128xi32, #tpu.memory_space<hbm>>
          tpu.enqueue_dma source(%dma_start3A_348 : memref<2x128xi32, #tpu.memory_space<hbm>>) target(%dma_start3A_344 : memref<2x128xi32, #tpu.memory_space<vmem>>) target_semaphore(%arg9 : memref<!tpu.dma_semaphore, #tpu.memory_space<semaphore_mem>>)
        } else {
        }
      } else {
      }
      %mul3A_260 = arith.constant 3 : i32
      %mul3A_261 = arith.muli %while3A_251, %mul3A_260 : i32
      %add3A_262 = arith.constant 1 : i32
      %add3A_263 = arith.addi %mul3A_261, %add3A_262 : i32
      %lt3A_264 = arith.cmpi slt, %add3A_263, %add3A_4 : i32
      %convert_element_type3A_265 = arith.extui %lt3A_264 : i1 to i32
      %cond3A_266 = arith.constant 0 : i32
      %cond3A_267 = arith.cmpi ne, %convert_element_type3A_265, %cond3A_266 : i32
      scf.if %cond3A_267 {
        %rem3A_276 = arith.constant 4 : i32
        %rem3A_277 = arith.remsi %add3A_263, %rem3A_276 : i32
        %rem3A_278 = arith.constant 3 : i32
        %rem3A_279 = arith.remsi %add3A_263, %rem3A_278 : i32
        %dma_wait3A_280 = arith.constant 0 : i32
        %dma_wait3A_281 = arith.constant 0 : i32
        %dma_wait3A_282 = arith.constant 0 : i32
        %dma_wait3A_283 = tpu.memref_slice %arg7[%rem3A_279, %dma_wait3A_281, %dma_wait3A_282] : memref<3x128x128xf32, #tpu.memory_space<vmem>> -> memref<1x128x128xf32, #tpu.memory_space<vmem>>
        %dma_wait3A_284 = tpu.memref_squeeze %dma_wait3A_283 : memref<1x128x128xf32, #tpu.memory_space<vmem>> -> memref<128x128xf32, #tpu.memory_space<vmem>>
        %dma_wait3A_285 = arith.constant 0 : i32
        %dma_wait3A_286 = tpu.memref_slice %arg8[%rem3A_277, %dma_wait3A_280, %dma_wait3A_285] : memref<4x2x128xi32, #tpu.memory_space<vmem>> -> memref<1x1x128xi32, #tpu.memory_space<vmem>>
        %dma_wait3A_287 = tpu.memref_squeeze %dma_wait3A_286 : memref<1x1x128xi32, #tpu.memory_space<vmem>> -> memref<128xi32, #tpu.memory_space<vmem>>
        %dma_wait3A_288 = arith.constant 0 : i32
        %dma_wait3A_289 = arith.constant 0 : i32
        %dma_wait3A_290 = tpu.memref_slice %arg2[%dma_wait3A_288, %dma_wait3A_289] : memref<10000x128xf32, #tpu.memory_space<hbm>> -> memref<10000x128xf32, #tpu.memory_space<hbm>>
        tpu.wait_indirect_dma semaphore(%arg11 : memref<!tpu.dma_semaphore, #tpu.memory_space<semaphore_mem>>) src(%dma_wait3A_290 : memref<10000x128xf32, #tpu.memory_space<hbm>>) dst(%dma_wait3A_284 : memref<128x128xf32, #tpu.memory_space<vmem>>)
        %rem3A_291 = arith.constant 3 : i32
        %rem3A_292 = arith.remsi %add3A_263, %rem3A_291 : i32
        %rem3A_293 = arith.constant 4 : i32
        %rem3A_294 = arith.remsi %add3A_263, %rem3A_293 : i32
        %dma_start3A_295 = arith.constant 1 : i32
        %dma_start3A_296 = arith.constant 0 : i32
        %dma_start3A_297 = arith.constant 0 : i32
        %dma_start3A_298 = tpu.memref_slice %arg7[%rem3A_292, %dma_start3A_296, %dma_start3A_297] : memref<3x128x128xf32, #tpu.memory_space<vmem>> -> memref<1x128x128xf32, #tpu.memory_space<vmem>>
        %dma_start3A_299 = tpu.memref_squeeze %dma_start3A_298 : memref<1x128x128xf32, #tpu.memory_space<vmem>> -> memref<128x128xf32, #tpu.memory_space<vmem>>
        %dma_start3A_300 = arith.constant 0 : i32
        %dma_start3A_301 = tpu.memref_slice %arg8[%rem3A_294, %dma_start3A_295, %dma_start3A_300] : memref<4x2x128xi32, #tpu.memory_space<vmem>> -> memref<1x1x128xi32, #tpu.memory_space<vmem>>
        %dma_start3A_302 = tpu.memref_squeeze %dma_start3A_301 : memref<1x1x128xi32, #tpu.memory_space<vmem>> -> memref<128xi32, #tpu.memory_space<vmem>>
        %dma_start3A_303 = arith.constant 0 : i32
        %dma_start3A_304 = arith.constant 0 : i32
        %dma_start3A_305 = tpu.memref_slice %arg6[%dma_start3A_303, %dma_start3A_304] : memref<10112x128xf32, #tpu.memory_space<vmem_shared>> -> memref<10112x128xf32, #tpu.memory_space<vmem_shared>>
        tpu.enqueue_indirect_dma source(%dma_start3A_299 : memref<128x128xf32, #tpu.memory_space<vmem>>) target(%dma_start3A_305 : memref<10112x128xf32, #tpu.memory_space<vmem_shared>>) offsets(%dma_start3A_302 : memref<128xi32, #tpu.memory_space<vmem>>) semaphore(%arg14 : memref<!tpu.dma_semaphore, #tpu.memory_space<semaphore_mem>>) {add = true}
        %add3A_306 = arith.constant 2 : i32
        %add3A_307 = arith.addi %add3A_263, %add3A_306 : i32
        %lt3A_308 = arith.cmpi slt, %add3A_307, %add3A_4 : i32
        %convert_element_type3A_309 = arith.extui %lt3A_308 : i1 to i32
        %cond3A_310 = arith.constant 0 : i32
        %cond3A_311 = arith.cmpi ne, %convert_element_type3A_309, %cond3A_310 : i32
        scf.if %cond3A_311 {
          %mul3A_339 = arith.constant 32 : i32
          %mul3A_340 = arith.muli %add3A_307, %mul3A_339 : i32
          %add3A_341 = arith.addi %add3A, %mul3A_340 : i32
          %rem3A_342 = arith.constant 4 : i32
          %rem3A_343 = arith.remsi %add3A_307, %rem3A_342 : i32
          %dma_wait3A_344 = arith.constant 0 : i32
          %dma_wait3A_345 = arith.constant 0 : i32
          %dma_wait3A_346 = tpu.memref_slice %arg8[%rem3A_343, %dma_wait3A_344, %dma_wait3A_345] : memref<4x2x128xi32, #tpu.memory_space<vmem>> -> memref<1x2x128xi32, #tpu.memory_space<vmem>>
          %dma_wait3A_347 = tpu.memref_squeeze %dma_wait3A_346 : memref<1x2x128xi32, #tpu.memory_space<vmem>> -> memref<2x128xi32, #tpu.memory_space<vmem>>
          %dma_wait3A_348 = arith.constant 0 : i32
          %dma_wait3A_349 = arith.constant 0 : i32
          %dma_wait3A_350 = tpu.memref_slice %arg3[%add3A_341, %dma_wait3A_348, %dma_wait3A_349] : memref<2500x2x128xi32, #tpu.memory_space<hbm>> -> memref<1x2x128xi32, #tpu.memory_space<hbm>>
          %dma_wait3A_351 = tpu.memref_squeeze %dma_wait3A_350 : memref<1x2x128xi32, #tpu.memory_space<hbm>> -> memref<2x128xi32, #tpu.memory_space<hbm>>
          %dma_wait3A_352 = arith.constant 0 : i32
          %dma_wait3A_353 = arith.constant 0 : i32
          %dma_wait3A_354 = tpu.memref_slice %arg8[%rem3A_343, %dma_wait3A_352, %dma_wait3A_353] : memref<4x2x128xi32, #tpu.memory_space<vmem>> -> memref<1x2x128xi32, #tpu.memory_space<vmem>>
          %dma_wait3A_355 = tpu.memref_squeeze %dma_wait3A_354 : memref<1x2x128xi32, #tpu.memory_space<vmem>> -> memref<2x128xi32, #tpu.memory_space<vmem>>
          %dma_wait3A_356 = arith.constant 0 : i32
          %dma_wait3A_357 = arith.constant 0 : i32
          %dma_wait3A_358 = tpu.memref_slice %arg3[%add3A_341, %dma_wait3A_356, %dma_wait3A_357] : memref<2500x2x128xi32, #tpu.memory_space<hbm>> -> memref<1x2x128xi32, #tpu.memory_space<hbm>>
          %dma_wait3A_359 = tpu.memref_squeeze %dma_wait3A_358 : memref<1x2x128xi32, #tpu.memory_space<hbm>> -> memref<2x128xi32, #tpu.memory_space<hbm>>
          tpu.wait_dma2 semaphore(%arg9 : memref<!tpu.dma_semaphore, #tpu.memory_space<semaphore_mem>>) src(%dma_wait3A_359 : memref<2x128xi32, #tpu.memory_space<hbm>>) dst(%dma_wait3A_355 : memref<2x128xi32, #tpu.memory_space<vmem>>)
        } else {
        }
        %sub3A_312 = arith.constant 1 : i32
        %sub3A_313 = arith.subi %add3A_263, %sub3A_312 : i32
        %rem3A_314 = arith.constant 3 : i32
        %rem3A_315 = arith.remsi %sub3A_313, %rem3A_314 : i32
        %rem3A_316 = arith.constant 4 : i32
        %rem3A_317 = arith.remsi %sub3A_313, %rem3A_316 : i32
        %dma_wait3A_318 = arith.constant 1 : i32
        %dma_wait3A_319 = arith.constant 0 : i32
        %dma_wait3A_320 = arith.constant 0 : i32
        %dma_wait3A_321 = tpu.memref_slice %arg7[%rem3A_315, %dma_wait3A_319, %dma_wait3A_320] : memref<3x128x128xf32, #tpu.memory_space<vmem>> -> memref<1x128x128xf32, #tpu.memory_space<vmem>>
        %dma_wait3A_322 = tpu.memref_squeeze %dma_wait3A_321 : memref<1x128x128xf32, #tpu.memory_space<vmem>> -> memref<128x128xf32, #tpu.memory_space<vmem>>
        %dma_wait3A_323 = arith.constant 0 : i32
        %dma_wait3A_324 = tpu.memref_slice %arg8[%rem3A_317, %dma_wait3A_318, %dma_wait3A_323] : memref<4x2x128xi32, #tpu.memory_space<vmem>> -> memref<1x1x128xi32, #tpu.memory_space<vmem>>
        %dma_wait3A_325 = tpu.memref_squeeze %dma_wait3A_324 : memref<1x1x128xi32, #tpu.memory_space<vmem>> -> memref<128xi32, #tpu.memory_space<vmem>>
        %dma_wait3A_326 = arith.constant 0 : i32
        %dma_wait3A_327 = arith.constant 0 : i32
        %dma_wait3A_328 = tpu.memref_slice %arg6[%dma_wait3A_326, %dma_wait3A_327] : memref<10112x128xf32, #tpu.memory_space<vmem_shared>> -> memref<10112x128xf32, #tpu.memory_space<vmem_shared>>
        tpu.wait_indirect_dma semaphore(%arg13 : memref<!tpu.dma_semaphore, #tpu.memory_space<semaphore_mem>>) src(%dma_wait3A_322 : memref<128x128xf32, #tpu.memory_space<vmem>>) dst(%dma_wait3A_328 : memref<10112x128xf32, #tpu.memory_space<vmem_shared>>)
        %lt3A_329 = arith.cmpi slt, %add3A_307, %add3A_4 : i32
        %convert_element_type3A_330 = arith.extui %lt3A_329 : i1 to i32
        %cond3A_331 = arith.constant 0 : i32
        %cond3A_332 = arith.cmpi ne, %convert_element_type3A_330, %cond3A_331 : i32
        scf.if %cond3A_332 {
          %rem3A_339 = arith.constant 4 : i32
          %rem3A_340 = arith.remsi %add3A_307, %rem3A_339 : i32
          %rem3A_341 = arith.constant 3 : i32
          %rem3A_342 = arith.remsi %add3A_307, %rem3A_341 : i32
          %dma_start3A_343 = arith.constant 0 : i32
          %dma_start3A_344 = arith.constant 0 : i32
          %dma_start3A_345 = arith.constant 0 : i32
          %dma_start3A_346 = tpu.memref_slice %arg7[%rem3A_342, %dma_start3A_344, %dma_start3A_345] : memref<3x128x128xf32, #tpu.memory_space<vmem>> -> memref<1x128x128xf32, #tpu.memory_space<vmem>>
          %dma_start3A_347 = tpu.memref_squeeze %dma_start3A_346 : memref<1x128x128xf32, #tpu.memory_space<vmem>> -> memref<128x128xf32, #tpu.memory_space<vmem>>
          %dma_start3A_348 = arith.constant 0 : i32
          %dma_start3A_349 = tpu.memref_slice %arg8[%rem3A_340, %dma_start3A_343, %dma_start3A_348] : memref<4x2x128xi32, #tpu.memory_space<vmem>> -> memref<1x1x128xi32, #tpu.memory_space<vmem>>
          %dma_start3A_350 = tpu.memref_squeeze %dma_start3A_349 : memref<1x1x128xi32, #tpu.memory_space<vmem>> -> memref<128xi32, #tpu.memory_space<vmem>>
          %dma_start3A_351 = arith.constant 0 : i32
          %dma_start3A_352 = arith.constant 0 : i32
          %dma_start3A_353 = tpu.memref_slice %arg2[%dma_start3A_351, %dma_start3A_352] : memref<10000x128xf32, #tpu.memory_space<hbm>> -> memref<10000x128xf32, #tpu.memory_space<hbm>>
          tpu.enqueue_indirect_dma source(%dma_start3A_353 : memref<10000x128xf32, #tpu.memory_space<hbm>>) target(%dma_start3A_347 : memref<128x128xf32, #tpu.memory_space<vmem>>) offsets(%dma_start3A_350 : memref<128xi32, #tpu.memory_space<vmem>>) semaphore(%arg10 : memref<!tpu.dma_semaphore, #tpu.memory_space<semaphore_mem>>)
        } else {
        }
        %add3A_333 = arith.constant 3 : i32
        %add3A_334 = arith.addi %add3A_263, %add3A_333 : i32
        %lt3A_335 = arith.cmpi slt, %add3A_334, %add3A_4 : i32
        %convert_element_type3A_336 = arith.extui %lt3A_335 : i1 to i32
        %cond3A_337 = arith.constant 0 : i32
        %cond3A_338 = arith.cmpi ne, %convert_element_type3A_336, %cond3A_337 : i32
        scf.if %cond3A_338 {
          %add3A_339 = arith.constant 3 : i32
          %add3A_340 = arith.addi %add3A_263, %add3A_339 : i32
          %mul3A_341 = arith.constant 32 : i32
          %mul3A_342 = arith.muli %add3A_340, %mul3A_341 : i32
          %add3A_343 = arith.addi %add3A, %mul3A_342 : i32
          %rem3A_344 = arith.constant 4 : i32
          %rem3A_345 = arith.remsi %add3A_340, %rem3A_344 : i32
          %dma_start3A_346 = arith.constant 0 : i32
          %dma_start3A_347 = arith.constant 0 : i32
          %dma_start3A_348 = tpu.memref_slice %arg8[%rem3A_345, %dma_start3A_346, %dma_start3A_347] : memref<4x2x128xi32, #tpu.memory_space<vmem>> -> memref<1x2x128xi32, #tpu.memory_space<vmem>>
          %dma_start3A_349 = tpu.memref_squeeze %dma_start3A_348 : memref<1x2x128xi32, #tpu.memory_space<vmem>> -> memref<2x128xi32, #tpu.memory_space<vmem>>
          %dma_start3A_350 = arith.constant 0 : i32
          %dma_start3A_351 = arith.constant 0 : i32
          %dma_start3A_352 = tpu.memref_slice %arg3[%add3A_343, %dma_start3A_350, %dma_start3A_351] : memref<2500x2x128xi32, #tpu.memory_space<hbm>> -> memref<1x2x128xi32, #tpu.memory_space<hbm>>
          %dma_start3A_353 = tpu.memref_squeeze %dma_start3A_352 : memref<1x2x128xi32, #tpu.memory_space<hbm>> -> memref<2x128xi32, #tpu.memory_space<hbm>>
          %dma_start3A_354 = arith.constant 0 : i32
          %dma_start3A_355 = arith.constant 0 : i32
          %dma_start3A_356 = tpu.memref_slice %arg8[%rem3A_345, %dma_start3A_354, %dma_start3A_355] : memref<4x2x128xi32, #tpu.memory_space<vmem>> -> memref<1x2x128xi32, #tpu.memory_space<vmem>>
          %dma_start3A_357 = tpu.memref_squeeze %dma_start3A_356 : memref<1x2x128xi32, #tpu.memory_space<vmem>> -> memref<2x128xi32, #tpu.memory_space<vmem>>
          %dma_start3A_358 = arith.constant 0 : i32
          %dma_start3A_359 = arith.constant 0 : i32
          %dma_start3A_360 = tpu.memref_slice %arg3[%add3A_343, %dma_start3A_358, %dma_start3A_359] : memref<2500x2x128xi32, #tpu.memory_space<hbm>> -> memref<1x2x128xi32, #tpu.memory_space<hbm>>
          %dma_start3A_361 = tpu.memref_squeeze %dma_start3A_360 : memref<1x2x128xi32, #tpu.memory_space<hbm>> -> memref<2x128xi32, #tpu.memory_space<hbm>>
          tpu.enqueue_dma source(%dma_start3A_361 : memref<2x128xi32, #tpu.memory_space<hbm>>) target(%dma_start3A_357 : memref<2x128xi32, #tpu.memory_space<vmem>>) target_semaphore(%arg9 : memref<!tpu.dma_semaphore, #tpu.memory_space<semaphore_mem>>)
        } else {
        }
      } else {
      }
      %mul3A_268 = arith.constant 3 : i32
      %mul3A_269 = arith.muli %while3A_251, %mul3A_268 : i32
      %add3A_270 = arith.constant 2 : i32
      %add3A_271 = arith.addi %mul3A_269, %add3A_270 : i32
      %lt3A_272 = arith.cmpi slt, %add3A_271, %add3A_4 : i32
      %convert_element_type3A_273 = arith.extui %lt3A_272 : i1 to i32
      %cond3A_274 = arith.constant 0 : i32
      %cond3A_275 = arith.cmpi ne, %convert_element_type3A_273, %cond3A_274 : i32
      scf.if %cond3A_275 {
        %rem3A_276 = arith.constant 4 : i32
        %rem3A_277 = arith.remsi %add3A_271, %rem3A_276 : i32
        %rem3A_278 = arith.constant 3 : i32
        %rem3A_279 = arith.remsi %add3A_271, %rem3A_278 : i32
        %dma_wait3A_280 = arith.constant 0 : i32
        %dma_wait3A_281 = arith.constant 0 : i32
        %dma_wait3A_282 = arith.constant 0 : i32
        %dma_wait3A_283 = tpu.memref_slice %arg7[%rem3A_279, %dma_wait3A_281, %dma_wait3A_282] : memref<3x128x128xf32, #tpu.memory_space<vmem>> -> memref<1x128x128xf32, #tpu.memory_space<vmem>>
        %dma_wait3A_284 = tpu.memref_squeeze %dma_wait3A_283 : memref<1x128x128xf32, #tpu.memory_space<vmem>> -> memref<128x128xf32, #tpu.memory_space<vmem>>
        %dma_wait3A_285 = arith.constant 0 : i32
        %dma_wait3A_286 = tpu.memref_slice %arg8[%rem3A_277, %dma_wait3A_280, %dma_wait3A_285] : memref<4x2x128xi32, #tpu.memory_space<vmem>> -> memref<1x1x128xi32, #tpu.memory_space<vmem>>
        %dma_wait3A_287 = tpu.memref_squeeze %dma_wait3A_286 : memref<1x1x128xi32, #tpu.memory_space<vmem>> -> memref<128xi32, #tpu.memory_space<vmem>>
        %dma_wait3A_288 = arith.constant 0 : i32
        %dma_wait3A_289 = arith.constant 0 : i32
        %dma_wait3A_290 = tpu.memref_slice %arg2[%dma_wait3A_288, %dma_wait3A_289] : memref<10000x128xf32, #tpu.memory_space<hbm>> -> memref<10000x128xf32, #tpu.memory_space<hbm>>
        tpu.wait_indirect_dma semaphore(%arg12 : memref<!tpu.dma_semaphore, #tpu.memory_space<semaphore_mem>>) src(%dma_wait3A_290 : memref<10000x128xf32, #tpu.memory_space<hbm>>) dst(%dma_wait3A_284 : memref<128x128xf32, #tpu.memory_space<vmem>>)
        %rem3A_291 = arith.constant 3 : i32
        %rem3A_292 = arith.remsi %add3A_271, %rem3A_291 : i32
        %rem3A_293 = arith.constant 4 : i32
        %rem3A_294 = arith.remsi %add3A_271, %rem3A_293 : i32
        %dma_start3A_295 = arith.constant 1 : i32
        %dma_start3A_296 = arith.constant 0 : i32
        %dma_start3A_297 = arith.constant 0 : i32
        %dma_start3A_298 = tpu.memref_slice %arg7[%rem3A_292, %dma_start3A_296, %dma_start3A_297] : memref<3x128x128xf32, #tpu.memory_space<vmem>> -> memref<1x128x128xf32, #tpu.memory_space<vmem>>
        %dma_start3A_299 = tpu.memref_squeeze %dma_start3A_298 : memref<1x128x128xf32, #tpu.memory_space<vmem>> -> memref<128x128xf32, #tpu.memory_space<vmem>>
        %dma_start3A_300 = arith.constant 0 : i32
        %dma_start3A_301 = tpu.memref_slice %arg8[%rem3A_294, %dma_start3A_295, %dma_start3A_300] : memref<4x2x128xi32, #tpu.memory_space<vmem>> -> memref<1x1x128xi32, #tpu.memory_space<vmem>>
        %dma_start3A_302 = tpu.memref_squeeze %dma_start3A_301 : memref<1x1x128xi32, #tpu.memory_space<vmem>> -> memref<128xi32, #tpu.memory_space<vmem>>
        %dma_start3A_303 = arith.constant 0 : i32
        %dma_start3A_304 = arith.constant 0 : i32
        %dma_start3A_305 = tpu.memref_slice %arg6[%dma_start3A_303, %dma_start3A_304] : memref<10112x128xf32, #tpu.memory_space<vmem_shared>> -> memref<10112x128xf32, #tpu.memory_space<vmem_shared>>
        tpu.enqueue_indirect_dma source(%dma_start3A_299 : memref<128x128xf32, #tpu.memory_space<vmem>>) target(%dma_start3A_305 : memref<10112x128xf32, #tpu.memory_space<vmem_shared>>) offsets(%dma_start3A_302 : memref<128xi32, #tpu.memory_space<vmem>>) semaphore(%arg15 : memref<!tpu.dma_semaphore, #tpu.memory_space<semaphore_mem>>) {add = true}
        %add3A_306 = arith.constant 2 : i32
        %add3A_307 = arith.addi %add3A_271, %add3A_306 : i32
        %lt3A_308 = arith.cmpi slt, %add3A_307, %add3A_4 : i32
        %convert_element_type3A_309 = arith.extui %lt3A_308 : i1 to i32
        %cond3A_310 = arith.constant 0 : i32
        %cond3A_311 = arith.cmpi ne, %convert_element_type3A_309, %cond3A_310 : i32
        scf.if %cond3A_311 {
          %mul3A_339 = arith.constant 32 : i32
          %mul3A_340 = arith.muli %add3A_307, %mul3A_339 : i32
          %add3A_341 = arith.addi %add3A, %mul3A_340 : i32
          %rem3A_342 = arith.constant 4 : i32
          %rem3A_343 = arith.remsi %add3A_307, %rem3A_342 : i32
          %dma_wait3A_344 = arith.constant 0 : i32
          %dma_wait3A_345 = arith.constant 0 : i32
          %dma_wait3A_346 = tpu.memref_slice %arg8[%rem3A_343, %dma_wait3A_344, %dma_wait3A_345] : memref<4x2x128xi32, #tpu.memory_space<vmem>> -> memref<1x2x128xi32, #tpu.memory_space<vmem>>
          %dma_wait3A_347 = tpu.memref_squeeze %dma_wait3A_346 : memref<1x2x128xi32, #tpu.memory_space<vmem>> -> memref<2x128xi32, #tpu.memory_space<vmem>>
          %dma_wait3A_348 = arith.constant 0 : i32
          %dma_wait3A_349 = arith.constant 0 : i32
          %dma_wait3A_350 = tpu.memref_slice %arg3[%add3A_341, %dma_wait3A_348, %dma_wait3A_349] : memref<2500x2x128xi32, #tpu.memory_space<hbm>> -> memref<1x2x128xi32, #tpu.memory_space<hbm>>
          %dma_wait3A_351 = tpu.memref_squeeze %dma_wait3A_350 : memref<1x2x128xi32, #tpu.memory_space<hbm>> -> memref<2x128xi32, #tpu.memory_space<hbm>>
          %dma_wait3A_352 = arith.constant 0 : i32
          %dma_wait3A_353 = arith.constant 0 : i32
          %dma_wait3A_354 = tpu.memref_slice %arg8[%rem3A_343, %dma_wait3A_352, %dma_wait3A_353] : memref<4x2x128xi32, #tpu.memory_space<vmem>> -> memref<1x2x128xi32, #tpu.memory_space<vmem>>
          %dma_wait3A_355 = tpu.memref_squeeze %dma_wait3A_354 : memref<1x2x128xi32, #tpu.memory_space<vmem>> -> memref<2x128xi32, #tpu.memory_space<vmem>>
          %dma_wait3A_356 = arith.constant 0 : i32
          %dma_wait3A_357 = arith.constant 0 : i32
          %dma_wait3A_358 = tpu.memref_slice %arg3[%add3A_341, %dma_wait3A_356, %dma_wait3A_357] : memref<2500x2x128xi32, #tpu.memory_space<hbm>> -> memref<1x2x128xi32, #tpu.memory_space<hbm>>
          %dma_wait3A_359 = tpu.memref_squeeze %dma_wait3A_358 : memref<1x2x128xi32, #tpu.memory_space<hbm>> -> memref<2x128xi32, #tpu.memory_space<hbm>>
          tpu.wait_dma2 semaphore(%arg9 : memref<!tpu.dma_semaphore, #tpu.memory_space<semaphore_mem>>) src(%dma_wait3A_359 : memref<2x128xi32, #tpu.memory_space<hbm>>) dst(%dma_wait3A_355 : memref<2x128xi32, #tpu.memory_space<vmem>>)
        } else {
        }
        %sub3A_312 = arith.constant 1 : i32
        %sub3A_313 = arith.subi %add3A_271, %sub3A_312 : i32
        %rem3A_314 = arith.constant 3 : i32
        %rem3A_315 = arith.remsi %sub3A_313, %rem3A_314 : i32
        %rem3A_316 = arith.constant 4 : i32
        %rem3A_317 = arith.remsi %sub3A_313, %rem3A_316 : i32
        %dma_wait3A_318 = arith.constant 1 : i32
        %dma_wait3A_319 = arith.constant 0 : i32
        %dma_wait3A_320 = arith.constant 0 : i32
        %dma_wait3A_321 = tpu.memref_slice %arg7[%rem3A_315, %dma_wait3A_319, %dma_wait3A_320] : memref<3x128x128xf32, #tpu.memory_space<vmem>> -> memref<1x128x128xf32, #tpu.memory_space<vmem>>
        %dma_wait3A_322 = tpu.memref_squeeze %dma_wait3A_321 : memref<1x128x128xf32, #tpu.memory_space<vmem>> -> memref<128x128xf32, #tpu.memory_space<vmem>>
        %dma_wait3A_323 = arith.constant 0 : i32
        %dma_wait3A_324 = tpu.memref_slice %arg8[%rem3A_317, %dma_wait3A_318, %dma_wait3A_323] : memref<4x2x128xi32, #tpu.memory_space<vmem>> -> memref<1x1x128xi32, #tpu.memory_space<vmem>>
        %dma_wait3A_325 = tpu.memref_squeeze %dma_wait3A_324 : memref<1x1x128xi32, #tpu.memory_space<vmem>> -> memref<128xi32, #tpu.memory_space<vmem>>
        %dma_wait3A_326 = arith.constant 0 : i32
        %dma_wait3A_327 = arith.constant 0 : i32
        %dma_wait3A_328 = tpu.memref_slice %arg6[%dma_wait3A_326, %dma_wait3A_327] : memref<10112x128xf32, #tpu.memory_space<vmem_shared>> -> memref<10112x128xf32, #tpu.memory_space<vmem_shared>>
        tpu.wait_indirect_dma semaphore(%arg14 : memref<!tpu.dma_semaphore, #tpu.memory_space<semaphore_mem>>) src(%dma_wait3A_322 : memref<128x128xf32, #tpu.memory_space<vmem>>) dst(%dma_wait3A_328 : memref<10112x128xf32, #tpu.memory_space<vmem_shared>>)
        %lt3A_329 = arith.cmpi slt, %add3A_307, %add3A_4 : i32
        %convert_element_type3A_330 = arith.extui %lt3A_329 : i1 to i32
        %cond3A_331 = arith.constant 0 : i32
        %cond3A_332 = arith.cmpi ne, %convert_element_type3A_330, %cond3A_331 : i32
        scf.if %cond3A_332 {
          %rem3A_339 = arith.constant 4 : i32
          %rem3A_340 = arith.remsi %add3A_307, %rem3A_339 : i32
          %rem3A_341 = arith.constant 3 : i32
          %rem3A_342 = arith.remsi %add3A_307, %rem3A_341 : i32
          %dma_start3A_343 = arith.constant 0 : i32
          %dma_start3A_344 = arith.constant 0 : i32
          %dma_start3A_345 = arith.constant 0 : i32
          %dma_start3A_346 = tpu.memref_slice %arg7[%rem3A_342, %dma_start3A_344, %dma_start3A_345] : memref<3x128x128xf32, #tpu.memory_space<vmem>> -> memref<1x128x128xf32, #tpu.memory_space<vmem>>
          %dma_start3A_347 = tpu.memref_squeeze %dma_start3A_346 : memref<1x128x128xf32, #tpu.memory_space<vmem>> -> memref<128x128xf32, #tpu.memory_space<vmem>>
          %dma_start3A_348 = arith.constant 0 : i32
          %dma_start3A_349 = tpu.memref_slice %arg8[%rem3A_340, %dma_start3A_343, %dma_start3A_348] : memref<4x2x128xi32, #tpu.memory_space<vmem>> -> memref<1x1x128xi32, #tpu.memory_space<vmem>>
          %dma_start3A_350 = tpu.memref_squeeze %dma_start3A_349 : memref<1x1x128xi32, #tpu.memory_space<vmem>> -> memref<128xi32, #tpu.memory_space<vmem>>
          %dma_start3A_351 = arith.constant 0 : i32
          %dma_start3A_352 = arith.constant 0 : i32
          %dma_start3A_353 = tpu.memref_slice %arg2[%dma_start3A_351, %dma_start3A_352] : memref<10000x128xf32, #tpu.memory_space<hbm>> -> memref<10000x128xf32, #tpu.memory_space<hbm>>
          tpu.enqueue_indirect_dma source(%dma_start3A_353 : memref<10000x128xf32, #tpu.memory_space<hbm>>) target(%dma_start3A_347 : memref<128x128xf32, #tpu.memory_space<vmem>>) offsets(%dma_start3A_350 : memref<128xi32, #tpu.memory_space<vmem>>) semaphore(%arg11 : memref<!tpu.dma_semaphore, #tpu.memory_space<semaphore_mem>>)
        } else {
        }
        %add3A_333 = arith.constant 3 : i32
        %add3A_334 = arith.addi %add3A_271, %add3A_333 : i32
        %lt3A_335 = arith.cmpi slt, %add3A_334, %add3A_4 : i32
        %convert_element_type3A_336 = arith.extui %lt3A_335 : i1 to i32
        %cond3A_337 = arith.constant 0 : i32
        %cond3A_338 = arith.cmpi ne, %convert_element_type3A_336, %cond3A_337 : i32
        scf.if %cond3A_338 {
          %add3A_339 = arith.constant 3 : i32
          %add3A_340 = arith.addi %add3A_271, %add3A_339 : i32
          %mul3A_341 = arith.constant 32 : i32
          %mul3A_342 = arith.muli %add3A_340, %mul3A_341 : i32
          %add3A_343 = arith.addi %add3A, %mul3A_342 : i32
          %rem3A_344 = arith.constant 4 : i32
          %rem3A_345 = arith.remsi %add3A_340, %rem3A_344 : i32
          %dma_start3A_346 = arith.constant 0 : i32
          %dma_start3A_347 = arith.constant 0 : i32
          %dma_start3A_348 = tpu.memref_slice %arg8[%rem3A_345, %dma_start3A_346, %dma_start3A_347] : memref<4x2x128xi32, #tpu.memory_space<vmem>> -> memref<1x2x128xi32, #tpu.memory_space<vmem>>
          %dma_start3A_349 = tpu.memref_squeeze %dma_start3A_348 : memref<1x2x128xi32, #tpu.memory_space<vmem>> -> memref<2x128xi32, #tpu.memory_space<vmem>>
          %dma_start3A_350 = arith.constant 0 : i32
          %dma_start3A_351 = arith.constant 0 : i32
          %dma_start3A_352 = tpu.memref_slice %arg3[%add3A_343, %dma_start3A_350, %dma_start3A_351] : memref<2500x2x128xi32, #tpu.memory_space<hbm>> -> memref<1x2x128xi32, #tpu.memory_space<hbm>>
          %dma_start3A_353 = tpu.memref_squeeze %dma_start3A_352 : memref<1x2x128xi32, #tpu.memory_space<hbm>> -> memref<2x128xi32, #tpu.memory_space<hbm>>
          %dma_start3A_354 = arith.constant 0 : i32
          %dma_start3A_355 = arith.constant 0 : i32
          %dma_start3A_356 = tpu.memref_slice %arg8[%rem3A_345, %dma_start3A_354, %dma_start3A_355] : memref<4x2x128xi32, #tpu.memory_space<vmem>> -> memref<1x2x128xi32, #tpu.memory_space<vmem>>
          %dma_start3A_357 = tpu.memref_squeeze %dma_start3A_356 : memref<1x2x128xi32, #tpu.memory_space<vmem>> -> memref<2x128xi32, #tpu.memory_space<vmem>>
          %dma_start3A_358 = arith.constant 0 : i32
          %dma_start3A_359 = arith.constant 0 : i32
          %dma_start3A_360 = tpu.memref_slice %arg3[%add3A_343, %dma_start3A_358, %dma_start3A_359] : memref<2500x2x128xi32, #tpu.memory_space<hbm>> -> memref<1x2x128xi32, #tpu.memory_space<hbm>>
          %dma_start3A_361 = tpu.memref_squeeze %dma_start3A_360 : memref<1x2x128xi32, #tpu.memory_space<hbm>> -> memref<2x128xi32, #tpu.memory_space<hbm>>
          tpu.enqueue_dma source(%dma_start3A_361 : memref<2x128xi32, #tpu.memory_space<hbm>>) target(%dma_start3A_357 : memref<2x128xi32, #tpu.memory_space<vmem>>) target_semaphore(%arg9 : memref<!tpu.dma_semaphore, #tpu.memory_space<semaphore_mem>>)
        } else {
        }
      } else {
      }
    }
    %sub3A_134 = arith.constant 1 : i32
    %sub3A_135 = arith.subi %add3A_4, %sub3A_134 : i32
    %rem3A_136 = arith.constant 3 : i32
    %rem3A_137 = arith.remsi %sub3A_135, %rem3A_136 : i32
    %eq3A = arith.constant 0 : i32
    %eq3A_138 = arith.cmpi eq, %rem3A_137, %eq3A : i32
    %convert_element_type3A_139 = arith.extui %eq3A_138 : i1 to i32
    %cond3A_140 = arith.constant 0 : i32
    %cond3A_141 = arith.cmpi ne, %convert_element_type3A_139, %cond3A_140 : i32
    scf.if %cond3A_141 {
      %sub3A_251 = arith.constant 1 : i32
      %sub3A_252 = arith.subi %add3A_4, %sub3A_251 : i32
      %rem3A_253 = arith.constant 3 : i32
      %rem3A_254 = arith.remsi %sub3A_252, %rem3A_253 : i32
      %rem3A_255 = arith.constant 4 : i32
      %rem3A_256 = arith.remsi %sub3A_252, %rem3A_255 : i32
      %dma_wait3A_257 = arith.constant 1 : i32
      %dma_wait3A_258 = arith.constant 0 : i32
      %dma_wait3A_259 = arith.constant 0 : i32
      %dma_wait3A_260 = tpu.memref_slice %arg7[%rem3A_254, %dma_wait3A_258, %dma_wait3A_259] : memref<3x128x128xf32, #tpu.memory_space<vmem>> -> memref<1x128x128xf32, #tpu.memory_space<vmem>>
      %dma_wait3A_261 = tpu.memref_squeeze %dma_wait3A_260 : memref<1x128x128xf32, #tpu.memory_space<vmem>> -> memref<128x128xf32, #tpu.memory_space<vmem>>
      %dma_wait3A_262 = arith.constant 0 : i32
      %dma_wait3A_263 = tpu.memref_slice %arg8[%rem3A_256, %dma_wait3A_257, %dma_wait3A_262] : memref<4x2x128xi32, #tpu.memory_space<vmem>> -> memref<1x1x128xi32, #tpu.memory_space<vmem>>
      %dma_wait3A_264 = tpu.memref_squeeze %dma_wait3A_263 : memref<1x1x128xi32, #tpu.memory_space<vmem>> -> memref<128xi32, #tpu.memory_space<vmem>>
      %dma_wait3A_265 = arith.constant 0 : i32
      %dma_wait3A_266 = arith.constant 0 : i32
      %dma_wait3A_267 = tpu.memref_slice %arg6[%dma_wait3A_265, %dma_wait3A_266] : memref<10112x128xf32, #tpu.memory_space<vmem_shared>> -> memref<10112x128xf32, #tpu.memory_space<vmem_shared>>
      tpu.wait_indirect_dma semaphore(%arg13 : memref<!tpu.dma_semaphore, #tpu.memory_space<semaphore_mem>>) src(%dma_wait3A_261 : memref<128x128xf32, #tpu.memory_space<vmem>>) dst(%dma_wait3A_267 : memref<10112x128xf32, #tpu.memory_space<vmem_shared>>)
    } else {
    }
    %sub3A_142 = arith.constant 1 : i32
    %sub3A_143 = arith.subi %add3A_4, %sub3A_142 : i32
    %rem3A_144 = arith.constant 3 : i32
    %rem3A_145 = arith.remsi %sub3A_143, %rem3A_144 : i32
    %eq3A_146 = arith.constant 1 : i32
    %eq3A_147 = arith.cmpi eq, %rem3A_145, %eq3A_146 : i32
    %convert_element_type3A_148 = arith.extui %eq3A_147 : i1 to i32
    %cond3A_149 = arith.constant 0 : i32
    %cond3A_150 = arith.cmpi ne, %convert_element_type3A_148, %cond3A_149 : i32
    scf.if %cond3A_150 {
      %sub3A_251 = arith.constant 1 : i32
      %sub3A_252 = arith.subi %add3A_4, %sub3A_251 : i32
      %rem3A_253 = arith.constant 3 : i32
      %rem3A_254 = arith.remsi %sub3A_252, %rem3A_253 : i32
      %rem3A_255 = arith.constant 4 : i32
      %rem3A_256 = arith.remsi %sub3A_252, %rem3A_255 : i32
      %dma_wait3A_257 = arith.constant 1 : i32
      %dma_wait3A_258 = arith.constant 0 : i32
      %dma_wait3A_259 = arith.constant 0 : i32
      %dma_wait3A_260 = tpu.memref_slice %arg7[%rem3A_254, %dma_wait3A_258, %dma_wait3A_259] : memref<3x128x128xf32, #tpu.memory_space<vmem>> -> memref<1x128x128xf32, #tpu.memory_space<vmem>>
      %dma_wait3A_261 = tpu.memref_squeeze %dma_wait3A_260 : memref<1x128x128xf32, #tpu.memory_space<vmem>> -> memref<128x128xf32, #tpu.memory_space<vmem>>
      %dma_wait3A_262 = arith.constant 0 : i32
      %dma_wait3A_263 = tpu.memref_slice %arg8[%rem3A_256, %dma_wait3A_257, %dma_wait3A_262] : memref<4x2x128xi32, #tpu.memory_space<vmem>> -> memref<1x1x128xi32, #tpu.memory_space<vmem>>
      %dma_wait3A_264 = tpu.memref_squeeze %dma_wait3A_263 : memref<1x1x128xi32, #tpu.memory_space<vmem>> -> memref<128xi32, #tpu.memory_space<vmem>>
      %dma_wait3A_265 = arith.constant 0 : i32
      %dma_wait3A_266 = arith.constant 0 : i32
      %dma_wait3A_267 = tpu.memref_slice %arg6[%dma_wait3A_265, %dma_wait3A_266] : memref<10112x128xf32, #tpu.memory_space<vmem_shared>> -> memref<10112x128xf32, #tpu.memory_space<vmem_shared>>
      tpu.wait_indirect_dma semaphore(%arg14 : memref<!tpu.dma_semaphore, #tpu.memory_space<semaphore_mem>>) src(%dma_wait3A_261 : memref<128x128xf32, #tpu.memory_space<vmem>>) dst(%dma_wait3A_267 : memref<10112x128xf32, #tpu.memory_space<vmem_shared>>)
    } else {
    }
    %sub3A_151 = arith.constant 1 : i32
    %sub3A_152 = arith.subi %add3A_4, %sub3A_151 : i32
    %rem3A_153 = arith.constant 3 : i32
    %rem3A_154 = arith.remsi %sub3A_152, %rem3A_153 : i32
    %eq3A_155 = arith.constant 2 : i32
    %eq3A_156 = arith.cmpi eq, %rem3A_154, %eq3A_155 : i32
    %convert_element_type3A_157 = arith.extui %eq3A_156 : i1 to i32
    %cond3A_158 = arith.constant 0 : i32
    %cond3A_159 = arith.cmpi ne, %convert_element_type3A_157, %cond3A_158 : i32
    scf.if %cond3A_159 {
      %sub3A_251 = arith.constant 1 : i32
      %sub3A_252 = arith.subi %add3A_4, %sub3A_251 : i32
      %rem3A_253 = arith.constant 3 : i32
      %rem3A_254 = arith.remsi %sub3A_252, %rem3A_253 : i32
      %rem3A_255 = arith.constant 4 : i32
      %rem3A_256 = arith.remsi %sub3A_252, %rem3A_255 : i32
      %dma_wait3A_257 = arith.constant 1 : i32
      %dma_wait3A_258 = arith.constant 0 : i32
      %dma_wait3A_259 = arith.constant 0 : i32
      %dma_wait3A_260 = tpu.memref_slice %arg7[%rem3A_254, %dma_wait3A_258, %dma_wait3A_259] : memref<3x128x128xf32, #tpu.memory_space<vmem>> -> memref<1x128x128xf32, #tpu.memory_space<vmem>>
      %dma_wait3A_261 = tpu.memref_squeeze %dma_wait3A_260 : memref<1x128x128xf32, #tpu.memory_space<vmem>> -> memref<128x128xf32, #tpu.memory_space<vmem>>
      %dma_wait3A_262 = arith.constant 0 : i32
      %dma_wait3A_263 = tpu.memref_slice %arg8[%rem3A_256, %dma_wait3A_257, %dma_wait3A_262] : memref<4x2x128xi32, #tpu.memory_space<vmem>> -> memref<1x1x128xi32, #tpu.memory_space<vmem>>
      %dma_wait3A_264 = tpu.memref_squeeze %dma_wait3A_263 : memref<1x1x128xi32, #tpu.memory_space<vmem>> -> memref<128xi32, #tpu.memory_space<vmem>>
      %dma_wait3A_265 = arith.constant 0 : i32
      %dma_wait3A_266 = arith.constant 0 : i32
      %dma_wait3A_267 = tpu.memref_slice %arg6[%dma_wait3A_265, %dma_wait3A_266] : memref<10112x128xf32, #tpu.memory_space<vmem_shared>> -> memref<10112x128xf32, #tpu.memory_space<vmem_shared>>
      tpu.wait_indirect_dma semaphore(%arg15 : memref<!tpu.dma_semaphore, #tpu.memory_space<semaphore_mem>>) src(%dma_wait3A_261 : memref<128x128xf32, #tpu.memory_space<vmem>>) dst(%dma_wait3A_267 : memref<10112x128xf32, #tpu.memory_space<vmem_shared>>)
    } else {
    }
    %barrier3A_160 = arith.constant 0 : index
    tpu.barrier barrier_id(%barrier3A_160)
    %mul3A_161 = arith.constant 632 : i32
    %mul3A_162 = arith.muli %arg1, %mul3A_161 : i32
    %add3A_163 = arith.constant 0 : i32
    %add3A_164 = arith.addi %mul3A_162, %add3A_163 : i32
    %dma_start3A_165 = arith.constant 0 : i32
    %dma_start3A_166 = tpu.memref_slice %arg5[%arg0, %add3A_164, %dma_start3A_165] : memref<2x10112x128xf32, #tpu.memory_space<hbm>> -> memref<1x128x128xf32, #tpu.memory_space<hbm>>
    %dma_start3A_167 = tpu.memref_squeeze %dma_start3A_166 : memref<1x128x128xf32, #tpu.memory_space<hbm>> -> memref<128x128xf32, #tpu.memory_space<hbm>>
    %dma_start3A_168 = arith.constant 0 : i32
    %dma_start3A_169 = tpu.memref_slice %arg6[%add3A_164, %dma_start3A_168] : memref<10112x128xf32, #tpu.memory_space<vmem_shared>> -> memref<128x128xf32, #tpu.memory_space<vmem_shared>>
    tpu.enqueue_dma source(%dma_start3A_169 : memref<128x128xf32, #tpu.memory_space<vmem_shared>>) target(%dma_start3A_167 : memref<128x128xf32, #tpu.memory_space<hbm>>) target_semaphore(%arg16 : memref<!tpu.dma_semaphore, #tpu.memory_space<semaphore_mem>>)
    %mul3A_170 = arith.constant 632 : i32
    %mul3A_171 = arith.muli %arg1, %mul3A_170 : i32
    %add3A_172 = arith.constant 128 : i32
    %add3A_173 = arith.addi %mul3A_171, %add3A_172 : i32
    %dma_start3A_174 = arith.constant 0 : i32
    %dma_start3A_175 = tpu.memref_slice %arg5[%arg0, %add3A_173, %dma_start3A_174] : memref<2x10112x128xf32, #tpu.memory_space<hbm>> -> memref<1x128x128xf32, #tpu.memory_space<hbm>>
    %dma_start3A_176 = tpu.memref_squeeze %dma_start3A_175 : memref<1x128x128xf32, #tpu.memory_space<hbm>> -> memref<128x128xf32, #tpu.memory_space<hbm>>
    %dma_start3A_177 = arith.constant 0 : i32
    %dma_start3A_178 = tpu.memref_slice %arg6[%add3A_173, %dma_start3A_177] : memref<10112x128xf32, #tpu.memory_space<vmem_shared>> -> memref<128x128xf32, #tpu.memory_space<vmem_shared>>
    tpu.enqueue_dma source(%dma_start3A_178 : memref<128x128xf32, #tpu.memory_space<vmem_shared>>) target(%dma_start3A_176 : memref<128x128xf32, #tpu.memory_space<hbm>>) target_semaphore(%arg16 : memref<!tpu.dma_semaphore, #tpu.memory_space<semaphore_mem>>)
    %mul3A_179 = arith.constant 632 : i32
    %mul3A_180 = arith.muli %arg1, %mul3A_179 : i32
    %add3A_181 = arith.constant 256 : i32
    %add3A_182 = arith.addi %mul3A_180, %add3A_181 : i32
    %dma_start3A_183 = arith.constant 0 : i32
    %dma_start3A_184 = tpu.memref_slice %arg5[%arg0, %add3A_182, %dma_start3A_183] : memref<2x10112x128xf32, #tpu.memory_space<hbm>> -> memref<1x128x128xf32, #tpu.memory_space<hbm>>
    %dma_start3A_185 = tpu.memref_squeeze %dma_start3A_184 : memref<1x128x128xf32, #tpu.memory_space<hbm>> -> memref<128x128xf32, #tpu.memory_space<hbm>>
    %dma_start3A_186 = arith.constant 0 : i32
    %dma_start3A_187 = tpu.memref_slice %arg6[%add3A_182, %dma_start3A_186] : memref<10112x128xf32, #tpu.memory_space<vmem_shared>> -> memref<128x128xf32, #tpu.memory_space<vmem_shared>>
    tpu.enqueue_dma source(%dma_start3A_187 : memref<128x128xf32, #tpu.memory_space<vmem_shared>>) target(%dma_start3A_185 : memref<128x128xf32, #tpu.memory_space<hbm>>) target_semaphore(%arg16 : memref<!tpu.dma_semaphore, #tpu.memory_space<semaphore_mem>>)
    %mul3A_188 = arith.constant 632 : i32
    %mul3A_189 = arith.muli %arg1, %mul3A_188 : i32
    %add3A_190 = arith.constant 384 : i32
    %add3A_191 = arith.addi %mul3A_189, %add3A_190 : i32
    %dma_start3A_192 = arith.constant 0 : i32
    %dma_start3A_193 = tpu.memref_slice %arg5[%arg0, %add3A_191, %dma_start3A_192] : memref<2x10112x128xf32, #tpu.memory_space<hbm>> -> memref<1x128x128xf32, #tpu.memory_space<hbm>>
    %dma_start3A_194 = tpu.memref_squeeze %dma_start3A_193 : memref<1x128x128xf32, #tpu.memory_space<hbm>> -> memref<128x128xf32, #tpu.memory_space<hbm>>
    %dma_start3A_195 = arith.constant 0 : i32
    %dma_start3A_196 = tpu.memref_slice %arg6[%add3A_191, %dma_start3A_195] : memref<10112x128xf32, #tpu.memory_space<vmem_shared>> -> memref<128x128xf32, #tpu.memory_space<vmem_shared>>
    tpu.enqueue_dma source(%dma_start3A_196 : memref<128x128xf32, #tpu.memory_space<vmem_shared>>) target(%dma_start3A_194 : memref<128x128xf32, #tpu.memory_space<hbm>>) target_semaphore(%arg16 : memref<!tpu.dma_semaphore, #tpu.memory_space<semaphore_mem>>)
    %mul3A_197 = arith.constant 632 : i32
    %mul3A_198 = arith.muli %arg1, %mul3A_197 : i32
    %add3A_199 = arith.constant 512 : i32
    %add3A_200 = arith.addi %mul3A_198, %add3A_199 : i32
    %dma_start3A_201 = arith.constant 0 : i32
    %dma_start3A_202 = tpu.memref_slice %arg5[%arg0, %add3A_200, %dma_start3A_201] : memref<2x10112x128xf32, #tpu.memory_space<hbm>> -> memref<1x120x128xf32, #tpu.memory_space<hbm>>
    %dma_start3A_203 = tpu.memref_squeeze %dma_start3A_202 : memref<1x120x128xf32, #tpu.memory_space<hbm>> -> memref<120x128xf32, #tpu.memory_space<hbm>>
    %dma_start3A_204 = arith.constant 0 : i32
    %dma_start3A_205 = tpu.memref_slice %arg6[%add3A_200, %dma_start3A_204] : memref<10112x128xf32, #tpu.memory_space<vmem_shared>> -> memref<120x128xf32, #tpu.memory_space<vmem_shared>>
    tpu.enqueue_dma source(%dma_start3A_205 : memref<120x128xf32, #tpu.memory_space<vmem_shared>>) target(%dma_start3A_203 : memref<120x128xf32, #tpu.memory_space<hbm>>) target_semaphore(%arg16 : memref<!tpu.dma_semaphore, #tpu.memory_space<semaphore_mem>>)
    %mul3A_206 = arith.constant 632 : i32
    %mul3A_207 = arith.muli %arg1, %mul3A_206 : i32
    %add3A_208 = arith.constant 0 : i32
    %add3A_209 = arith.addi %mul3A_207, %add3A_208 : i32
    %dma_wait3A_210 = arith.constant 0 : i32
    %dma_wait3A_211 = tpu.memref_slice %arg5[%arg0, %add3A_209, %dma_wait3A_210] : memref<2x10112x128xf32, #tpu.memory_space<hbm>> -> memref<1x128x128xf32, #tpu.memory_space<hbm>>
    %dma_wait3A_212 = tpu.memref_squeeze %dma_wait3A_211 : memref<1x128x128xf32, #tpu.memory_space<hbm>> -> memref<128x128xf32, #tpu.memory_space<hbm>>
    %dma_wait3A_213 = arith.constant 0 : i32
    %dma_wait3A_214 = tpu.memref_slice %arg6[%add3A_209, %dma_wait3A_213] : memref<10112x128xf32, #tpu.memory_space<vmem_shared>> -> memref<128x128xf32, #tpu.memory_space<vmem_shared>>
    tpu.wait_dma2 semaphore(%arg16 : memref<!tpu.dma_semaphore, #tpu.memory_space<semaphore_mem>>) src(%dma_wait3A_214 : memref<128x128xf32, #tpu.memory_space<vmem_shared>>) dst(%dma_wait3A_212 : memref<128x128xf32, #tpu.memory_space<hbm>>)
    %mul3A_215 = arith.constant 632 : i32
    %mul3A_216 = arith.muli %arg1, %mul3A_215 : i32
    %add3A_217 = arith.constant 128 : i32
    %add3A_218 = arith.addi %mul3A_216, %add3A_217 : i32
    %dma_wait3A_219 = arith.constant 0 : i32
    %dma_wait3A_220 = tpu.memref_slice %arg5[%arg0, %add3A_218, %dma_wait3A_219] : memref<2x10112x128xf32, #tpu.memory_space<hbm>> -> memref<1x128x128xf32, #tpu.memory_space<hbm>>
    %dma_wait3A_221 = tpu.memref_squeeze %dma_wait3A_220 : memref<1x128x128xf32, #tpu.memory_space<hbm>> -> memref<128x128xf32, #tpu.memory_space<hbm>>
    %dma_wait3A_222 = arith.constant 0 : i32
    %dma_wait3A_223 = tpu.memref_slice %arg6[%add3A_218, %dma_wait3A_222] : memref<10112x128xf32, #tpu.memory_space<vmem_shared>> -> memref<128x128xf32, #tpu.memory_space<vmem_shared>>
    tpu.wait_dma2 semaphore(%arg16 : memref<!tpu.dma_semaphore, #tpu.memory_space<semaphore_mem>>) src(%dma_wait3A_223 : memref<128x128xf32, #tpu.memory_space<vmem_shared>>) dst(%dma_wait3A_221 : memref<128x128xf32, #tpu.memory_space<hbm>>)
    %mul3A_224 = arith.constant 632 : i32
    %mul3A_225 = arith.muli %arg1, %mul3A_224 : i32
    %add3A_226 = arith.constant 256 : i32
    %add3A_227 = arith.addi %mul3A_225, %add3A_226 : i32
    %dma_wait3A_228 = arith.constant 0 : i32
    %dma_wait3A_229 = tpu.memref_slice %arg5[%arg0, %add3A_227, %dma_wait3A_228] : memref<2x10112x128xf32, #tpu.memory_space<hbm>> -> memref<1x128x128xf32, #tpu.memory_space<hbm>>
    %dma_wait3A_230 = tpu.memref_squeeze %dma_wait3A_229 : memref<1x128x128xf32, #tpu.memory_space<hbm>> -> memref<128x128xf32, #tpu.memory_space<hbm>>
    %dma_wait3A_231 = arith.constant 0 : i32
    %dma_wait3A_232 = tpu.memref_slice %arg6[%add3A_227, %dma_wait3A_231] : memref<10112x128xf32, #tpu.memory_space<vmem_shared>> -> memref<128x128xf32, #tpu.memory_space<vmem_shared>>
    tpu.wait_dma2 semaphore(%arg16 : memref<!tpu.dma_semaphore, #tpu.memory_space<semaphore_mem>>) src(%dma_wait3A_232 : memref<128x128xf32, #tpu.memory_space<vmem_shared>>) dst(%dma_wait3A_230 : memref<128x128xf32, #tpu.memory_space<hbm>>)
    %mul3A_233 = arith.constant 632 : i32
    %mul3A_234 = arith.muli %arg1, %mul3A_233 : i32
    %add3A_235 = arith.constant 384 : i32
    %add3A_236 = arith.addi %mul3A_234, %add3A_235 : i32
    %dma_wait3A_237 = arith.constant 0 : i32
    %dma_wait3A_238 = tpu.memref_slice %arg5[%arg0, %add3A_236, %dma_wait3A_237] : memref<2x10112x128xf32, #tpu.memory_space<hbm>> -> memref<1x128x128xf32, #tpu.memory_space<hbm>>
    %dma_wait3A_239 = tpu.memref_squeeze %dma_wait3A_238 : memref<1x128x128xf32, #tpu.memory_space<hbm>> -> memref<128x128xf32, #tpu.memory_space<hbm>>
    %dma_wait3A_240 = arith.constant 0 : i32
    %dma_wait3A_241 = tpu.memref_slice %arg6[%add3A_236, %dma_wait3A_240] : memref<10112x128xf32, #tpu.memory_space<vmem_shared>> -> memref<128x128xf32, #tpu.memory_space<vmem_shared>>
    tpu.wait_dma2 semaphore(%arg16 : memref<!tpu.dma_semaphore, #tpu.memory_space<semaphore_mem>>) src(%dma_wait3A_241 : memref<128x128xf32, #tpu.memory_space<vmem_shared>>) dst(%dma_wait3A_239 : memref<128x128xf32, #tpu.memory_space<hbm>>)
    %mul3A_242 = arith.constant 632 : i32
    %mul3A_243 = arith.muli %arg1, %mul3A_242 : i32
    %add3A_244 = arith.constant 512 : i32
    %add3A_245 = arith.addi %mul3A_243, %add3A_244 : i32
    %dma_wait3A_246 = arith.constant 0 : i32
    %dma_wait3A_247 = tpu.memref_slice %arg5[%arg0, %add3A_245, %dma_wait3A_246] : memref<2x10112x128xf32, #tpu.memory_space<hbm>> -> memref<1x120x128xf32, #tpu.memory_space<hbm>>
    %dma_wait3A_248 = tpu.memref_squeeze %dma_wait3A_247 : memref<1x120x128xf32, #tpu.memory_space<hbm>> -> memref<120x128xf32, #tpu.memory_space<hbm>>
    %dma_wait3A_249 = arith.constant 0 : i32
    %dma_wait3A_250 = tpu.memref_slice %arg6[%add3A_245, %dma_wait3A_249] : memref<10112x128xf32, #tpu.memory_space<vmem_shared>> -> memref<120x128xf32, #tpu.memory_space<vmem_shared>>
    tpu.wait_dma2 semaphore(%arg16 : memref<!tpu.dma_semaphore, #tpu.memory_space<semaphore_mem>>) src(%dma_wait3A_250 : memref<120x128xf32, #tpu.memory_space<vmem_shared>>) dst(%dma_wait3A_248 : memref<120x128xf32, #tpu.memory_space<hbm>>)
    return
  }
}

#map = affine_map<(d0, d1) -> (0, 0)>
#map1 = affine_map<(d0, d1) -> (0, 0, 0)>
module attributes {stable_mosaic.version = 14 : i64} {
  func.func @agg(%arg0: i32, %arg1: i32, %arg2: memref<10000x128xf32, #tpu.memory_space<hbm>>, %arg3: memref<2500x2x128xi32, #tpu.memory_space<hbm>>, %arg4: memref<128x128xf32, #tpu.memory_space<hbm>>, %arg5: memref<2x10112x128xf32, #tpu.memory_space<hbm>>, %arg6: memref<10112x128xf32, #tpu.memory_space<vmem_shared>>, %arg7: memref<3x128x128xf32, #tpu.memory_space<vmem>>, %arg8: memref<4x2x128xi32, #tpu.memory_space<vmem>>, %arg9: memref<!tpu.dma_semaphore, #tpu.memory_space<semaphore_mem>>, %arg10: memref<!tpu.dma_semaphore, #tpu.memory_space<semaphore_mem>>, %arg11: memref<!tpu.dma_semaphore, #tpu.memory_space<semaphore_mem>>, %arg12: memref<!tpu.dma_semaphore, #tpu.memory_space<semaphore_mem>>, %arg13: memref<!tpu.dma_semaphore, #tpu.memory_space<semaphore_mem>>, %arg14: memref<!tpu.dma_semaphore, #tpu.memory_space<semaphore_mem>>, %arg15: memref<!tpu.dma_semaphore, #tpu.memory_space<semaphore_mem>>, %arg16: memref<!tpu.dma_semaphore, #tpu.memory_space<semaphore_mem>>) attributes {dimension_semantics = [#tpu.dimension_semantics<core_parallel>, #tpu.dimension_semantics<subcore_parallel>], iteration_bounds = array<i64: 2, 16>, scalar_prefetch = 0 : i64, scratch_operands = 11 : i64, tpu.core_type = #tpu.core_type<sc_vector_subcore>, window_params = [{transform_indices = #map}, {transform_indices = #map1}, {transform_indices = #map}, {transform_indices = #map1}]} {
    %mul3A = arith.constant 2 : i32
    %mul3A_0 = arith.muli %arg1, %mul3A : i32
    %add3A = arith.addi %mul3A_0, %arg0 : i32
    %lt3A = arith.constant 4 : i32
    %lt3A_1 = arith.cmpi slt, %add3A, %lt3A : i32
    %jit3A = arith.constant 1 : i32
    %jit3A_2 = arith.constant 0 : i32
    %select_n3A = arith.select %lt3A_1, %jit3A, %jit3A_2 : i32
    %add3A_3 = arith.constant 78 : i32
    %add3A_4 = arith.addi %add3A_3, %select_n3A : i32
    %mul3A_5 = arith.constant 632 : i32
    %mul3A_6 = arith.muli %arg1, %mul3A_5 : i32
    %add3A_7 = arith.constant 0 : i32
    %add3A_8 = arith.addi %mul3A_6, %add3A_7 : i32
    %dma_start3A = arith.constant 0 : i32
    %dma_start3A_9 = tpu.memref_slice %arg6[%add3A_8, %dma_start3A] : memref<10112x128xf32, #tpu.memory_space<vmem_shared>> -> memref<128x128xf32, #tpu.memory_space<vmem_shared>>
    %dma_start3A_10 = arith.constant 0 : i32
    %dma_start3A_11 = arith.constant 0 : i32
    %dma_start3A_12 = tpu.memref_slice %arg4[%dma_start3A_10, %dma_start3A_11] : memref<128x128xf32, #tpu.memory_space<hbm>> -> memref<128x128xf32, #tpu.memory_space<hbm>>
    tpu.enqueue_dma source(%dma_start3A_12 : memref<128x128xf32, #tpu.memory_space<hbm>>) target(%dma_start3A_9 : memref<128x128xf32, #tpu.memory_space<vmem_shared>>) target_semaphore(%arg16 : memref<!tpu.dma_semaphore, #tpu.memory_space<semaphore_mem>>)
    %mul3A_13 = arith.constant 632 : i32
    %mul3A_14 = arith.muli %arg1, %mul3A_13 : i32
    %add3A_15 = arith.constant 128 : i32
    %add3A_16 = arith.addi %mul3A_14, %add3A_15 : i32
    %dma_start3A_17 = arith.constant 0 : i32
    %dma_start3A_18 = tpu.memref_slice %arg6[%add3A_16, %dma_start3A_17] : memref<10112x128xf32, #tpu.memory_space<vmem_shared>> -> memref<128x128xf32, #tpu.memory_space<vmem_shared>>
    %dma_start3A_19 = arith.constant 0 : i32
    %dma_start3A_20 = arith.constant 0 : i32
    %dma_start3A_21 = tpu.memref_slice %arg4[%dma_start3A_19, %dma_start3A_20] : memref<128x128xf32, #tpu.memory_space<hbm>> -> memref<128x128xf32, #tpu.memory_space<hbm>>
    tpu.enqueue_dma source(%dma_start3A_21 : memref<128x128xf32, #tpu.memory_space<hbm>>) target(%dma_start3A_18 : memref<128x128xf32, #tpu.memory_space<vmem_shared>>) target_semaphore(%arg16 : memref<!tpu.dma_semaphore, #tpu.memory_space<semaphore_mem>>)
    %mul3A_22 = arith.constant 632 : i32
    %mul3A_23 = arith.muli %arg1, %mul3A_22 : i32
    %add3A_24 = arith.constant 256 : i32
    %add3A_25 = arith.addi %mul3A_23, %add3A_24 : i32
    %dma_start3A_26 = arith.constant 0 : i32
    %dma_start3A_27 = tpu.memref_slice %arg6[%add3A_25, %dma_start3A_26] : memref<10112x128xf32, #tpu.memory_space<vmem_shared>> -> memref<128x128xf32, #tpu.memory_space<vmem_shared>>
    %dma_start3A_28 = arith.constant 0 : i32
    %dma_start3A_29 = arith.constant 0 : i32
    %dma_start3A_30 = tpu.memref_slice %arg4[%dma_start3A_28, %dma_start3A_29] : memref<128x128xf32, #tpu.memory_space<hbm>> -> memref<128x128xf32, #tpu.memory_space<hbm>>
    tpu.enqueue_dma source(%dma_start3A_30 : memref<128x128xf32, #tpu.memory_space<hbm>>) target(%dma_start3A_27 : memref<128x128xf32, #tpu.memory_space<vmem_shared>>) target_semaphore(%arg16 : memref<!tpu.dma_semaphore, #tpu.memory_space<semaphore_mem>>)
    %mul3A_31 = arith.constant 632 : i32
    %mul3A_32 = arith.muli %arg1, %mul3A_31 : i32
    %add3A_33 = arith.constant 384 : i32
    %add3A_34 = arith.addi %mul3A_32, %add3A_33 : i32
    %dma_start3A_35 = arith.constant 0 : i32
    %dma_start3A_36 = tpu.memref_slice %arg6[%add3A_34, %dma_start3A_35] : memref<10112x128xf32, #tpu.memory_space<vmem_shared>> -> memref<128x128xf32, #tpu.memory_space<vmem_shared>>
    %dma_start3A_37 = arith.constant 0 : i32
    %dma_start3A_38 = arith.constant 0 : i32
    %dma_start3A_39 = tpu.memref_slice %arg4[%dma_start3A_37, %dma_start3A_38] : memref<128x128xf32, #tpu.memory_space<hbm>> -> memref<128x128xf32, #tpu.memory_space<hbm>>
    tpu.enqueue_dma source(%dma_start3A_39 : memref<128x128xf32, #tpu.memory_space<hbm>>) target(%dma_start3A_36 : memref<128x128xf32, #tpu.memory_space<vmem_shared>>) target_semaphore(%arg16 : memref<!tpu.dma_semaphore, #tpu.memory_space<semaphore_mem>>)
    %mul3A_40 = arith.constant 632 : i32
    %mul3A_41 = arith.muli %arg1, %mul3A_40 : i32
    %add3A_42 = arith.constant 512 : i32
    %add3A_43 = arith.addi %mul3A_41, %add3A_42 : i32
    %dma_start3A_44 = arith.constant 0 : i32
    %dma_start3A_45 = tpu.memref_slice %arg6[%add3A_43, %dma_start3A_44] : memref<10112x128xf32, #tpu.memory_space<vmem_shared>> -> memref<120x128xf32, #tpu.memory_space<vmem_shared>>
    %dma_start3A_46 = arith.constant 0 : i32
    %dma_start3A_47 = arith.constant 0 : i32
    %dma_start3A_48 = tpu.memref_slice %arg4[%dma_start3A_46, %dma_start3A_47] : memref<128x128xf32, #tpu.memory_space<hbm>> -> memref<120x128xf32, #tpu.memory_space<hbm>>
    tpu.enqueue_dma source(%dma_start3A_48 : memref<120x128xf32, #tpu.memory_space<hbm>>) target(%dma_start3A_45 : memref<120x128xf32, #tpu.memory_space<vmem_shared>>) target_semaphore(%arg16 : memref<!tpu.dma_semaphore, #tpu.memory_space<semaphore_mem>>)
    %gt3A = arith.constant 0 : i32
    %gt3A_49 = arith.cmpi sgt, %add3A_4, %gt3A : i32
    %convert_element_type3A = arith.extui %gt3A_49 : i1 to i32
    %cond3A = arith.constant 0 : i32
    %cond3A_50 = arith.cmpi ne, %convert_element_type3A, %cond3A : i32
    scf.if %cond3A_50 {
      %add3A_251 = arith.constant 0 : i32
      %add3A_252 = arith.addi %add3A, %add3A_251 : i32
      %rem3A_253 = arith.constant 0 : i32
      %rem3A_254 = arith.constant 4 : i32
      %rem3A_255 = arith.remsi %rem3A_253, %rem3A_254 : i32
      %dma_start3A_256 = arith.constant 0 : i32
      %dma_start3A_257 = arith.constant 0 : i32
      %dma_start3A_258 = tpu.memref_slice %arg8[%rem3A_255, %dma_start3A_256, %dma_start3A_257] : memref<4x2x128xi32, #tpu.memory_space<vmem>> -> memref<1x2x128xi32, #tpu.memory_space<vmem>>
      %dma_start3A_259 = tpu.memref_squeeze %dma_start3A_258 : memref<1x2x128xi32, #tpu.memory_space<vmem>> -> memref<2x128xi32, #tpu.memory_space<vmem>>
      %dma_start3A_260 = arith.constant 0 : i32
      %dma_start3A_261 = arith.constant 0 : i32
      %dma_start3A_262 = tpu.memref_slice %arg3[%add3A_252, %dma_start3A_260, %dma_start3A_261] : memref<2500x2x128xi32, #tpu.memory_space<hbm>> -> memref<1x2x128xi32, #tpu.memory_space<hbm>>
      %dma_start3A_263 = tpu.memref_squeeze %dma_start3A_262 : memref<1x2x128xi32, #tpu.memory_space<hbm>> -> memref<2x128xi32, #tpu.memory_space<hbm>>
      %dma_start3A_264 = arith.constant 0 : i32
      %dma_start3A_265 = arith.constant 0 : i32
      %dma_start3A_266 = tpu.memref_slice %arg8[%rem3A_255, %dma_start3A_264, %dma_start3A_265] : memref<4x2x128xi32, #tpu.memory_space<vmem>> -> memref<1x2x128xi32, #tpu.memory_space<vmem>>
      %dma_start3A_267 = tpu.memref_squeeze %dma_start3A_266 : memref<1x2x128xi32, #tpu.memory_space<vmem>> -> memref<2x128xi32, #tpu.memory_space<vmem>>
      %dma_start3A_268 = arith.constant 0 : i32
      %dma_start3A_269 = arith.constant 0 : i32
      %dma_start3A_270 = tpu.memref_slice %arg3[%add3A_252, %dma_start3A_268, %dma_start3A_269] : memref<2500x2x128xi32, #tpu.memory_space<hbm>> -> memref<1x2x128xi32, #tpu.memory_space<hbm>>
      %dma_start3A_271 = tpu.memref_squeeze %dma_start3A_270 : memref<1x2x128xi32, #tpu.memory_space<hbm>> -> memref<2x128xi32, #tpu.memory_space<hbm>>
      tpu.enqueue_dma source(%dma_start3A_271 : memref<2x128xi32, #tpu.memory_space<hbm>>) target(%dma_start3A_267 : memref<2x128xi32, #tpu.memory_space<vmem>>) target_semaphore(%arg9 : memref<!tpu.dma_semaphore, #tpu.memory_space<semaphore_mem>>)
      %add3A_272 = arith.constant 0 : i32
      %add3A_273 = arith.addi %add3A, %add3A_272 : i32
      %rem3A_274 = arith.constant 0 : i32
      %rem3A_275 = arith.constant 4 : i32
      %rem3A_276 = arith.remsi %rem3A_274, %rem3A_275 : i32
      %dma_wait3A_277 = arith.constant 0 : i32
      %dma_wait3A_278 = arith.constant 0 : i32
      %dma_wait3A_279 = tpu.memref_slice %arg8[%rem3A_276, %dma_wait3A_277, %dma_wait3A_278] : memref<4x2x128xi32, #tpu.memory_space<vmem>> -> memref<1x2x128xi32, #tpu.memory_space<vmem>>
      %dma_wait3A_280 = tpu.memref_squeeze %dma_wait3A_279 : memref<1x2x128xi32, #tpu.memory_space<vmem>> -> memref<2x128xi32, #tpu.memory_space<vmem>>
      %dma_wait3A_281 = arith.constant 0 : i32
      %dma_wait3A_282 = arith.constant 0 : i32
      %dma_wait3A_283 = tpu.memref_slice %arg3[%add3A_273, %dma_wait3A_281, %dma_wait3A_282] : memref<2500x2x128xi32, #tpu.memory_space<hbm>> -> memref<1x2x128xi32, #tpu.memory_space<hbm>>
      %dma_wait3A_284 = tpu.memref_squeeze %dma_wait3A_283 : memref<1x2x128xi32, #tpu.memory_space<hbm>> -> memref<2x128xi32, #tpu.memory_space<hbm>>
      %dma_wait3A_285 = arith.constant 0 : i32
      %dma_wait3A_286 = arith.constant 0 : i32
      %dma_wait3A_287 = tpu.memref_slice %arg8[%rem3A_276, %dma_wait3A_285, %dma_wait3A_286] : memref<4x2x128xi32, #tpu.memory_space<vmem>> -> memref<1x2x128xi32, #tpu.memory_space<vmem>>
      %dma_wait3A_288 = tpu.memref_squeeze %dma_wait3A_287 : memref<1x2x128xi32, #tpu.memory_space<vmem>> -> memref<2x128xi32, #tpu.memory_space<vmem>>
      %dma_wait3A_289 = arith.constant 0 : i32
      %dma_wait3A_290 = arith.constant 0 : i32
      %dma_wait3A_291 = tpu.memref_slice %arg3[%add3A_273, %dma_wait3A_289, %dma_wait3A_290] : memref<2500x2x128xi32, #tpu.memory_space<hbm>> -> memref<1x2x128xi32, #tpu.memory_space<hbm>>
      %dma_wait3A_292 = tpu.memref_squeeze %dma_wait3A_291 : memref<1x2x128xi32, #tpu.memory_space<hbm>> -> memref<2x128xi32, #tpu.memory_space<hbm>>
      tpu.wait_dma2 semaphore(%arg9 : memref<!tpu.dma_semaphore, #tpu.memory_space<semaphore_mem>>) src(%dma_wait3A_292 : memref<2x128xi32, #tpu.memory_space<hbm>>) dst(%dma_wait3A_288 : memref<2x128xi32, #tpu.memory_space<vmem>>)
      %rem3A_293 = arith.constant 0 : i32
      %rem3A_294 = arith.constant 4 : i32
      %rem3A_295 = arith.remsi %rem3A_293, %rem3A_294 : i32
      %rem3A_296 = arith.constant 0 : i32
      %rem3A_297 = arith.constant 3 : i32
      %rem3A_298 = arith.remsi %rem3A_296, %rem3A_297 : i32
      %dma_start3A_299 = arith.constant 0 : i32
      %dma_start3A_300 = arith.constant 0 : i32
      %dma_start3A_301 = arith.constant 0 : i32
      %dma_start3A_302 = tpu.memref_slice %arg7[%rem3A_298, %dma_start3A_300, %dma_start3A_301] : memref<3x128x128xf32, #tpu.memory_space<vmem>> -> memref<1x128x128xf32, #tpu.memory_space<vmem>>
      %dma_start3A_303 = tpu.memref_squeeze %dma_start3A_302 : memref<1x128x128xf32, #tpu.memory_space<vmem>> -> memref<128x128xf32, #tpu.memory_space<vmem>>
      %dma_start3A_304 = arith.constant 0 : i32
      %dma_start3A_305 = tpu.memref_slice %arg8[%rem3A_295, %dma_start3A_299, %dma_start3A_304] : memref<4x2x128xi32, #tpu.memory_space<vmem>> -> memref<1x1x128xi32, #tpu.memory_space<vmem>>
      %dma_start3A_306 = tpu.memref_squeeze %dma_start3A_305 : memref<1x1x128xi32, #tpu.memory_space<vmem>> -> memref<128xi32, #tpu.memory_space<vmem>>
      %dma_start3A_307 = arith.constant 0 : i32
      %dma_start3A_308 = arith.constant 0 : i32
      %dma_start3A_309 = tpu.memref_slice %arg2[%dma_start3A_307, %dma_start3A_308] : memref<10000x128xf32, #tpu.memory_space<hbm>> -> memref<10000x128xf32, #tpu.memory_space<hbm>>
      tpu.enqueue_indirect_dma source(%dma_start3A_309 : memref<10000x128xf32, #tpu.memory_space<hbm>>) target(%dma_start3A_303 : memref<128x128xf32, #tpu.memory_space<vmem>>) offsets(%dma_start3A_306 : memref<128xi32, #tpu.memory_space<vmem>>) semaphore(%arg10 : memref<!tpu.dma_semaphore, #tpu.memory_space<semaphore_mem>>)
    } else {
    }
    %gt3A_51 = arith.constant 1 : i32
    %gt3A_52 = arith.cmpi sgt, %add3A_4, %gt3A_51 : i32
    %convert_element_type3A_53 = arith.extui %gt3A_52 : i1 to i32
    %cond3A_54 = arith.constant 0 : i32
    %cond3A_55 = arith.cmpi ne, %convert_element_type3A_53, %cond3A_54 : i32
    scf.if %cond3A_55 {
      %add3A_251 = arith.constant 32 : i32
      %add3A_252 = arith.addi %add3A, %add3A_251 : i32
      %rem3A_253 = arith.constant 1 : i32
      %rem3A_254 = arith.constant 4 : i32
      %rem3A_255 = arith.remsi %rem3A_253, %rem3A_254 : i32
      %dma_start3A_256 = arith.constant 0 : i32
      %dma_start3A_257 = arith.constant 0 : i32
      %dma_start3A_258 = tpu.memref_slice %arg8[%rem3A_255, %dma_start3A_256, %dma_start3A_257] : memref<4x2x128xi32, #tpu.memory_space<vmem>> -> memref<1x2x128xi32, #tpu.memory_space<vmem>>
      %dma_start3A_259 = tpu.memref_squeeze %dma_start3A_258 : memref<1x2x128xi32, #tpu.memory_space<vmem>> -> memref<2x128xi32, #tpu.memory_space<vmem>>
      %dma_start3A_260 = arith.constant 0 : i32
      %dma_start3A_261 = arith.constant 0 : i32
      %dma_start3A_262 = tpu.memref_slice %arg3[%add3A_252, %dma_start3A_260, %dma_start3A_261] : memref<2500x2x128xi32, #tpu.memory_space<hbm>> -> memref<1x2x128xi32, #tpu.memory_space<hbm>>
      %dma_start3A_263 = tpu.memref_squeeze %dma_start3A_262 : memref<1x2x128xi32, #tpu.memory_space<hbm>> -> memref<2x128xi32, #tpu.memory_space<hbm>>
      %dma_start3A_264 = arith.constant 0 : i32
      %dma_start3A_265 = arith.constant 0 : i32
      %dma_start3A_266 = tpu.memref_slice %arg8[%rem3A_255, %dma_start3A_264, %dma_start3A_265] : memref<4x2x128xi32, #tpu.memory_space<vmem>> -> memref<1x2x128xi32, #tpu.memory_space<vmem>>
      %dma_start3A_267 = tpu.memref_squeeze %dma_start3A_266 : memref<1x2x128xi32, #tpu.memory_space<vmem>> -> memref<2x128xi32, #tpu.memory_space<vmem>>
      %dma_start3A_268 = arith.constant 0 : i32
      %dma_start3A_269 = arith.constant 0 : i32
      %dma_start3A_270 = tpu.memref_slice %arg3[%add3A_252, %dma_start3A_268, %dma_start3A_269] : memref<2500x2x128xi32, #tpu.memory_space<hbm>> -> memref<1x2x128xi32, #tpu.memory_space<hbm>>
      %dma_start3A_271 = tpu.memref_squeeze %dma_start3A_270 : memref<1x2x128xi32, #tpu.memory_space<hbm>> -> memref<2x128xi32, #tpu.memory_space<hbm>>
      tpu.enqueue_dma source(%dma_start3A_271 : memref<2x128xi32, #tpu.memory_space<hbm>>) target(%dma_start3A_267 : memref<2x128xi32, #tpu.memory_space<vmem>>) target_semaphore(%arg9 : memref<!tpu.dma_semaphore, #tpu.memory_space<semaphore_mem>>)
      %add3A_272 = arith.constant 32 : i32
      %add3A_273 = arith.addi %add3A, %add3A_272 : i32
      %rem3A_274 = arith.constant 1 : i32
      %rem3A_275 = arith.constant 4 : i32
      %rem3A_276 = arith.remsi %rem3A_274, %rem3A_275 : i32
      %dma_wait3A_277 = arith.constant 0 : i32
      %dma_wait3A_278 = arith.constant 0 : i32
      %dma_wait3A_279 = tpu.memref_slice %arg8[%rem3A_276, %dma_wait3A_277, %dma_wait3A_278] : memref<4x2x128xi32, #tpu.memory_space<vmem>> -> memref<1x2x128xi32, #tpu.memory_space<vmem>>
      %dma_wait3A_280 = tpu.memref_squeeze %dma_wait3A_279 : memref<1x2x128xi32, #tpu.memory_space<vmem>> -> memref<2x128xi32, #tpu.memory_space<vmem>>
      %dma_wait3A_281 = arith.constant 0 : i32
      %dma_wait3A_282 = arith.constant 0 : i32
      %dma_wait3A_283 = tpu.memref_slice %arg3[%add3A_273, %dma_wait3A_281, %dma_wait3A_282] : memref<2500x2x128xi32, #tpu.memory_space<hbm>> -> memref<1x2x128xi32, #tpu.memory_space<hbm>>
      %dma_wait3A_284 = tpu.memref_squeeze %dma_wait3A_283 : memref<1x2x128xi32, #tpu.memory_space<hbm>> -> memref<2x128xi32, #tpu.memory_space<hbm>>
      %dma_wait3A_285 = arith.constant 0 : i32
      %dma_wait3A_286 = arith.constant 0 : i32
      %dma_wait3A_287 = tpu.memref_slice %arg8[%rem3A_276, %dma_wait3A_285, %dma_wait3A_286] : memref<4x2x128xi32, #tpu.memory_space<vmem>> -> memref<1x2x128xi32, #tpu.memory_space<vmem>>
      %dma_wait3A_288 = tpu.memref_squeeze %dma_wait3A_287 : memref<1x2x128xi32, #tpu.memory_space<vmem>> -> memref<2x128xi32, #tpu.memory_space<vmem>>
      %dma_wait3A_289 = arith.constant 0 : i32
      %dma_wait3A_290 = arith.constant 0 : i32
      %dma_wait3A_291 = tpu.memref_slice %arg3[%add3A_273, %dma_wait3A_289, %dma_wait3A_290] : memref<2500x2x128xi32, #tpu.memory_space<hbm>> -> memref<1x2x128xi32, #tpu.memory_space<hbm>>
      %dma_wait3A_292 = tpu.memref_squeeze %dma_wait3A_291 : memref<1x2x128xi32, #tpu.memory_space<hbm>> -> memref<2x128xi32, #tpu.memory_space<hbm>>
      tpu.wait_dma2 semaphore(%arg9 : memref<!tpu.dma_semaphore, #tpu.memory_space<semaphore_mem>>) src(%dma_wait3A_292 : memref<2x128xi32, #tpu.memory_space<hbm>>) dst(%dma_wait3A_288 : memref<2x128xi32, #tpu.memory_space<vmem>>)
      %rem3A_293 = arith.constant 1 : i32
      %rem3A_294 = arith.constant 4 : i32
      %rem3A_295 = arith.remsi %rem3A_293, %rem3A_294 : i32
      %rem3A_296 = arith.constant 1 : i32
      %rem3A_297 = arith.constant 3 : i32
      %rem3A_298 = arith.remsi %rem3A_296, %rem3A_297 : i32
      %dma_start3A_299 = arith.constant 0 : i32
      %dma_start3A_300 = arith.constant 0 : i32
      %dma_start3A_301 = arith.constant 0 : i32
      %dma_start3A_302 = tpu.memref_slice %arg7[%rem3A_298, %dma_start3A_300, %dma_start3A_301] : memref<3x128x128xf32, #tpu.memory_space<vmem>> -> memref<1x128x128xf32, #tpu.memory_space<vmem>>
      %dma_start3A_303 = tpu.memref_squeeze %dma_start3A_302 : memref<1x128x128xf32, #tpu.memory_space<vmem>> -> memref<128x128xf32, #tpu.memory_space<vmem>>
      %dma_start3A_304 = arith.constant 0 : i32
      %dma_start3A_305 = tpu.memref_slice %arg8[%rem3A_295, %dma_start3A_299, %dma_start3A_304] : memref<4x2x128xi32, #tpu.memory_space<vmem>> -> memref<1x1x128xi32, #tpu.memory_space<vmem>>
      %dma_start3A_306 = tpu.memref_squeeze %dma_start3A_305 : memref<1x1x128xi32, #tpu.memory_space<vmem>> -> memref<128xi32, #tpu.memory_space<vmem>>
      %dma_start3A_307 = arith.constant 0 : i32
      %dma_start3A_308 = arith.constant 0 : i32
      %dma_start3A_309 = tpu.memref_slice %arg2[%dma_start3A_307, %dma_start3A_308] : memref<10000x128xf32, #tpu.memory_space<hbm>> -> memref<10000x128xf32, #tpu.memory_space<hbm>>
      tpu.enqueue_indirect_dma source(%dma_start3A_309 : memref<10000x128xf32, #tpu.memory_space<hbm>>) target(%dma_start3A_303 : memref<128x128xf32, #tpu.memory_space<vmem>>) offsets(%dma_start3A_306 : memref<128xi32, #tpu.memory_space<vmem>>) semaphore(%arg11 : memref<!tpu.dma_semaphore, #tpu.memory_space<semaphore_mem>>)
    } else {
    }
    %gt3A_56 = arith.constant 2 : i32
    %gt3A_57 = arith.cmpi sgt, %add3A_4, %gt3A_56 : i32
    %convert_element_type3A_58 = arith.extui %gt3A_57 : i1 to i32
    %cond3A_59 = arith.constant 0 : i32
    %cond3A_60 = arith.cmpi ne, %convert_element_type3A_58, %cond3A_59 : i32
    scf.if %cond3A_60 {
      %add3A_251 = arith.constant 64 : i32
      %add3A_252 = arith.addi %add3A, %add3A_251 : i32
      %rem3A_253 = arith.constant 2 : i32
      %rem3A_254 = arith.constant 4 : i32
      %rem3A_255 = arith.remsi %rem3A_253, %rem3A_254 : i32
      %dma_start3A_256 = arith.constant 0 : i32
      %dma_start3A_257 = arith.constant 0 : i32
      %dma_start3A_258 = tpu.memref_slice %arg8[%rem3A_255, %dma_start3A_256, %dma_start3A_257] : memref<4x2x128xi32, #tpu.memory_space<vmem>> -> memref<1x2x128xi32, #tpu.memory_space<vmem>>
      %dma_start3A_259 = tpu.memref_squeeze %dma_start3A_258 : memref<1x2x128xi32, #tpu.memory_space<vmem>> -> memref<2x128xi32, #tpu.memory_space<vmem>>
      %dma_start3A_260 = arith.constant 0 : i32
      %dma_start3A_261 = arith.constant 0 : i32
      %dma_start3A_262 = tpu.memref_slice %arg3[%add3A_252, %dma_start3A_260, %dma_start3A_261] : memref<2500x2x128xi32, #tpu.memory_space<hbm>> -> memref<1x2x128xi32, #tpu.memory_space<hbm>>
      %dma_start3A_263 = tpu.memref_squeeze %dma_start3A_262 : memref<1x2x128xi32, #tpu.memory_space<hbm>> -> memref<2x128xi32, #tpu.memory_space<hbm>>
      %dma_start3A_264 = arith.constant 0 : i32
      %dma_start3A_265 = arith.constant 0 : i32
      %dma_start3A_266 = tpu.memref_slice %arg8[%rem3A_255, %dma_start3A_264, %dma_start3A_265] : memref<4x2x128xi32, #tpu.memory_space<vmem>> -> memref<1x2x128xi32, #tpu.memory_space<vmem>>
      %dma_start3A_267 = tpu.memref_squeeze %dma_start3A_266 : memref<1x2x128xi32, #tpu.memory_space<vmem>> -> memref<2x128xi32, #tpu.memory_space<vmem>>
      %dma_start3A_268 = arith.constant 0 : i32
      %dma_start3A_269 = arith.constant 0 : i32
      %dma_start3A_270 = tpu.memref_slice %arg3[%add3A_252, %dma_start3A_268, %dma_start3A_269] : memref<2500x2x128xi32, #tpu.memory_space<hbm>> -> memref<1x2x128xi32, #tpu.memory_space<hbm>>
      %dma_start3A_271 = tpu.memref_squeeze %dma_start3A_270 : memref<1x2x128xi32, #tpu.memory_space<hbm>> -> memref<2x128xi32, #tpu.memory_space<hbm>>
      tpu.enqueue_dma source(%dma_start3A_271 : memref<2x128xi32, #tpu.memory_space<hbm>>) target(%dma_start3A_267 : memref<2x128xi32, #tpu.memory_space<vmem>>) target_semaphore(%arg9 : memref<!tpu.dma_semaphore, #tpu.memory_space<semaphore_mem>>)
    } else {
    }
    %mul3A_61 = arith.constant 632 : i32
    %mul3A_62 = arith.muli %arg1, %mul3A_61 : i32
    %add3A_63 = arith.constant 0 : i32
    %add3A_64 = arith.addi %mul3A_62, %add3A_63 : i32
    %dma_wait3A = arith.constant 0 : i32
    %dma_wait3A_65 = tpu.memref_slice %arg6[%add3A_64, %dma_wait3A] : memref<10112x128xf32, #tpu.memory_space<vmem_shared>> -> memref<128x128xf32, #tpu.memory_space<vmem_shared>>
    %dma_wait3A_66 = arith.constant 0 : i32
    %dma_wait3A_67 = arith.constant 0 : i32
    %dma_wait3A_68 = tpu.memref_slice %arg4[%dma_wait3A_66, %dma_wait3A_67] : memref<128x128xf32, #tpu.memory_space<hbm>> -> memref<128x128xf32, #tpu.memory_space<hbm>>
    tpu.wait_dma2 semaphore(%arg16 : memref<!tpu.dma_semaphore, #tpu.memory_space<semaphore_mem>>) src(%dma_wait3A_68 : memref<128x128xf32, #tpu.memory_space<hbm>>) dst(%dma_wait3A_65 : memref<128x128xf32, #tpu.memory_space<vmem_shared>>)
    %mul3A_69 = arith.constant 632 : i32
    %mul3A_70 = arith.muli %arg1, %mul3A_69 : i32
    %add3A_71 = arith.constant 128 : i32
    %add3A_72 = arith.addi %mul3A_70, %add3A_71 : i32
    %dma_wait3A_73 = arith.constant 0 : i32
    %dma_wait3A_74 = tpu.memref_slice %arg6[%add3A_72, %dma_wait3A_73] : memref<10112x128xf32, #tpu.memory_space<vmem_shared>> -> memref<128x128xf32, #tpu.memory_space<vmem_shared>>
    %dma_wait3A_75 = arith.constant 0 : i32
    %dma_wait3A_76 = arith.constant 0 : i32
    %dma_wait3A_77 = tpu.memref_slice %arg4[%dma_wait3A_75, %dma_wait3A_76] : memref<128x128xf32, #tpu.memory_space<hbm>> -> memref<128x128xf32, #tpu.memory_space<hbm>>
    tpu.wait_dma2 semaphore(%arg16 : memref<!tpu.dma_semaphore, #tpu.memory_space<semaphore_mem>>) src(%dma_wait3A_77 : memref<128x128xf32, #tpu.memory_space<hbm>>) dst(%dma_wait3A_74 : memref<128x128xf32, #tpu.memory_space<vmem_shared>>)
    %mul3A_78 = arith.constant 632 : i32
    %mul3A_79 = arith.muli %arg1, %mul3A_78 : i32
    %add3A_80 = arith.constant 256 : i32
    %add3A_81 = arith.addi %mul3A_79, %add3A_80 : i32
    %dma_wait3A_82 = arith.constant 0 : i32
    %dma_wait3A_83 = tpu.memref_slice %arg6[%add3A_81, %dma_wait3A_82] : memref<10112x128xf32, #tpu.memory_space<vmem_shared>> -> memref<128x128xf32, #tpu.memory_space<vmem_shared>>
    %dma_wait3A_84 = arith.constant 0 : i32
    %dma_wait3A_85 = arith.constant 0 : i32
    %dma_wait3A_86 = tpu.memref_slice %arg4[%dma_wait3A_84, %dma_wait3A_85] : memref<128x128xf32, #tpu.memory_space<hbm>> -> memref<128x128xf32, #tpu.memory_space<hbm>>
    tpu.wait_dma2 semaphore(%arg16 : memref<!tpu.dma_semaphore, #tpu.memory_space<semaphore_mem>>) src(%dma_wait3A_86 : memref<128x128xf32, #tpu.memory_space<hbm>>) dst(%dma_wait3A_83 : memref<128x128xf32, #tpu.memory_space<vmem_shared>>)
    %mul3A_87 = arith.constant 632 : i32
    %mul3A_88 = arith.muli %arg1, %mul3A_87 : i32
    %add3A_89 = arith.constant 384 : i32
    %add3A_90 = arith.addi %mul3A_88, %add3A_89 : i32
    %dma_wait3A_91 = arith.constant 0 : i32
    %dma_wait3A_92 = tpu.memref_slice %arg6[%add3A_90, %dma_wait3A_91] : memref<10112x128xf32, #tpu.memory_space<vmem_shared>> -> memref<128x128xf32, #tpu.memory_space<vmem_shared>>
    %dma_wait3A_93 = arith.constant 0 : i32
    %dma_wait3A_94 = arith.constant 0 : i32
    %dma_wait3A_95 = tpu.memref_slice %arg4[%dma_wait3A_93, %dma_wait3A_94] : memref<128x128xf32, #tpu.memory_space<hbm>> -> memref<128x128xf32, #tpu.memory_space<hbm>>
    tpu.wait_dma2 semaphore(%arg16 : memref<!tpu.dma_semaphore, #tpu.memory_space<semaphore_mem>>) src(%dma_wait3A_95 : memref<128x128xf32, #tpu.memory_space<hbm>>) dst(%dma_wait3A_92 : memref<128x128xf32, #tpu.memory_space<vmem_shared>>)
    %mul3A_96 = arith.constant 632 : i32
    %mul3A_97 = arith.muli %arg1, %mul3A_96 : i32
    %add3A_98 = arith.constant 512 : i32
    %add3A_99 = arith.addi %mul3A_97, %add3A_98 : i32
    %dma_wait3A_100 = arith.constant 0 : i32
    %dma_wait3A_101 = tpu.memref_slice %arg6[%add3A_99, %dma_wait3A_100] : memref<10112x128xf32, #tpu.memory_space<vmem_shared>> -> memref<120x128xf32, #tpu.memory_space<vmem_shared>>
    %dma_wait3A_102 = arith.constant 0 : i32
    %dma_wait3A_103 = arith.constant 0 : i32
    %dma_wait3A_104 = tpu.memref_slice %arg4[%dma_wait3A_102, %dma_wait3A_103] : memref<128x128xf32, #tpu.memory_space<hbm>> -> memref<120x128xf32, #tpu.memory_space<hbm>>
    tpu.wait_dma2 semaphore(%arg16 : memref<!tpu.dma_semaphore, #tpu.memory_space<semaphore_mem>>) src(%dma_wait3A_104 : memref<120x128xf32, #tpu.memory_space<hbm>>) dst(%dma_wait3A_101 : memref<120x128xf32, #tpu.memory_space<vmem_shared>>)
    %barrier3A = arith.constant 0 : index
    tpu.barrier barrier_id(%barrier3A)
    %add3A_105 = arith.constant 2 : i32
    %add3A_106 = arith.addi %add3A_4, %add3A_105 : i32
    %jit3A_107 = arith.constant 3 : i32
    %div3A = arith.divsi %add3A_106, %jit3A_107 : i32
    %sign3A = arith.constant 0 : i32
    %sign3A_108 = arith.cmpi sgt, %add3A_106, %sign3A : i32
    %sign3A_109 = arith.extui %sign3A_108 : i1 to i32
    %sign3A_110 = arith.constant 0 : i32
    %sign3A_111 = arith.cmpi slt, %add3A_106, %sign3A_110 : i32
    %sign3A_112 = arith.extui %sign3A_111 : i1 to i32
    %sign3A_113 = arith.subi %sign3A_109, %sign3A_112 : i32
    %sign3A_114 = arith.constant 0 : i32
    %sign3A_115 = arith.cmpi sgt, %jit3A_107, %sign3A_114 : i32
    %sign3A_116 = arith.extui %sign3A_115 : i1 to i32
    %sign3A_117 = arith.constant 0 : i32
    %sign3A_118 = arith.cmpi slt, %jit3A_107, %sign3A_117 : i32
    %sign3A_119 = arith.extui %sign3A_118 : i1 to i32
    %sign3A_120 = arith.subi %sign3A_116, %sign3A_119 : i32
    %ne3A = arith.cmpi ne, %sign3A_113, %sign3A_120 : i32
    %rem3A = arith.remsi %add3A_106, %jit3A_107 : i32
    %ne3A_121 = arith.constant 0 : i32
    %ne3A_122 = arith.cmpi ne, %rem3A, %ne3A_121 : i32
    %and3A = arith.andi %ne3A, %ne3A_122 : i1
    %sub3A = arith.constant 1 : i32
    %sub3A_123 = arith.subi %div3A, %sub3A : i32
    %select_n3A_124 = arith.select %and3A, %sub3A_123, %div3A : i32
    %while3A = arith.constant 0 : i32
    %while3A_125 = arith.constant 0 : i32
    %while3A_126 = arith.subi %select_n3A_124, %while3A_125 : i32
    %while3A_127 = arith.addi %while3A_125, %while3A_126 : i32
    %while3A_128 = arith.constant 1 : i32
    %while3A_129 = arith.divsi %while3A_126, %while3A_128 : i32
    %while3A_130 = arith.muli %while3A_129, %while3A_128 : i32
    %while3A_131 = arith.addi %while3A_125, %while3A_130 : i32
    %while3A_132 = arith.constant 1 : i32
    scf.for %while3A_251 = %while3A_125 to %while3A_131 step %while3A_132  : i32 {
      %mul3A_252 = arith.constant 3 : i32
      %mul3A_253 = arith.muli %while3A_251, %mul3A_252 : i32
      %add3A_254 = arith.constant 0 : i32
      %add3A_255 = arith.addi %mul3A_253, %add3A_254 : i32
      %lt3A_256 = arith.cmpi slt, %add3A_255, %add3A_4 : i32
      %convert_element_type3A_257 = arith.extui %lt3A_256 : i1 to i32
      %cond3A_258 = arith.constant 0 : i32
      %cond3A_259 = arith.cmpi ne, %convert_element_type3A_257, %cond3A_258 : i32
      scf.if %cond3A_259 {
        %rem3A_276 = arith.constant 4 : i32
        %rem3A_277 = arith.remsi %add3A_255, %rem3A_276 : i32
        %rem3A_278 = arith.constant 3 : i32
        %rem3A_279 = arith.remsi %add3A_255, %rem3A_278 : i32
        %dma_wait3A_280 = arith.constant 0 : i32
        %dma_wait3A_281 = arith.constant 0 : i32
        %dma_wait3A_282 = arith.constant 0 : i32
        %dma_wait3A_283 = tpu.memref_slice %arg7[%rem3A_279, %dma_wait3A_281, %dma_wait3A_282] : memref<3x128x128xf32, #tpu.memory_space<vmem>> -> memref<1x128x128xf32, #tpu.memory_space<vmem>>
        %dma_wait3A_284 = tpu.memref_squeeze %dma_wait3A_283 : memref<1x128x128xf32, #tpu.memory_space<vmem>> -> memref<128x128xf32, #tpu.memory_space<vmem>>
        %dma_wait3A_285 = arith.constant 0 : i32
        %dma_wait3A_286 = tpu.memref_slice %arg8[%rem3A_277, %dma_wait3A_280, %dma_wait3A_285] : memref<4x2x128xi32, #tpu.memory_space<vmem>> -> memref<1x1x128xi32, #tpu.memory_space<vmem>>
        %dma_wait3A_287 = tpu.memref_squeeze %dma_wait3A_286 : memref<1x1x128xi32, #tpu.memory_space<vmem>> -> memref<128xi32, #tpu.memory_space<vmem>>
        %dma_wait3A_288 = arith.constant 0 : i32
        %dma_wait3A_289 = arith.constant 0 : i32
        %dma_wait3A_290 = tpu.memref_slice %arg2[%dma_wait3A_288, %dma_wait3A_289] : memref<10000x128xf32, #tpu.memory_space<hbm>> -> memref<10000x128xf32, #tpu.memory_space<hbm>>
        tpu.wait_indirect_dma semaphore(%arg10 : memref<!tpu.dma_semaphore, #tpu.memory_space<semaphore_mem>>) src(%dma_wait3A_290 : memref<10000x128xf32, #tpu.memory_space<hbm>>) dst(%dma_wait3A_284 : memref<128x128xf32, #tpu.memory_space<vmem>>)
        %rem3A_291 = arith.constant 3 : i32
        %rem3A_292 = arith.remsi %add3A_255, %rem3A_291 : i32
        %rem3A_293 = arith.constant 4 : i32
        %rem3A_294 = arith.remsi %add3A_255, %rem3A_293 : i32
        %dma_start3A_295 = arith.constant 1 : i32
        %dma_start3A_296 = arith.constant 0 : i32
        %dma_start3A_297 = arith.constant 0 : i32
        %dma_start3A_298 = tpu.memref_slice %arg7[%rem3A_292, %dma_start3A_296, %dma_start3A_297] : memref<3x128x128xf32, #tpu.memory_space<vmem>> -> memref<1x128x128xf32, #tpu.memory_space<vmem>>
        %dma_start3A_299 = tpu.memref_squeeze %dma_start3A_298 : memref<1x128x128xf32, #tpu.memory_space<vmem>> -> memref<128x128xf32, #tpu.memory_space<vmem>>
        %dma_start3A_300 = arith.constant 0 : i32
        %dma_start3A_301 = tpu.memref_slice %arg8[%rem3A_294, %dma_start3A_295, %dma_start3A_300] : memref<4x2x128xi32, #tpu.memory_space<vmem>> -> memref<1x1x128xi32, #tpu.memory_space<vmem>>
        %dma_start3A_302 = tpu.memref_squeeze %dma_start3A_301 : memref<1x1x128xi32, #tpu.memory_space<vmem>> -> memref<128xi32, #tpu.memory_space<vmem>>
        %dma_start3A_303 = arith.constant 0 : i32
        %dma_start3A_304 = arith.constant 0 : i32
        %dma_start3A_305 = tpu.memref_slice %arg6[%dma_start3A_303, %dma_start3A_304] : memref<10112x128xf32, #tpu.memory_space<vmem_shared>> -> memref<10112x128xf32, #tpu.memory_space<vmem_shared>>
        tpu.enqueue_indirect_dma source(%dma_start3A_299 : memref<128x128xf32, #tpu.memory_space<vmem>>) target(%dma_start3A_305 : memref<10112x128xf32, #tpu.memory_space<vmem_shared>>) offsets(%dma_start3A_302 : memref<128xi32, #tpu.memory_space<vmem>>) semaphore(%arg13 : memref<!tpu.dma_semaphore, #tpu.memory_space<semaphore_mem>>) {add = true}
        %add3A_306 = arith.constant 2 : i32
        %add3A_307 = arith.addi %add3A_255, %add3A_306 : i32
        %lt3A_308 = arith.cmpi slt, %add3A_307, %add3A_4 : i32
        %convert_element_type3A_309 = arith.extui %lt3A_308 : i1 to i32
        %cond3A_310 = arith.constant 0 : i32
        %cond3A_311 = arith.cmpi ne, %convert_element_type3A_309, %cond3A_310 : i32
        scf.if %cond3A_311 {
          %mul3A_326 = arith.constant 32 : i32
          %mul3A_327 = arith.muli %add3A_307, %mul3A_326 : i32
          %add3A_328 = arith.addi %add3A, %mul3A_327 : i32
          %rem3A_329 = arith.constant 4 : i32
          %rem3A_330 = arith.remsi %add3A_307, %rem3A_329 : i32
          %dma_wait3A_331 = arith.constant 0 : i32
          %dma_wait3A_332 = arith.constant 0 : i32
          %dma_wait3A_333 = tpu.memref_slice %arg8[%rem3A_330, %dma_wait3A_331, %dma_wait3A_332] : memref<4x2x128xi32, #tpu.memory_space<vmem>> -> memref<1x2x128xi32, #tpu.memory_space<vmem>>
          %dma_wait3A_334 = tpu.memref_squeeze %dma_wait3A_333 : memref<1x2x128xi32, #tpu.memory_space<vmem>> -> memref<2x128xi32, #tpu.memory_space<vmem>>
          %dma_wait3A_335 = arith.constant 0 : i32
          %dma_wait3A_336 = arith.constant 0 : i32
          %dma_wait3A_337 = tpu.memref_slice %arg3[%add3A_328, %dma_wait3A_335, %dma_wait3A_336] : memref<2500x2x128xi32, #tpu.memory_space<hbm>> -> memref<1x2x128xi32, #tpu.memory_space<hbm>>
          %dma_wait3A_338 = tpu.memref_squeeze %dma_wait3A_337 : memref<1x2x128xi32, #tpu.memory_space<hbm>> -> memref<2x128xi32, #tpu.memory_space<hbm>>
          %dma_wait3A_339 = arith.constant 0 : i32
          %dma_wait3A_340 = arith.constant 0 : i32
          %dma_wait3A_341 = tpu.memref_slice %arg8[%rem3A_330, %dma_wait3A_339, %dma_wait3A_340] : memref<4x2x128xi32, #tpu.memory_space<vmem>> -> memref<1x2x128xi32, #tpu.memory_space<vmem>>
          %dma_wait3A_342 = tpu.memref_squeeze %dma_wait3A_341 : memref<1x2x128xi32, #tpu.memory_space<vmem>> -> memref<2x128xi32, #tpu.memory_space<vmem>>
          %dma_wait3A_343 = arith.constant 0 : i32
          %dma_wait3A_344 = arith.constant 0 : i32
          %dma_wait3A_345 = tpu.memref_slice %arg3[%add3A_328, %dma_wait3A_343, %dma_wait3A_344] : memref<2500x2x128xi32, #tpu.memory_space<hbm>> -> memref<1x2x128xi32, #tpu.memory_space<hbm>>
          %dma_wait3A_346 = tpu.memref_squeeze %dma_wait3A_345 : memref<1x2x128xi32, #tpu.memory_space<hbm>> -> memref<2x128xi32, #tpu.memory_space<hbm>>
          tpu.wait_dma2 semaphore(%arg9 : memref<!tpu.dma_semaphore, #tpu.memory_space<semaphore_mem>>) src(%dma_wait3A_346 : memref<2x128xi32, #tpu.memory_space<hbm>>) dst(%dma_wait3A_342 : memref<2x128xi32, #tpu.memory_space<vmem>>)
        } else {
        }
        %ge3A = arith.constant 1 : i32
        %ge3A_312 = arith.cmpi sge, %add3A_255, %ge3A : i32
        %convert_element_type3A_313 = arith.extui %ge3A_312 : i1 to i32
        %cond3A_314 = arith.constant 0 : i32
        %cond3A_315 = arith.cmpi ne, %convert_element_type3A_313, %cond3A_314 : i32
        scf.if %cond3A_315 {
          %sub3A_326 = arith.constant 1 : i32
          %sub3A_327 = arith.subi %add3A_255, %sub3A_326 : i32
          %rem3A_328 = arith.constant 3 : i32
          %rem3A_329 = arith.remsi %sub3A_327, %rem3A_328 : i32
          %rem3A_330 = arith.constant 4 : i32
          %rem3A_331 = arith.remsi %sub3A_327, %rem3A_330 : i32
          %dma_wait3A_332 = arith.constant 1 : i32
          %dma_wait3A_333 = arith.constant 0 : i32
          %dma_wait3A_334 = arith.constant 0 : i32
          %dma_wait3A_335 = tpu.memref_slice %arg7[%rem3A_329, %dma_wait3A_333, %dma_wait3A_334] : memref<3x128x128xf32, #tpu.memory_space<vmem>> -> memref<1x128x128xf32, #tpu.memory_space<vmem>>
          %dma_wait3A_336 = tpu.memref_squeeze %dma_wait3A_335 : memref<1x128x128xf32, #tpu.memory_space<vmem>> -> memref<128x128xf32, #tpu.memory_space<vmem>>
          %dma_wait3A_337 = arith.constant 0 : i32
          %dma_wait3A_338 = tpu.memref_slice %arg8[%rem3A_331, %dma_wait3A_332, %dma_wait3A_337] : memref<4x2x128xi32, #tpu.memory_space<vmem>> -> memref<1x1x128xi32, #tpu.memory_space<vmem>>
          %dma_wait3A_339 = tpu.memref_squeeze %dma_wait3A_338 : memref<1x1x128xi32, #tpu.memory_space<vmem>> -> memref<128xi32, #tpu.memory_space<vmem>>
          %dma_wait3A_340 = arith.constant 0 : i32
          %dma_wait3A_341 = arith.constant 0 : i32
          %dma_wait3A_342 = tpu.memref_slice %arg6[%dma_wait3A_340, %dma_wait3A_341] : memref<10112x128xf32, #tpu.memory_space<vmem_shared>> -> memref<10112x128xf32, #tpu.memory_space<vmem_shared>>
          tpu.wait_indirect_dma semaphore(%arg15 : memref<!tpu.dma_semaphore, #tpu.memory_space<semaphore_mem>>) src(%dma_wait3A_336 : memref<128x128xf32, #tpu.memory_space<vmem>>) dst(%dma_wait3A_342 : memref<10112x128xf32, #tpu.memory_space<vmem_shared>>)
        } else {
        }
        %lt3A_316 = arith.cmpi slt, %add3A_307, %add3A_4 : i32
        %convert_element_type3A_317 = arith.extui %lt3A_316 : i1 to i32
        %cond3A_318 = arith.constant 0 : i32
        %cond3A_319 = arith.cmpi ne, %convert_element_type3A_317, %cond3A_318 : i32
        scf.if %cond3A_319 {
          %rem3A_326 = arith.constant 4 : i32
          %rem3A_327 = arith.remsi %add3A_307, %rem3A_326 : i32
          %rem3A_328 = arith.constant 3 : i32
          %rem3A_329 = arith.remsi %add3A_307, %rem3A_328 : i32
          %dma_start3A_330 = arith.constant 0 : i32
          %dma_start3A_331 = arith.constant 0 : i32
          %dma_start3A_332 = arith.constant 0 : i32
          %dma_start3A_333 = tpu.memref_slice %arg7[%rem3A_329, %dma_start3A_331, %dma_start3A_332] : memref<3x128x128xf32, #tpu.memory_space<vmem>> -> memref<1x128x128xf32, #tpu.memory_space<vmem>>
          %dma_start3A_334 = tpu.memref_squeeze %dma_start3A_333 : memref<1x128x128xf32, #tpu.memory_space<vmem>> -> memref<128x128xf32, #tpu.memory_space<vmem>>
          %dma_start3A_335 = arith.constant 0 : i32
          %dma_start3A_336 = tpu.memref_slice %arg8[%rem3A_327, %dma_start3A_330, %dma_start3A_335] : memref<4x2x128xi32, #tpu.memory_space<vmem>> -> memref<1x1x128xi32, #tpu.memory_space<vmem>>
          %dma_start3A_337 = tpu.memref_squeeze %dma_start3A_336 : memref<1x1x128xi32, #tpu.memory_space<vmem>> -> memref<128xi32, #tpu.memory_space<vmem>>
          %dma_start3A_338 = arith.constant 0 : i32
          %dma_start3A_339 = arith.constant 0 : i32
          %dma_start3A_340 = tpu.memref_slice %arg2[%dma_start3A_338, %dma_start3A_339] : memref<10000x128xf32, #tpu.memory_space<hbm>> -> memref<10000x128xf32, #tpu.memory_space<hbm>>
          tpu.enqueue_indirect_dma source(%dma_start3A_340 : memref<10000x128xf32, #tpu.memory_space<hbm>>) target(%dma_start3A_334 : memref<128x128xf32, #tpu.memory_space<vmem>>) offsets(%dma_start3A_337 : memref<128xi32, #tpu.memory_space<vmem>>) semaphore(%arg12 : memref<!tpu.dma_semaphore, #tpu.memory_space<semaphore_mem>>)
        } else {
        }
        %add3A_320 = arith.constant 3 : i32
        %add3A_321 = arith.addi %add3A_255, %add3A_320 : i32
        %lt3A_322 = arith.cmpi slt, %add3A_321, %add3A_4 : i32
        %convert_element_type3A_323 = arith.extui %lt3A_322 : i1 to i32
        %cond3A_324 = arith.constant 0 : i32
        %cond3A_325 = arith.cmpi ne, %convert_element_type3A_323, %cond3A_324 : i32
        scf.if %cond3A_325 {
          %add3A_326 = arith.constant 3 : i32
          %add3A_327 = arith.addi %add3A_255, %add3A_326 : i32
          %mul3A_328 = arith.constant 32 : i32
          %mul3A_329 = arith.muli %add3A_327, %mul3A_328 : i32
          %add3A_330 = arith.addi %add3A, %mul3A_329 : i32
          %rem3A_331 = arith.constant 4 : i32
          %rem3A_332 = arith.remsi %add3A_327, %rem3A_331 : i32
          %dma_start3A_333 = arith.constant 0 : i32
          %dma_start3A_334 = arith.constant 0 : i32
          %dma_start3A_335 = tpu.memref_slice %arg8[%rem3A_332, %dma_start3A_333, %dma_start3A_334] : memref<4x2x128xi32, #tpu.memory_space<vmem>> -> memref<1x2x128xi32, #tpu.memory_space<vmem>>
          %dma_start3A_336 = tpu.memref_squeeze %dma_start3A_335 : memref<1x2x128xi32, #tpu.memory_space<vmem>> -> memref<2x128xi32, #tpu.memory_space<vmem>>
          %dma_start3A_337 = arith.constant 0 : i32
          %dma_start3A_338 = arith.constant 0 : i32
          %dma_start3A_339 = tpu.memref_slice %arg3[%add3A_330, %dma_start3A_337, %dma_start3A_338] : memref<2500x2x128xi32, #tpu.memory_space<hbm>> -> memref<1x2x128xi32, #tpu.memory_space<hbm>>
          %dma_start3A_340 = tpu.memref_squeeze %dma_start3A_339 : memref<1x2x128xi32, #tpu.memory_space<hbm>> -> memref<2x128xi32, #tpu.memory_space<hbm>>
          %dma_start3A_341 = arith.constant 0 : i32
          %dma_start3A_342 = arith.constant 0 : i32
          %dma_start3A_343 = tpu.memref_slice %arg8[%rem3A_332, %dma_start3A_341, %dma_start3A_342] : memref<4x2x128xi32, #tpu.memory_space<vmem>> -> memref<1x2x128xi32, #tpu.memory_space<vmem>>
          %dma_start3A_344 = tpu.memref_squeeze %dma_start3A_343 : memref<1x2x128xi32, #tpu.memory_space<vmem>> -> memref<2x128xi32, #tpu.memory_space<vmem>>
          %dma_start3A_345 = arith.constant 0 : i32
          %dma_start3A_346 = arith.constant 0 : i32
          %dma_start3A_347 = tpu.memref_slice %arg3[%add3A_330, %dma_start3A_345, %dma_start3A_346] : memref<2500x2x128xi32, #tpu.memory_space<hbm>> -> memref<1x2x128xi32, #tpu.memory_space<hbm>>
          %dma_start3A_348 = tpu.memref_squeeze %dma_start3A_347 : memref<1x2x128xi32, #tpu.memory_space<hbm>> -> memref<2x128xi32, #tpu.memory_space<hbm>>
          tpu.enqueue_dma source(%dma_start3A_348 : memref<2x128xi32, #tpu.memory_space<hbm>>) target(%dma_start3A_344 : memref<2x128xi32, #tpu.memory_space<vmem>>) target_semaphore(%arg9 : memref<!tpu.dma_semaphore, #tpu.memory_space<semaphore_mem>>)
        } else {
        }
      } else {
      }
      %mul3A_260 = arith.constant 3 : i32
      %mul3A_261 = arith.muli %while3A_251, %mul3A_260 : i32
      %add3A_262 = arith.constant 1 : i32
      %add3A_263 = arith.addi %mul3A_261, %add3A_262 : i32
      %lt3A_264 = arith.cmpi slt, %add3A_263, %add3A_4 : i32
      %convert_element_type3A_265 = arith.extui %lt3A_264 : i1 to i32
      %cond3A_266 = arith.constant 0 : i32
      %cond3A_267 = arith.cmpi ne, %convert_element_type3A_265, %cond3A_266 : i32
      scf.if %cond3A_267 {
        %rem3A_276 = arith.constant 4 : i32
        %rem3A_277 = arith.remsi %add3A_263, %rem3A_276 : i32
        %rem3A_278 = arith.constant 3 : i32
        %rem3A_279 = arith.remsi %add3A_263, %rem3A_278 : i32
        %dma_wait3A_280 = arith.constant 0 : i32
        %dma_wait3A_281 = arith.constant 0 : i32
        %dma_wait3A_282 = arith.constant 0 : i32
        %dma_wait3A_283 = tpu.memref_slice %arg7[%rem3A_279, %dma_wait3A_281, %dma_wait3A_282] : memref<3x128x128xf32, #tpu.memory_space<vmem>> -> memref<1x128x128xf32, #tpu.memory_space<vmem>>
        %dma_wait3A_284 = tpu.memref_squeeze %dma_wait3A_283 : memref<1x128x128xf32, #tpu.memory_space<vmem>> -> memref<128x128xf32, #tpu.memory_space<vmem>>
        %dma_wait3A_285 = arith.constant 0 : i32
        %dma_wait3A_286 = tpu.memref_slice %arg8[%rem3A_277, %dma_wait3A_280, %dma_wait3A_285] : memref<4x2x128xi32, #tpu.memory_space<vmem>> -> memref<1x1x128xi32, #tpu.memory_space<vmem>>
        %dma_wait3A_287 = tpu.memref_squeeze %dma_wait3A_286 : memref<1x1x128xi32, #tpu.memory_space<vmem>> -> memref<128xi32, #tpu.memory_space<vmem>>
        %dma_wait3A_288 = arith.constant 0 : i32
        %dma_wait3A_289 = arith.constant 0 : i32
        %dma_wait3A_290 = tpu.memref_slice %arg2[%dma_wait3A_288, %dma_wait3A_289] : memref<10000x128xf32, #tpu.memory_space<hbm>> -> memref<10000x128xf32, #tpu.memory_space<hbm>>
        tpu.wait_indirect_dma semaphore(%arg11 : memref<!tpu.dma_semaphore, #tpu.memory_space<semaphore_mem>>) src(%dma_wait3A_290 : memref<10000x128xf32, #tpu.memory_space<hbm>>) dst(%dma_wait3A_284 : memref<128x128xf32, #tpu.memory_space<vmem>>)
        %rem3A_291 = arith.constant 3 : i32
        %rem3A_292 = arith.remsi %add3A_263, %rem3A_291 : i32
        %rem3A_293 = arith.constant 4 : i32
        %rem3A_294 = arith.remsi %add3A_263, %rem3A_293 : i32
        %dma_start3A_295 = arith.constant 1 : i32
        %dma_start3A_296 = arith.constant 0 : i32
        %dma_start3A_297 = arith.constant 0 : i32
        %dma_start3A_298 = tpu.memref_slice %arg7[%rem3A_292, %dma_start3A_296, %dma_start3A_297] : memref<3x128x128xf32, #tpu.memory_space<vmem>> -> memref<1x128x128xf32, #tpu.memory_space<vmem>>
        %dma_start3A_299 = tpu.memref_squeeze %dma_start3A_298 : memref<1x128x128xf32, #tpu.memory_space<vmem>> -> memref<128x128xf32, #tpu.memory_space<vmem>>
        %dma_start3A_300 = arith.constant 0 : i32
        %dma_start3A_301 = tpu.memref_slice %arg8[%rem3A_294, %dma_start3A_295, %dma_start3A_300] : memref<4x2x128xi32, #tpu.memory_space<vmem>> -> memref<1x1x128xi32, #tpu.memory_space<vmem>>
        %dma_start3A_302 = tpu.memref_squeeze %dma_start3A_301 : memref<1x1x128xi32, #tpu.memory_space<vmem>> -> memref<128xi32, #tpu.memory_space<vmem>>
        %dma_start3A_303 = arith.constant 0 : i32
        %dma_start3A_304 = arith.constant 0 : i32
        %dma_start3A_305 = tpu.memref_slice %arg6[%dma_start3A_303, %dma_start3A_304] : memref<10112x128xf32, #tpu.memory_space<vmem_shared>> -> memref<10112x128xf32, #tpu.memory_space<vmem_shared>>
        tpu.enqueue_indirect_dma source(%dma_start3A_299 : memref<128x128xf32, #tpu.memory_space<vmem>>) target(%dma_start3A_305 : memref<10112x128xf32, #tpu.memory_space<vmem_shared>>) offsets(%dma_start3A_302 : memref<128xi32, #tpu.memory_space<vmem>>) semaphore(%arg14 : memref<!tpu.dma_semaphore, #tpu.memory_space<semaphore_mem>>) {add = true}
        %add3A_306 = arith.constant 2 : i32
        %add3A_307 = arith.addi %add3A_263, %add3A_306 : i32
        %lt3A_308 = arith.cmpi slt, %add3A_307, %add3A_4 : i32
        %convert_element_type3A_309 = arith.extui %lt3A_308 : i1 to i32
        %cond3A_310 = arith.constant 0 : i32
        %cond3A_311 = arith.cmpi ne, %convert_element_type3A_309, %cond3A_310 : i32
        scf.if %cond3A_311 {
          %mul3A_339 = arith.constant 32 : i32
          %mul3A_340 = arith.muli %add3A_307, %mul3A_339 : i32
          %add3A_341 = arith.addi %add3A, %mul3A_340 : i32
          %rem3A_342 = arith.constant 4 : i32
          %rem3A_343 = arith.remsi %add3A_307, %rem3A_342 : i32
          %dma_wait3A_344 = arith.constant 0 : i32
          %dma_wait3A_345 = arith.constant 0 : i32
          %dma_wait3A_346 = tpu.memref_slice %arg8[%rem3A_343, %dma_wait3A_344, %dma_wait3A_345] : memref<4x2x128xi32, #tpu.memory_space<vmem>> -> memref<1x2x128xi32, #tpu.memory_space<vmem>>
          %dma_wait3A_347 = tpu.memref_squeeze %dma_wait3A_346 : memref<1x2x128xi32, #tpu.memory_space<vmem>> -> memref<2x128xi32, #tpu.memory_space<vmem>>
          %dma_wait3A_348 = arith.constant 0 : i32
          %dma_wait3A_349 = arith.constant 0 : i32
          %dma_wait3A_350 = tpu.memref_slice %arg3[%add3A_341, %dma_wait3A_348, %dma_wait3A_349] : memref<2500x2x128xi32, #tpu.memory_space<hbm>> -> memref<1x2x128xi32, #tpu.memory_space<hbm>>
          %dma_wait3A_351 = tpu.memref_squeeze %dma_wait3A_350 : memref<1x2x128xi32, #tpu.memory_space<hbm>> -> memref<2x128xi32, #tpu.memory_space<hbm>>
          %dma_wait3A_352 = arith.constant 0 : i32
          %dma_wait3A_353 = arith.constant 0 : i32
          %dma_wait3A_354 = tpu.memref_slice %arg8[%rem3A_343, %dma_wait3A_352, %dma_wait3A_353] : memref<4x2x128xi32, #tpu.memory_space<vmem>> -> memref<1x2x128xi32, #tpu.memory_space<vmem>>
          %dma_wait3A_355 = tpu.memref_squeeze %dma_wait3A_354 : memref<1x2x128xi32, #tpu.memory_space<vmem>> -> memref<2x128xi32, #tpu.memory_space<vmem>>
          %dma_wait3A_356 = arith.constant 0 : i32
          %dma_wait3A_357 = arith.constant 0 : i32
          %dma_wait3A_358 = tpu.memref_slice %arg3[%add3A_341, %dma_wait3A_356, %dma_wait3A_357] : memref<2500x2x128xi32, #tpu.memory_space<hbm>> -> memref<1x2x128xi32, #tpu.memory_space<hbm>>
          %dma_wait3A_359 = tpu.memref_squeeze %dma_wait3A_358 : memref<1x2x128xi32, #tpu.memory_space<hbm>> -> memref<2x128xi32, #tpu.memory_space<hbm>>
          tpu.wait_dma2 semaphore(%arg9 : memref<!tpu.dma_semaphore, #tpu.memory_space<semaphore_mem>>) src(%dma_wait3A_359 : memref<2x128xi32, #tpu.memory_space<hbm>>) dst(%dma_wait3A_355 : memref<2x128xi32, #tpu.memory_space<vmem>>)
        } else {
        }
        %sub3A_312 = arith.constant 1 : i32
        %sub3A_313 = arith.subi %add3A_263, %sub3A_312 : i32
        %rem3A_314 = arith.constant 3 : i32
        %rem3A_315 = arith.remsi %sub3A_313, %rem3A_314 : i32
        %rem3A_316 = arith.constant 4 : i32
        %rem3A_317 = arith.remsi %sub3A_313, %rem3A_316 : i32
        %dma_wait3A_318 = arith.constant 1 : i32
        %dma_wait3A_319 = arith.constant 0 : i32
        %dma_wait3A_320 = arith.constant 0 : i32
        %dma_wait3A_321 = tpu.memref_slice %arg7[%rem3A_315, %dma_wait3A_319, %dma_wait3A_320] : memref<3x128x128xf32, #tpu.memory_space<vmem>> -> memref<1x128x128xf32, #tpu.memory_space<vmem>>
        %dma_wait3A_322 = tpu.memref_squeeze %dma_wait3A_321 : memref<1x128x128xf32, #tpu.memory_space<vmem>> -> memref<128x128xf32, #tpu.memory_space<vmem>>
        %dma_wait3A_323 = arith.constant 0 : i32
        %dma_wait3A_324 = tpu.memref_slice %arg8[%rem3A_317, %dma_wait3A_318, %dma_wait3A_323] : memref<4x2x128xi32, #tpu.memory_space<vmem>> -> memref<1x1x128xi32, #tpu.memory_space<vmem>>
        %dma_wait3A_325 = tpu.memref_squeeze %dma_wait3A_324 : memref<1x1x128xi32, #tpu.memory_space<vmem>> -> memref<128xi32, #tpu.memory_space<vmem>>
        %dma_wait3A_326 = arith.constant 0 : i32
        %dma_wait3A_327 = arith.constant 0 : i32
        %dma_wait3A_328 = tpu.memref_slice %arg6[%dma_wait3A_326, %dma_wait3A_327] : memref<10112x128xf32, #tpu.memory_space<vmem_shared>> -> memref<10112x128xf32, #tpu.memory_space<vmem_shared>>
        tpu.wait_indirect_dma semaphore(%arg13 : memref<!tpu.dma_semaphore, #tpu.memory_space<semaphore_mem>>) src(%dma_wait3A_322 : memref<128x128xf32, #tpu.memory_space<vmem>>) dst(%dma_wait3A_328 : memref<10112x128xf32, #tpu.memory_space<vmem_shared>>)
        %lt3A_329 = arith.cmpi slt, %add3A_307, %add3A_4 : i32
        %convert_element_type3A_330 = arith.extui %lt3A_329 : i1 to i32
        %cond3A_331 = arith.constant 0 : i32
        %cond3A_332 = arith.cmpi ne, %convert_element_type3A_330, %cond3A_331 : i32
        scf.if %cond3A_332 {
          %rem3A_339 = arith.constant 4 : i32
          %rem3A_340 = arith.remsi %add3A_307, %rem3A_339 : i32
          %rem3A_341 = arith.constant 3 : i32
          %rem3A_342 = arith.remsi %add3A_307, %rem3A_341 : i32
          %dma_start3A_343 = arith.constant 0 : i32
          %dma_start3A_344 = arith.constant 0 : i32
          %dma_start3A_345 = arith.constant 0 : i32
          %dma_start3A_346 = tpu.memref_slice %arg7[%rem3A_342, %dma_start3A_344, %dma_start3A_345] : memref<3x128x128xf32, #tpu.memory_space<vmem>> -> memref<1x128x128xf32, #tpu.memory_space<vmem>>
          %dma_start3A_347 = tpu.memref_squeeze %dma_start3A_346 : memref<1x128x128xf32, #tpu.memory_space<vmem>> -> memref<128x128xf32, #tpu.memory_space<vmem>>
          %dma_start3A_348 = arith.constant 0 : i32
          %dma_start3A_349 = tpu.memref_slice %arg8[%rem3A_340, %dma_start3A_343, %dma_start3A_348] : memref<4x2x128xi32, #tpu.memory_space<vmem>> -> memref<1x1x128xi32, #tpu.memory_space<vmem>>
          %dma_start3A_350 = tpu.memref_squeeze %dma_start3A_349 : memref<1x1x128xi32, #tpu.memory_space<vmem>> -> memref<128xi32, #tpu.memory_space<vmem>>
          %dma_start3A_351 = arith.constant 0 : i32
          %dma_start3A_352 = arith.constant 0 : i32
          %dma_start3A_353 = tpu.memref_slice %arg2[%dma_start3A_351, %dma_start3A_352] : memref<10000x128xf32, #tpu.memory_space<hbm>> -> memref<10000x128xf32, #tpu.memory_space<hbm>>
          tpu.enqueue_indirect_dma source(%dma_start3A_353 : memref<10000x128xf32, #tpu.memory_space<hbm>>) target(%dma_start3A_347 : memref<128x128xf32, #tpu.memory_space<vmem>>) offsets(%dma_start3A_350 : memref<128xi32, #tpu.memory_space<vmem>>) semaphore(%arg10 : memref<!tpu.dma_semaphore, #tpu.memory_space<semaphore_mem>>)
        } else {
        }
        %add3A_333 = arith.constant 3 : i32
        %add3A_334 = arith.addi %add3A_263, %add3A_333 : i32
        %lt3A_335 = arith.cmpi slt, %add3A_334, %add3A_4 : i32
        %convert_element_type3A_336 = arith.extui %lt3A_335 : i1 to i32
        %cond3A_337 = arith.constant 0 : i32
        %cond3A_338 = arith.cmpi ne, %convert_element_type3A_336, %cond3A_337 : i32
        scf.if %cond3A_338 {
          %add3A_339 = arith.constant 3 : i32
          %add3A_340 = arith.addi %add3A_263, %add3A_339 : i32
          %mul3A_341 = arith.constant 32 : i32
          %mul3A_342 = arith.muli %add3A_340, %mul3A_341 : i32
          %add3A_343 = arith.addi %add3A, %mul3A_342 : i32
          %rem3A_344 = arith.constant 4 : i32
          %rem3A_345 = arith.remsi %add3A_340, %rem3A_344 : i32
          %dma_start3A_346 = arith.constant 0 : i32
          %dma_start3A_347 = arith.constant 0 : i32
          %dma_start3A_348 = tpu.memref_slice %arg8[%rem3A_345, %dma_start3A_346, %dma_start3A_347] : memref<4x2x128xi32, #tpu.memory_space<vmem>> -> memref<1x2x128xi32, #tpu.memory_space<vmem>>
          %dma_start3A_349 = tpu.memref_squeeze %dma_start3A_348 : memref<1x2x128xi32, #tpu.memory_space<vmem>> -> memref<2x128xi32, #tpu.memory_space<vmem>>
          %dma_start3A_350 = arith.constant 0 : i32
          %dma_start3A_351 = arith.constant 0 : i32
          %dma_start3A_352 = tpu.memref_slice %arg3[%add3A_343, %dma_start3A_350, %dma_start3A_351] : memref<2500x2x128xi32, #tpu.memory_space<hbm>> -> memref<1x2x128xi32, #tpu.memory_space<hbm>>
          %dma_start3A_353 = tpu.memref_squeeze %dma_start3A_352 : memref<1x2x128xi32, #tpu.memory_space<hbm>> -> memref<2x128xi32, #tpu.memory_space<hbm>>
          %dma_start3A_354 = arith.constant 0 : i32
          %dma_start3A_355 = arith.constant 0 : i32
          %dma_start3A_356 = tpu.memref_slice %arg8[%rem3A_345, %dma_start3A_354, %dma_start3A_355] : memref<4x2x128xi32, #tpu.memory_space<vmem>> -> memref<1x2x128xi32, #tpu.memory_space<vmem>>
          %dma_start3A_357 = tpu.memref_squeeze %dma_start3A_356 : memref<1x2x128xi32, #tpu.memory_space<vmem>> -> memref<2x128xi32, #tpu.memory_space<vmem>>
          %dma_start3A_358 = arith.constant 0 : i32
          %dma_start3A_359 = arith.constant 0 : i32
          %dma_start3A_360 = tpu.memref_slice %arg3[%add3A_343, %dma_start3A_358, %dma_start3A_359] : memref<2500x2x128xi32, #tpu.memory_space<hbm>> -> memref<1x2x128xi32, #tpu.memory_space<hbm>>
          %dma_start3A_361 = tpu.memref_squeeze %dma_start3A_360 : memref<1x2x128xi32, #tpu.memory_space<hbm>> -> memref<2x128xi32, #tpu.memory_space<hbm>>
          tpu.enqueue_dma source(%dma_start3A_361 : memref<2x128xi32, #tpu.memory_space<hbm>>) target(%dma_start3A_357 : memref<2x128xi32, #tpu.memory_space<vmem>>) target_semaphore(%arg9 : memref<!tpu.dma_semaphore, #tpu.memory_space<semaphore_mem>>)
        } else {
        }
      } else {
      }
      %mul3A_268 = arith.constant 3 : i32
      %mul3A_269 = arith.muli %while3A_251, %mul3A_268 : i32
      %add3A_270 = arith.constant 2 : i32
      %add3A_271 = arith.addi %mul3A_269, %add3A_270 : i32
      %lt3A_272 = arith.cmpi slt, %add3A_271, %add3A_4 : i32
      %convert_element_type3A_273 = arith.extui %lt3A_272 : i1 to i32
      %cond3A_274 = arith.constant 0 : i32
      %cond3A_275 = arith.cmpi ne, %convert_element_type3A_273, %cond3A_274 : i32
      scf.if %cond3A_275 {
        %rem3A_276 = arith.constant 4 : i32
        %rem3A_277 = arith.remsi %add3A_271, %rem3A_276 : i32
        %rem3A_278 = arith.constant 3 : i32
        %rem3A_279 = arith.remsi %add3A_271, %rem3A_278 : i32
        %dma_wait3A_280 = arith.constant 0 : i32
        %dma_wait3A_281 = arith.constant 0 : i32
        %dma_wait3A_282 = arith.constant 0 : i32
        %dma_wait3A_283 = tpu.memref_slice %arg7[%rem3A_279, %dma_wait3A_281, %dma_wait3A_282] : memref<3x128x128xf32, #tpu.memory_space<vmem>> -> memref<1x128x128xf32, #tpu.memory_space<vmem>>
        %dma_wait3A_284 = tpu.memref_squeeze %dma_wait3A_283 : memref<1x128x128xf32, #tpu.memory_space<vmem>> -> memref<128x128xf32, #tpu.memory_space<vmem>>
        %dma_wait3A_285 = arith.constant 0 : i32
        %dma_wait3A_286 = tpu.memref_slice %arg8[%rem3A_277, %dma_wait3A_280, %dma_wait3A_285] : memref<4x2x128xi32, #tpu.memory_space<vmem>> -> memref<1x1x128xi32, #tpu.memory_space<vmem>>
        %dma_wait3A_287 = tpu.memref_squeeze %dma_wait3A_286 : memref<1x1x128xi32, #tpu.memory_space<vmem>> -> memref<128xi32, #tpu.memory_space<vmem>>
        %dma_wait3A_288 = arith.constant 0 : i32
        %dma_wait3A_289 = arith.constant 0 : i32
        %dma_wait3A_290 = tpu.memref_slice %arg2[%dma_wait3A_288, %dma_wait3A_289] : memref<10000x128xf32, #tpu.memory_space<hbm>> -> memref<10000x128xf32, #tpu.memory_space<hbm>>
        tpu.wait_indirect_dma semaphore(%arg12 : memref<!tpu.dma_semaphore, #tpu.memory_space<semaphore_mem>>) src(%dma_wait3A_290 : memref<10000x128xf32, #tpu.memory_space<hbm>>) dst(%dma_wait3A_284 : memref<128x128xf32, #tpu.memory_space<vmem>>)
        %rem3A_291 = arith.constant 3 : i32
        %rem3A_292 = arith.remsi %add3A_271, %rem3A_291 : i32
        %rem3A_293 = arith.constant 4 : i32
        %rem3A_294 = arith.remsi %add3A_271, %rem3A_293 : i32
        %dma_start3A_295 = arith.constant 1 : i32
        %dma_start3A_296 = arith.constant 0 : i32
        %dma_start3A_297 = arith.constant 0 : i32
        %dma_start3A_298 = tpu.memref_slice %arg7[%rem3A_292, %dma_start3A_296, %dma_start3A_297] : memref<3x128x128xf32, #tpu.memory_space<vmem>> -> memref<1x128x128xf32, #tpu.memory_space<vmem>>
        %dma_start3A_299 = tpu.memref_squeeze %dma_start3A_298 : memref<1x128x128xf32, #tpu.memory_space<vmem>> -> memref<128x128xf32, #tpu.memory_space<vmem>>
        %dma_start3A_300 = arith.constant 0 : i32
        %dma_start3A_301 = tpu.memref_slice %arg8[%rem3A_294, %dma_start3A_295, %dma_start3A_300] : memref<4x2x128xi32, #tpu.memory_space<vmem>> -> memref<1x1x128xi32, #tpu.memory_space<vmem>>
        %dma_start3A_302 = tpu.memref_squeeze %dma_start3A_301 : memref<1x1x128xi32, #tpu.memory_space<vmem>> -> memref<128xi32, #tpu.memory_space<vmem>>
        %dma_start3A_303 = arith.constant 0 : i32
        %dma_start3A_304 = arith.constant 0 : i32
        %dma_start3A_305 = tpu.memref_slice %arg6[%dma_start3A_303, %dma_start3A_304] : memref<10112x128xf32, #tpu.memory_space<vmem_shared>> -> memref<10112x128xf32, #tpu.memory_space<vmem_shared>>
        tpu.enqueue_indirect_dma source(%dma_start3A_299 : memref<128x128xf32, #tpu.memory_space<vmem>>) target(%dma_start3A_305 : memref<10112x128xf32, #tpu.memory_space<vmem_shared>>) offsets(%dma_start3A_302 : memref<128xi32, #tpu.memory_space<vmem>>) semaphore(%arg15 : memref<!tpu.dma_semaphore, #tpu.memory_space<semaphore_mem>>) {add = true}
        %add3A_306 = arith.constant 2 : i32
        %add3A_307 = arith.addi %add3A_271, %add3A_306 : i32
        %lt3A_308 = arith.cmpi slt, %add3A_307, %add3A_4 : i32
        %convert_element_type3A_309 = arith.extui %lt3A_308 : i1 to i32
        %cond3A_310 = arith.constant 0 : i32
        %cond3A_311 = arith.cmpi ne, %convert_element_type3A_309, %cond3A_310 : i32
        scf.if %cond3A_311 {
          %mul3A_339 = arith.constant 32 : i32
          %mul3A_340 = arith.muli %add3A_307, %mul3A_339 : i32
          %add3A_341 = arith.addi %add3A, %mul3A_340 : i32
          %rem3A_342 = arith.constant 4 : i32
          %rem3A_343 = arith.remsi %add3A_307, %rem3A_342 : i32
          %dma_wait3A_344 = arith.constant 0 : i32
          %dma_wait3A_345 = arith.constant 0 : i32
          %dma_wait3A_346 = tpu.memref_slice %arg8[%rem3A_343, %dma_wait3A_344, %dma_wait3A_345] : memref<4x2x128xi32, #tpu.memory_space<vmem>> -> memref<1x2x128xi32, #tpu.memory_space<vmem>>
          %dma_wait3A_347 = tpu.memref_squeeze %dma_wait3A_346 : memref<1x2x128xi32, #tpu.memory_space<vmem>> -> memref<2x128xi32, #tpu.memory_space<vmem>>
          %dma_wait3A_348 = arith.constant 0 : i32
          %dma_wait3A_349 = arith.constant 0 : i32
          %dma_wait3A_350 = tpu.memref_slice %arg3[%add3A_341, %dma_wait3A_348, %dma_wait3A_349] : memref<2500x2x128xi32, #tpu.memory_space<hbm>> -> memref<1x2x128xi32, #tpu.memory_space<hbm>>
          %dma_wait3A_351 = tpu.memref_squeeze %dma_wait3A_350 : memref<1x2x128xi32, #tpu.memory_space<hbm>> -> memref<2x128xi32, #tpu.memory_space<hbm>>
          %dma_wait3A_352 = arith.constant 0 : i32
          %dma_wait3A_353 = arith.constant 0 : i32
          %dma_wait3A_354 = tpu.memref_slice %arg8[%rem3A_343, %dma_wait3A_352, %dma_wait3A_353] : memref<4x2x128xi32, #tpu.memory_space<vmem>> -> memref<1x2x128xi32, #tpu.memory_space<vmem>>
          %dma_wait3A_355 = tpu.memref_squeeze %dma_wait3A_354 : memref<1x2x128xi32, #tpu.memory_space<vmem>> -> memref<2x128xi32, #tpu.memory_space<vmem>>
          %dma_wait3A_356 = arith.constant 0 : i32
          %dma_wait3A_357 = arith.constant 0 : i32
          %dma_wait3A_358 = tpu.memref_slice %arg3[%add3A_341, %dma_wait3A_356, %dma_wait3A_357] : memref<2500x2x128xi32, #tpu.memory_space<hbm>> -> memref<1x2x128xi32, #tpu.memory_space<hbm>>
          %dma_wait3A_359 = tpu.memref_squeeze %dma_wait3A_358 : memref<1x2x128xi32, #tpu.memory_space<hbm>> -> memref<2x128xi32, #tpu.memory_space<hbm>>
          tpu.wait_dma2 semaphore(%arg9 : memref<!tpu.dma_semaphore, #tpu.memory_space<semaphore_mem>>) src(%dma_wait3A_359 : memref<2x128xi32, #tpu.memory_space<hbm>>) dst(%dma_wait3A_355 : memref<2x128xi32, #tpu.memory_space<vmem>>)
        } else {
        }
        %sub3A_312 = arith.constant 1 : i32
        %sub3A_313 = arith.subi %add3A_271, %sub3A_312 : i32
        %rem3A_314 = arith.constant 3 : i32
        %rem3A_315 = arith.remsi %sub3A_313, %rem3A_314 : i32
        %rem3A_316 = arith.constant 4 : i32
        %rem3A_317 = arith.remsi %sub3A_313, %rem3A_316 : i32
        %dma_wait3A_318 = arith.constant 1 : i32
        %dma_wait3A_319 = arith.constant 0 : i32
        %dma_wait3A_320 = arith.constant 0 : i32
        %dma_wait3A_321 = tpu.memref_slice %arg7[%rem3A_315, %dma_wait3A_319, %dma_wait3A_320] : memref<3x128x128xf32, #tpu.memory_space<vmem>> -> memref<1x128x128xf32, #tpu.memory_space<vmem>>
        %dma_wait3A_322 = tpu.memref_squeeze %dma_wait3A_321 : memref<1x128x128xf32, #tpu.memory_space<vmem>> -> memref<128x128xf32, #tpu.memory_space<vmem>>
        %dma_wait3A_323 = arith.constant 0 : i32
        %dma_wait3A_324 = tpu.memref_slice %arg8[%rem3A_317, %dma_wait3A_318, %dma_wait3A_323] : memref<4x2x128xi32, #tpu.memory_space<vmem>> -> memref<1x1x128xi32, #tpu.memory_space<vmem>>
        %dma_wait3A_325 = tpu.memref_squeeze %dma_wait3A_324 : memref<1x1x128xi32, #tpu.memory_space<vmem>> -> memref<128xi32, #tpu.memory_space<vmem>>
        %dma_wait3A_326 = arith.constant 0 : i32
        %dma_wait3A_327 = arith.constant 0 : i32
        %dma_wait3A_328 = tpu.memref_slice %arg6[%dma_wait3A_326, %dma_wait3A_327] : memref<10112x128xf32, #tpu.memory_space<vmem_shared>> -> memref<10112x128xf32, #tpu.memory_space<vmem_shared>>
        tpu.wait_indirect_dma semaphore(%arg14 : memref<!tpu.dma_semaphore, #tpu.memory_space<semaphore_mem>>) src(%dma_wait3A_322 : memref<128x128xf32, #tpu.memory_space<vmem>>) dst(%dma_wait3A_328 : memref<10112x128xf32, #tpu.memory_space<vmem_shared>>)
        %lt3A_329 = arith.cmpi slt, %add3A_307, %add3A_4 : i32
        %convert_element_type3A_330 = arith.extui %lt3A_329 : i1 to i32
        %cond3A_331 = arith.constant 0 : i32
        %cond3A_332 = arith.cmpi ne, %convert_element_type3A_330, %cond3A_331 : i32
        scf.if %cond3A_332 {
          %rem3A_339 = arith.constant 4 : i32
          %rem3A_340 = arith.remsi %add3A_307, %rem3A_339 : i32
          %rem3A_341 = arith.constant 3 : i32
          %rem3A_342 = arith.remsi %add3A_307, %rem3A_341 : i32
          %dma_start3A_343 = arith.constant 0 : i32
          %dma_start3A_344 = arith.constant 0 : i32
          %dma_start3A_345 = arith.constant 0 : i32
          %dma_start3A_346 = tpu.memref_slice %arg7[%rem3A_342, %dma_start3A_344, %dma_start3A_345] : memref<3x128x128xf32, #tpu.memory_space<vmem>> -> memref<1x128x128xf32, #tpu.memory_space<vmem>>
          %dma_start3A_347 = tpu.memref_squeeze %dma_start3A_346 : memref<1x128x128xf32, #tpu.memory_space<vmem>> -> memref<128x128xf32, #tpu.memory_space<vmem>>
          %dma_start3A_348 = arith.constant 0 : i32
          %dma_start3A_349 = tpu.memref_slice %arg8[%rem3A_340, %dma_start3A_343, %dma_start3A_348] : memref<4x2x128xi32, #tpu.memory_space<vmem>> -> memref<1x1x128xi32, #tpu.memory_space<vmem>>
          %dma_start3A_350 = tpu.memref_squeeze %dma_start3A_349 : memref<1x1x128xi32, #tpu.memory_space<vmem>> -> memref<128xi32, #tpu.memory_space<vmem>>
          %dma_start3A_351 = arith.constant 0 : i32
          %dma_start3A_352 = arith.constant 0 : i32
          %dma_start3A_353 = tpu.memref_slice %arg2[%dma_start3A_351, %dma_start3A_352] : memref<10000x128xf32, #tpu.memory_space<hbm>> -> memref<10000x128xf32, #tpu.memory_space<hbm>>
          tpu.enqueue_indirect_dma source(%dma_start3A_353 : memref<10000x128xf32, #tpu.memory_space<hbm>>) target(%dma_start3A_347 : memref<128x128xf32, #tpu.memory_space<vmem>>) offsets(%dma_start3A_350 : memref<128xi32, #tpu.memory_space<vmem>>) semaphore(%arg11 : memref<!tpu.dma_semaphore, #tpu.memory_space<semaphore_mem>>)
        } else {
        }
        %add3A_333 = arith.constant 3 : i32
        %add3A_334 = arith.addi %add3A_271, %add3A_333 : i32
        %lt3A_335 = arith.cmpi slt, %add3A_334, %add3A_4 : i32
        %convert_element_type3A_336 = arith.extui %lt3A_335 : i1 to i32
        %cond3A_337 = arith.constant 0 : i32
        %cond3A_338 = arith.cmpi ne, %convert_element_type3A_336, %cond3A_337 : i32
        scf.if %cond3A_338 {
          %add3A_339 = arith.constant 3 : i32
          %add3A_340 = arith.addi %add3A_271, %add3A_339 : i32
          %mul3A_341 = arith.constant 32 : i32
          %mul3A_342 = arith.muli %add3A_340, %mul3A_341 : i32
          %add3A_343 = arith.addi %add3A, %mul3A_342 : i32
          %rem3A_344 = arith.constant 4 : i32
          %rem3A_345 = arith.remsi %add3A_340, %rem3A_344 : i32
          %dma_start3A_346 = arith.constant 0 : i32
          %dma_start3A_347 = arith.constant 0 : i32
          %dma_start3A_348 = tpu.memref_slice %arg8[%rem3A_345, %dma_start3A_346, %dma_start3A_347] : memref<4x2x128xi32, #tpu.memory_space<vmem>> -> memref<1x2x128xi32, #tpu.memory_space<vmem>>
          %dma_start3A_349 = tpu.memref_squeeze %dma_start3A_348 : memref<1x2x128xi32, #tpu.memory_space<vmem>> -> memref<2x128xi32, #tpu.memory_space<vmem>>
          %dma_start3A_350 = arith.constant 0 : i32
          %dma_start3A_351 = arith.constant 0 : i32
          %dma_start3A_352 = tpu.memref_slice %arg3[%add3A_343, %dma_start3A_350, %dma_start3A_351] : memref<2500x2x128xi32, #tpu.memory_space<hbm>> -> memref<1x2x128xi32, #tpu.memory_space<hbm>>
          %dma_start3A_353 = tpu.memref_squeeze %dma_start3A_352 : memref<1x2x128xi32, #tpu.memory_space<hbm>> -> memref<2x128xi32, #tpu.memory_space<hbm>>
          %dma_start3A_354 = arith.constant 0 : i32
          %dma_start3A_355 = arith.constant 0 : i32
          %dma_start3A_356 = tpu.memref_slice %arg8[%rem3A_345, %dma_start3A_354, %dma_start3A_355] : memref<4x2x128xi32, #tpu.memory_space<vmem>> -> memref<1x2x128xi32, #tpu.memory_space<vmem>>
          %dma_start3A_357 = tpu.memref_squeeze %dma_start3A_356 : memref<1x2x128xi32, #tpu.memory_space<vmem>> -> memref<2x128xi32, #tpu.memory_space<vmem>>
          %dma_start3A_358 = arith.constant 0 : i32
          %dma_start3A_359 = arith.constant 0 : i32
          %dma_start3A_360 = tpu.memref_slice %arg3[%add3A_343, %dma_start3A_358, %dma_start3A_359] : memref<2500x2x128xi32, #tpu.memory_space<hbm>> -> memref<1x2x128xi32, #tpu.memory_space<hbm>>
          %dma_start3A_361 = tpu.memref_squeeze %dma_start3A_360 : memref<1x2x128xi32, #tpu.memory_space<hbm>> -> memref<2x128xi32, #tpu.memory_space<hbm>>
          tpu.enqueue_dma source(%dma_start3A_361 : memref<2x128xi32, #tpu.memory_space<hbm>>) target(%dma_start3A_357 : memref<2x128xi32, #tpu.memory_space<vmem>>) target_semaphore(%arg9 : memref<!tpu.dma_semaphore, #tpu.memory_space<semaphore_mem>>)
        } else {
        }
      } else {
      }
    }
    %while3A_133 = arith.constant 1 : i32
    scf.for %while3A_251 = %while3A_131 to %while3A_127 step %while3A_133  : i32 {
      %mul3A_252 = arith.constant 3 : i32
      %mul3A_253 = arith.muli %while3A_251, %mul3A_252 : i32
      %add3A_254 = arith.constant 0 : i32
      %add3A_255 = arith.addi %mul3A_253, %add3A_254 : i32
      %lt3A_256 = arith.cmpi slt, %add3A_255, %add3A_4 : i32
      %convert_element_type3A_257 = arith.extui %lt3A_256 : i1 to i32
      %cond3A_258 = arith.constant 0 : i32
      %cond3A_259 = arith.cmpi ne, %convert_element_type3A_257, %cond3A_258 : i32
      scf.if %cond3A_259 {
        %rem3A_276 = arith.constant 4 : i32
        %rem3A_277 = arith.remsi %add3A_255, %rem3A_276 : i32
        %rem3A_278 = arith.constant 3 : i32
        %rem3A_279 = arith.remsi %add3A_255, %rem3A_278 : i32
        %dma_wait3A_280 = arith.constant 0 : i32
        %dma_wait3A_281 = arith.constant 0 : i32
        %dma_wait3A_282 = arith.constant 0 : i32
        %dma_wait3A_283 = tpu.memref_slice %arg7[%rem3A_279, %dma_wait3A_281, %dma_wait3A_282] : memref<3x128x128xf32, #tpu.memory_space<vmem>> -> memref<1x128x128xf32, #tpu.memory_space<vmem>>
        %dma_wait3A_284 = tpu.memref_squeeze %dma_wait3A_283 : memref<1x128x128xf32, #tpu.memory_space<vmem>> -> memref<128x128xf32, #tpu.memory_space<vmem>>
        %dma_wait3A_285 = arith.constant 0 : i32
        %dma_wait3A_286 = tpu.memref_slice %arg8[%rem3A_277, %dma_wait3A_280, %dma_wait3A_285] : memref<4x2x128xi32, #tpu.memory_space<vmem>> -> memref<1x1x128xi32, #tpu.memory_space<vmem>>
        %dma_wait3A_287 = tpu.memref_squeeze %dma_wait3A_286 : memref<1x1x128xi32, #tpu.memory_space<vmem>> -> memref<128xi32, #tpu.memory_space<vmem>>
        %dma_wait3A_288 = arith.constant 0 : i32
        %dma_wait3A_289 = arith.constant 0 : i32
        %dma_wait3A_290 = tpu.memref_slice %arg2[%dma_wait3A_288, %dma_wait3A_289] : memref<10000x128xf32, #tpu.memory_space<hbm>> -> memref<10000x128xf32, #tpu.memory_space<hbm>>
        tpu.wait_indirect_dma semaphore(%arg10 : memref<!tpu.dma_semaphore, #tpu.memory_space<semaphore_mem>>) src(%dma_wait3A_290 : memref<10000x128xf32, #tpu.memory_space<hbm>>) dst(%dma_wait3A_284 : memref<128x128xf32, #tpu.memory_space<vmem>>)
        %rem3A_291 = arith.constant 3 : i32
        %rem3A_292 = arith.remsi %add3A_255, %rem3A_291 : i32
        %rem3A_293 = arith.constant 4 : i32
        %rem3A_294 = arith.remsi %add3A_255, %rem3A_293 : i32
        %dma_start3A_295 = arith.constant 1 : i32
        %dma_start3A_296 = arith.constant 0 : i32
        %dma_start3A_297 = arith.constant 0 : i32
        %dma_start3A_298 = tpu.memref_slice %arg7[%rem3A_292, %dma_start3A_296, %dma_start3A_297] : memref<3x128x128xf32, #tpu.memory_space<vmem>> -> memref<1x128x128xf32, #tpu.memory_space<vmem>>
        %dma_start3A_299 = tpu.memref_squeeze %dma_start3A_298 : memref<1x128x128xf32, #tpu.memory_space<vmem>> -> memref<128x128xf32, #tpu.memory_space<vmem>>
        %dma_start3A_300 = arith.constant 0 : i32
        %dma_start3A_301 = tpu.memref_slice %arg8[%rem3A_294, %dma_start3A_295, %dma_start3A_300] : memref<4x2x128xi32, #tpu.memory_space<vmem>> -> memref<1x1x128xi32, #tpu.memory_space<vmem>>
        %dma_start3A_302 = tpu.memref_squeeze %dma_start3A_301 : memref<1x1x128xi32, #tpu.memory_space<vmem>> -> memref<128xi32, #tpu.memory_space<vmem>>
        %dma_start3A_303 = arith.constant 0 : i32
        %dma_start3A_304 = arith.constant 0 : i32
        %dma_start3A_305 = tpu.memref_slice %arg6[%dma_start3A_303, %dma_start3A_304] : memref<10112x128xf32, #tpu.memory_space<vmem_shared>> -> memref<10112x128xf32, #tpu.memory_space<vmem_shared>>
        tpu.enqueue_indirect_dma source(%dma_start3A_299 : memref<128x128xf32, #tpu.memory_space<vmem>>) target(%dma_start3A_305 : memref<10112x128xf32, #tpu.memory_space<vmem_shared>>) offsets(%dma_start3A_302 : memref<128xi32, #tpu.memory_space<vmem>>) semaphore(%arg13 : memref<!tpu.dma_semaphore, #tpu.memory_space<semaphore_mem>>) {add = true}
        %add3A_306 = arith.constant 2 : i32
        %add3A_307 = arith.addi %add3A_255, %add3A_306 : i32
        %lt3A_308 = arith.cmpi slt, %add3A_307, %add3A_4 : i32
        %convert_element_type3A_309 = arith.extui %lt3A_308 : i1 to i32
        %cond3A_310 = arith.constant 0 : i32
        %cond3A_311 = arith.cmpi ne, %convert_element_type3A_309, %cond3A_310 : i32
        scf.if %cond3A_311 {
          %mul3A_326 = arith.constant 32 : i32
          %mul3A_327 = arith.muli %add3A_307, %mul3A_326 : i32
          %add3A_328 = arith.addi %add3A, %mul3A_327 : i32
          %rem3A_329 = arith.constant 4 : i32
          %rem3A_330 = arith.remsi %add3A_307, %rem3A_329 : i32
          %dma_wait3A_331 = arith.constant 0 : i32
          %dma_wait3A_332 = arith.constant 0 : i32
          %dma_wait3A_333 = tpu.memref_slice %arg8[%rem3A_330, %dma_wait3A_331, %dma_wait3A_332] : memref<4x2x128xi32, #tpu.memory_space<vmem>> -> memref<1x2x128xi32, #tpu.memory_space<vmem>>
          %dma_wait3A_334 = tpu.memref_squeeze %dma_wait3A_333 : memref<1x2x128xi32, #tpu.memory_space<vmem>> -> memref<2x128xi32, #tpu.memory_space<vmem>>
          %dma_wait3A_335 = arith.constant 0 : i32
          %dma_wait3A_336 = arith.constant 0 : i32
          %dma_wait3A_337 = tpu.memref_slice %arg3[%add3A_328, %dma_wait3A_335, %dma_wait3A_336] : memref<2500x2x128xi32, #tpu.memory_space<hbm>> -> memref<1x2x128xi32, #tpu.memory_space<hbm>>
          %dma_wait3A_338 = tpu.memref_squeeze %dma_wait3A_337 : memref<1x2x128xi32, #tpu.memory_space<hbm>> -> memref<2x128xi32, #tpu.memory_space<hbm>>
          %dma_wait3A_339 = arith.constant 0 : i32
          %dma_wait3A_340 = arith.constant 0 : i32
          %dma_wait3A_341 = tpu.memref_slice %arg8[%rem3A_330, %dma_wait3A_339, %dma_wait3A_340] : memref<4x2x128xi32, #tpu.memory_space<vmem>> -> memref<1x2x128xi32, #tpu.memory_space<vmem>>
          %dma_wait3A_342 = tpu.memref_squeeze %dma_wait3A_341 : memref<1x2x128xi32, #tpu.memory_space<vmem>> -> memref<2x128xi32, #tpu.memory_space<vmem>>
          %dma_wait3A_343 = arith.constant 0 : i32
          %dma_wait3A_344 = arith.constant 0 : i32
          %dma_wait3A_345 = tpu.memref_slice %arg3[%add3A_328, %dma_wait3A_343, %dma_wait3A_344] : memref<2500x2x128xi32, #tpu.memory_space<hbm>> -> memref<1x2x128xi32, #tpu.memory_space<hbm>>
          %dma_wait3A_346 = tpu.memref_squeeze %dma_wait3A_345 : memref<1x2x128xi32, #tpu.memory_space<hbm>> -> memref<2x128xi32, #tpu.memory_space<hbm>>
          tpu.wait_dma2 semaphore(%arg9 : memref<!tpu.dma_semaphore, #tpu.memory_space<semaphore_mem>>) src(%dma_wait3A_346 : memref<2x128xi32, #tpu.memory_space<hbm>>) dst(%dma_wait3A_342 : memref<2x128xi32, #tpu.memory_space<vmem>>)
        } else {
        }
        %ge3A = arith.constant 1 : i32
        %ge3A_312 = arith.cmpi sge, %add3A_255, %ge3A : i32
        %convert_element_type3A_313 = arith.extui %ge3A_312 : i1 to i32
        %cond3A_314 = arith.constant 0 : i32
        %cond3A_315 = arith.cmpi ne, %convert_element_type3A_313, %cond3A_314 : i32
        scf.if %cond3A_315 {
          %sub3A_326 = arith.constant 1 : i32
          %sub3A_327 = arith.subi %add3A_255, %sub3A_326 : i32
          %rem3A_328 = arith.constant 3 : i32
          %rem3A_329 = arith.remsi %sub3A_327, %rem3A_328 : i32
          %rem3A_330 = arith.constant 4 : i32
          %rem3A_331 = arith.remsi %sub3A_327, %rem3A_330 : i32
          %dma_wait3A_332 = arith.constant 1 : i32
          %dma_wait3A_333 = arith.constant 0 : i32
          %dma_wait3A_334 = arith.constant 0 : i32
          %dma_wait3A_335 = tpu.memref_slice %arg7[%rem3A_329, %dma_wait3A_333, %dma_wait3A_334] : memref<3x128x128xf32, #tpu.memory_space<vmem>> -> memref<1x128x128xf32, #tpu.memory_space<vmem>>
          %dma_wait3A_336 = tpu.memref_squeeze %dma_wait3A_335 : memref<1x128x128xf32, #tpu.memory_space<vmem>> -> memref<128x128xf32, #tpu.memory_space<vmem>>
          %dma_wait3A_337 = arith.constant 0 : i32
          %dma_wait3A_338 = tpu.memref_slice %arg8[%rem3A_331, %dma_wait3A_332, %dma_wait3A_337] : memref<4x2x128xi32, #tpu.memory_space<vmem>> -> memref<1x1x128xi32, #tpu.memory_space<vmem>>
          %dma_wait3A_339 = tpu.memref_squeeze %dma_wait3A_338 : memref<1x1x128xi32, #tpu.memory_space<vmem>> -> memref<128xi32, #tpu.memory_space<vmem>>
          %dma_wait3A_340 = arith.constant 0 : i32
          %dma_wait3A_341 = arith.constant 0 : i32
          %dma_wait3A_342 = tpu.memref_slice %arg6[%dma_wait3A_340, %dma_wait3A_341] : memref<10112x128xf32, #tpu.memory_space<vmem_shared>> -> memref<10112x128xf32, #tpu.memory_space<vmem_shared>>
          tpu.wait_indirect_dma semaphore(%arg15 : memref<!tpu.dma_semaphore, #tpu.memory_space<semaphore_mem>>) src(%dma_wait3A_336 : memref<128x128xf32, #tpu.memory_space<vmem>>) dst(%dma_wait3A_342 : memref<10112x128xf32, #tpu.memory_space<vmem_shared>>)
        } else {
        }
        %lt3A_316 = arith.cmpi slt, %add3A_307, %add3A_4 : i32
        %convert_element_type3A_317 = arith.extui %lt3A_316 : i1 to i32
        %cond3A_318 = arith.constant 0 : i32
        %cond3A_319 = arith.cmpi ne, %convert_element_type3A_317, %cond3A_318 : i32
        scf.if %cond3A_319 {
          %rem3A_326 = arith.constant 4 : i32
          %rem3A_327 = arith.remsi %add3A_307, %rem3A_326 : i32
          %rem3A_328 = arith.constant 3 : i32
          %rem3A_329 = arith.remsi %add3A_307, %rem3A_328 : i32
          %dma_start3A_330 = arith.constant 0 : i32
          %dma_start3A_331 = arith.constant 0 : i32
          %dma_start3A_332 = arith.constant 0 : i32
          %dma_start3A_333 = tpu.memref_slice %arg7[%rem3A_329, %dma_start3A_331, %dma_start3A_332] : memref<3x128x128xf32, #tpu.memory_space<vmem>> -> memref<1x128x128xf32, #tpu.memory_space<vmem>>
          %dma_start3A_334 = tpu.memref_squeeze %dma_start3A_333 : memref<1x128x128xf32, #tpu.memory_space<vmem>> -> memref<128x128xf32, #tpu.memory_space<vmem>>
          %dma_start3A_335 = arith.constant 0 : i32
          %dma_start3A_336 = tpu.memref_slice %arg8[%rem3A_327, %dma_start3A_330, %dma_start3A_335] : memref<4x2x128xi32, #tpu.memory_space<vmem>> -> memref<1x1x128xi32, #tpu.memory_space<vmem>>
          %dma_start3A_337 = tpu.memref_squeeze %dma_start3A_336 : memref<1x1x128xi32, #tpu.memory_space<vmem>> -> memref<128xi32, #tpu.memory_space<vmem>>
          %dma_start3A_338 = arith.constant 0 : i32
          %dma_start3A_339 = arith.constant 0 : i32
          %dma_start3A_340 = tpu.memref_slice %arg2[%dma_start3A_338, %dma_start3A_339] : memref<10000x128xf32, #tpu.memory_space<hbm>> -> memref<10000x128xf32, #tpu.memory_space<hbm>>
          tpu.enqueue_indirect_dma source(%dma_start3A_340 : memref<10000x128xf32, #tpu.memory_space<hbm>>) target(%dma_start3A_334 : memref<128x128xf32, #tpu.memory_space<vmem>>) offsets(%dma_start3A_337 : memref<128xi32, #tpu.memory_space<vmem>>) semaphore(%arg12 : memref<!tpu.dma_semaphore, #tpu.memory_space<semaphore_mem>>)
        } else {
        }
        %add3A_320 = arith.constant 3 : i32
        %add3A_321 = arith.addi %add3A_255, %add3A_320 : i32
        %lt3A_322 = arith.cmpi slt, %add3A_321, %add3A_4 : i32
        %convert_element_type3A_323 = arith.extui %lt3A_322 : i1 to i32
        %cond3A_324 = arith.constant 0 : i32
        %cond3A_325 = arith.cmpi ne, %convert_element_type3A_323, %cond3A_324 : i32
        scf.if %cond3A_325 {
          %add3A_326 = arith.constant 3 : i32
          %add3A_327 = arith.addi %add3A_255, %add3A_326 : i32
          %mul3A_328 = arith.constant 32 : i32
          %mul3A_329 = arith.muli %add3A_327, %mul3A_328 : i32
          %add3A_330 = arith.addi %add3A, %mul3A_329 : i32
          %rem3A_331 = arith.constant 4 : i32
          %rem3A_332 = arith.remsi %add3A_327, %rem3A_331 : i32
          %dma_start3A_333 = arith.constant 0 : i32
          %dma_start3A_334 = arith.constant 0 : i32
          %dma_start3A_335 = tpu.memref_slice %arg8[%rem3A_332, %dma_start3A_333, %dma_start3A_334] : memref<4x2x128xi32, #tpu.memory_space<vmem>> -> memref<1x2x128xi32, #tpu.memory_space<vmem>>
          %dma_start3A_336 = tpu.memref_squeeze %dma_start3A_335 : memref<1x2x128xi32, #tpu.memory_space<vmem>> -> memref<2x128xi32, #tpu.memory_space<vmem>>
          %dma_start3A_337 = arith.constant 0 : i32
          %dma_start3A_338 = arith.constant 0 : i32
          %dma_start3A_339 = tpu.memref_slice %arg3[%add3A_330, %dma_start3A_337, %dma_start3A_338] : memref<2500x2x128xi32, #tpu.memory_space<hbm>> -> memref<1x2x128xi32, #tpu.memory_space<hbm>>
          %dma_start3A_340 = tpu.memref_squeeze %dma_start3A_339 : memref<1x2x128xi32, #tpu.memory_space<hbm>> -> memref<2x128xi32, #tpu.memory_space<hbm>>
          %dma_start3A_341 = arith.constant 0 : i32
          %dma_start3A_342 = arith.constant 0 : i32
          %dma_start3A_343 = tpu.memref_slice %arg8[%rem3A_332, %dma_start3A_341, %dma_start3A_342] : memref<4x2x128xi32, #tpu.memory_space<vmem>> -> memref<1x2x128xi32, #tpu.memory_space<vmem>>
          %dma_start3A_344 = tpu.memref_squeeze %dma_start3A_343 : memref<1x2x128xi32, #tpu.memory_space<vmem>> -> memref<2x128xi32, #tpu.memory_space<vmem>>
          %dma_start3A_345 = arith.constant 0 : i32
          %dma_start3A_346 = arith.constant 0 : i32
          %dma_start3A_347 = tpu.memref_slice %arg3[%add3A_330, %dma_start3A_345, %dma_start3A_346] : memref<2500x2x128xi32, #tpu.memory_space<hbm>> -> memref<1x2x128xi32, #tpu.memory_space<hbm>>
          %dma_start3A_348 = tpu.memref_squeeze %dma_start3A_347 : memref<1x2x128xi32, #tpu.memory_space<hbm>> -> memref<2x128xi32, #tpu.memory_space<hbm>>
          tpu.enqueue_dma source(%dma_start3A_348 : memref<2x128xi32, #tpu.memory_space<hbm>>) target(%dma_start3A_344 : memref<2x128xi32, #tpu.memory_space<vmem>>) target_semaphore(%arg9 : memref<!tpu.dma_semaphore, #tpu.memory_space<semaphore_mem>>)
        } else {
        }
      } else {
      }
      %mul3A_260 = arith.constant 3 : i32
      %mul3A_261 = arith.muli %while3A_251, %mul3A_260 : i32
      %add3A_262 = arith.constant 1 : i32
      %add3A_263 = arith.addi %mul3A_261, %add3A_262 : i32
      %lt3A_264 = arith.cmpi slt, %add3A_263, %add3A_4 : i32
      %convert_element_type3A_265 = arith.extui %lt3A_264 : i1 to i32
      %cond3A_266 = arith.constant 0 : i32
      %cond3A_267 = arith.cmpi ne, %convert_element_type3A_265, %cond3A_266 : i32
      scf.if %cond3A_267 {
        %rem3A_276 = arith.constant 4 : i32
        %rem3A_277 = arith.remsi %add3A_263, %rem3A_276 : i32
        %rem3A_278 = arith.constant 3 : i32
        %rem3A_279 = arith.remsi %add3A_263, %rem3A_278 : i32
        %dma_wait3A_280 = arith.constant 0 : i32
        %dma_wait3A_281 = arith.constant 0 : i32
        %dma_wait3A_282 = arith.constant 0 : i32
        %dma_wait3A_283 = tpu.memref_slice %arg7[%rem3A_279, %dma_wait3A_281, %dma_wait3A_282] : memref<3x128x128xf32, #tpu.memory_space<vmem>> -> memref<1x128x128xf32, #tpu.memory_space<vmem>>
        %dma_wait3A_284 = tpu.memref_squeeze %dma_wait3A_283 : memref<1x128x128xf32, #tpu.memory_space<vmem>> -> memref<128x128xf32, #tpu.memory_space<vmem>>
        %dma_wait3A_285 = arith.constant 0 : i32
        %dma_wait3A_286 = tpu.memref_slice %arg8[%rem3A_277, %dma_wait3A_280, %dma_wait3A_285] : memref<4x2x128xi32, #tpu.memory_space<vmem>> -> memref<1x1x128xi32, #tpu.memory_space<vmem>>
        %dma_wait3A_287 = tpu.memref_squeeze %dma_wait3A_286 : memref<1x1x128xi32, #tpu.memory_space<vmem>> -> memref<128xi32, #tpu.memory_space<vmem>>
        %dma_wait3A_288 = arith.constant 0 : i32
        %dma_wait3A_289 = arith.constant 0 : i32
        %dma_wait3A_290 = tpu.memref_slice %arg2[%dma_wait3A_288, %dma_wait3A_289] : memref<10000x128xf32, #tpu.memory_space<hbm>> -> memref<10000x128xf32, #tpu.memory_space<hbm>>
        tpu.wait_indirect_dma semaphore(%arg11 : memref<!tpu.dma_semaphore, #tpu.memory_space<semaphore_mem>>) src(%dma_wait3A_290 : memref<10000x128xf32, #tpu.memory_space<hbm>>) dst(%dma_wait3A_284 : memref<128x128xf32, #tpu.memory_space<vmem>>)
        %rem3A_291 = arith.constant 3 : i32
        %rem3A_292 = arith.remsi %add3A_263, %rem3A_291 : i32
        %rem3A_293 = arith.constant 4 : i32
        %rem3A_294 = arith.remsi %add3A_263, %rem3A_293 : i32
        %dma_start3A_295 = arith.constant 1 : i32
        %dma_start3A_296 = arith.constant 0 : i32
        %dma_start3A_297 = arith.constant 0 : i32
        %dma_start3A_298 = tpu.memref_slice %arg7[%rem3A_292, %dma_start3A_296, %dma_start3A_297] : memref<3x128x128xf32, #tpu.memory_space<vmem>> -> memref<1x128x128xf32, #tpu.memory_space<vmem>>
        %dma_start3A_299 = tpu.memref_squeeze %dma_start3A_298 : memref<1x128x128xf32, #tpu.memory_space<vmem>> -> memref<128x128xf32, #tpu.memory_space<vmem>>
        %dma_start3A_300 = arith.constant 0 : i32
        %dma_start3A_301 = tpu.memref_slice %arg8[%rem3A_294, %dma_start3A_295, %dma_start3A_300] : memref<4x2x128xi32, #tpu.memory_space<vmem>> -> memref<1x1x128xi32, #tpu.memory_space<vmem>>
        %dma_start3A_302 = tpu.memref_squeeze %dma_start3A_301 : memref<1x1x128xi32, #tpu.memory_space<vmem>> -> memref<128xi32, #tpu.memory_space<vmem>>
        %dma_start3A_303 = arith.constant 0 : i32
        %dma_start3A_304 = arith.constant 0 : i32
        %dma_start3A_305 = tpu.memref_slice %arg6[%dma_start3A_303, %dma_start3A_304] : memref<10112x128xf32, #tpu.memory_space<vmem_shared>> -> memref<10112x128xf32, #tpu.memory_space<vmem_shared>>
        tpu.enqueue_indirect_dma source(%dma_start3A_299 : memref<128x128xf32, #tpu.memory_space<vmem>>) target(%dma_start3A_305 : memref<10112x128xf32, #tpu.memory_space<vmem_shared>>) offsets(%dma_start3A_302 : memref<128xi32, #tpu.memory_space<vmem>>) semaphore(%arg14 : memref<!tpu.dma_semaphore, #tpu.memory_space<semaphore_mem>>) {add = true}
        %add3A_306 = arith.constant 2 : i32
        %add3A_307 = arith.addi %add3A_263, %add3A_306 : i32
        %lt3A_308 = arith.cmpi slt, %add3A_307, %add3A_4 : i32
        %convert_element_type3A_309 = arith.extui %lt3A_308 : i1 to i32
        %cond3A_310 = arith.constant 0 : i32
        %cond3A_311 = arith.cmpi ne, %convert_element_type3A_309, %cond3A_310 : i32
        scf.if %cond3A_311 {
          %mul3A_339 = arith.constant 32 : i32
          %mul3A_340 = arith.muli %add3A_307, %mul3A_339 : i32
          %add3A_341 = arith.addi %add3A, %mul3A_340 : i32
          %rem3A_342 = arith.constant 4 : i32
          %rem3A_343 = arith.remsi %add3A_307, %rem3A_342 : i32
          %dma_wait3A_344 = arith.constant 0 : i32
          %dma_wait3A_345 = arith.constant 0 : i32
          %dma_wait3A_346 = tpu.memref_slice %arg8[%rem3A_343, %dma_wait3A_344, %dma_wait3A_345] : memref<4x2x128xi32, #tpu.memory_space<vmem>> -> memref<1x2x128xi32, #tpu.memory_space<vmem>>
          %dma_wait3A_347 = tpu.memref_squeeze %dma_wait3A_346 : memref<1x2x128xi32, #tpu.memory_space<vmem>> -> memref<2x128xi32, #tpu.memory_space<vmem>>
          %dma_wait3A_348 = arith.constant 0 : i32
          %dma_wait3A_349 = arith.constant 0 : i32
          %dma_wait3A_350 = tpu.memref_slice %arg3[%add3A_341, %dma_wait3A_348, %dma_wait3A_349] : memref<2500x2x128xi32, #tpu.memory_space<hbm>> -> memref<1x2x128xi32, #tpu.memory_space<hbm>>
          %dma_wait3A_351 = tpu.memref_squeeze %dma_wait3A_350 : memref<1x2x128xi32, #tpu.memory_space<hbm>> -> memref<2x128xi32, #tpu.memory_space<hbm>>
          %dma_wait3A_352 = arith.constant 0 : i32
          %dma_wait3A_353 = arith.constant 0 : i32
          %dma_wait3A_354 = tpu.memref_slice %arg8[%rem3A_343, %dma_wait3A_352, %dma_wait3A_353] : memref<4x2x128xi32, #tpu.memory_space<vmem>> -> memref<1x2x128xi32, #tpu.memory_space<vmem>>
          %dma_wait3A_355 = tpu.memref_squeeze %dma_wait3A_354 : memref<1x2x128xi32, #tpu.memory_space<vmem>> -> memref<2x128xi32, #tpu.memory_space<vmem>>
          %dma_wait3A_356 = arith.constant 0 : i32
          %dma_wait3A_357 = arith.constant 0 : i32
          %dma_wait3A_358 = tpu.memref_slice %arg3[%add3A_341, %dma_wait3A_356, %dma_wait3A_357] : memref<2500x2x128xi32, #tpu.memory_space<hbm>> -> memref<1x2x128xi32, #tpu.memory_space<hbm>>
          %dma_wait3A_359 = tpu.memref_squeeze %dma_wait3A_358 : memref<1x2x128xi32, #tpu.memory_space<hbm>> -> memref<2x128xi32, #tpu.memory_space<hbm>>
          tpu.wait_dma2 semaphore(%arg9 : memref<!tpu.dma_semaphore, #tpu.memory_space<semaphore_mem>>) src(%dma_wait3A_359 : memref<2x128xi32, #tpu.memory_space<hbm>>) dst(%dma_wait3A_355 : memref<2x128xi32, #tpu.memory_space<vmem>>)
        } else {
        }
        %sub3A_312 = arith.constant 1 : i32
        %sub3A_313 = arith.subi %add3A_263, %sub3A_312 : i32
        %rem3A_314 = arith.constant 3 : i32
        %rem3A_315 = arith.remsi %sub3A_313, %rem3A_314 : i32
        %rem3A_316 = arith.constant 4 : i32
        %rem3A_317 = arith.remsi %sub3A_313, %rem3A_316 : i32
        %dma_wait3A_318 = arith.constant 1 : i32
        %dma_wait3A_319 = arith.constant 0 : i32
        %dma_wait3A_320 = arith.constant 0 : i32
        %dma_wait3A_321 = tpu.memref_slice %arg7[%rem3A_315, %dma_wait3A_319, %dma_wait3A_320] : memref<3x128x128xf32, #tpu.memory_space<vmem>> -> memref<1x128x128xf32, #tpu.memory_space<vmem>>
        %dma_wait3A_322 = tpu.memref_squeeze %dma_wait3A_321 : memref<1x128x128xf32, #tpu.memory_space<vmem>> -> memref<128x128xf32, #tpu.memory_space<vmem>>
        %dma_wait3A_323 = arith.constant 0 : i32
        %dma_wait3A_324 = tpu.memref_slice %arg8[%rem3A_317, %dma_wait3A_318, %dma_wait3A_323] : memref<4x2x128xi32, #tpu.memory_space<vmem>> -> memref<1x1x128xi32, #tpu.memory_space<vmem>>
        %dma_wait3A_325 = tpu.memref_squeeze %dma_wait3A_324 : memref<1x1x128xi32, #tpu.memory_space<vmem>> -> memref<128xi32, #tpu.memory_space<vmem>>
        %dma_wait3A_326 = arith.constant 0 : i32
        %dma_wait3A_327 = arith.constant 0 : i32
        %dma_wait3A_328 = tpu.memref_slice %arg6[%dma_wait3A_326, %dma_wait3A_327] : memref<10112x128xf32, #tpu.memory_space<vmem_shared>> -> memref<10112x128xf32, #tpu.memory_space<vmem_shared>>
        tpu.wait_indirect_dma semaphore(%arg13 : memref<!tpu.dma_semaphore, #tpu.memory_space<semaphore_mem>>) src(%dma_wait3A_322 : memref<128x128xf32, #tpu.memory_space<vmem>>) dst(%dma_wait3A_328 : memref<10112x128xf32, #tpu.memory_space<vmem_shared>>)
        %lt3A_329 = arith.cmpi slt, %add3A_307, %add3A_4 : i32
        %convert_element_type3A_330 = arith.extui %lt3A_329 : i1 to i32
        %cond3A_331 = arith.constant 0 : i32
        %cond3A_332 = arith.cmpi ne, %convert_element_type3A_330, %cond3A_331 : i32
        scf.if %cond3A_332 {
          %rem3A_339 = arith.constant 4 : i32
          %rem3A_340 = arith.remsi %add3A_307, %rem3A_339 : i32
          %rem3A_341 = arith.constant 3 : i32
          %rem3A_342 = arith.remsi %add3A_307, %rem3A_341 : i32
          %dma_start3A_343 = arith.constant 0 : i32
          %dma_start3A_344 = arith.constant 0 : i32
          %dma_start3A_345 = arith.constant 0 : i32
          %dma_start3A_346 = tpu.memref_slice %arg7[%rem3A_342, %dma_start3A_344, %dma_start3A_345] : memref<3x128x128xf32, #tpu.memory_space<vmem>> -> memref<1x128x128xf32, #tpu.memory_space<vmem>>
          %dma_start3A_347 = tpu.memref_squeeze %dma_start3A_346 : memref<1x128x128xf32, #tpu.memory_space<vmem>> -> memref<128x128xf32, #tpu.memory_space<vmem>>
          %dma_start3A_348 = arith.constant 0 : i32
          %dma_start3A_349 = tpu.memref_slice %arg8[%rem3A_340, %dma_start3A_343, %dma_start3A_348] : memref<4x2x128xi32, #tpu.memory_space<vmem>> -> memref<1x1x128xi32, #tpu.memory_space<vmem>>
          %dma_start3A_350 = tpu.memref_squeeze %dma_start3A_349 : memref<1x1x128xi32, #tpu.memory_space<vmem>> -> memref<128xi32, #tpu.memory_space<vmem>>
          %dma_start3A_351 = arith.constant 0 : i32
          %dma_start3A_352 = arith.constant 0 : i32
          %dma_start3A_353 = tpu.memref_slice %arg2[%dma_start3A_351, %dma_start3A_352] : memref<10000x128xf32, #tpu.memory_space<hbm>> -> memref<10000x128xf32, #tpu.memory_space<hbm>>
          tpu.enqueue_indirect_dma source(%dma_start3A_353 : memref<10000x128xf32, #tpu.memory_space<hbm>>) target(%dma_start3A_347 : memref<128x128xf32, #tpu.memory_space<vmem>>) offsets(%dma_start3A_350 : memref<128xi32, #tpu.memory_space<vmem>>) semaphore(%arg10 : memref<!tpu.dma_semaphore, #tpu.memory_space<semaphore_mem>>)
        } else {
        }
        %add3A_333 = arith.constant 3 : i32
        %add3A_334 = arith.addi %add3A_263, %add3A_333 : i32
        %lt3A_335 = arith.cmpi slt, %add3A_334, %add3A_4 : i32
        %convert_element_type3A_336 = arith.extui %lt3A_335 : i1 to i32
        %cond3A_337 = arith.constant 0 : i32
        %cond3A_338 = arith.cmpi ne, %convert_element_type3A_336, %cond3A_337 : i32
        scf.if %cond3A_338 {
          %add3A_339 = arith.constant 3 : i32
          %add3A_340 = arith.addi %add3A_263, %add3A_339 : i32
          %mul3A_341 = arith.constant 32 : i32
          %mul3A_342 = arith.muli %add3A_340, %mul3A_341 : i32
          %add3A_343 = arith.addi %add3A, %mul3A_342 : i32
          %rem3A_344 = arith.constant 4 : i32
          %rem3A_345 = arith.remsi %add3A_340, %rem3A_344 : i32
          %dma_start3A_346 = arith.constant 0 : i32
          %dma_start3A_347 = arith.constant 0 : i32
          %dma_start3A_348 = tpu.memref_slice %arg8[%rem3A_345, %dma_start3A_346, %dma_start3A_347] : memref<4x2x128xi32, #tpu.memory_space<vmem>> -> memref<1x2x128xi32, #tpu.memory_space<vmem>>
          %dma_start3A_349 = tpu.memref_squeeze %dma_start3A_348 : memref<1x2x128xi32, #tpu.memory_space<vmem>> -> memref<2x128xi32, #tpu.memory_space<vmem>>
          %dma_start3A_350 = arith.constant 0 : i32
          %dma_start3A_351 = arith.constant 0 : i32
          %dma_start3A_352 = tpu.memref_slice %arg3[%add3A_343, %dma_start3A_350, %dma_start3A_351] : memref<2500x2x128xi32, #tpu.memory_space<hbm>> -> memref<1x2x128xi32, #tpu.memory_space<hbm>>
          %dma_start3A_353 = tpu.memref_squeeze %dma_start3A_352 : memref<1x2x128xi32, #tpu.memory_space<hbm>> -> memref<2x128xi32, #tpu.memory_space<hbm>>
          %dma_start3A_354 = arith.constant 0 : i32
          %dma_start3A_355 = arith.constant 0 : i32
          %dma_start3A_356 = tpu.memref_slice %arg8[%rem3A_345, %dma_start3A_354, %dma_start3A_355] : memref<4x2x128xi32, #tpu.memory_space<vmem>> -> memref<1x2x128xi32, #tpu.memory_space<vmem>>
          %dma_start3A_357 = tpu.memref_squeeze %dma_start3A_356 : memref<1x2x128xi32, #tpu.memory_space<vmem>> -> memref<2x128xi32, #tpu.memory_space<vmem>>
          %dma_start3A_358 = arith.constant 0 : i32
          %dma_start3A_359 = arith.constant 0 : i32
          %dma_start3A_360 = tpu.memref_slice %arg3[%add3A_343, %dma_start3A_358, %dma_start3A_359] : memref<2500x2x128xi32, #tpu.memory_space<hbm>> -> memref<1x2x128xi32, #tpu.memory_space<hbm>>
          %dma_start3A_361 = tpu.memref_squeeze %dma_start3A_360 : memref<1x2x128xi32, #tpu.memory_space<hbm>> -> memref<2x128xi32, #tpu.memory_space<hbm>>
          tpu.enqueue_dma source(%dma_start3A_361 : memref<2x128xi32, #tpu.memory_space<hbm>>) target(%dma_start3A_357 : memref<2x128xi32, #tpu.memory_space<vmem>>) target_semaphore(%arg9 : memref<!tpu.dma_semaphore, #tpu.memory_space<semaphore_mem>>)
        } else {
        }
      } else {
      }
      %mul3A_268 = arith.constant 3 : i32
      %mul3A_269 = arith.muli %while3A_251, %mul3A_268 : i32
      %add3A_270 = arith.constant 2 : i32
      %add3A_271 = arith.addi %mul3A_269, %add3A_270 : i32
      %lt3A_272 = arith.cmpi slt, %add3A_271, %add3A_4 : i32
      %convert_element_type3A_273 = arith.extui %lt3A_272 : i1 to i32
      %cond3A_274 = arith.constant 0 : i32
      %cond3A_275 = arith.cmpi ne, %convert_element_type3A_273, %cond3A_274 : i32
      scf.if %cond3A_275 {
        %rem3A_276 = arith.constant 4 : i32
        %rem3A_277 = arith.remsi %add3A_271, %rem3A_276 : i32
        %rem3A_278 = arith.constant 3 : i32
        %rem3A_279 = arith.remsi %add3A_271, %rem3A_278 : i32
        %dma_wait3A_280 = arith.constant 0 : i32
        %dma_wait3A_281 = arith.constant 0 : i32
        %dma_wait3A_282 = arith.constant 0 : i32
        %dma_wait3A_283 = tpu.memref_slice %arg7[%rem3A_279, %dma_wait3A_281, %dma_wait3A_282] : memref<3x128x128xf32, #tpu.memory_space<vmem>> -> memref<1x128x128xf32, #tpu.memory_space<vmem>>
        %dma_wait3A_284 = tpu.memref_squeeze %dma_wait3A_283 : memref<1x128x128xf32, #tpu.memory_space<vmem>> -> memref<128x128xf32, #tpu.memory_space<vmem>>
        %dma_wait3A_285 = arith.constant 0 : i32
        %dma_wait3A_286 = tpu.memref_slice %arg8[%rem3A_277, %dma_wait3A_280, %dma_wait3A_285] : memref<4x2x128xi32, #tpu.memory_space<vmem>> -> memref<1x1x128xi32, #tpu.memory_space<vmem>>
        %dma_wait3A_287 = tpu.memref_squeeze %dma_wait3A_286 : memref<1x1x128xi32, #tpu.memory_space<vmem>> -> memref<128xi32, #tpu.memory_space<vmem>>
        %dma_wait3A_288 = arith.constant 0 : i32
        %dma_wait3A_289 = arith.constant 0 : i32
        %dma_wait3A_290 = tpu.memref_slice %arg2[%dma_wait3A_288, %dma_wait3A_289] : memref<10000x128xf32, #tpu.memory_space<hbm>> -> memref<10000x128xf32, #tpu.memory_space<hbm>>
        tpu.wait_indirect_dma semaphore(%arg12 : memref<!tpu.dma_semaphore, #tpu.memory_space<semaphore_mem>>) src(%dma_wait3A_290 : memref<10000x128xf32, #tpu.memory_space<hbm>>) dst(%dma_wait3A_284 : memref<128x128xf32, #tpu.memory_space<vmem>>)
        %rem3A_291 = arith.constant 3 : i32
        %rem3A_292 = arith.remsi %add3A_271, %rem3A_291 : i32
        %rem3A_293 = arith.constant 4 : i32
        %rem3A_294 = arith.remsi %add3A_271, %rem3A_293 : i32
        %dma_start3A_295 = arith.constant 1 : i32
        %dma_start3A_296 = arith.constant 0 : i32
        %dma_start3A_297 = arith.constant 0 : i32
        %dma_start3A_298 = tpu.memref_slice %arg7[%rem3A_292, %dma_start3A_296, %dma_start3A_297] : memref<3x128x128xf32, #tpu.memory_space<vmem>> -> memref<1x128x128xf32, #tpu.memory_space<vmem>>
        %dma_start3A_299 = tpu.memref_squeeze %dma_start3A_298 : memref<1x128x128xf32, #tpu.memory_space<vmem>> -> memref<128x128xf32, #tpu.memory_space<vmem>>
        %dma_start3A_300 = arith.constant 0 : i32
        %dma_start3A_301 = tpu.memref_slice %arg8[%rem3A_294, %dma_start3A_295, %dma_start3A_300] : memref<4x2x128xi32, #tpu.memory_space<vmem>> -> memref<1x1x128xi32, #tpu.memory_space<vmem>>
        %dma_start3A_302 = tpu.memref_squeeze %dma_start3A_301 : memref<1x1x128xi32, #tpu.memory_space<vmem>> -> memref<128xi32, #tpu.memory_space<vmem>>
        %dma_start3A_303 = arith.constant 0 : i32
        %dma_start3A_304 = arith.constant 0 : i32
        %dma_start3A_305 = tpu.memref_slice %arg6[%dma_start3A_303, %dma_start3A_304] : memref<10112x128xf32, #tpu.memory_space<vmem_shared>> -> memref<10112x128xf32, #tpu.memory_space<vmem_shared>>
        tpu.enqueue_indirect_dma source(%dma_start3A_299 : memref<128x128xf32, #tpu.memory_space<vmem>>) target(%dma_start3A_305 : memref<10112x128xf32, #tpu.memory_space<vmem_shared>>) offsets(%dma_start3A_302 : memref<128xi32, #tpu.memory_space<vmem>>) semaphore(%arg15 : memref<!tpu.dma_semaphore, #tpu.memory_space<semaphore_mem>>) {add = true}
        %add3A_306 = arith.constant 2 : i32
        %add3A_307 = arith.addi %add3A_271, %add3A_306 : i32
        %lt3A_308 = arith.cmpi slt, %add3A_307, %add3A_4 : i32
        %convert_element_type3A_309 = arith.extui %lt3A_308 : i1 to i32
        %cond3A_310 = arith.constant 0 : i32
        %cond3A_311 = arith.cmpi ne, %convert_element_type3A_309, %cond3A_310 : i32
        scf.if %cond3A_311 {
          %mul3A_339 = arith.constant 32 : i32
          %mul3A_340 = arith.muli %add3A_307, %mul3A_339 : i32
          %add3A_341 = arith.addi %add3A, %mul3A_340 : i32
          %rem3A_342 = arith.constant 4 : i32
          %rem3A_343 = arith.remsi %add3A_307, %rem3A_342 : i32
          %dma_wait3A_344 = arith.constant 0 : i32
          %dma_wait3A_345 = arith.constant 0 : i32
          %dma_wait3A_346 = tpu.memref_slice %arg8[%rem3A_343, %dma_wait3A_344, %dma_wait3A_345] : memref<4x2x128xi32, #tpu.memory_space<vmem>> -> memref<1x2x128xi32, #tpu.memory_space<vmem>>
          %dma_wait3A_347 = tpu.memref_squeeze %dma_wait3A_346 : memref<1x2x128xi32, #tpu.memory_space<vmem>> -> memref<2x128xi32, #tpu.memory_space<vmem>>
          %dma_wait3A_348 = arith.constant 0 : i32
          %dma_wait3A_349 = arith.constant 0 : i32
          %dma_wait3A_350 = tpu.memref_slice %arg3[%add3A_341, %dma_wait3A_348, %dma_wait3A_349] : memref<2500x2x128xi32, #tpu.memory_space<hbm>> -> memref<1x2x128xi32, #tpu.memory_space<hbm>>
          %dma_wait3A_351 = tpu.memref_squeeze %dma_wait3A_350 : memref<1x2x128xi32, #tpu.memory_space<hbm>> -> memref<2x128xi32, #tpu.memory_space<hbm>>
          %dma_wait3A_352 = arith.constant 0 : i32
          %dma_wait3A_353 = arith.constant 0 : i32
          %dma_wait3A_354 = tpu.memref_slice %arg8[%rem3A_343, %dma_wait3A_352, %dma_wait3A_353] : memref<4x2x128xi32, #tpu.memory_space<vmem>> -> memref<1x2x128xi32, #tpu.memory_space<vmem>>
          %dma_wait3A_355 = tpu.memref_squeeze %dma_wait3A_354 : memref<1x2x128xi32, #tpu.memory_space<vmem>> -> memref<2x128xi32, #tpu.memory_space<vmem>>
          %dma_wait3A_356 = arith.constant 0 : i32
          %dma_wait3A_357 = arith.constant 0 : i32
          %dma_wait3A_358 = tpu.memref_slice %arg3[%add3A_341, %dma_wait3A_356, %dma_wait3A_357] : memref<2500x2x128xi32, #tpu.memory_space<hbm>> -> memref<1x2x128xi32, #tpu.memory_space<hbm>>
          %dma_wait3A_359 = tpu.memref_squeeze %dma_wait3A_358 : memref<1x2x128xi32, #tpu.memory_space<hbm>> -> memref<2x128xi32, #tpu.memory_space<hbm>>
          tpu.wait_dma2 semaphore(%arg9 : memref<!tpu.dma_semaphore, #tpu.memory_space<semaphore_mem>>) src(%dma_wait3A_359 : memref<2x128xi32, #tpu.memory_space<hbm>>) dst(%dma_wait3A_355 : memref<2x128xi32, #tpu.memory_space<vmem>>)
        } else {
        }
        %sub3A_312 = arith.constant 1 : i32
        %sub3A_313 = arith.subi %add3A_271, %sub3A_312 : i32
        %rem3A_314 = arith.constant 3 : i32
        %rem3A_315 = arith.remsi %sub3A_313, %rem3A_314 : i32
        %rem3A_316 = arith.constant 4 : i32
        %rem3A_317 = arith.remsi %sub3A_313, %rem3A_316 : i32
        %dma_wait3A_318 = arith.constant 1 : i32
        %dma_wait3A_319 = arith.constant 0 : i32
        %dma_wait3A_320 = arith.constant 0 : i32
        %dma_wait3A_321 = tpu.memref_slice %arg7[%rem3A_315, %dma_wait3A_319, %dma_wait3A_320] : memref<3x128x128xf32, #tpu.memory_space<vmem>> -> memref<1x128x128xf32, #tpu.memory_space<vmem>>
        %dma_wait3A_322 = tpu.memref_squeeze %dma_wait3A_321 : memref<1x128x128xf32, #tpu.memory_space<vmem>> -> memref<128x128xf32, #tpu.memory_space<vmem>>
        %dma_wait3A_323 = arith.constant 0 : i32
        %dma_wait3A_324 = tpu.memref_slice %arg8[%rem3A_317, %dma_wait3A_318, %dma_wait3A_323] : memref<4x2x128xi32, #tpu.memory_space<vmem>> -> memref<1x1x128xi32, #tpu.memory_space<vmem>>
        %dma_wait3A_325 = tpu.memref_squeeze %dma_wait3A_324 : memref<1x1x128xi32, #tpu.memory_space<vmem>> -> memref<128xi32, #tpu.memory_space<vmem>>
        %dma_wait3A_326 = arith.constant 0 : i32
        %dma_wait3A_327 = arith.constant 0 : i32
        %dma_wait3A_328 = tpu.memref_slice %arg6[%dma_wait3A_326, %dma_wait3A_327] : memref<10112x128xf32, #tpu.memory_space<vmem_shared>> -> memref<10112x128xf32, #tpu.memory_space<vmem_shared>>
        tpu.wait_indirect_dma semaphore(%arg14 : memref<!tpu.dma_semaphore, #tpu.memory_space<semaphore_mem>>) src(%dma_wait3A_322 : memref<128x128xf32, #tpu.memory_space<vmem>>) dst(%dma_wait3A_328 : memref<10112x128xf32, #tpu.memory_space<vmem_shared>>)
        %lt3A_329 = arith.cmpi slt, %add3A_307, %add3A_4 : i32
        %convert_element_type3A_330 = arith.extui %lt3A_329 : i1 to i32
        %cond3A_331 = arith.constant 0 : i32
        %cond3A_332 = arith.cmpi ne, %convert_element_type3A_330, %cond3A_331 : i32
        scf.if %cond3A_332 {
          %rem3A_339 = arith.constant 4 : i32
          %rem3A_340 = arith.remsi %add3A_307, %rem3A_339 : i32
          %rem3A_341 = arith.constant 3 : i32
          %rem3A_342 = arith.remsi %add3A_307, %rem3A_341 : i32
          %dma_start3A_343 = arith.constant 0 : i32
          %dma_start3A_344 = arith.constant 0 : i32
          %dma_start3A_345 = arith.constant 0 : i32
          %dma_start3A_346 = tpu.memref_slice %arg7[%rem3A_342, %dma_start3A_344, %dma_start3A_345] : memref<3x128x128xf32, #tpu.memory_space<vmem>> -> memref<1x128x128xf32, #tpu.memory_space<vmem>>
          %dma_start3A_347 = tpu.memref_squeeze %dma_start3A_346 : memref<1x128x128xf32, #tpu.memory_space<vmem>> -> memref<128x128xf32, #tpu.memory_space<vmem>>
          %dma_start3A_348 = arith.constant 0 : i32
          %dma_start3A_349 = tpu.memref_slice %arg8[%rem3A_340, %dma_start3A_343, %dma_start3A_348] : memref<4x2x128xi32, #tpu.memory_space<vmem>> -> memref<1x1x128xi32, #tpu.memory_space<vmem>>
          %dma_start3A_350 = tpu.memref_squeeze %dma_start3A_349 : memref<1x1x128xi32, #tpu.memory_space<vmem>> -> memref<128xi32, #tpu.memory_space<vmem>>
          %dma_start3A_351 = arith.constant 0 : i32
          %dma_start3A_352 = arith.constant 0 : i32
          %dma_start3A_353 = tpu.memref_slice %arg2[%dma_start3A_351, %dma_start3A_352] : memref<10000x128xf32, #tpu.memory_space<hbm>> -> memref<10000x128xf32, #tpu.memory_space<hbm>>
          tpu.enqueue_indirect_dma source(%dma_start3A_353 : memref<10000x128xf32, #tpu.memory_space<hbm>>) target(%dma_start3A_347 : memref<128x128xf32, #tpu.memory_space<vmem>>) offsets(%dma_start3A_350 : memref<128xi32, #tpu.memory_space<vmem>>) semaphore(%arg11 : memref<!tpu.dma_semaphore, #tpu.memory_space<semaphore_mem>>)
        } else {
        }
        %add3A_333 = arith.constant 3 : i32
        %add3A_334 = arith.addi %add3A_271, %add3A_333 : i32
        %lt3A_335 = arith.cmpi slt, %add3A_334, %add3A_4 : i32
        %convert_element_type3A_336 = arith.extui %lt3A_335 : i1 to i32
        %cond3A_337 = arith.constant 0 : i32
        %cond3A_338 = arith.cmpi ne, %convert_element_type3A_336, %cond3A_337 : i32
        scf.if %cond3A_338 {
          %add3A_339 = arith.constant 3 : i32
          %add3A_340 = arith.addi %add3A_271, %add3A_339 : i32
          %mul3A_341 = arith.constant 32 : i32
          %mul3A_342 = arith.muli %add3A_340, %mul3A_341 : i32
          %add3A_343 = arith.addi %add3A, %mul3A_342 : i32
          %rem3A_344 = arith.constant 4 : i32
          %rem3A_345 = arith.remsi %add3A_340, %rem3A_344 : i32
          %dma_start3A_346 = arith.constant 0 : i32
          %dma_start3A_347 = arith.constant 0 : i32
          %dma_start3A_348 = tpu.memref_slice %arg8[%rem3A_345, %dma_start3A_346, %dma_start3A_347] : memref<4x2x128xi32, #tpu.memory_space<vmem>> -> memref<1x2x128xi32, #tpu.memory_space<vmem>>
          %dma_start3A_349 = tpu.memref_squeeze %dma_start3A_348 : memref<1x2x128xi32, #tpu.memory_space<vmem>> -> memref<2x128xi32, #tpu.memory_space<vmem>>
          %dma_start3A_350 = arith.constant 0 : i32
          %dma_start3A_351 = arith.constant 0 : i32
          %dma_start3A_352 = tpu.memref_slice %arg3[%add3A_343, %dma_start3A_350, %dma_start3A_351] : memref<2500x2x128xi32, #tpu.memory_space<hbm>> -> memref<1x2x128xi32, #tpu.memory_space<hbm>>
          %dma_start3A_353 = tpu.memref_squeeze %dma_start3A_352 : memref<1x2x128xi32, #tpu.memory_space<hbm>> -> memref<2x128xi32, #tpu.memory_space<hbm>>
          %dma_start3A_354 = arith.constant 0 : i32
          %dma_start3A_355 = arith.constant 0 : i32
          %dma_start3A_356 = tpu.memref_slice %arg8[%rem3A_345, %dma_start3A_354, %dma_start3A_355] : memref<4x2x128xi32, #tpu.memory_space<vmem>> -> memref<1x2x128xi32, #tpu.memory_space<vmem>>
          %dma_start3A_357 = tpu.memref_squeeze %dma_start3A_356 : memref<1x2x128xi32, #tpu.memory_space<vmem>> -> memref<2x128xi32, #tpu.memory_space<vmem>>
          %dma_start3A_358 = arith.constant 0 : i32
          %dma_start3A_359 = arith.constant 0 : i32
          %dma_start3A_360 = tpu.memref_slice %arg3[%add3A_343, %dma_start3A_358, %dma_start3A_359] : memref<2500x2x128xi32, #tpu.memory_space<hbm>> -> memref<1x2x128xi32, #tpu.memory_space<hbm>>
          %dma_start3A_361 = tpu.memref_squeeze %dma_start3A_360 : memref<1x2x128xi32, #tpu.memory_space<hbm>> -> memref<2x128xi32, #tpu.memory_space<hbm>>
          tpu.enqueue_dma source(%dma_start3A_361 : memref<2x128xi32, #tpu.memory_space<hbm>>) target(%dma_start3A_357 : memref<2x128xi32, #tpu.memory_space<vmem>>) target_semaphore(%arg9 : memref<!tpu.dma_semaphore, #tpu.memory_space<semaphore_mem>>)
        } else {
        }
      } else {
      }
    }
    %sub3A_134 = arith.constant 1 : i32
    %sub3A_135 = arith.subi %add3A_4, %sub3A_134 : i32
    %rem3A_136 = arith.constant 3 : i32
    %rem3A_137 = arith.remsi %sub3A_135, %rem3A_136 : i32
    %eq3A = arith.constant 0 : i32
    %eq3A_138 = arith.cmpi eq, %rem3A_137, %eq3A : i32
    %convert_element_type3A_139 = arith.extui %eq3A_138 : i1 to i32
    %cond3A_140 = arith.constant 0 : i32
    %cond3A_141 = arith.cmpi ne, %convert_element_type3A_139, %cond3A_140 : i32
    scf.if %cond3A_141 {
      %sub3A_251 = arith.constant 1 : i32
      %sub3A_252 = arith.subi %add3A_4, %sub3A_251 : i32
      %rem3A_253 = arith.constant 3 : i32
      %rem3A_254 = arith.remsi %sub3A_252, %rem3A_253 : i32
      %rem3A_255 = arith.constant 4 : i32
      %rem3A_256 = arith.remsi %sub3A_252, %rem3A_255 : i32
      %dma_wait3A_257 = arith.constant 1 : i32
      %dma_wait3A_258 = arith.constant 0 : i32
      %dma_wait3A_259 = arith.constant 0 : i32
      %dma_wait3A_260 = tpu.memref_slice %arg7[%rem3A_254, %dma_wait3A_258, %dma_wait3A_259] : memref<3x128x128xf32, #tpu.memory_space<vmem>> -> memref<1x128x128xf32, #tpu.memory_space<vmem>>
      %dma_wait3A_261 = tpu.memref_squeeze %dma_wait3A_260 : memref<1x128x128xf32, #tpu.memory_space<vmem>> -> memref<128x128xf32, #tpu.memory_space<vmem>>
      %dma_wait3A_262 = arith.constant 0 : i32
      %dma_wait3A_263 = tpu.memref_slice %arg8[%rem3A_256, %dma_wait3A_257, %dma_wait3A_262] : memref<4x2x128xi32, #tpu.memory_space<vmem>> -> memref<1x1x128xi32, #tpu.memory_space<vmem>>
      %dma_wait3A_264 = tpu.memref_squeeze %dma_wait3A_263 : memref<1x1x128xi32, #tpu.memory_space<vmem>> -> memref<128xi32, #tpu.memory_space<vmem>>
      %dma_wait3A_265 = arith.constant 0 : i32
      %dma_wait3A_266 = arith.constant 0 : i32
      %dma_wait3A_267 = tpu.memref_slice %arg6[%dma_wait3A_265, %dma_wait3A_266] : memref<10112x128xf32, #tpu.memory_space<vmem_shared>> -> memref<10112x128xf32, #tpu.memory_space<vmem_shared>>
      tpu.wait_indirect_dma semaphore(%arg13 : memref<!tpu.dma_semaphore, #tpu.memory_space<semaphore_mem>>) src(%dma_wait3A_261 : memref<128x128xf32, #tpu.memory_space<vmem>>) dst(%dma_wait3A_267 : memref<10112x128xf32, #tpu.memory_space<vmem_shared>>)
    } else {
    }
    %sub3A_142 = arith.constant 1 : i32
    %sub3A_143 = arith.subi %add3A_4, %sub3A_142 : i32
    %rem3A_144 = arith.constant 3 : i32
    %rem3A_145 = arith.remsi %sub3A_143, %rem3A_144 : i32
    %eq3A_146 = arith.constant 1 : i32
    %eq3A_147 = arith.cmpi eq, %rem3A_145, %eq3A_146 : i32
    %convert_element_type3A_148 = arith.extui %eq3A_147 : i1 to i32
    %cond3A_149 = arith.constant 0 : i32
    %cond3A_150 = arith.cmpi ne, %convert_element_type3A_148, %cond3A_149 : i32
    scf.if %cond3A_150 {
      %sub3A_251 = arith.constant 1 : i32
      %sub3A_252 = arith.subi %add3A_4, %sub3A_251 : i32
      %rem3A_253 = arith.constant 3 : i32
      %rem3A_254 = arith.remsi %sub3A_252, %rem3A_253 : i32
      %rem3A_255 = arith.constant 4 : i32
      %rem3A_256 = arith.remsi %sub3A_252, %rem3A_255 : i32
      %dma_wait3A_257 = arith.constant 1 : i32
      %dma_wait3A_258 = arith.constant 0 : i32
      %dma_wait3A_259 = arith.constant 0 : i32
      %dma_wait3A_260 = tpu.memref_slice %arg7[%rem3A_254, %dma_wait3A_258, %dma_wait3A_259] : memref<3x128x128xf32, #tpu.memory_space<vmem>> -> memref<1x128x128xf32, #tpu.memory_space<vmem>>
      %dma_wait3A_261 = tpu.memref_squeeze %dma_wait3A_260 : memref<1x128x128xf32, #tpu.memory_space<vmem>> -> memref<128x128xf32, #tpu.memory_space<vmem>>
      %dma_wait3A_262 = arith.constant 0 : i32
      %dma_wait3A_263 = tpu.memref_slice %arg8[%rem3A_256, %dma_wait3A_257, %dma_wait3A_262] : memref<4x2x128xi32, #tpu.memory_space<vmem>> -> memref<1x1x128xi32, #tpu.memory_space<vmem>>
      %dma_wait3A_264 = tpu.memref_squeeze %dma_wait3A_263 : memref<1x1x128xi32, #tpu.memory_space<vmem>> -> memref<128xi32, #tpu.memory_space<vmem>>
      %dma_wait3A_265 = arith.constant 0 : i32
      %dma_wait3A_266 = arith.constant 0 : i32
      %dma_wait3A_267 = tpu.memref_slice %arg6[%dma_wait3A_265, %dma_wait3A_266] : memref<10112x128xf32, #tpu.memory_space<vmem_shared>> -> memref<10112x128xf32, #tpu.memory_space<vmem_shared>>
      tpu.wait_indirect_dma semaphore(%arg14 : memref<!tpu.dma_semaphore, #tpu.memory_space<semaphore_mem>>) src(%dma_wait3A_261 : memref<128x128xf32, #tpu.memory_space<vmem>>) dst(%dma_wait3A_267 : memref<10112x128xf32, #tpu.memory_space<vmem_shared>>)
    } else {
    }
    %sub3A_151 = arith.constant 1 : i32
    %sub3A_152 = arith.subi %add3A_4, %sub3A_151 : i32
    %rem3A_153 = arith.constant 3 : i32
    %rem3A_154 = arith.remsi %sub3A_152, %rem3A_153 : i32
    %eq3A_155 = arith.constant 2 : i32
    %eq3A_156 = arith.cmpi eq, %rem3A_154, %eq3A_155 : i32
    %convert_element_type3A_157 = arith.extui %eq3A_156 : i1 to i32
    %cond3A_158 = arith.constant 0 : i32
    %cond3A_159 = arith.cmpi ne, %convert_element_type3A_157, %cond3A_158 : i32
    scf.if %cond3A_159 {
      %sub3A_251 = arith.constant 1 : i32
      %sub3A_252 = arith.subi %add3A_4, %sub3A_251 : i32
      %rem3A_253 = arith.constant 3 : i32
      %rem3A_254 = arith.remsi %sub3A_252, %rem3A_253 : i32
      %rem3A_255 = arith.constant 4 : i32
      %rem3A_256 = arith.remsi %sub3A_252, %rem3A_255 : i32
      %dma_wait3A_257 = arith.constant 1 : i32
      %dma_wait3A_258 = arith.constant 0 : i32
      %dma_wait3A_259 = arith.constant 0 : i32
      %dma_wait3A_260 = tpu.memref_slice %arg7[%rem3A_254, %dma_wait3A_258, %dma_wait3A_259] : memref<3x128x128xf32, #tpu.memory_space<vmem>> -> memref<1x128x128xf32, #tpu.memory_space<vmem>>
      %dma_wait3A_261 = tpu.memref_squeeze %dma_wait3A_260 : memref<1x128x128xf32, #tpu.memory_space<vmem>> -> memref<128x128xf32, #tpu.memory_space<vmem>>
      %dma_wait3A_262 = arith.constant 0 : i32
      %dma_wait3A_263 = tpu.memref_slice %arg8[%rem3A_256, %dma_wait3A_257, %dma_wait3A_262] : memref<4x2x128xi32, #tpu.memory_space<vmem>> -> memref<1x1x128xi32, #tpu.memory_space<vmem>>
      %dma_wait3A_264 = tpu.memref_squeeze %dma_wait3A_263 : memref<1x1x128xi32, #tpu.memory_space<vmem>> -> memref<128xi32, #tpu.memory_space<vmem>>
      %dma_wait3A_265 = arith.constant 0 : i32
      %dma_wait3A_266 = arith.constant 0 : i32
      %dma_wait3A_267 = tpu.memref_slice %arg6[%dma_wait3A_265, %dma_wait3A_266] : memref<10112x128xf32, #tpu.memory_space<vmem_shared>> -> memref<10112x128xf32, #tpu.memory_space<vmem_shared>>
      tpu.wait_indirect_dma semaphore(%arg15 : memref<!tpu.dma_semaphore, #tpu.memory_space<semaphore_mem>>) src(%dma_wait3A_261 : memref<128x128xf32, #tpu.memory_space<vmem>>) dst(%dma_wait3A_267 : memref<10112x128xf32, #tpu.memory_space<vmem_shared>>)
    } else {
    }
    %barrier3A_160 = arith.constant 0 : index
    tpu.barrier barrier_id(%barrier3A_160)
    %mul3A_161 = arith.constant 632 : i32
    %mul3A_162 = arith.muli %arg1, %mul3A_161 : i32
    %add3A_163 = arith.constant 0 : i32
    %add3A_164 = arith.addi %mul3A_162, %add3A_163 : i32
    %dma_start3A_165 = arith.constant 0 : i32
    %dma_start3A_166 = tpu.memref_slice %arg5[%arg0, %add3A_164, %dma_start3A_165] : memref<2x10112x128xf32, #tpu.memory_space<hbm>> -> memref<1x128x128xf32, #tpu.memory_space<hbm>>
    %dma_start3A_167 = tpu.memref_squeeze %dma_start3A_166 : memref<1x128x128xf32, #tpu.memory_space<hbm>> -> memref<128x128xf32, #tpu.memory_space<hbm>>
    %dma_start3A_168 = arith.constant 0 : i32
    %dma_start3A_169 = tpu.memref_slice %arg6[%add3A_164, %dma_start3A_168] : memref<10112x128xf32, #tpu.memory_space<vmem_shared>> -> memref<128x128xf32, #tpu.memory_space<vmem_shared>>
    tpu.enqueue_dma source(%dma_start3A_169 : memref<128x128xf32, #tpu.memory_space<vmem_shared>>) target(%dma_start3A_167 : memref<128x128xf32, #tpu.memory_space<hbm>>) target_semaphore(%arg16 : memref<!tpu.dma_semaphore, #tpu.memory_space<semaphore_mem>>)
    %mul3A_170 = arith.constant 632 : i32
    %mul3A_171 = arith.muli %arg1, %mul3A_170 : i32
    %add3A_172 = arith.constant 128 : i32
    %add3A_173 = arith.addi %mul3A_171, %add3A_172 : i32
    %dma_start3A_174 = arith.constant 0 : i32
    %dma_start3A_175 = tpu.memref_slice %arg5[%arg0, %add3A_173, %dma_start3A_174] : memref<2x10112x128xf32, #tpu.memory_space<hbm>> -> memref<1x128x128xf32, #tpu.memory_space<hbm>>
    %dma_start3A_176 = tpu.memref_squeeze %dma_start3A_175 : memref<1x128x128xf32, #tpu.memory_space<hbm>> -> memref<128x128xf32, #tpu.memory_space<hbm>>
    %dma_start3A_177 = arith.constant 0 : i32
    %dma_start3A_178 = tpu.memref_slice %arg6[%add3A_173, %dma_start3A_177] : memref<10112x128xf32, #tpu.memory_space<vmem_shared>> -> memref<128x128xf32, #tpu.memory_space<vmem_shared>>
    tpu.enqueue_dma source(%dma_start3A_178 : memref<128x128xf32, #tpu.memory_space<vmem_shared>>) target(%dma_start3A_176 : memref<128x128xf32, #tpu.memory_space<hbm>>) target_semaphore(%arg16 : memref<!tpu.dma_semaphore, #tpu.memory_space<semaphore_mem>>)
    %mul3A_179 = arith.constant 632 : i32
    %mul3A_180 = arith.muli %arg1, %mul3A_179 : i32
    %add3A_181 = arith.constant 256 : i32
    %add3A_182 = arith.addi %mul3A_180, %add3A_181 : i32
    %dma_start3A_183 = arith.constant 0 : i32
    %dma_start3A_184 = tpu.memref_slice %arg5[%arg0, %add3A_182, %dma_start3A_183] : memref<2x10112x128xf32, #tpu.memory_space<hbm>> -> memref<1x128x128xf32, #tpu.memory_space<hbm>>
    %dma_start3A_185 = tpu.memref_squeeze %dma_start3A_184 : memref<1x128x128xf32, #tpu.memory_space<hbm>> -> memref<128x128xf32, #tpu.memory_space<hbm>>
    %dma_start3A_186 = arith.constant 0 : i32
    %dma_start3A_187 = tpu.memref_slice %arg6[%add3A_182, %dma_start3A_186] : memref<10112x128xf32, #tpu.memory_space<vmem_shared>> -> memref<128x128xf32, #tpu.memory_space<vmem_shared>>
    tpu.enqueue_dma source(%dma_start3A_187 : memref<128x128xf32, #tpu.memory_space<vmem_shared>>) target(%dma_start3A_185 : memref<128x128xf32, #tpu.memory_space<hbm>>) target_semaphore(%arg16 : memref<!tpu.dma_semaphore, #tpu.memory_space<semaphore_mem>>)
    %mul3A_188 = arith.constant 632 : i32
    %mul3A_189 = arith.muli %arg1, %mul3A_188 : i32
    %add3A_190 = arith.constant 384 : i32
    %add3A_191 = arith.addi %mul3A_189, %add3A_190 : i32
    %dma_start3A_192 = arith.constant 0 : i32
    %dma_start3A_193 = tpu.memref_slice %arg5[%arg0, %add3A_191, %dma_start3A_192] : memref<2x10112x128xf32, #tpu.memory_space<hbm>> -> memref<1x128x128xf32, #tpu.memory_space<hbm>>
    %dma_start3A_194 = tpu.memref_squeeze %dma_start3A_193 : memref<1x128x128xf32, #tpu.memory_space<hbm>> -> memref<128x128xf32, #tpu.memory_space<hbm>>
    %dma_start3A_195 = arith.constant 0 : i32
    %dma_start3A_196 = tpu.memref_slice %arg6[%add3A_191, %dma_start3A_195] : memref<10112x128xf32, #tpu.memory_space<vmem_shared>> -> memref<128x128xf32, #tpu.memory_space<vmem_shared>>
    tpu.enqueue_dma source(%dma_start3A_196 : memref<128x128xf32, #tpu.memory_space<vmem_shared>>) target(%dma_start3A_194 : memref<128x128xf32, #tpu.memory_space<hbm>>) target_semaphore(%arg16 : memref<!tpu.dma_semaphore, #tpu.memory_space<semaphore_mem>>)
    %mul3A_197 = arith.constant 632 : i32
    %mul3A_198 = arith.muli %arg1, %mul3A_197 : i32
    %add3A_199 = arith.constant 512 : i32
    %add3A_200 = arith.addi %mul3A_198, %add3A_199 : i32
    %dma_start3A_201 = arith.constant 0 : i32
    %dma_start3A_202 = tpu.memref_slice %arg5[%arg0, %add3A_200, %dma_start3A_201] : memref<2x10112x128xf32, #tpu.memory_space<hbm>> -> memref<1x120x128xf32, #tpu.memory_space<hbm>>
    %dma_start3A_203 = tpu.memref_squeeze %dma_start3A_202 : memref<1x120x128xf32, #tpu.memory_space<hbm>> -> memref<120x128xf32, #tpu.memory_space<hbm>>
    %dma_start3A_204 = arith.constant 0 : i32
    %dma_start3A_205 = tpu.memref_slice %arg6[%add3A_200, %dma_start3A_204] : memref<10112x128xf32, #tpu.memory_space<vmem_shared>> -> memref<120x128xf32, #tpu.memory_space<vmem_shared>>
    tpu.enqueue_dma source(%dma_start3A_205 : memref<120x128xf32, #tpu.memory_space<vmem_shared>>) target(%dma_start3A_203 : memref<120x128xf32, #tpu.memory_space<hbm>>) target_semaphore(%arg16 : memref<!tpu.dma_semaphore, #tpu.memory_space<semaphore_mem>>)
    %mul3A_206 = arith.constant 632 : i32
    %mul3A_207 = arith.muli %arg1, %mul3A_206 : i32
    %add3A_208 = arith.constant 0 : i32
    %add3A_209 = arith.addi %mul3A_207, %add3A_208 : i32
    %dma_wait3A_210 = arith.constant 0 : i32
    %dma_wait3A_211 = tpu.memref_slice %arg5[%arg0, %add3A_209, %dma_wait3A_210] : memref<2x10112x128xf32, #tpu.memory_space<hbm>> -> memref<1x128x128xf32, #tpu.memory_space<hbm>>
    %dma_wait3A_212 = tpu.memref_squeeze %dma_wait3A_211 : memref<1x128x128xf32, #tpu.memory_space<hbm>> -> memref<128x128xf32, #tpu.memory_space<hbm>>
    %dma_wait3A_213 = arith.constant 0 : i32
    %dma_wait3A_214 = tpu.memref_slice %arg6[%add3A_209, %dma_wait3A_213] : memref<10112x128xf32, #tpu.memory_space<vmem_shared>> -> memref<128x128xf32, #tpu.memory_space<vmem_shared>>
    tpu.wait_dma2 semaphore(%arg16 : memref<!tpu.dma_semaphore, #tpu.memory_space<semaphore_mem>>) src(%dma_wait3A_214 : memref<128x128xf32, #tpu.memory_space<vmem_shared>>) dst(%dma_wait3A_212 : memref<128x128xf32, #tpu.memory_space<hbm>>)
    %mul3A_215 = arith.constant 632 : i32
    %mul3A_216 = arith.muli %arg1, %mul3A_215 : i32
    %add3A_217 = arith.constant 128 : i32
    %add3A_218 = arith.addi %mul3A_216, %add3A_217 : i32
    %dma_wait3A_219 = arith.constant 0 : i32
    %dma_wait3A_220 = tpu.memref_slice %arg5[%arg0, %add3A_218, %dma_wait3A_219] : memref<2x10112x128xf32, #tpu.memory_space<hbm>> -> memref<1x128x128xf32, #tpu.memory_space<hbm>>
    %dma_wait3A_221 = tpu.memref_squeeze %dma_wait3A_220 : memref<1x128x128xf32, #tpu.memory_space<hbm>> -> memref<128x128xf32, #tpu.memory_space<hbm>>
    %dma_wait3A_222 = arith.constant 0 : i32
    %dma_wait3A_223 = tpu.memref_slice %arg6[%add3A_218, %dma_wait3A_222] : memref<10112x128xf32, #tpu.memory_space<vmem_shared>> -> memref<128x128xf32, #tpu.memory_space<vmem_shared>>
    tpu.wait_dma2 semaphore(%arg16 : memref<!tpu.dma_semaphore, #tpu.memory_space<semaphore_mem>>) src(%dma_wait3A_223 : memref<128x128xf32, #tpu.memory_space<vmem_shared>>) dst(%dma_wait3A_221 : memref<128x128xf32, #tpu.memory_space<hbm>>)
    %mul3A_224 = arith.constant 632 : i32
    %mul3A_225 = arith.muli %arg1, %mul3A_224 : i32
    %add3A_226 = arith.constant 256 : i32
    %add3A_227 = arith.addi %mul3A_225, %add3A_226 : i32
    %dma_wait3A_228 = arith.constant 0 : i32
    %dma_wait3A_229 = tpu.memref_slice %arg5[%arg0, %add3A_227, %dma_wait3A_228] : memref<2x10112x128xf32, #tpu.memory_space<hbm>> -> memref<1x128x128xf32, #tpu.memory_space<hbm>>
    %dma_wait3A_230 = tpu.memref_squeeze %dma_wait3A_229 : memref<1x128x128xf32, #tpu.memory_space<hbm>> -> memref<128x128xf32, #tpu.memory_space<hbm>>
    %dma_wait3A_231 = arith.constant 0 : i32
    %dma_wait3A_232 = tpu.memref_slice %arg6[%add3A_227, %dma_wait3A_231] : memref<10112x128xf32, #tpu.memory_space<vmem_shared>> -> memref<128x128xf32, #tpu.memory_space<vmem_shared>>
    tpu.wait_dma2 semaphore(%arg16 : memref<!tpu.dma_semaphore, #tpu.memory_space<semaphore_mem>>) src(%dma_wait3A_232 : memref<128x128xf32, #tpu.memory_space<vmem_shared>>) dst(%dma_wait3A_230 : memref<128x128xf32, #tpu.memory_space<hbm>>)
    %mul3A_233 = arith.constant 632 : i32
    %mul3A_234 = arith.muli %arg1, %mul3A_233 : i32
    %add3A_235 = arith.constant 384 : i32
    %add3A_236 = arith.addi %mul3A_234, %add3A_235 : i32
    %dma_wait3A_237 = arith.constant 0 : i32
    %dma_wait3A_238 = tpu.memref_slice %arg5[%arg0, %add3A_236, %dma_wait3A_237] : memref<2x10112x128xf32, #tpu.memory_space<hbm>> -> memref<1x128x128xf32, #tpu.memory_space<hbm>>
    %dma_wait3A_239 = tpu.memref_squeeze %dma_wait3A_238 : memref<1x128x128xf32, #tpu.memory_space<hbm>> -> memref<128x128xf32, #tpu.memory_space<hbm>>
    %dma_wait3A_240 = arith.constant 0 : i32
    %dma_wait3A_241 = tpu.memref_slice %arg6[%add3A_236, %dma_wait3A_240] : memref<10112x128xf32, #tpu.memory_space<vmem_shared>> -> memref<128x128xf32, #tpu.memory_space<vmem_shared>>
    tpu.wait_dma2 semaphore(%arg16 : memref<!tpu.dma_semaphore, #tpu.memory_space<semaphore_mem>>) src(%dma_wait3A_241 : memref<128x128xf32, #tpu.memory_space<vmem_shared>>) dst(%dma_wait3A_239 : memref<128x128xf32, #tpu.memory_space<hbm>>)
    %mul3A_242 = arith.constant 632 : i32
    %mul3A_243 = arith.muli %arg1, %mul3A_242 : i32
    %add3A_244 = arith.constant 512 : i32
    %add3A_245 = arith.addi %mul3A_243, %add3A_244 : i32
    %dma_wait3A_246 = arith.constant 0 : i32
    %dma_wait3A_247 = tpu.memref_slice %arg5[%arg0, %add3A_245, %dma_wait3A_246] : memref<2x10112x128xf32, #tpu.memory_space<hbm>> -> memref<1x120x128xf32, #tpu.memory_space<hbm>>
    %dma_wait3A_248 = tpu.memref_squeeze %dma_wait3A_247 : memref<1x120x128xf32, #tpu.memory_space<hbm>> -> memref<120x128xf32, #tpu.memory_space<hbm>>
    %dma_wait3A_249 = arith.constant 0 : i32
    %dma_wait3A_250 = tpu.memref_slice %arg6[%add3A_245, %dma_wait3A_249] : memref<10112x128xf32, #tpu.memory_space<vmem_shared>> -> memref<120x128xf32, #tpu.memory_space<vmem_shared>>
    tpu.wait_dma2 semaphore(%arg16 : memref<!tpu.dma_semaphore, #tpu.memory_space<semaphore_mem>>) src(%dma_wait3A_250 : memref<120x128xf32, #tpu.memory_space<vmem_shared>>) dst(%dma_wait3A_248 : memref<120x128xf32, #tpu.memory_space<hbm>>)
    return
  }
}

module attributes {stable_mosaic.version = 14 : i64} {
  func.func @body(%arg0: i32, %arg1: memref<2x2000x128xf32, #tpu.memory_space<vmem>>, %arg2: memref<2000x128xf32, #tpu.memory_space<vmem>>, %arg3: memref<128x128xf32, #tpu.memory_space<vmem>>, %arg4: memref<128x128xf32, #tpu.memory_space<vmem>>, %arg5: memref<1x128xf32, #tpu.memory_space<vmem>>, %arg6: memref<2000x128xf32, #tpu.memory_space<vmem>>) attributes {dimension_semantics = [#tpu.dimension_semantics<arbitrary>], iteration_bounds = array<i64: 5>, scalar_prefetch = 0 : i64, scratch_operands = 0 : i64, tpu.core_type = #tpu.core_type<tc>, window_params = [{transform_indices = @transform_0, window_bounds = array<i64: 2, 2000, 128>}, {transform_indices = @transform_1, window_bounds = array<i64: 2000, 128>}, {pipeline_mode = #tpu.pipeline_mode<synchronous>, transform_indices = @transform_2, window_bounds = array<i64: 128, 128>}, {pipeline_mode = #tpu.pipeline_mode<synchronous>, transform_indices = @transform_3, window_bounds = array<i64: 128, 128>}, {pipeline_mode = #tpu.pipeline_mode<synchronous>, transform_indices = @transform_4, window_bounds = array<i64: 1, 128>}, {transform_indices = @transform_5, window_bounds = array<i64: 2000, 128>}]} {
    %get3A = arith.constant 0 : index
    %get3A_0 = arith.constant 0 : index
    %get3A_1 = arith.constant 0 : index
    %get3A_2 = vector.load %arg1[%get3A, %get3A_0, %get3A_1] : memref<2x2000x128xf32, #tpu.memory_space<vmem>>, vector<1x2000x128xf32>
    %get3A_3 = vector.shape_cast %get3A_2 : vector<1x2000x128xf32> to vector<2000x128xf32>
    %get3A_4 = arith.constant 1 : index
    %get3A_5 = arith.constant 0 : index
    %get3A_6 = arith.constant 0 : index
    %get3A_7 = vector.load %arg1[%get3A_4, %get3A_5, %get3A_6] : memref<2x2000x128xf32, #tpu.memory_space<vmem>>, vector<1x2000x128xf32>
    %get3A_8 = vector.shape_cast %get3A_7 : vector<1x2000x128xf32> to vector<2000x128xf32>
    %add3A = arith.addf %get3A_3, %get3A_8 : vector<2000x128xf32>
    %get3A_9 = arith.constant 0 : index
    %get3A_10 = arith.constant 0 : index
    %get3A_11 = vector.load %arg3[%get3A_9, %get3A_10] : memref<128x128xf32, #tpu.memory_space<vmem>>, vector<128x128xf32>
    %dot_general3A = arith.constant dense<0.000000e+00> : vector<2000x128xf32>
    %dot_general3A_12 = tpu.matmul %add3A, %get3A_11, %dot_general3A {dimension_numbers = #tpu.dot_dimension_numbers<[1], [0], [0], [1], [0, 0, 1, 1], [], []>, transpose_lhs_hint = false} : vector<2000x128xf32>, vector<128x128xf32>, vector<2000x128xf32> -> vector<2000x128xf32>
    %get3A_13 = arith.constant 0 : index
    %get3A_14 = arith.constant 0 : index
    %get3A_15 = vector.load %arg2[%get3A_13, %get3A_14] : memref<2000x128xf32, #tpu.memory_space<vmem>>, vector<2000x128xf32>
    %get3A_16 = arith.constant 0 : index
    %get3A_17 = arith.constant 0 : index
    %get3A_18 = vector.load %arg4[%get3A_16, %get3A_17] : memref<128x128xf32, #tpu.memory_space<vmem>>, vector<128x128xf32>
    %dot_general3A_19 = arith.constant dense<0.000000e+00> : vector<2000x128xf32>
    %dot_general3A_20 = tpu.matmul %get3A_15, %get3A_18, %dot_general3A_19 {dimension_numbers = #tpu.dot_dimension_numbers<[1], [0], [0], [1], [0, 0, 1, 1], [], []>, transpose_lhs_hint = false} : vector<2000x128xf32>, vector<128x128xf32>, vector<2000x128xf32> -> vector<2000x128xf32>
    %add3A_21 = arith.addf %dot_general3A_12, %dot_general3A_20 : vector<2000x128xf32>
    %get3A_22 = arith.constant 0 : index
    %get3A_23 = arith.constant 0 : index
    %get3A_24 = vector.load %arg5[%get3A_22, %get3A_23] : memref<1x128xf32, #tpu.memory_space<vmem>>, vector<1x128xf32>
    %add3A_25 = vector.broadcast %get3A_24 : vector<1x128xf32> to vector<2000x128xf32>
    %add3A_26 = arith.addf %add3A_21, %add3A_25 : vector<2000x128xf32>
    %gt3A = arith.constant 0.000000e+00 : f32
    %gt3A_27 = vector.broadcast %gt3A : f32 to vector<2000x128xf32>
    %gt3A_28 = arith.cmpf ogt, %add3A_26, %gt3A_27 : vector<2000x128xf32>
    %min3A = arith.constant 0.000000e+00 : f32
    %min3A_29 = vector.broadcast %min3A : f32 to vector<2000x128xf32>
    %min3A_30 = arith.minimumf %add3A_26, %min3A_29 : vector<2000x128xf32>
    %exp3A = math.exp %min3A_30 : vector<2000x128xf32>
    %sub3A = arith.constant 1.000000e+00 : f32
    %sub3A_31 = vector.broadcast %sub3A : f32 to vector<2000x128xf32>
    %sub3A_32 = arith.subf %exp3A, %sub3A_31 : vector<2000x128xf32>
    %select_n3A = arith.select %gt3A_28, %add3A_26, %sub3A_32 : vector<2000x128xi1>, vector<2000x128xf32>
    %swap3A = arith.constant 0 : index
    %swap3A_33 = arith.constant 0 : index
    %swap3A_34 = vector.load %arg6[%swap3A, %swap3A_33] : memref<2000x128xf32, #tpu.memory_space<vmem>>, vector<2000x128xf32>
    tpu.vector_store %arg6[%swap3A, %swap3A_33], %select_n3A {strides = array<i32>} : memref<2000x128xf32, #tpu.memory_space<vmem>>, vector<2000x128xf32>,
    return
  }
  func.func @transform_0(%arg0: i32) -> (i32, i32, i32) {
    %c0_i32 = arith.constant 0 : i32
    %c0_i32_0 = arith.constant 0 : i32
    %c0_i32_1 = arith.constant 0 : i32
    return %c0_i32, %arg0, %c0_i32_0 : i32, i32, i32
  }
  func.func @transform_1(%arg0: i32) -> (i32, i32) {
    %c0_i32 = arith.constant 0 : i32
    %c0_i32_0 = arith.constant 0 : i32
    return %arg0, %c0_i32 : i32, i32
  }
  func.func @transform_2(%arg0: i32) -> (i32, i32) {
    %c0_i32 = arith.constant 0 : i32
    %c0_i32_0 = arith.constant 0 : i32
    %c0_i32_1 = arith.constant 0 : i32
    return %c0_i32, %c0_i32_0 : i32, i32
  }
  func.func @transform_3(%arg0: i32) -> (i32, i32) {
    %c0_i32 = arith.constant 0 : i32
    %c0_i32_0 = arith.constant 0 : i32
    %c0_i32_1 = arith.constant 0 : i32
    return %c0_i32, %c0_i32_0 : i32, i32
  }
  func.func @transform_4(%arg0: i32) -> (i32, i32) {
    %c0_i32 = arith.constant 0 : i32
    %c0_i32_0 = arith.constant 0 : i32
    %c0_i32_1 = arith.constant 0 : i32
    return %c0_i32, %c0_i32_0 : i32, i32
  }
  func.func @transform_5(%arg0: i32) -> (i32, i32) {
    %c0_i32 = arith.constant 0 : i32
    %c0_i32_0 = arith.constant 0 : i32
    return %arg0, %c0_i32 : i32, i32
  }
}

module attributes {stable_mosaic.version = 14 : i64} {
  func.func @body(%arg0: i32, %arg1: memref<2x2000x128xf32, #tpu.memory_space<vmem>>, %arg2: memref<2000x128xf32, #tpu.memory_space<vmem>>, %arg3: memref<128x121xf32, #tpu.memory_space<vmem>>, %arg4: memref<128x121xf32, #tpu.memory_space<vmem>>, %arg5: memref<1x121xf32, #tpu.memory_space<vmem>>, %arg6: memref<2000x121xf32, #tpu.memory_space<vmem>>) attributes {dimension_semantics = [#tpu.dimension_semantics<arbitrary>], iteration_bounds = array<i64: 5>, scalar_prefetch = 0 : i64, scratch_operands = 0 : i64, tpu.core_type = #tpu.core_type<tc>, window_params = [{transform_indices = @transform_0, window_bounds = array<i64: 2, 2000, 128>}, {transform_indices = @transform_1, window_bounds = array<i64: 2000, 128>}, {pipeline_mode = #tpu.pipeline_mode<synchronous>, transform_indices = @transform_2, window_bounds = array<i64: 128, 121>}, {pipeline_mode = #tpu.pipeline_mode<synchronous>, transform_indices = @transform_3, window_bounds = array<i64: 128, 121>}, {pipeline_mode = #tpu.pipeline_mode<synchronous>, transform_indices = @transform_4, window_bounds = array<i64: 1, 121>}, {transform_indices = @transform_5, window_bounds = array<i64: 2000, 121>}]} {
    %get3A = arith.constant 0 : index
    %get3A_0 = arith.constant 0 : index
    %get3A_1 = arith.constant 0 : index
    %get3A_2 = vector.load %arg1[%get3A, %get3A_0, %get3A_1] : memref<2x2000x128xf32, #tpu.memory_space<vmem>>, vector<1x2000x128xf32>
    %get3A_3 = vector.shape_cast %get3A_2 : vector<1x2000x128xf32> to vector<2000x128xf32>
    %get3A_4 = arith.constant 1 : index
    %get3A_5 = arith.constant 0 : index
    %get3A_6 = arith.constant 0 : index
    %get3A_7 = vector.load %arg1[%get3A_4, %get3A_5, %get3A_6] : memref<2x2000x128xf32, #tpu.memory_space<vmem>>, vector<1x2000x128xf32>
    %get3A_8 = vector.shape_cast %get3A_7 : vector<1x2000x128xf32> to vector<2000x128xf32>
    %add3A = arith.addf %get3A_3, %get3A_8 : vector<2000x128xf32>
    %get3A_9 = arith.constant 0 : index
    %get3A_10 = arith.constant 0 : index
    %get3A_11 = vector.load %arg3[%get3A_9, %get3A_10] : memref<128x121xf32, #tpu.memory_space<vmem>>, vector<128x121xf32>
    %dot_general3A = arith.constant dense<0.000000e+00> : vector<2000x121xf32>
    %dot_general3A_12 = tpu.matmul %add3A, %get3A_11, %dot_general3A {dimension_numbers = #tpu.dot_dimension_numbers<[1], [0], [0], [1], [0, 0, 1, 1], [], []>, transpose_lhs_hint = false} : vector<2000x128xf32>, vector<128x121xf32>, vector<2000x121xf32> -> vector<2000x121xf32>
    %get3A_13 = arith.constant 0 : index
    %get3A_14 = arith.constant 0 : index
    %get3A_15 = vector.load %arg2[%get3A_13, %get3A_14] : memref<2000x128xf32, #tpu.memory_space<vmem>>, vector<2000x128xf32>
    %get3A_16 = arith.constant 0 : index
    %get3A_17 = arith.constant 0 : index
    %get3A_18 = vector.load %arg4[%get3A_16, %get3A_17] : memref<128x121xf32, #tpu.memory_space<vmem>>, vector<128x121xf32>
    %dot_general3A_19 = arith.constant dense<0.000000e+00> : vector<2000x121xf32>
    %dot_general3A_20 = tpu.matmul %get3A_15, %get3A_18, %dot_general3A_19 {dimension_numbers = #tpu.dot_dimension_numbers<[1], [0], [0], [1], [0, 0, 1, 1], [], []>, transpose_lhs_hint = false} : vector<2000x128xf32>, vector<128x121xf32>, vector<2000x121xf32> -> vector<2000x121xf32>
    %add3A_21 = arith.addf %dot_general3A_12, %dot_general3A_20 : vector<2000x121xf32>
    %get3A_22 = arith.constant 0 : index
    %get3A_23 = arith.constant 0 : index
    %get3A_24 = vector.load %arg5[%get3A_22, %get3A_23] : memref<1x121xf32, #tpu.memory_space<vmem>>, vector<1x121xf32>
    %add3A_25 = vector.broadcast %get3A_24 : vector<1x121xf32> to vector<2000x121xf32>
    %add3A_26 = arith.addf %add3A_21, %add3A_25 : vector<2000x121xf32>
    %swap3A = arith.constant 0 : index
    %swap3A_27 = arith.constant 0 : index
    %swap3A_28 = vector.load %arg6[%swap3A, %swap3A_27] : memref<2000x121xf32, #tpu.memory_space<vmem>>, vector<2000x121xf32>
    tpu.vector_store %arg6[%swap3A, %swap3A_27], %add3A_26 {strides = array<i32>} : memref<2000x121xf32, #tpu.memory_space<vmem>>, vector<2000x121xf32>,
    return
  }
  func.func @transform_0(%arg0: i32) -> (i32, i32, i32) {
    %c0_i32 = arith.constant 0 : i32
    %c0_i32_0 = arith.constant 0 : i32
    %c0_i32_1 = arith.constant 0 : i32
    return %c0_i32, %arg0, %c0_i32_0 : i32, i32, i32
  }
  func.func @transform_1(%arg0: i32) -> (i32, i32) {
    %c0_i32 = arith.constant 0 : i32
    %c0_i32_0 = arith.constant 0 : i32
    return %arg0, %c0_i32 : i32, i32
  }
  func.func @transform_2(%arg0: i32) -> (i32, i32) {
    %c0_i32 = arith.constant 0 : i32
    %c0_i32_0 = arith.constant 0 : i32
    %c0_i32_1 = arith.constant 0 : i32
    return %c0_i32, %c0_i32_0 : i32, i32
  }
  func.func @transform_3(%arg0: i32) -> (i32, i32) {
    %c0_i32 = arith.constant 0 : i32
    %c0_i32_0 = arith.constant 0 : i32
    %c0_i32_1 = arith.constant 0 : i32
    return %c0_i32, %c0_i32_0 : i32, i32
  }
  func.func @transform_4(%arg0: i32) -> (i32, i32) {
    %c0_i32 = arith.constant 0 : i32
    %c0_i32_0 = arith.constant 0 : i32
    %c0_i32_1 = arith.constant 0 : i32
    return %c0_i32, %c0_i32_0 : i32, i32
  }
  func.func @transform_5(%arg0: i32) -> (i32, i32) {
    %c0_i32 = arith.constant 0 : i32
    %c0_i32_0 = arith.constant 0 : i32
    return %arg0, %c0_i32 : i32, i32
  }
}

</mosaic_0001>

<sc_bundles>
// kernel: kernel.11.cloned.1.call-start
scs
__scs_entry_jumppad:
0x0: {  	(pc) =	sbr.rel $0x88, $3  }
0x1: {  	(tag) =	ssettag $0x0;
	lr =	simm.s32 $0x1  }
0x2: {  	[smem:$0x3F93] =	sst lr;
	_ =	strace $0xD0000000  }
0x3: {  	_ = 	snop  }
0x4: {  	_ = 	snop  }
0x5: {  	_ = 	snop  }
0x6: {  	_ = 	snop  }
0x7: {  	_ = 	snop  }
__scs_overlays_trampoline_lowered:
0x8: {  	[smem:$0x3FA2] =	sst s0  }
0x9: {  	[smem:$0x3FA3] =	sst s1  }
0xa: {  	[smem:$0x3FA4] =	sst s2  }
0xb: {  	[smem:$0x3FA5] =	sst s3  }
0xc: {  	[smem:$0x3FA6] =	sst s4  }
0xd: {  	[smem:$0x3FA7] =	sst s5  }
0xe: {  	[smem:$0x3FA8] =	sst s6  }
0xf: {  	[smem:$0x3FA9] =	sst s7  }
0x10: {  	[smem:$0x3FAA] =	sst s8  }
0x11: {  	[smem:$0x3FAB] =	sst s9;
	s0 =	simm.s32 @!p0 $0x0  }
0x12: {  	s1 =	sld [smem:$0x3F91];
	s0 =	simm.s32 @p0 $0x1  }
0x13: {  	[smem:$0x3FAC] =	sst s0;
	s0 =	simm.s32 @!p1 $0x0  }
0x14: {  	s2 =	sld [smem:$0x3F90];
	s0 =	simm.s32 @p1 $0x1  }
0x15: {  	[smem:$0x3FAD] =	sst s0;
	s0 =	simm.s32 @!p2 $0x0  }
0x16: {  	s3 =	sld [smem:$0x3FDB];
	s0 =	simm.s32 @p2 $0x1  }
0x17: {  	s4 =	simm.s32 $0x1BF5;
	[smem:$0x3FAF] =	sst s0  }
0x18: {  	s0 =	sld [smem:$0x3F92];
	_ =	swait.ge [sflag:s4], $0x0  }
0x19: {  	s7 =	sld [smem:$0x3F93]  }
0x1a: {  	s8 =	sadd.s32 $0xFFFFE003, lr  }
0x1b: {  	s9 =	sadd.s32 $0xFFFFFEF7, lr;
	s5 =	simm.s32 $0xFFFFFFFF;
	p2 =	slt.u32 s8, $0xFFFFF086  }
0x1c: {  	p1 =	slt.u32 s9, $0xF7A;
	s5 =	simm.s32 @!p2 $0x0  }
0x1d: {  	s5 =	simm.s32 @p1 $0x1;
	p0 =	seq.s32 s7, s2  }
0x1e: {  	s7 =	smul.u32 @!p0 $0xF7A, s2;
	p2 =	seq.s32 @!p0 s5, $0x0  }
0x1f: {  	s9 =	smul.u32 $0xF7A, s1;
	s8 =	simm.s32 @!p0 $0x1BF5;
	p2 =	por !p2, p0  }
0x20: {  	[sflag:s8] =	ssyncset.s32 @!p0 $0xFFFFF086;
	s6 =	sadd.s32 @!p0 s3, s7;
	s7 =	simm.s32 @!p0 $0x108  }
0x21: {  	s3 =	sadd.s32 s3, s9;
	s6 =	sadd.s32 @!p0 $0x88, s6;
	s7 =	simm.s32 @p2 $0x1082  }
0x22: {  	[simem:s7], [sflag:s8] =	dma.local @!p0 [hbm:s6], $0xF7A  }
0x23: {  	s9 =	sor.u32 $0xD0000000, s2;
	s6 =	simm.s32 $0x108;
	_ =	swait.ge @!p0 [sflag:s8], $0x0  }
0x24: {  	s3 =	sadd.s32 $0x88, s3;
	s6 =	simm.s32 @!p1 $0x1082;
	[sflag:s4] =	ssyncset.s32 $0xFFFFF086  }
0x25: {  	[simem:s6], [sflag:s4] =	dma.local [hbm:s3], $0xF7A  }
0x26: {  	[smem:$0x3F93] =	sst s1;
	(tag) =	ssettag s2;
	_ =	strace s9  }
0x27: {  	s1 =	sld [smem:$0x3FA3]  }
0x28: {  	s2 =	sld [smem:$0x3FA4]  }
0x29: {  	s4 =	sld [smem:$0x3FA6]  }
0x2a: {  	p0 =	seq.s32 s5, $0x0;
	s5 =	sld [smem:$0x3FA7]  }
0x2b: {  	s6 =	sld [smem:$0x3FA8]  }
0x2c: {  	s7 =	sld [smem:$0x3FA9]  }
0x2d: {  	s3 =	simm.s32 $0x108;
	s8 =	sld [smem:$0x3FAA]  }
0x2e: {  	s3 =	simm.s32 @!p0 $0x1082;
	s9 =	sld [smem:$0x3FAB]  }
0x2f: {  	lr =	sadd.s32 s0, s3;
	s0 =	sld [smem:$0x3FA2]  }
0x30: {  	s3 =	sld [smem:$0x3FA5]  }
0x31: {  	[smem:$0x3FAE] =	sst s10  }
0x32: {  	s10 =	sld [smem:$0x3FAC];
	_ =	sdelay $0x3  }
0x33: {  	p0 =	seq.s32 s10, $0x1;
	s10 =	sld [smem:$0x3FAE];
	_ =	sdelay $0x3  }
0x34: {  	[smem:$0x3FAE] =	sst s10  }
0x35: {  	s10 =	sld [smem:$0x3FAD];
	_ =	sdelay $0x3  }
0x36: {  	p1 =	seq.s32 s10, $0x1;
	s10 =	sld [smem:$0x3FAE];
	_ =	sdelay $0x3  }
0x37: {  	[smem:$0x3FAE] =	sst s10  }
0x38: {  	s10 =	sld [smem:$0x3FAF]  }
0x39: {  	_ = 	snop;
	(pc) =	sbr.ind lr, $3  }
0x3a: {  	_ = 	snop  }
0x3b: {  	_ = 	snop  }
0x3c: {  	p2 =	seq.s32 s10, $0x1;
	s10 =	sld [smem:$0x3FAE]  }
0x3d: {  	_ =	shalt  }
0x3e: {  	_ =	shalt  }
0x3f: {  	_ =	shalt  }
0x40: {  	_ =	shalt  }
0x41: {  	_ =	shalt  }
0x42: {  	_ =	shalt  }
0x43: {  	_ =	shalt  }
0x44: {  	_ =	shalt  }
0x45: {  	_ =	shalt  }
0x46: {  	_ =	shalt  }
0x47: {  	_ =	shalt  }
0x48: {  	_ =	shalt  }
0x49: {  	_ =	shalt  }
0x4a: {  	_ =	shalt  }
0x4b: {  	_ =	shalt  }
0x4c: {  	_ =	shalt  }
0x4d: {  	_ =	shalt  }
0x4e: {  	_ =	shalt  }
0x4f: {  	_ =	shalt  }
0x50: {  	_ =	shalt  }
0x51: {  	_ =	shalt  }
0x52: {  	_ =	shalt  }
0x53: {  	_ =	shalt  }
0x54: {  	_ =	shalt  }
0x55: {  	_ =	shalt  }
0x56: {  	_ =	shalt  }
0x57: {  	_ =	shalt  }
0x58: {  	_ =	shalt  }
0x59: {  	_ =	shalt  }
0x5a: {  	_ =	shalt  }
0x5b: {  	_ =	shalt  }
0x5c: {  	_ =	shalt  }
0x5d: {  	_ =	shalt  }
0x5e: {  	_ =	shalt  }
0x5f: {  	_ =	shalt  }
0x60: {  	_ =	shalt  }
0x61: {  	_ =	shalt  }
0x62: {  	_ =	shalt  }
0x63: {  	_ =	shalt  }
0x64: {  	_ =	shalt  }
0x65: {  	_ =	shalt  }
0x66: {  	_ =	shalt  }
0x67: {  	_ =	shalt  }
0x68: {  	_ =	shalt  }
0x69: {  	_ =	shalt  }
0x6a: {  	_ =	shalt  }
0x6b: {  	_ =	shalt  }
0x6c: {  	_ =	shalt  }
0x6d: {  	_ =	shalt  }
0x6e: {  	_ =	shalt  }
0x6f: {  	_ =	shalt  }
0x70: {  	_ =	shalt  }
0x71: {  	_ =	shalt  }
0x72: {  	_ =	shalt  }
0x73: {  	_ =	shalt  }
0x74: {  	_ =	shalt  }
0x75: {  	_ =	shalt  }
0x76: {  	_ =	shalt  }
0x77: {  	_ =	shalt  }
0x78: {  	_ =	shalt  }
0x79: {  	_ =	shalt  }
0x7a: {  	_ =	shalt  }
0x7b: {  	_ =	shalt  }
0x7c: {  	_ =	shalt  }
0x7d: {  	_ =	shalt  }
0x7e: {  	_ =	shalt  }
0x7f: {  	_ =	shalt  }
0x80: {  	_ =	shalt  }
0x81: {  	_ =	shalt  }
0x82: {  	_ =	shalt  }
0x83: {  	_ =	shalt  }
0x84: {  	_ =	shalt  }
0x85: {  	_ =	shalt  }
0x86: {  	_ =	shalt  }
0x87: {  	_ =	shalt  }
.Lfunc_end0:
.L_simem_size_0:
called_computation.1_lowered:
.L_overlay_start_0:
0x88: {  	s2 =	sld [smem:$0x3FD9]  }
0x89: {  	s3 =	sld [smem:$0x3FFE];
	_ =	sdelay $0x1  }
0x8a: {  	s1 =	srdreg.scid  }
0x8b: {  	s0 =	sand.u32 $0x1, s1  }
0x8c: {  	s17 =	sshll.u32 s0, $0xA;
	s2 =	sadd.s32 s3, s2  }
0x8d: {  	s2 =	sadd.s32 s2, s17  }
0x8e: {  	[smem:$0x3FBA] =	sst s2  }
0x8f: {  	_ = 	snop  }
0x90: {  	s2 =	sld [smem:$0x3FC8]  }
0x91: {  	s18 =	sld [smem:$0x3FD0];
	(tm) =	ssettm $0x1  }
0x92: {  	s4 =	sld [smem:$0x3FFB];
	_ =	sdelay $0x3  }
0x93: {  	_ =	strace s4  }
0x94: {  	s4 =	sld [smem:$0x3FFC];
	_ =	sdelay $0x3  }
0x95: {  	_ =	strace s4  }
0x96: {  	s4 =	sld [smem:$0x3FFD];
	_ =	sdelay $0x3  }
0x97: {  	_ =	strace s4  }
0x98: {  	_ =	strace $0x8FFFFFFF  }
0x99: {  	s19 =	sld [smem:$0x3FDB];
	_ =	sdelay $0x1  }
0x9a: {  	s5 =	simm.s32 $_scs_section_size  }
0x9b: {  	s6 =	simm.s32 $_size__tile_overlayer_lowered;
	s7 =	simm.s32 $_tile_overlayer_lowered  }
0x9c: {  	s22 =	simm.s32 $0x1BFF;
	s21 =	sshll.u32 s7, $0x1;
	s4 =	sadd.s32 s5, s19  }
0x9d: {  	s8 =	simm.s32 $0x0;
	s20 =	sshll.u32 s6, $0x1;
	s6 =	sadd.s32 s21, s4  }
0x9e: {  	[timem:s8], [sflag:s22] =	dma.local [hbm:s6], s20  }
0x9f: {  	_ =	swait.ge [sflag:s22], s20  }
0xa0: {  	s5 =	ssub.s32 $0x0, s20;
	[sflag:s22] =	ssyncset.done $0x0  }
0xa1: {  	[sflag:s22] =	ssyncadd.s32 s5;
	_ =	sdelay $0x1  }
0xa2: {  	s23 =	simm.s32 $0x1B8B  }
0xa3: {  	_ =	swait.ge [sflag:s23], $0x1  }
0xa4: {  	[sflag:s23] =	ssyncset.done $0x0  }
0xa5: {  	s25 =	simm.s32 $0x1B8E;
	s24 =	sld [smem:$0x3FFE];
	[sflag:s23] =	ssyncadd.s32 $0xFFFFFFFF  }
0xa6: {  	s26 =	simm.s32 $execute0_lowered;
	[smem:$0x3FD2] =	sst s25  }
0xa7: {  	s6 =	sshll.u32 s26, $0x1;
	_ =	strace $0x80000049;
	[dreg:$0x1] =	wrdreg $0xFFFFFFFF  }
0xa8: {  	s28 =	simm.s32 $_size_execute0_lowered;
	s4 =	sadd.s32 s4, s6;
	[dreg:$0x0] =	wrdreg $0x0  }
0xa9: {  	s6 =	sshll.u32 s28, $0x1;
	[dreg:$0x2] =	wrdreg s4  }
0xaa: {  	[dreg:$0x3] =	wrdreg s6  }
0xab: {  	[dreg:$0x4] =	wrdreg $0xC0  }
0xac: {  	_ =	task [dreg:s8], $0x5FFFF  }
0xad: {  	[dreg:$0x1] =	wrdreg $0xFFFFFFFF  }
0xae: {  	[dreg:$0x0] =	wrdreg $0x60  }
0xaf: {  	[dreg:$0x2] =	wrdreg s18  }
0xb0: {  	[dreg:$0x3] =	wrdreg s2  }
0xb1: {  	[dreg:$0x4] =	wrdreg s24  }
0xb2: {  	[dreg:$0x5] =	wrdreg $0x0  }
0xb3: {  	[dreg:$0x6] =	wrdreg $0x9  }
0xb4: {  	_ =	task.clear_ibuf [dreg:s8], $0x7FFFF;
	_ =	strace $0x90000049  }
0xb5: {  	s29 =	simm.s32 $0x9;
	_ =	strace $0x8000004B  }
0xb6: {  	_ =	swait.ge [sflag:s29], $0x1  }
0xb7: {  	[sflag:s29] =	ssyncadd.s32 $0xFFFFFFFF  }
0xb8: {  	_ =	strace $0x9000004B  }
0xb9: {  	_ =	sfence  }
0xba: {  	s30 =	sld [smem:$0x0];
	_ =	sdelay $0x2  }
0xbb: {  	s31 =	sshll.u32 s1, $0xD;
	s1 =	sshrl.u32 s1, $0x2  }
0xbc: {  	s3 =	sand.u32 $0x4000, s31;
	s1 =	sadd.s32 s1, s30  }
0xbd: {  	s0 =	sor.u32 s3, s0;
	s1 =	sshll.u32 s1, $0x11  }
0xbe: {  	s0 =	sor.u32 s1, s0  }
0xbf: {  	s0 =	sadd.s32 $0x8F2B, s0  }
0xc0: {  	[sflag:s0] =	ssyncadd.remote.s32 $0x1  }
0xc1: {  	_ =	sfence.sel $0xFFFF  }
0xc2: {  	[dreg:$0x0] =	wrdreg $0xFFFFFFFF;
	(pc) =	sbr.abs _section_cstart, $3  }
0xc3: {  	[dreg:$0x1] =	wrdreg $0xFFFFFFFF  }
0xc4: {  	_ =	task.clear_ibuf [dreg:s8], $0x2FFFF;
	_ =	strace $0x9FFFFFFF  }
0xc5: {  	(tm) =	ssettm $0x7FFFFFFF  }
tec
execute0_lowered:
.L_overlay_start_1:
0x0: {  	(tag) =	ssettag $0x1  }
0x1: {  	s1 =	rddreg [dreg:$0x0]  }
0x2: {  	s2 =	rddreg [dreg:$0x1]  }
0x3: {  	s0 =	rddreg [dreg:$0x2]  }
0x4: {  	s3 =	rddreg [dreg:$0x3];
	s4 =	simm.s32 $0x0  }
0x5: {  	s5 =	srdreg.scid;
	s16 =	stileid.u32;
	s28 =	simm.s32 $0x80  }
0x6: {  	s30 =	simm.s32 $0x1FD00;
	s29 =	simm.s32 $0x0;
	[smem:$0x7FF] =	sst s4  }
0x7: {  	s5 =	sand.u32 $0x1, s5;
	s6 =	sadd.s32 $0x3400, s0;
	s9 =	smul.u32 $0x4F000, s16  }
0x8: {  	s0 =	sadd.s32 $0x3C00, s0;
	p0 =	slt.u32 s16, $0x2;
	s10 =	smul.u32 $0x13C00, s16  }
0x9: {  	s11 =	sshll.u32 s16, $0x6;
	s19 =	sshll.u32 s16, $0x9;
	_ =	strace $0x8000004A  }
0xa: {  	s7 =	ssub.s32 $0x2, s5;
	s25 =	sshll.u32 s5, $0x5;
	s21 =	smul.u32 $0x13C000, s5  }
0xb: {  	s5 =	sshll.u32 s5, $0x8;
	s8 =	sshrl.u32 s7, $0x1;
	s9 =	sshrl.u32 s9, $0x2  }
0xc: {  	s12 =	sadd.s32 $0x4000, s10;
	s23 =	sadd.s32 $0x8000, s10;
	s15 =	sadd.s32 $0xC000, s10  }
0xd: {  	s20 =	sadd.s32 $0x10000, s10;
	s5 =	sor.u32 s5, s19;
	s8 =	ssub.s32 s7, s8  }
0xe: {  	s7 =	simm.s32 $0x4F;
	s9 =	sadd.s32 s9, s3;
	s13 =	sadd.s32 s12, s3  }
0xf: {  	s14 =	sadd.s32 s23, s3;
	s24 =	sadd.s32 s15, s3;
	[dreg:$0x9] =	wrdreg s9  }
0x10: {  	s26 =	sadd.s32 s20, s3;
	s10 =	sadd.s32 s10, s21;
	[dreg:$0xa] =	wrdreg s13  }
0x11: {  	s18 =	sadd.s32 s21, s20;
	s7 =	simm.s32 @!p0 $0x4E;
	[dreg:$0xb] =	wrdreg s14  }
0x12: {  	s9 =	sor.u32 $0x1C08, s11;
	[dreg:$0xc] =	wrdreg s24;
	s11 =	sor.u32 s25, s11  }
0x13: {  	[dreg:$0xd] =	wrdreg s26;
	s10 =	sshrl.u32 s10, $0x3;
	s13 =	sadd.s32 s21, s15  }
0x14: {  	s25 =	sor.u32 $0x8000, s5;
	s14 =	sadd.s32 s2, s11;
	s10 =	sadd.s32 s0, s10  }
0x15: {  	s11 =	simm.s32 $0x14400;
	s22 =	sadd.s32 $0xFFFFFFFC, s7;
	[dreg:$0x10] =	wrdreg s10  }
0x16: {  	s26 =	sshrl.u32 s25, $0x3;
	s17 =	sadd.s32 $0x400, s14;
	[dreg:$0x6] =	wrdreg s22  }
0x17: {  	s25 =	simm.s32 $0x1FC00;
	s11 =	simm.s32 @!p0 $0x13800;
	[dreg:$0xe] =	wrdreg s17  }
0x18: {  	s31 =	sadd.s32 $0x800, s14;
	s22 =	smax.u32 s8, $0x1;
	[dreg:$0x8] =	wrdreg s11  }
0x19: {  	[dreg:$0xf] =	wrdreg s31;
	s11 =	sadd.s32 s21, s12;
	s12 =	sadd.s32 s21, s23  }
0x1a: {  	s17 =	sshrl.u32 s13, $0x3;
	s21 =	sshrl.u32 s18, $0x3;
	s23 =	sor.u32 $0xA000, s5  }
0x1b: {  	s31 =	sadd.s32 s26, s2;
	s26 =	simm.s32 $0x1;
	s10 =	sshrl.u32 s11, $0x3  }
0x1c: {  	s11 =	sshrl.u32 s12, $0x3;
	s20 =	sadd.s32 s0, s17;
	s21 =	sadd.s32 s0, s21  }
0x1d: {  	s24 =	sshrl.u32 s23, $0x3;
	[dreg:$0x5] =	wrdreg s31;
	s10 =	sadd.s32 s0, s10  }
0x1e: {  	s23 =	simm.s32 $0x5;
	s15 =	sadd.s32 s0, s11;
	[dreg:$0x11] =	wrdreg s10  }
0x1f: {  	s12 =	sor.u32 $0x6000, s5;
	s0 =	sadd.s32 s24, s2;
	[dreg:$0x12] =	wrdreg s15  }
0x20: {  	s5 =	simm.s32 $0x8;
	s23 =	simm.s32 @!p0 $0x7;
	[dreg:$0x7] =	wrdreg s0  }
.LBB2_1:
0x21: {  	s0 =	rddreg [dreg:$0x9]  }
0x22: {  	s31 =	sshrl.u32 s0, $0x3  }
0x23: {  	[spmem:s31], [sflag:s9] =	dma.local [hbm:s6], $0x800  }
0x24: {  	s17 =	rddreg [dreg:$0xa]  }
0x25: {  	s0 =	sshrl.u32 s17, $0x3  }
0x26: {  	[spmem:s0], [sflag:s9] =	dma.local [hbm:s6], $0x800  }
0x27: {  	s8 =	rddreg [dreg:$0xb]  }
0x28: {  	s8 =	sshrl.u32 s8, $0x3  }
0x29: {  	[spmem:s8], [sflag:s9] =	dma.local [hbm:s6], $0x800  }
0x2a: {  	s10 =	rddreg [dreg:$0xc]  }
0x2b: {  	s10 =	sshrl.u32 s10, $0x3  }
0x2c: {  	[spmem:s10], [sflag:s9] =	dma.local [hbm:s6], $0x800  }
0x2d: {  	s11 =	rddreg [dreg:$0xd]  }
0x2e: {  	s11 =	sshrl.u32 s11, $0x3  }
0x2f: {  	[spmem:s11], [sflag:s9] =	dma.local [hbm:s6], $0x780  }
0x30: {  	[tilespmem:s25], [sflag:$0x1] =	stream.linear.gather [hbm4b:s14+s4], $0x100, $0x38;
	v63 =	vld [tilespmem:$0x0]  }
0x31: {  	_ =	swait.ge [sflag:s26], $0x100  }
0x32: {  	[sflag:s26] =	ssyncset.done $0x0  }
0x33: {  	s13 =	simm.s32 $0x13C00;
	[sflag:s26] =	ssyncadd.s32 $0xFFFFFF00  }
0x34: {  	[tilespmem:s13], [sflag:$0x2] =	stream.indirect.gather [hbm4b:s1+s28], $0x80, s25, s28, $0xb8;
	v63 =	vld [tilespmem:$0x0]  }
0x35: {  	s18 =	rddreg [dreg:$0xe]  }
0x36: {  	[tilespmem:s30], [sflag:$0x1] =	stream.linear.gather [hbm4b:s18+s4], $0x100, $0x38;
	v63 =	vld [tilespmem:$0x0]  }
0x37: {  	_ =	swait.ge [sflag:s26], $0x100  }
0x38: {  	[sflag:s26] =	ssyncset.done $0x0  }
0x39: {  	s19 =	simm.s32 $0x17C00;
	[sflag:s26] =	ssyncadd.s32 $0xFFFFFF00  }
0x3a: {  	[tilespmem:s19], [sflag:$0x3] =	stream.indirect.gather [hbm4b:s1+s28], $0x80, s30, s28, $0xb8;
	v63 =	vld [tilespmem:$0x0]  }
0x3b: {  	s15 =	simm.s32 $0x1FE00;
	s24 =	rddreg [dreg:$0xf]  }
0x3c: {  	[tilespmem:s15], [sflag:$0x1] =	stream.linear.gather [hbm4b:s24+s4], $0x100, $0x38;
	v63 =	vld [tilespmem:$0x0]  }
0x3d: {  	_ =	swait.ge [sflag:s5], $0x800  }
0x3e: {  	[sflag:s5] =	ssyncset.done $0x0  }
0x3f: {  	[sflag:s5] =	ssyncadd.s32 $0xFFFFF800  }
0x40: {  	_ =	swait.ge [sflag:s5], $0x800  }
0x41: {  	[sflag:s5] =	ssyncset.done $0x0  }
0x42: {  	[sflag:s5] =	ssyncadd.s32 $0xFFFFF800  }
0x43: {  	_ =	swait.ge [sflag:s5], $0x800  }
0x44: {  	[sflag:s5] =	ssyncset.done $0x0  }
0x45: {  	[sflag:s5] =	ssyncadd.s32 $0xFFFFF800  }
0x46: {  	_ =	swait.ge [sflag:s5], $0x800  }
0x47: {  	[sflag:s5] =	ssyncset.done $0x0  }
0x48: {  	[sflag:s5] =	ssyncadd.s32 $0xFFFFF800  }
0x49: {  	_ =	swait.ge [sflag:s5], $0x780  }
0x4a: {  	[sflag:s5] =	ssyncset.done $0x0  }
0x4b: {  	s13 =	simm.s32 $0x0;
	[sflag:s5] =	ssyncadd.s32 $0xFFFFF880  }
0x4c: {  	s24 =	smov.u32 s12;
	s15 =	simm.s32 $0x0;
	[bflag:$0x0] =	sbarrier.arrive $0xFFFF  }
.LBB2_2:
0x4d: {  	p0 =	sge.u32 s13, s7  }
0x4e: {  	s16 =	simm.s32 @!p0 $0x2  }
0x4f: {  	_ =	swait.ge @!p0 [sflag:s16], $0x4000  }
0x50: {  	s17 =	sand.u32 @!p0 $0xC00, s15;
	[sflag:s16] =	ssyncset.done @!p0 $0x0  }
0x51: {  	[sflag:s16] =	ssyncadd.s32 @!p0 $0xFFFFC000;
	s16 =	sshrl.u32 @!p0 s17, $0x2  }
0x52: {  	s18 =	simm.s32 @!p0 $0x13C00;
	s17 =	simm.s32 @!p0 $0x80;
	s16 =	sor.u32 @!p0 $0x1FC80, s16  }
0x53: {  	[spmem:s3] =	stream.indirect.scatter.add.f32 @!p0 [tilespmem:s18], [sflag:$0x5], $0x80, s16, s17, $0xb8;
	v63 =	vld [tilespmem:$0x0]  }
0x54: {  	s16 =	sadd.s32 @!p0 $0x2, s13  }
0x55: {  	p1 =	sge.u32 @!p0 s16, s7  }
0x56: {  	p1 =	por p1, p0  }
0x57: {  	s16 =	simm.s32 @!p1 $0x1  }
0x58: {  	p2 =	seq.s32 @!p0 s15, $0x0;
	_ =	swait.ge @!p1 [sflag:s16], $0x100  }
0x59: {  	p2 =	por p2, p0;
	[sflag:s16] =	ssyncset.done @!p1 $0x0  }
0x5a: {  	[sflag:s16] =	ssyncadd.s32 @!p1 $0xFFFFFF00;
	s16 =	simm.s32 @!p2 $0x7  }
0x5b: {  	s17 =	sadd.s32 @!p1 $0x800, s15;
	_ =	swait.ge @!p2 [sflag:s16], $0x4000  }
0x5c: {  	s17 =	sand.u32 @!p1 $0xC00, s17;
	[sflag:s16] =	ssyncset.done @!p2 $0x0  }
0x5d: {  	[sflag:s16] =	ssyncadd.s32 @!p2 $0xFFFFC000;
	s16 =	sshrl.u32 @!p1 s17, $0x2  }
0x5e: {  	s18 =	simm.s32 @!p1 $0x1BC00;
	s17 =	simm.s32 @!p1 $0x80;
	s16 =	sor.u32 @!p1 $0x1FC00, s16  }
0x5f: {  	[tilespmem:s18], [sflag:$0x4] =	stream.indirect.gather @!p1 [hbm4b:s1+s17], $0x80, s16, s17, $0xb8;
	v63 =	vld [tilespmem:$0x0]  }
0x60: {  	s16 =	sadd.s32 @!p0 $0x3, s13  }
0x61: {  	p1 =	sge.u32 @!p0 s16, s7  }
0x62: {  	p0 =	por p1, p0  }
0x63: {  	s16 =	sadd.s32 @!p0 $0xC00, s15  }
0x64: {  	s16 =	sand.u32 @!p0 $0xC00, s16  }
0x65: {  	s17 =	sshrl.u32 @!p0 s24, $0x3;
	s16 =	sshrl.u32 @!p0 s16, $0x2  }
0x66: {  	s18 =	simm.s32 @!p0 $0x0;
	s17 =	sadd.s32 @!p0 s2, s17;
	s16 =	sor.u32 @!p0 $0x1FC00, s16  }
0x67: {  	[tilespmem:s16], [sflag:$0x1] =	stream.linear.gather @!p0 [hbm4b:s17+s18], $0x100, $0x38;
	v63 =	vld [tilespmem:$0x0]  }
0x68: {  	s18 =	sadd.s32 $0x1, s13  }
0x69: {  	p0 =	sge.u32 s18, s7  }
0x6a: {  	s16 =	simm.s32 @!p0 $0x3  }
0x6b: {  	s17 =	sadd.s32 @!p0 $0x400, s15;
	_ =	swait.ge @!p0 [sflag:s16], $0x4000  }
0x6c: {  	s17 =	sand.u32 @!p0 $0xC00, s17;
	[sflag:s16] =	ssyncset.done @!p0 $0x0  }
0x6d: {  	[sflag:s16] =	ssyncadd.s32 @!p0 $0xFFFFC000;
	s16 =	sshrl.u32 @!p0 s17, $0x2  }
0x6e: {  	s18 =	simm.s32 @!p0 $0x17C00;
	s17 =	simm.s32 @!p0 $0x80;
	s16 =	sor.u32 @!p0 $0x1FC80, s16  }
0x6f: {  	[spmem:s3] =	stream.indirect.scatter.add.f32 @!p0 [tilespmem:s18], [sflag:$0x6], $0x80, s16, s17, $0xb8;
	v63 =	vld [tilespmem:$0x0]  }
0x70: {  	s16 =	sadd.s32 @!p0 $0x3, s13  }
0x71: {  	p1 =	sge.u32 @!p0 s16, s7  }
0x72: {  	p2 =	por !p1, p0  }
0x73: {  	s16 =	simm.s32 @!p2 $0x5  }
0x74: {  	_ =	swait.ge @!p2 [sflag:s16], $0x4000  }
0x75: {  	p1 =	por p1, p0;
	[sflag:s16] =	ssyncset.done @!p2 $0x0  }
0x76: {  	[sflag:s16] =	ssyncadd.s32 @!p2 $0xFFFFC000;
	s16 =	simm.s32 @!p1 $0x1  }
0x77: {  	_ =	swait.ge @!p1 [sflag:s16], $0x100  }
0x78: {  	[sflag:s16] =	ssyncset.done @!p1 $0x0  }
0x79: {  	[sflag:s16] =	ssyncadd.s32 @!p1 $0xFFFFFF00;
	s16 =	simm.s32 @!p1 $0x5  }
0x7a: {  	s17 =	sadd.s32 @!p1 $0xC00, s15;
	_ =	swait.ge @!p1 [sflag:s16], $0x4000  }
0x7b: {  	s17 =	sand.u32 @!p1 $0xC00, s17;
	[sflag:s16] =	ssyncset.done @!p1 $0x0  }
0x7c: {  	[sflag:s16] =	ssyncadd.s32 @!p1 $0xFFFFC000;
	s16 =	sshrl.u32 @!p1 s17, $0x2  }
0x7d: {  	s18 =	simm.s32 @!p1 $0x13C00;
	s17 =	simm.s32 @!p1 $0x80;
	s16 =	sor.u32 @!p1 $0x1FC00, s16  }
0x7e: {  	[tilespmem:s18], [sflag:$0x2] =	stream.indirect.gather @!p1 [hbm4b:s1+s17], $0x80, s16, s17, $0xb8;
	v63 =	vld [tilespmem:$0x0]  }
0x7f: {  	s16 =	sadd.s32 @!p0 $0x4, s13  }
0x80: {  	p1 =	sge.u32 @!p0 s16, s7  }
0x81: {  	p0 =	por p1, p0  }
0x82: {  	s17 =	sand.u32 @!p0 $0xC00, s15  }
0x83: {  	s19 =	sadd.s32 $0x2, s13;
	s16 =	rddreg [dreg:$0x5];
	s17 =	sshrl.u32 @!p0 s17, $0x2  }
0x84: {  	s16 =	sadd.s32 @!p0 s15, s16;
	s18 =	simm.s32 @!p0 $0x0;
	s17 =	sor.u32 @!p0 $0x1FC00, s17  }
0x85: {  	[tilespmem:s17], [sflag:$0x1] =	stream.linear.gather @!p0 [hbm4b:s16+s18], $0x100, $0x38;
	v63 =	vld [tilespmem:$0x0]  }
0x86: {  	p0 =	sge.u32 s19, s7  }
0x87: {  	s16 =	simm.s32 @!p0 $0x4  }
0x88: {  	s17 =	sadd.s32 @!p0 $0x800, s15;
	_ =	swait.ge @!p0 [sflag:s16], $0x4000  }
0x89: {  	s18 =	simm.s32 @!p0 $0x80;
	s17 =	sand.u32 @!p0 $0xC00, s17;
	[sflag:s16] =	ssyncset.done @!p0 $0x0  }
0x8a: {  	[sflag:s16] =	ssyncadd.s32 @!p0 $0xFFFFC000;
	s16 =	sshrl.u32 @!p0 s17, $0x2;
	s17 =	rddreg [dreg:$0x6]  }
0x8b: {  	s19 =	simm.s32 @!p0 $0x1BC00;
	s16 =	sor.u32 @!p0 $0x1FC80, s16;
	p1 =	sge.u32 @!p0 s13, s17  }
0x8c: {  	[spmem:s3] =	stream.indirect.scatter.add.f32 @!p0 [tilespmem:s19], [sflag:$0x7], $0x80, s16, s18, $0xb8;
	v63 =	vld [tilespmem:$0x0]  }
0x8d: {  	p2 =	por !p1, p0  }
0x8e: {  	s16 =	simm.s32 @!p2 $0x6  }
0x8f: {  	_ =	swait.ge @!p2 [sflag:s16], $0x4000  }
0x90: {  	p1 =	por p1, p0;
	[sflag:s16] =	ssyncset.done @!p2 $0x0  }
0x91: {  	[sflag:s16] =	ssyncadd.s32 @!p2 $0xFFFFC000;
	s16 =	simm.s32 @!p1 $0x1  }
0x92: {  	_ =	swait.ge @!p1 [sflag:s16], $0x100  }
0x93: {  	[sflag:s16] =	ssyncset.done @!p1 $0x0  }
0x94: {  	[sflag:s16] =	ssyncadd.s32 @!p1 $0xFFFFFF00;
	s16 =	simm.s32 @!p1 $0x6  }
0x95: {  	_ =	swait.ge @!p1 [sflag:s16], $0x4000  }
0x96: {  	s17 =	sand.u32 @!p1 $0xC00, s15;
	[sflag:s16] =	ssyncset.done @!p1 $0x0  }
0x97: {  	[sflag:s16] =	ssyncadd.s32 @!p1 $0xFFFFC000;
	s16 =	sshrl.u32 @!p1 s17, $0x2  }
0x98: {  	s18 =	simm.s32 @!p1 $0x17C00;
	s17 =	simm.s32 @!p1 $0x80;
	s16 =	sor.u32 @!p1 $0x1FC00, s16  }
0x99: {  	[tilespmem:s18], [sflag:$0x3] =	stream.indirect.gather @!p1 [hbm4b:s1+s17], $0x80, s16, s17, $0xb8;
	v63 =	vld [tilespmem:$0x0]  }
0x9a: {  	s16 =	sadd.s32 @!p0 $0x5, s13  }
0x9b: {  	p1 =	sge.u32 @!p0 s16, s7  }
0x9c: {  	p0 =	por p1, p0  }
0x9d: {  	s16 =	sadd.s32 @!p0 $0x1400, s15  }
0x9e: {  	s17 =	rddreg [dreg:$0x7];
	s16 =	sand.u32 @!p0 $0xC00, s16  }
0x9f: {  	s19 =	rddreg [dreg:$0x8];
	s17 =	sadd.s32 @!p0 s15, s17;
	s16 =	sshrl.u32 @!p0 s16, $0x2  }
0xa0: {  	s18 =	simm.s32 @!p0 $0x0;
	s15 =	sadd.s32 $0xC00, s15;
	s16 =	sor.u32 @!p0 $0x1FC00, s16  }
0xa1: {  	[tilespmem:s16], [sflag:$0x1] =	stream.linear.gather @!p0 [hbm4b:s17+s18], $0x100, $0x38;
	v63 =	vld [tilespmem:$0x0]  }
0xa2: {  	p0 =	sne.s32 s19, s15  }
.Ltmp0:
0xa3: {  	_ = 	snop;
	(pc) =	sbr.rel @p0 .LBB2_2-.Ltmp0, $2  }
0xa4: {  	_ =	sdelay $0x2  }
0xa5: {  	s24 =	sadd.s32 $0x6000, s24;
	s13 =	sadd.s32 $0x3, s13  }
0xa6: {  	_ =	swait.ge [sflag:s23], $0x4000  }
0xa7: {  	[sflag:s23] =	ssyncset.done $0x0  }
0xa8: {  	[sflag:s23] =	ssyncadd.s32 $0xFFFFC000  }
0xa9: {  	[bflag:$0x0] =	sbarrier.arrive $0xFFFF  }
0xaa: {  	s13 =	rddreg [dreg:$0x10]  }
0xab: {  	[hbm:s13], [sflag:s9] =	dma.local [spmem:s31], $0x800  }
0xac: {  	s13 =	rddreg [dreg:$0x11]  }
0xad: {  	[hbm:s13], [sflag:s9] =	dma.local [spmem:s0], $0x800  }
0xae: {  	s0 =	rddreg [dreg:$0x12]  }
0xaf: {  	[hbm:s0], [sflag:s9] =	dma.local [spmem:s8], $0x800  }
0xb0: {  	[hbm:s20], [sflag:s9] =	dma.local [spmem:s10], $0x800  }
0xb1: {  	[hbm:s21], [sflag:s9] =	dma.local [spmem:s11], $0x780  }
0xb2: {  	_ =	swait.ge [sflag:s5], $0x800  }
0xb3: {  	[sflag:s5] =	ssyncset.done $0x0  }
0xb4: {  	[sflag:s5] =	ssyncadd.s32 $0xFFFFF800  }
0xb5: {  	_ =	swait.ge [sflag:s5], $0x800  }
0xb6: {  	[sflag:s5] =	ssyncset.done $0x0  }
0xb7: {  	[sflag:s5] =	ssyncadd.s32 $0xFFFFF800  }
0xb8: {  	_ =	swait.ge [sflag:s5], $0x800  }
0xb9: {  	[sflag:s5] =	ssyncset.done $0x0  }
0xba: {  	s29 =	sadd.s32 $0x1, s29;
	[sflag:s5] =	ssyncadd.s32 $0xFFFFF800  }
0xbb: {  	p0 =	sne.s32 s29, s22;
	_ =	swait.ge [sflag:s5], $0x800  }
.Ltmp1:
0xbc: {  	[sflag:s5] =	ssyncset.done $0x0;
	(pc) =	sbr.rel @p0 .LBB2_1-.Ltmp1, $4  }
0xbd: {  	[sflag:s5] =	ssyncadd.s32 $0xFFFFF800  }
0xbe: {  	_ =	swait.ge [sflag:s5], $0x780  }
0xbf: {  	[sflag:s5] =	ssyncset.done $0x0  }
0xc0: {  	[sflag:s5] =	ssyncadd.s32 $0xFFFFF880  }
0xc1: {  	_ =	sfence.sel $0x180000  }
0xc2: {  	[bflag:$0x0] =	sbarrier.arrive $0xFFFF  }
0xc3: {  	_ =	strace $0x9000004A  }
0xc4: {  	s0 =	stileid.u32;
	[bflag:$0x2] =	sbarrier.arrive $0xFFFF  }
0xc5: {  	p0 =	sne.s32 s0, $0x0;
	s0 =	rddreg [dreg:$0x4]  }
0xc6: {  	s0 =	sadd.s32 @!p0 $0x100000, s0  }
0xc7: {  	[sflag:s0] =	ssyncadd.tile.s32 @!p0 $0x1;
	_ =	shalt  }
.Lfunc_end2:
_tile_overlayer_lowered:
.L_overlay_start_2:
0xc8: {  	(tag) =	ssettag $0x2  }
0xc9: {  	s0 =	rddreg [dreg:$0x0];
	s2 =	stileid.u32  }
0xca: {  	s1 =	rddreg [dreg:$0x1];
	p0 =	sne.s32 s2, $0x0  }
0xcb: {  	s3 =	rddreg [dreg:$0x2];
	[bflag:$0x3] =	sbarrier.arrive $0xFFFF;
	s2 =	simm.s32 @!p0 $0x1C09  }
0xcc: {  	[timem:s3], [sflag:s2] =	dma.local @!p0 [hbm:s0], s1  }
0xcd: {  	s0 =	simm.s32 @!p0 $0x9  }
0xce: {  	_ =	swait.ge @!p0 [sflag:s0], s1  }
0xcf: {  	s1 =	ssub.s32 @!p0 $0x0, s1;
	[sflag:s0] =	ssyncset.done @!p0 $0x0  }
0xd0: {  	[sflag:s0] =	ssyncadd.s32 @!p0 s1  }
0xd1: {  	[bflag:$0x3] =	sbarrier.arrive $0xFFFF  }
0xd2: {  	_ =	shalt  }

// kernel: kernel.14.cloned.1.call-start
scs
__scs_entry_jumppad:
0x0: {  	(pc) =	sbr.rel $0x88, $3  }
0x1: {  	(tag) =	ssettag $0x0;
	lr =	simm.s32 $0x1  }
0x2: {  	[smem:$0x3F93] =	sst lr;
	_ =	strace $0xD0000000  }
0x3: {  	_ = 	snop  }
0x4: {  	_ = 	snop  }
0x5: {  	_ = 	snop  }
0x6: {  	_ = 	snop  }
0x7: {  	_ = 	snop  }
__scs_overlays_trampoline_lowered:
0x8: {  	[smem:$0x3FA2] =	sst s0  }
0x9: {  	[smem:$0x3FA3] =	sst s1  }
0xa: {  	[smem:$0x3FA4] =	sst s2  }
0xb: {  	[smem:$0x3FA5] =	sst s3  }
0xc: {  	[smem:$0x3FA6] =	sst s4  }
0xd: {  	[smem:$0x3FA7] =	sst s5  }
0xe: {  	[smem:$0x3FA8] =	sst s6  }
0xf: {  	[smem:$0x3FA9] =	sst s7  }
0x10: {  	[smem:$0x3FAA] =	sst s8  }
0x11: {  	[smem:$0x3FAB] =	sst s9;
	s0 =	simm.s32 @!p0 $0x0  }
0x12: {  	s1 =	sld [smem:$0x3F91];
	s0 =	simm.s32 @p0 $0x1  }
0x13: {  	[smem:$0x3FAC] =	sst s0;
	s0 =	simm.s32 @!p1 $0x0  }
0x14: {  	s2 =	sld [smem:$0x3F90];
	s0 =	simm.s32 @p1 $0x1  }
0x15: {  	[smem:$0x3FAD] =	sst s0;
	s0 =	simm.s32 @!p2 $0x0  }
0x16: {  	s3 =	sld [smem:$0x3FDB];
	s0 =	simm.s32 @p2 $0x1  }
0x17: {  	s4 =	simm.s32 $0x1BF5;
	[smem:$0x3FAF] =	sst s0  }
0x18: {  	s0 =	sld [smem:$0x3F92];
	_ =	swait.ge [sflag:s4], $0x0  }
0x19: {  	s7 =	sld [smem:$0x3F93]  }
0x1a: {  	s8 =	sadd.s32 $0xFFFFE003, lr  }
0x1b: {  	s9 =	sadd.s32 $0xFFFFFEF7, lr;
	s5 =	simm.s32 $0xFFFFFFFF;
	p2 =	slt.u32 s8, $0xFFFFF086  }
0x1c: {  	p1 =	slt.u32 s9, $0xF7A;
	s5 =	simm.s32 @!p2 $0x0  }
0x1d: {  	s5 =	simm.s32 @p1 $0x1;
	p0 =	seq.s32 s7, s2  }
0x1e: {  	s7 =	smul.u32 @!p0 $0xF7A, s2;
	p2 =	seq.s32 @!p0 s5, $0x0  }
0x1f: {  	s9 =	smul.u32 $0xF7A, s1;
	s8 =	simm.s32 @!p0 $0x1BF5;
	p2 =	por !p2, p0  }
0x20: {  	[sflag:s8] =	ssyncset.s32 @!p0 $0xFFFFF086;
	s6 =	sadd.s32 @!p0 s3, s7;
	s7 =	simm.s32 @!p0 $0x108  }
0x21: {  	s3 =	sadd.s32 s3, s9;
	s6 =	sadd.s32 @!p0 $0x88, s6;
	s7 =	simm.s32 @p2 $0x1082  }
0x22: {  	[simem:s7], [sflag:s8] =	dma.local @!p0 [hbm:s6], $0xF7A  }
0x23: {  	s9 =	sor.u32 $0xD0000000, s2;
	s6 =	simm.s32 $0x108;
	_ =	swait.ge @!p0 [sflag:s8], $0x0  }
0x24: {  	s3 =	sadd.s32 $0x88, s3;
	s6 =	simm.s32 @!p1 $0x1082;
	[sflag:s4] =	ssyncset.s32 $0xFFFFF086  }
0x25: {  	[simem:s6], [sflag:s4] =	dma.local [hbm:s3], $0xF7A  }
0x26: {  	[smem:$0x3F93] =	sst s1;
	(tag) =	ssettag s2;
	_ =	strace s9  }
0x27: {  	s1 =	sld [smem:$0x3FA3]  }
0x28: {  	s2 =	sld [smem:$0x3FA4]  }
0x29: {  	s4 =	sld [smem:$0x3FA6]  }
0x2a: {  	p0 =	seq.s32 s5, $0x0;
	s5 =	sld [smem:$0x3FA7]  }
0x2b: {  	s6 =	sld [smem:$0x3FA8]  }
0x2c: {  	s7 =	sld [smem:$0x3FA9]  }
0x2d: {  	s3 =	simm.s32 $0x108;
	s8 =	sld [smem:$0x3FAA]  }
0x2e: {  	s3 =	simm.s32 @!p0 $0x1082;
	s9 =	sld [smem:$0x3FAB]  }
0x2f: {  	lr =	sadd.s32 s0, s3;
	s0 =	sld [smem:$0x3FA2]  }
0x30: {  	s3 =	sld [smem:$0x3FA5]  }
0x31: {  	[smem:$0x3FAE] =	sst s10  }
0x32: {  	s10 =	sld [smem:$0x3FAC];
	_ =	sdelay $0x3  }
0x33: {  	p0 =	seq.s32 s10, $0x1;
	s10 =	sld [smem:$0x3FAE];
	_ =	sdelay $0x3  }
0x34: {  	[smem:$0x3FAE] =	sst s10  }
0x35: {  	s10 =	sld [smem:$0x3FAD];
	_ =	sdelay $0x3  }
0x36: {  	p1 =	seq.s32 s10, $0x1;
	s10 =	sld [smem:$0x3FAE];
	_ =	sdelay $0x3  }
0x37: {  	[smem:$0x3FAE] =	sst s10  }
0x38: {  	s10 =	sld [smem:$0x3FAF]  }
0x39: {  	_ = 	snop;
	(pc) =	sbr.ind lr, $3  }
0x3a: {  	_ = 	snop  }
0x3b: {  	_ = 	snop  }
0x3c: {  	p2 =	seq.s32 s10, $0x1;
	s10 =	sld [smem:$0x3FAE]  }
0x3d: {  	_ =	shalt  }
0x3e: {  	_ =	shalt  }
0x3f: {  	_ =	shalt  }
0x40: {  	_ =	shalt  }
0x41: {  	_ =	shalt  }
0x42: {  	_ =	shalt  }
0x43: {  	_ =	shalt  }
0x44: {  	_ =	shalt  }
0x45: {  	_ =	shalt  }
0x46: {  	_ =	shalt  }
0x47: {  	_ =	shalt  }
0x48: {  	_ =	shalt  }
0x49: {  	_ =	shalt  }
0x4a: {  	_ =	shalt  }
0x4b: {  	_ =	shalt  }
0x4c: {  	_ =	shalt  }
0x4d: {  	_ =	shalt  }
0x4e: {  	_ =	shalt  }
0x4f: {  	_ =	shalt  }
0x50: {  	_ =	shalt  }
0x51: {  	_ =	shalt  }
0x52: {  	_ =	shalt  }
0x53: {  	_ =	shalt  }
0x54: {  	_ =	shalt  }
0x55: {  	_ =	shalt  }
0x56: {  	_ =	shalt  }
0x57: {  	_ =	shalt  }
0x58: {  	_ =	shalt  }
0x59: {  	_ =	shalt  }
0x5a: {  	_ =	shalt  }
0x5b: {  	_ =	shalt  }
0x5c: {  	_ =	shalt  }
0x5d: {  	_ =	shalt  }
0x5e: {  	_ =	shalt  }
0x5f: {  	_ =	shalt  }
0x60: {  	_ =	shalt  }
0x61: {  	_ =	shalt  }
0x62: {  	_ =	shalt  }
0x63: {  	_ =	shalt  }
0x64: {  	_ =	shalt  }
0x65: {  	_ =	shalt  }
0x66: {  	_ =	shalt  }
0x67: {  	_ =	shalt  }
0x68: {  	_ =	shalt  }
0x69: {  	_ =	shalt  }
0x6a: {  	_ =	shalt  }
0x6b: {  	_ =	shalt  }
0x6c: {  	_ =	shalt  }
0x6d: {  	_ =	shalt  }
0x6e: {  	_ =	shalt  }
0x6f: {  	_ =	shalt  }
0x70: {  	_ =	shalt  }
0x71: {  	_ =	shalt  }
0x72: {  	_ =	shalt  }
0x73: {  	_ =	shalt  }
0x74: {  	_ =	shalt  }
0x75: {  	_ =	shalt  }
0x76: {  	_ =	shalt  }
0x77: {  	_ =	shalt  }
0x78: {  	_ =	shalt  }
0x79: {  	_ =	shalt  }
0x7a: {  	_ =	shalt  }
0x7b: {  	_ =	shalt  }
0x7c: {  	_ =	shalt  }
0x7d: {  	_ =	shalt  }
0x7e: {  	_ =	shalt  }
0x7f: {  	_ =	shalt  }
0x80: {  	_ =	shalt  }
0x81: {  	_ =	shalt  }
0x82: {  	_ =	shalt  }
0x83: {  	_ =	shalt  }
0x84: {  	_ =	shalt  }
0x85: {  	_ =	shalt  }
0x86: {  	_ =	shalt  }
0x87: {  	_ =	shalt  }
.Lfunc_end0:
.L_simem_size_0:
called_computation.2_lowered:
.L_overlay_start_0:
0x88: {  	s2 =	sld [smem:$0x3FD9]  }
0x89: {  	s3 =	sld [smem:$0x3FFE];
	_ =	sdelay $0x1  }
0x8a: {  	s1 =	srdreg.scid  }
0x8b: {  	s0 =	sand.u32 $0x1, s1  }
0x8c: {  	s17 =	sshll.u32 s0, $0xA;
	s2 =	sadd.s32 s3, s2  }
0x8d: {  	s2 =	sadd.s32 s2, s17  }
0x8e: {  	[smem:$0x3FBA] =	sst s2  }
0x8f: {  	_ = 	snop  }
0x90: {  	s2 =	sld [smem:$0x3FC8]  }
0x91: {  	s18 =	sld [smem:$0x3FD0];
	(tm) =	ssettm $0x1  }
0x92: {  	s4 =	sld [smem:$0x3FFB];
	_ =	sdelay $0x3  }
0x93: {  	_ =	strace s4  }
0x94: {  	s4 =	sld [smem:$0x3FFC];
	_ =	sdelay $0x3  }
0x95: {  	_ =	strace s4  }
0x96: {  	s4 =	sld [smem:$0x3FFD];
	_ =	sdelay $0x3  }
0x97: {  	_ =	strace s4  }
0x98: {  	_ =	strace $0x8FFFFFFF  }
0x99: {  	s19 =	sld [smem:$0x3FDB];
	_ =	sdelay $0x1  }
0x9a: {  	s5 =	simm.s32 $_scs_section_size  }
0x9b: {  	s6 =	simm.s32 $_size__tile_overlayer_lowered;
	s7 =	simm.s32 $_tile_overlayer_lowered  }
0x9c: {  	s22 =	simm.s32 $0x1BFF;
	s21 =	sshll.u32 s7, $0x1;
	s4 =	sadd.s32 s5, s19  }
0x9d: {  	s8 =	simm.s32 $0x0;
	s20 =	sshll.u32 s6, $0x1;
	s6 =	sadd.s32 s21, s4  }
0x9e: {  	[timem:s8], [sflag:s22] =	dma.local [hbm:s6], s20  }
0x9f: {  	_ =	swait.ge [sflag:s22], s20  }
0xa0: {  	s5 =	ssub.s32 $0x0, s20;
	[sflag:s22] =	ssyncset.done $0x0  }
0xa1: {  	[sflag:s22] =	ssyncadd.s32 s5;
	_ =	sdelay $0x1  }
0xa2: {  	s23 =	simm.s32 $0x1B8B  }
0xa3: {  	_ =	swait.ge [sflag:s23], $0x1  }
0xa4: {  	[sflag:s23] =	ssyncset.done $0x0  }
0xa5: {  	s25 =	simm.s32 $0x1B8E;
	s24 =	sld [smem:$0x3FFE];
	[sflag:s23] =	ssyncadd.s32 $0xFFFFFFFF  }
0xa6: {  	s26 =	simm.s32 $execute0_lowered;
	[smem:$0x3FD2] =	sst s25  }
0xa7: {  	s6 =	sshll.u32 s26, $0x1;
	_ =	strace $0x8000004C;
	[dreg:$0x1] =	wrdreg $0xFFFFFFFF  }
0xa8: {  	s28 =	simm.s32 $_size_execute0_lowered;
	s4 =	sadd.s32 s4, s6;
	[dreg:$0x0] =	wrdreg $0x0  }
0xa9: {  	s6 =	sshll.u32 s28, $0x1;
	[dreg:$0x2] =	wrdreg s4  }
0xaa: {  	[dreg:$0x3] =	wrdreg s6  }
0xab: {  	[dreg:$0x4] =	wrdreg $0xC0  }
0xac: {  	_ =	task [dreg:s8], $0x5FFFF  }
0xad: {  	[dreg:$0x1] =	wrdreg $0xFFFFFFFF  }
0xae: {  	[dreg:$0x0] =	wrdreg $0x60  }
0xaf: {  	[dreg:$0x2] =	wrdreg s18  }
0xb0: {  	[dreg:$0x3] =	wrdreg s2  }
0xb1: {  	[dreg:$0x4] =	wrdreg s24  }
0xb2: {  	[dreg:$0x5] =	wrdreg $0x0  }
0xb3: {  	[dreg:$0x6] =	wrdreg $0x9  }
0xb4: {  	_ =	task.clear_ibuf [dreg:s8], $0x7FFFF;
	_ =	strace $0x9000004C  }
0xb5: {  	s29 =	simm.s32 $0x9;
	_ =	strace $0x8000004E  }
0xb6: {  	_ =	swait.ge [sflag:s29], $0x1  }
0xb7: {  	[sflag:s29] =	ssyncadd.s32 $0xFFFFFFFF  }
0xb8: {  	_ =	strace $0x9000004E  }
0xb9: {  	_ =	sfence  }
0xba: {  	s30 =	sld [smem:$0x0];
	_ =	sdelay $0x2  }
0xbb: {  	s31 =	sshll.u32 s1, $0xD;
	s1 =	sshrl.u32 s1, $0x2  }
0xbc: {  	s3 =	sand.u32 $0x4000, s31;
	s1 =	sadd.s32 s1, s30  }
0xbd: {  	s0 =	sor.u32 s3, s0;
	s1 =	sshll.u32 s1, $0x11  }
0xbe: {  	s0 =	sor.u32 s1, s0  }
0xbf: {  	s0 =	sadd.s32 $0x8F2B, s0  }
0xc0: {  	[sflag:s0] =	ssyncadd.remote.s32 $0x1  }
0xc1: {  	_ =	sfence.sel $0xFFFF  }
0xc2: {  	[dreg:$0x0] =	wrdreg $0xFFFFFFFF;
	(pc) =	sbr.abs _section_cstart, $3  }
0xc3: {  	[dreg:$0x1] =	wrdreg $0xFFFFFFFF  }
0xc4: {  	_ =	task.clear_ibuf [dreg:s8], $0x2FFFF;
	_ =	strace $0x9FFFFFFF  }
0xc5: {  	(tm) =	ssettm $0x7FFFFFFF  }
tec
execute0_lowered:
.L_overlay_start_1:
0x0: {  	(tag) =	ssettag $0x1  }
0x1: {  	s1 =	rddreg [dreg:$0x0]  }
0x2: {  	s2 =	rddreg [dreg:$0x1]  }
0x3: {  	s0 =	rddreg [dreg:$0x2]  }
0x4: {  	s3 =	rddreg [dreg:$0x3];
	s4 =	simm.s32 $0x0  }
0x5: {  	s5 =	srdreg.scid;
	s16 =	stileid.u32;
	s28 =	simm.s32 $0x80  }
0x6: {  	s30 =	simm.s32 $0x1FD00;
	s29 =	simm.s32 $0x0;
	[smem:$0x7FF] =	sst s4  }
0x7: {  	s5 =	sand.u32 $0x1, s5;
	s6 =	sadd.s32 $0x3400, s0;
	s9 =	smul.u32 $0x4F000, s16  }
0x8: {  	s0 =	sadd.s32 $0x3C00, s0;
	p0 =	slt.u32 s16, $0x2;
	s10 =	smul.u32 $0x13C00, s16  }
0x9: {  	s11 =	sshll.u32 s16, $0x6;
	s19 =	sshll.u32 s16, $0x9;
	_ =	strace $0x8000004D  }
0xa: {  	s7 =	ssub.s32 $0x2, s5;
	s25 =	sshll.u32 s5, $0x5;
	s21 =	smul.u32 $0x13C000, s5  }
0xb: {  	s5 =	sshll.u32 s5, $0x8;
	s8 =	sshrl.u32 s7, $0x1;
	s9 =	sshrl.u32 s9, $0x2  }
0xc: {  	s12 =	sadd.s32 $0x4000, s10;
	s23 =	sadd.s32 $0x8000, s10;
	s15 =	sadd.s32 $0xC000, s10  }
0xd: {  	s20 =	sadd.s32 $0x10000, s10;
	s5 =	sor.u32 s5, s19;
	s8 =	ssub.s32 s7, s8  }
0xe: {  	s7 =	simm.s32 $0x4F;
	s9 =	sadd.s32 s9, s3;
	s13 =	sadd.s32 s12, s3  }
0xf: {  	s14 =	sadd.s32 s23, s3;
	s24 =	sadd.s32 s15, s3;
	[dreg:$0x9] =	wrdreg s9  }
0x10: {  	s26 =	sadd.s32 s20, s3;
	s10 =	sadd.s32 s10, s21;
	[dreg:$0xa] =	wrdreg s13  }
0x11: {  	s18 =	sadd.s32 s21, s20;
	s7 =	simm.s32 @!p0 $0x4E;
	[dreg:$0xb] =	wrdreg s14  }
0x12: {  	s9 =	sor.u32 $0x1C08, s11;
	[dreg:$0xc] =	wrdreg s24;
	s11 =	sor.u32 s25, s11  }
0x13: {  	[dreg:$0xd] =	wrdreg s26;
	s10 =	sshrl.u32 s10, $0x3;
	s13 =	sadd.s32 s21, s15  }
0x14: {  	s25 =	sor.u32 $0x8000, s5;
	s14 =	sadd.s32 s2, s11;
	s10 =	sadd.s32 s0, s10  }
0x15: {  	s11 =	simm.s32 $0x14400;
	s22 =	sadd.s32 $0xFFFFFFFC, s7;
	[dreg:$0x10] =	wrdreg s10  }
0x16: {  	s26 =	sshrl.u32 s25, $0x3;
	s17 =	sadd.s32 $0x400, s14;
	[dreg:$0x6] =	wrdreg s22  }
0x17: {  	s25 =	simm.s32 $0x1FC00;
	s11 =	simm.s32 @!p0 $0x13800;
	[dreg:$0xe] =	wrdreg s17  }
0x18: {  	s31 =	sadd.s32 $0x800, s14;
	s22 =	smax.u32 s8, $0x1;
	[dreg:$0x8] =	wrdreg s11  }
0x19: {  	[dreg:$0xf] =	wrdreg s31;
	s11 =	sadd.s32 s21, s12;
	s12 =	sadd.s32 s21, s23  }
0x1a: {  	s17 =	sshrl.u32 s13, $0x3;
	s21 =	sshrl.u32 s18, $0x3;
	s23 =	sor.u32 $0xA000, s5  }
0x1b: {  	s31 =	sadd.s32 s26, s2;
	s26 =	simm.s32 $0x1;
	s10 =	sshrl.u32 s11, $0x3  }
0x1c: {  	s11 =	sshrl.u32 s12, $0x3;
	s20 =	sadd.s32 s0, s17;
	s21 =	sadd.s32 s0, s21  }
0x1d: {  	s24 =	sshrl.u32 s23, $0x3;
	[dreg:$0x5] =	wrdreg s31;
	s10 =	sadd.s32 s0, s10  }
0x1e: {  	s23 =	simm.s32 $0x5;
	s15 =	sadd.s32 s0, s11;
	[dreg:$0x11] =	wrdreg s10  }
0x1f: {  	s12 =	sor.u32 $0x6000, s5;
	s0 =	sadd.s32 s24, s2;
	[dreg:$0x12] =	wrdreg s15  }
0x20: {  	s5 =	simm.s32 $0x8;
	s23 =	simm.s32 @!p0 $0x7;
	[dreg:$0x7] =	wrdreg s0  }
.LBB2_1:
0x21: {  	s0 =	rddreg [dreg:$0x9]  }
0x22: {  	s31 =	sshrl.u32 s0, $0x3  }
0x23: {  	[spmem:s31], [sflag:s9] =	dma.local [hbm:s6], $0x800  }
0x24: {  	s17 =	rddreg [dreg:$0xa]  }
0x25: {  	s0 =	sshrl.u32 s17, $0x3  }
0x26: {  	[spmem:s0], [sflag:s9] =	dma.local [hbm:s6], $0x800  }
0x27: {  	s8 =	rddreg [dreg:$0xb]  }
0x28: {  	s8 =	sshrl.u32 s8, $0x3  }
0x29: {  	[spmem:s8], [sflag:s9] =	dma.local [hbm:s6], $0x800  }
0x2a: {  	s10 =	rddreg [dreg:$0xc]  }
0x2b: {  	s10 =	sshrl.u32 s10, $0x3  }
0x2c: {  	[spmem:s10], [sflag:s9] =	dma.local [hbm:s6], $0x800  }
0x2d: {  	s11 =	rddreg [dreg:$0xd]  }
0x2e: {  	s11 =	sshrl.u32 s11, $0x3  }
0x2f: {  	[spmem:s11], [sflag:s9] =	dma.local [hbm:s6], $0x780  }
0x30: {  	[tilespmem:s25], [sflag:$0x1] =	stream.linear.gather [hbm4b:s14+s4], $0x100, $0x38;
	v63 =	vld [tilespmem:$0x0]  }
0x31: {  	_ =	swait.ge [sflag:s26], $0x100  }
0x32: {  	[sflag:s26] =	ssyncset.done $0x0  }
0x33: {  	s13 =	simm.s32 $0x13C00;
	[sflag:s26] =	ssyncadd.s32 $0xFFFFFF00  }
0x34: {  	[tilespmem:s13], [sflag:$0x2] =	stream.indirect.gather [hbm4b:s1+s28], $0x80, s25, s28, $0xb8;
	v63 =	vld [tilespmem:$0x0]  }
0x35: {  	s18 =	rddreg [dreg:$0xe]  }
0x36: {  	[tilespmem:s30], [sflag:$0x1] =	stream.linear.gather [hbm4b:s18+s4], $0x100, $0x38;
	v63 =	vld [tilespmem:$0x0]  }
0x37: {  	_ =	swait.ge [sflag:s26], $0x100  }
0x38: {  	[sflag:s26] =	ssyncset.done $0x0  }
0x39: {  	s19 =	simm.s32 $0x17C00;
	[sflag:s26] =	ssyncadd.s32 $0xFFFFFF00  }
0x3a: {  	[tilespmem:s19], [sflag:$0x3] =	stream.indirect.gather [hbm4b:s1+s28], $0x80, s30, s28, $0xb8;
	v63 =	vld [tilespmem:$0x0]  }
0x3b: {  	s15 =	simm.s32 $0x1FE00;
	s24 =	rddreg [dreg:$0xf]  }
0x3c: {  	[tilespmem:s15], [sflag:$0x1] =	stream.linear.gather [hbm4b:s24+s4], $0x100, $0x38;
	v63 =	vld [tilespmem:$0x0]  }
0x3d: {  	_ =	swait.ge [sflag:s5], $0x800  }
0x3e: {  	[sflag:s5] =	ssyncset.done $0x0  }
0x3f: {  	[sflag:s5] =	ssyncadd.s32 $0xFFFFF800  }
0x40: {  	_ =	swait.ge [sflag:s5], $0x800  }
0x41: {  	[sflag:s5] =	ssyncset.done $0x0  }
0x42: {  	[sflag:s5] =	ssyncadd.s32 $0xFFFFF800  }
0x43: {  	_ =	swait.ge [sflag:s5], $0x800  }
0x44: {  	[sflag:s5] =	ssyncset.done $0x0  }
0x45: {  	[sflag:s5] =	ssyncadd.s32 $0xFFFFF800  }
0x46: {  	_ =	swait.ge [sflag:s5], $0x800  }
0x47: {  	[sflag:s5] =	ssyncset.done $0x0  }
0x48: {  	[sflag:s5] =	ssyncadd.s32 $0xFFFFF800  }
0x49: {  	_ =	swait.ge [sflag:s5], $0x780  }
0x4a: {  	[sflag:s5] =	ssyncset.done $0x0  }
0x4b: {  	s13 =	simm.s32 $0x0;
	[sflag:s5] =	ssyncadd.s32 $0xFFFFF880  }
0x4c: {  	s24 =	smov.u32 s12;
	s15 =	simm.s32 $0x0;
	[bflag:$0x0] =	sbarrier.arrive $0xFFFF  }
.LBB2_2:
0x4d: {  	p0 =	sge.u32 s13, s7  }
0x4e: {  	s16 =	simm.s32 @!p0 $0x2  }
0x4f: {  	_ =	swait.ge @!p0 [sflag:s16], $0x4000  }
0x50: {  	s17 =	sand.u32 @!p0 $0xC00, s15;
	[sflag:s16] =	ssyncset.done @!p0 $0x0  }
0x51: {  	[sflag:s16] =	ssyncadd.s32 @!p0 $0xFFFFC000;
	s16 =	sshrl.u32 @!p0 s17, $0x2  }
0x52: {  	s18 =	simm.s32 @!p0 $0x13C00;
	s17 =	simm.s32 @!p0 $0x80;
	s16 =	sor.u32 @!p0 $0x1FC80, s16  }
0x53: {  	[spmem:s3] =	stream.indirect.scatter.add.f32 @!p0 [tilespmem:s18], [sflag:$0x5], $0x80, s16, s17, $0xb8;
	v63 =	vld [tilespmem:$0x0]  }
0x54: {  	s16 =	sadd.s32 @!p0 $0x2, s13  }
0x55: {  	p1 =	sge.u32 @!p0 s16, s7  }
0x56: {  	p1 =	por p1, p0  }
0x57: {  	s16 =	simm.s32 @!p1 $0x1  }
0x58: {  	p2 =	seq.s32 @!p0 s15, $0x0;
	_ =	swait.ge @!p1 [sflag:s16], $0x100  }
0x59: {  	p2 =	por p2, p0;
	[sflag:s16] =	ssyncset.done @!p1 $0x0  }
0x5a: {  	[sflag:s16] =	ssyncadd.s32 @!p1 $0xFFFFFF00;
	s16 =	simm.s32 @!p2 $0x7  }
0x5b: {  	s17 =	sadd.s32 @!p1 $0x800, s15;
	_ =	swait.ge @!p2 [sflag:s16], $0x4000  }
0x5c: {  	s17 =	sand.u32 @!p1 $0xC00, s17;
	[sflag:s16] =	ssyncset.done @!p2 $0x0  }
0x5d: {  	[sflag:s16] =	ssyncadd.s32 @!p2 $0xFFFFC000;
	s16 =	sshrl.u32 @!p1 s17, $0x2  }
0x5e: {  	s18 =	simm.s32 @!p1 $0x1BC00;
	s17 =	simm.s32 @!p1 $0x80;
	s16 =	sor.u32 @!p1 $0x1FC00, s16  }
0x5f: {  	[tilespmem:s18], [sflag:$0x4] =	stream.indirect.gather @!p1 [hbm4b:s1+s17], $0x80, s16, s17, $0xb8;
	v63 =	vld [tilespmem:$0x0]  }
0x60: {  	s16 =	sadd.s32 @!p0 $0x3, s13  }
0x61: {  	p1 =	sge.u32 @!p0 s16, s7  }
0x62: {  	p0 =	por p1, p0  }
0x63: {  	s16 =	sadd.s32 @!p0 $0xC00, s15  }
0x64: {  	s16 =	sand.u32 @!p0 $0xC00, s16  }
0x65: {  	s17 =	sshrl.u32 @!p0 s24, $0x3;
	s16 =	sshrl.u32 @!p0 s16, $0x2  }
0x66: {  	s18 =	simm.s32 @!p0 $0x0;
	s17 =	sadd.s32 @!p0 s2, s17;
	s16 =	sor.u32 @!p0 $0x1FC00, s16  }
0x67: {  	[tilespmem:s16], [sflag:$0x1] =	stream.linear.gather @!p0 [hbm4b:s17+s18], $0x100, $0x38;
	v63 =	vld [tilespmem:$0x0]  }
0x68: {  	s18 =	sadd.s32 $0x1, s13  }
0x69: {  	p0 =	sge.u32 s18, s7  }
0x6a: {  	s16 =	simm.s32 @!p0 $0x3  }
0x6b: {  	s17 =	sadd.s32 @!p0 $0x400, s15;
	_ =	swait.ge @!p0 [sflag:s16], $0x4000  }
0x6c: {  	s17 =	sand.u32 @!p0 $0xC00, s17;
	[sflag:s16] =	ssyncset.done @!p0 $0x0  }
0x6d: {  	[sflag:s16] =	ssyncadd.s32 @!p0 $0xFFFFC000;
	s16 =	sshrl.u32 @!p0 s17, $0x2  }
0x6e: {  	s18 =	simm.s32 @!p0 $0x17C00;
	s17 =	simm.s32 @!p0 $0x80;
	s16 =	sor.u32 @!p0 $0x1FC80, s16  }
0x6f: {  	[spmem:s3] =	stream.indirect.scatter.add.f32 @!p0 [tilespmem:s18], [sflag:$0x6], $0x80, s16, s17, $0xb8;
	v63 =	vld [tilespmem:$0x0]  }
0x70: {  	s16 =	sadd.s32 @!p0 $0x3, s13  }
0x71: {  	p1 =	sge.u32 @!p0 s16, s7  }
0x72: {  	p2 =	por !p1, p0  }
0x73: {  	s16 =	simm.s32 @!p2 $0x5  }
0x74: {  	_ =	swait.ge @!p2 [sflag:s16], $0x4000  }
0x75: {  	p1 =	por p1, p0;
	[sflag:s16] =	ssyncset.done @!p2 $0x0  }
0x76: {  	[sflag:s16] =	ssyncadd.s32 @!p2 $0xFFFFC000;
	s16 =	simm.s32 @!p1 $0x1  }
0x77: {  	_ =	swait.ge @!p1 [sflag:s16], $0x100  }
0x78: {  	[sflag:s16] =	ssyncset.done @!p1 $0x0  }
0x79: {  	[sflag:s16] =	ssyncadd.s32 @!p1 $0xFFFFFF00;
	s16 =	simm.s32 @!p1 $0x5  }
0x7a: {  	s17 =	sadd.s32 @!p1 $0xC00, s15;
	_ =	swait.ge @!p1 [sflag:s16], $0x4000  }
0x7b: {  	s17 =	sand.u32 @!p1 $0xC00, s17;
	[sflag:s16] =	ssyncset.done @!p1 $0x0  }
0x7c: {  	[sflag:s16] =	ssyncadd.s32 @!p1 $0xFFFFC000;
	s16 =	sshrl.u32 @!p1 s17, $0x2  }
0x7d: {  	s18 =	simm.s32 @!p1 $0x13C00;
	s17 =	simm.s32 @!p1 $0x80;
	s16 =	sor.u32 @!p1 $0x1FC00, s16  }
0x7e: {  	[tilespmem:s18], [sflag:$0x2] =	stream.indirect.gather @!p1 [hbm4b:s1+s17], $0x80, s16, s17, $0xb8;
	v63 =	vld [tilespmem:$0x0]  }
0x7f: {  	s16 =	sadd.s32 @!p0 $0x4, s13  }
0x80: {  	p1 =	sge.u32 @!p0 s16, s7  }
0x81: {  	p0 =	por p1, p0  }
0x82: {  	s17 =	sand.u32 @!p0 $0xC00, s15  }
0x83: {  	s19 =	sadd.s32 $0x2, s13;
	s16 =	rddreg [dreg:$0x5];
	s17 =	sshrl.u32 @!p0 s17, $0x2  }
0x84: {  	s16 =	sadd.s32 @!p0 s15, s16;
	s18 =	simm.s32 @!p0 $0x0;
	s17 =	sor.u32 @!p0 $0x1FC00, s17  }
0x85: {  	[tilespmem:s17], [sflag:$0x1] =	stream.linear.gather @!p0 [hbm4b:s16+s18], $0x100, $0x38;
	v63 =	vld [tilespmem:$0x0]  }
0x86: {  	p0 =	sge.u32 s19, s7  }
0x87: {  	s16 =	simm.s32 @!p0 $0x4  }
0x88: {  	s17 =	sadd.s32 @!p0 $0x800, s15;
	_ =	swait.ge @!p0 [sflag:s16], $0x4000  }
0x89: {  	s18 =	simm.s32 @!p0 $0x80;
	s17 =	sand.u32 @!p0 $0xC00, s17;
	[sflag:s16] =	ssyncset.done @!p0 $0x0  }
0x8a: {  	[sflag:s16] =	ssyncadd.s32 @!p0 $0xFFFFC000;
	s16 =	sshrl.u32 @!p0 s17, $0x2;
	s17 =	rddreg [dreg:$0x6]  }
0x8b: {  	s19 =	simm.s32 @!p0 $0x1BC00;
	s16 =	sor.u32 @!p0 $0x1FC80, s16;
	p1 =	sge.u32 @!p0 s13, s17  }
0x8c: {  	[spmem:s3] =	stream.indirect.scatter.add.f32 @!p0 [tilespmem:s19], [sflag:$0x7], $0x80, s16, s18, $0xb8;
	v63 =	vld [tilespmem:$0x0]  }
0x8d: {  	p2 =	por !p1, p0  }
0x8e: {  	s16 =	simm.s32 @!p2 $0x6  }
0x8f: {  	_ =	swait.ge @!p2 [sflag:s16], $0x4000  }
0x90: {  	p1 =	por p1, p0;
	[sflag:s16] =	ssyncset.done @!p2 $0x0  }
0x91: {  	[sflag:s16] =	ssyncadd.s32 @!p2 $0xFFFFC000;
	s16 =	simm.s32 @!p1 $0x1  }
0x92: {  	_ =	swait.ge @!p1 [sflag:s16], $0x100  }
0x93: {  	[sflag:s16] =	ssyncset.done @!p1 $0x0  }
0x94: {  	[sflag:s16] =	ssyncadd.s32 @!p1 $0xFFFFFF00;
	s16 =	simm.s32 @!p1 $0x6  }
0x95: {  	_ =	swait.ge @!p1 [sflag:s16], $0x4000  }
0x96: {  	s17 =	sand.u32 @!p1 $0xC00, s15;
	[sflag:s16] =	ssyncset.done @!p1 $0x0  }
0x97: {  	[sflag:s16] =	ssyncadd.s32 @!p1 $0xFFFFC000;
	s16 =	sshrl.u32 @!p1 s17, $0x2  }
0x98: {  	s18 =	simm.s32 @!p1 $0x17C00;
	s17 =	simm.s32 @!p1 $0x80;
	s16 =	sor.u32 @!p1 $0x1FC00, s16  }
0x99: {  	[tilespmem:s18], [sflag:$0x3] =	stream.indirect.gather @!p1 [hbm4b:s1+s17], $0x80, s16, s17, $0xb8;
	v63 =	vld [tilespmem:$0x0]  }
0x9a: {  	s16 =	sadd.s32 @!p0 $0x5, s13  }
0x9b: {  	p1 =	sge.u32 @!p0 s16, s7  }
0x9c: {  	p0 =	por p1, p0  }
0x9d: {  	s16 =	sadd.s32 @!p0 $0x1400, s15  }
0x9e: {  	s17 =	rddreg [dreg:$0x7];
	s16 =	sand.u32 @!p0 $0xC00, s16  }
0x9f: {  	s19 =	rddreg [dreg:$0x8];
	s17 =	sadd.s32 @!p0 s15, s17;
	s16 =	sshrl.u32 @!p0 s16, $0x2  }
0xa0: {  	s18 =	simm.s32 @!p0 $0x0;
	s15 =	sadd.s32 $0xC00, s15;
	s16 =	sor.u32 @!p0 $0x1FC00, s16  }
0xa1: {  	[tilespmem:s16], [sflag:$0x1] =	stream.linear.gather @!p0 [hbm4b:s17+s18], $0x100, $0x38;
	v63 =	vld [tilespmem:$0x0]  }
0xa2: {  	p0 =	sne.s32 s19, s15  }
.Ltmp0:
0xa3: {  	_ = 	snop;
	(pc) =	sbr.rel @p0 .LBB2_2-.Ltmp0, $2  }
0xa4: {  	_ =	sdelay $0x2  }
0xa5: {  	s24 =	sadd.s32 $0x6000, s24;
	s13 =	sadd.s32 $0x3, s13  }
0xa6: {  	_ =	swait.ge [sflag:s23], $0x4000  }
0xa7: {  	[sflag:s23] =	ssyncset.done $0x0  }
0xa8: {  	[sflag:s23] =	ssyncadd.s32 $0xFFFFC000  }
0xa9: {  	[bflag:$0x0] =	sbarrier.arrive $0xFFFF  }
0xaa: {  	s13 =	rddreg [dreg:$0x10]  }
0xab: {  	[hbm:s13], [sflag:s9] =	dma.local [spmem:s31], $0x800  }
0xac: {  	s13 =	rddreg [dreg:$0x11]  }
0xad: {  	[hbm:s13], [sflag:s9] =	dma.local [spmem:s0], $0x800  }
0xae: {  	s0 =	rddreg [dreg:$0x12]  }
0xaf: {  	[hbm:s0], [sflag:s9] =	dma.local [spmem:s8], $0x800  }
0xb0: {  	[hbm:s20], [sflag:s9] =	dma.local [spmem:s10], $0x800  }
0xb1: {  	[hbm:s21], [sflag:s9] =	dma.local [spmem:s11], $0x780  }
0xb2: {  	_ =	swait.ge [sflag:s5], $0x800  }
0xb3: {  	[sflag:s5] =	ssyncset.done $0x0  }
0xb4: {  	[sflag:s5] =	ssyncadd.s32 $0xFFFFF800  }
0xb5: {  	_ =	swait.ge [sflag:s5], $0x800  }
0xb6: {  	[sflag:s5] =	ssyncset.done $0x0  }
0xb7: {  	[sflag:s5] =	ssyncadd.s32 $0xFFFFF800  }
0xb8: {  	_ =	swait.ge [sflag:s5], $0x800  }
0xb9: {  	[sflag:s5] =	ssyncset.done $0x0  }
0xba: {  	s29 =	sadd.s32 $0x1, s29;
	[sflag:s5] =	ssyncadd.s32 $0xFFFFF800  }
0xbb: {  	p0 =	sne.s32 s29, s22;
	_ =	swait.ge [sflag:s5], $0x800  }
.Ltmp1:
0xbc: {  	[sflag:s5] =	ssyncset.done $0x0;
	(pc) =	sbr.rel @p0 .LBB2_1-.Ltmp1, $4  }
0xbd: {  	[sflag:s5] =	ssyncadd.s32 $0xFFFFF800  }
0xbe: {  	_ =	swait.ge [sflag:s5], $0x780  }
0xbf: {  	[sflag:s5] =	ssyncset.done $0x0  }
0xc0: {  	[sflag:s5] =	ssyncadd.s32 $0xFFFFF880  }
0xc1: {  	_ =	sfence.sel $0x180000  }
0xc2: {  	[bflag:$0x0] =	sbarrier.arrive $0xFFFF  }
0xc3: {  	_ =	strace $0x9000004D  }
0xc4: {  	s0 =	stileid.u32;
	[bflag:$0x2] =	sbarrier.arrive $0xFFFF  }
0xc5: {  	p0 =	sne.s32 s0, $0x0;
	s0 =	rddreg [dreg:$0x4]  }
0xc6: {  	s0 =	sadd.s32 @!p0 $0x100000, s0  }
0xc7: {  	[sflag:s0] =	ssyncadd.tile.s32 @!p0 $0x1;
	_ =	shalt  }
.Lfunc_end2:
_tile_overlayer_lowered:
.L_overlay_start_2:
0xc8: {  	(tag) =	ssettag $0x2  }
0xc9: {  	s0 =	rddreg [dreg:$0x0];
	s2 =	stileid.u32  }
0xca: {  	s1 =	rddreg [dreg:$0x1];
	p0 =	sne.s32 s2, $0x0  }
0xcb: {  	s3 =	rddreg [dreg:$0x2];
	[bflag:$0x3] =	sbarrier.arrive $0xFFFF;
	s2 =	simm.s32 @!p0 $0x1C09  }
0xcc: {  	[timem:s3], [sflag:s2] =	dma.local @!p0 [hbm:s0], s1  }
0xcd: {  	s0 =	simm.s32 @!p0 $0x9  }
0xce: {  	_ =	swait.ge @!p0 [sflag:s0], s1  }
0xcf: {  	s1 =	ssub.s32 @!p0 $0x0, s1;
	[sflag:s0] =	ssyncset.done @!p0 $0x0  }
0xd0: {  	[sflag:s0] =	ssyncadd.s32 @!p0 s1  }
0xd1: {  	[bflag:$0x3] =	sbarrier.arrive $0xFFFF  }
0xd2: {  	_ =	shalt  }

// kernel: kernel.8.cloned.1.call-start
scs
__scs_entry_jumppad:
0x0: {  	(pc) =	sbr.rel $0x88, $3  }
0x1: {  	(tag) =	ssettag $0x0;
	lr =	simm.s32 $0x1  }
0x2: {  	[smem:$0x3F93] =	sst lr;
	_ =	strace $0xD0000000  }
0x3: {  	_ = 	snop  }
0x4: {  	_ = 	snop  }
0x5: {  	_ = 	snop  }
0x6: {  	_ = 	snop  }
0x7: {  	_ = 	snop  }
__scs_overlays_trampoline_lowered:
0x8: {  	[smem:$0x3FA2] =	sst s0  }
0x9: {  	[smem:$0x3FA3] =	sst s1  }
0xa: {  	[smem:$0x3FA4] =	sst s2  }
0xb: {  	[smem:$0x3FA5] =	sst s3  }
0xc: {  	[smem:$0x3FA6] =	sst s4  }
0xd: {  	[smem:$0x3FA7] =	sst s5  }
0xe: {  	[smem:$0x3FA8] =	sst s6  }
0xf: {  	[smem:$0x3FA9] =	sst s7  }
0x10: {  	[smem:$0x3FAA] =	sst s8  }
0x11: {  	[smem:$0x3FAB] =	sst s9;
	s0 =	simm.s32 @!p0 $0x0  }
0x12: {  	s1 =	sld [smem:$0x3F91];
	s0 =	simm.s32 @p0 $0x1  }
0x13: {  	[smem:$0x3FAC] =	sst s0;
	s0 =	simm.s32 @!p1 $0x0  }
0x14: {  	s2 =	sld [smem:$0x3F90];
	s0 =	simm.s32 @p1 $0x1  }
0x15: {  	[smem:$0x3FAD] =	sst s0;
	s0 =	simm.s32 @!p2 $0x0  }
0x16: {  	s3 =	sld [smem:$0x3FDB];
	s0 =	simm.s32 @p2 $0x1  }
0x17: {  	s4 =	simm.s32 $0x1BF5;
	[smem:$0x3FAF] =	sst s0  }
0x18: {  	s0 =	sld [smem:$0x3F92];
	_ =	swait.ge [sflag:s4], $0x0  }
0x19: {  	s7 =	sld [smem:$0x3F93]  }
0x1a: {  	s8 =	sadd.s32 $0xFFFFE003, lr  }
0x1b: {  	s9 =	sadd.s32 $0xFFFFFEF7, lr;
	s5 =	simm.s32 $0xFFFFFFFF;
	p2 =	slt.u32 s8, $0xFFFFF086  }
0x1c: {  	p1 =	slt.u32 s9, $0xF7A;
	s5 =	simm.s32 @!p2 $0x0  }
0x1d: {  	s5 =	simm.s32 @p1 $0x1;
	p0 =	seq.s32 s7, s2  }
0x1e: {  	s7 =	smul.u32 @!p0 $0xF7A, s2;
	p2 =	seq.s32 @!p0 s5, $0x0  }
0x1f: {  	s9 =	smul.u32 $0xF7A, s1;
	s8 =	simm.s32 @!p0 $0x1BF5;
	p2 =	por !p2, p0  }
0x20: {  	[sflag:s8] =	ssyncset.s32 @!p0 $0xFFFFF086;
	s6 =	sadd.s32 @!p0 s3, s7;
	s7 =	simm.s32 @!p0 $0x108  }
0x21: {  	s3 =	sadd.s32 s3, s9;
	s6 =	sadd.s32 @!p0 $0x88, s6;
	s7 =	simm.s32 @p2 $0x1082  }
0x22: {  	[simem:s7], [sflag:s8] =	dma.local @!p0 [hbm:s6], $0xF7A  }
0x23: {  	s9 =	sor.u32 $0xD0000000, s2;
	s6 =	simm.s32 $0x108;
	_ =	swait.ge @!p0 [sflag:s8], $0x0  }
0x24: {  	s3 =	sadd.s32 $0x88, s3;
	s6 =	simm.s32 @!p1 $0x1082;
	[sflag:s4] =	ssyncset.s32 $0xFFFFF086  }
0x25: {  	[simem:s6], [sflag:s4] =	dma.local [hbm:s3], $0xF7A  }
0x26: {  	[smem:$0x3F93] =	sst s1;
	(tag) =	ssettag s2;
	_ =	strace s9  }
0x27: {  	s1 =	sld [smem:$0x3FA3]  }
0x28: {  	s2 =	sld [smem:$0x3FA4]  }
0x29: {  	s4 =	sld [smem:$0x3FA6]  }
0x2a: {  	p0 =	seq.s32 s5, $0x0;
	s5 =	sld [smem:$0x3FA7]  }
0x2b: {  	s6 =	sld [smem:$0x3FA8]  }
0x2c: {  	s7 =	sld [smem:$0x3FA9]  }
0x2d: {  	s3 =	simm.s32 $0x108;
	s8 =	sld [smem:$0x3FAA]  }
0x2e: {  	s3 =	simm.s32 @!p0 $0x1082;
	s9 =	sld [smem:$0x3FAB]  }
0x2f: {  	lr =	sadd.s32 s0, s3;
	s0 =	sld [smem:$0x3FA2]  }
0x30: {  	s3 =	sld [smem:$0x3FA5]  }
0x31: {  	[smem:$0x3FAE] =	sst s10  }
0x32: {  	s10 =	sld [smem:$0x3FAC];
	_ =	sdelay $0x3  }
0x33: {  	p0 =	seq.s32 s10, $0x1;
	s10 =	sld [smem:$0x3FAE];
	_ =	sdelay $0x3  }
0x34: {  	[smem:$0x3FAE] =	sst s10  }
0x35: {  	s10 =	sld [smem:$0x3FAD];
	_ =	sdelay $0x3  }
0x36: {  	p1 =	seq.s32 s10, $0x1;
	s10 =	sld [smem:$0x3FAE];
	_ =	sdelay $0x3  }
0x37: {  	[smem:$0x3FAE] =	sst s10  }
0x38: {  	s10 =	sld [smem:$0x3FAF]  }
0x39: {  	_ = 	snop;
	(pc) =	sbr.ind lr, $3  }
0x3a: {  	_ = 	snop  }
0x3b: {  	_ = 	snop  }
0x3c: {  	p2 =	seq.s32 s10, $0x1;
	s10 =	sld [smem:$0x3FAE]  }
0x3d: {  	_ =	shalt  }
0x3e: {  	_ =	shalt  }
0x3f: {  	_ =	shalt  }
0x40: {  	_ =	shalt  }
0x41: {  	_ =	shalt  }
0x42: {  	_ =	shalt  }
0x43: {  	_ =	shalt  }
0x44: {  	_ =	shalt  }
0x45: {  	_ =	shalt  }
0x46: {  	_ =	shalt  }
0x47: {  	_ =	shalt  }
0x48: {  	_ =	shalt  }
0x49: {  	_ =	shalt  }
0x4a: {  	_ =	shalt  }
0x4b: {  	_ =	shalt  }
0x4c: {  	_ =	shalt  }
0x4d: {  	_ =	shalt  }
0x4e: {  	_ =	shalt  }
0x4f: {  	_ =	shalt  }
0x50: {  	_ =	shalt  }
0x51: {  	_ =	shalt  }
0x52: {  	_ =	shalt  }
0x53: {  	_ =	shalt  }
0x54: {  	_ =	shalt  }
0x55: {  	_ =	shalt  }
0x56: {  	_ =	shalt  }
0x57: {  	_ =	shalt  }
0x58: {  	_ =	shalt  }
0x59: {  	_ =	shalt  }
0x5a: {  	_ =	shalt  }
0x5b: {  	_ =	shalt  }
0x5c: {  	_ =	shalt  }
0x5d: {  	_ =	shalt  }
0x5e: {  	_ =	shalt  }
0x5f: {  	_ =	shalt  }
0x60: {  	_ =	shalt  }
0x61: {  	_ =	shalt  }
0x62: {  	_ =	shalt  }
0x63: {  	_ =	shalt  }
0x64: {  	_ =	shalt  }
0x65: {  	_ =	shalt  }
0x66: {  	_ =	shalt  }
0x67: {  	_ =	shalt  }
0x68: {  	_ =	shalt  }
0x69: {  	_ =	shalt  }
0x6a: {  	_ =	shalt  }
0x6b: {  	_ =	shalt  }
0x6c: {  	_ =	shalt  }
0x6d: {  	_ =	shalt  }
0x6e: {  	_ =	shalt  }
0x6f: {  	_ =	shalt  }
0x70: {  	_ =	shalt  }
0x71: {  	_ =	shalt  }
0x72: {  	_ =	shalt  }
0x73: {  	_ =	shalt  }
0x74: {  	_ =	shalt  }
0x75: {  	_ =	shalt  }
0x76: {  	_ =	shalt  }
0x77: {  	_ =	shalt  }
0x78: {  	_ =	shalt  }
0x79: {  	_ =	shalt  }
0x7a: {  	_ =	shalt  }
0x7b: {  	_ =	shalt  }
0x7c: {  	_ =	shalt  }
0x7d: {  	_ =	shalt  }
0x7e: {  	_ =	shalt  }
0x7f: {  	_ =	shalt  }
0x80: {  	_ =	shalt  }
0x81: {  	_ =	shalt  }
0x82: {  	_ =	shalt  }
0x83: {  	_ =	shalt  }
0x84: {  	_ =	shalt  }
0x85: {  	_ =	shalt  }
0x86: {  	_ =	shalt  }
0x87: {  	_ =	shalt  }
.Lfunc_end0:
.L_simem_size_0:
called_computation_lowered:
.L_overlay_start_0:
0x88: {  	s2 =	sld [smem:$0x3FD9]  }
0x89: {  	s3 =	sld [smem:$0x3FFE];
	_ =	sdelay $0x1  }
0x8a: {  	s1 =	srdreg.scid  }
0x8b: {  	s0 =	sand.u32 $0x1, s1  }
0x8c: {  	s17 =	sshll.u32 s0, $0xA;
	s2 =	sadd.s32 s3, s2  }
0x8d: {  	s2 =	sadd.s32 s2, s17  }
0x8e: {  	[smem:$0x3FBA] =	sst s2  }
0x8f: {  	_ = 	snop  }
0x90: {  	s2 =	sld [smem:$0x3FC9]  }
0x91: {  	s18 =	sld [smem:$0x3FC8];
	(tm) =	ssettm $0x1  }
0x92: {  	s4 =	sld [smem:$0x3FFB];
	_ =	sdelay $0x3  }
0x93: {  	_ =	strace s4  }
0x94: {  	s4 =	sld [smem:$0x3FFC];
	_ =	sdelay $0x3  }
0x95: {  	_ =	strace s4  }
0x96: {  	s4 =	sld [smem:$0x3FFD];
	_ =	sdelay $0x3  }
0x97: {  	_ =	strace s4  }
0x98: {  	_ =	strace $0x8FFFFFFF  }
0x99: {  	s19 =	sld [smem:$0x3FDB];
	_ =	sdelay $0x1  }
0x9a: {  	s5 =	simm.s32 $_scs_section_size  }
0x9b: {  	s6 =	simm.s32 $_size__tile_overlayer_lowered;
	s7 =	simm.s32 $_tile_overlayer_lowered  }
0x9c: {  	s22 =	simm.s32 $0x1BFF;
	s21 =	sshll.u32 s7, $0x1;
	s4 =	sadd.s32 s5, s19  }
0x9d: {  	s8 =	simm.s32 $0x0;
	s20 =	sshll.u32 s6, $0x1;
	s6 =	sadd.s32 s21, s4  }
0x9e: {  	[timem:s8], [sflag:s22] =	dma.local [hbm:s6], s20  }
0x9f: {  	_ =	swait.ge [sflag:s22], s20  }
0xa0: {  	s5 =	ssub.s32 $0x0, s20;
	[sflag:s22] =	ssyncset.done $0x0  }
0xa1: {  	[sflag:s22] =	ssyncadd.s32 s5;
	_ =	sdelay $0x1  }
0xa2: {  	s23 =	simm.s32 $0x1B8B  }
0xa3: {  	_ =	swait.ge [sflag:s23], $0x1  }
0xa4: {  	[sflag:s23] =	ssyncset.done $0x0  }
0xa5: {  	s25 =	simm.s32 $0x1B8E;
	s24 =	sld [smem:$0x3FFE];
	[sflag:s23] =	ssyncadd.s32 $0xFFFFFFFF  }
0xa6: {  	s26 =	simm.s32 $execute0_lowered;
	[smem:$0x3FD2] =	sst s25  }
0xa7: {  	s6 =	sshll.u32 s26, $0x1;
	_ =	strace $0x80000046;
	[dreg:$0x1] =	wrdreg $0xFFFFFFFF  }
0xa8: {  	s28 =	simm.s32 $_size_execute0_lowered;
	s4 =	sadd.s32 s4, s6;
	[dreg:$0x0] =	wrdreg $0x0  }
0xa9: {  	s6 =	sshll.u32 s28, $0x1;
	[dreg:$0x2] =	wrdreg s4  }
0xaa: {  	[dreg:$0x3] =	wrdreg s6  }
0xab: {  	[dreg:$0x4] =	wrdreg $0xC0  }
0xac: {  	_ =	task [dreg:s8], $0x5FFFF  }
0xad: {  	[dreg:$0x1] =	wrdreg $0xFFFFFFFF  }
0xae: {  	[dreg:$0x0] =	wrdreg $0x60  }
0xaf: {  	[dreg:$0x2] =	wrdreg s2  }
0xb0: {  	[dreg:$0x3] =	wrdreg s18  }
0xb1: {  	[dreg:$0x4] =	wrdreg s24  }
0xb2: {  	[dreg:$0x5] =	wrdreg $0x0  }
0xb3: {  	[dreg:$0x6] =	wrdreg $0x9  }
0xb4: {  	_ =	task.clear_ibuf [dreg:s8], $0x7FFFF;
	_ =	strace $0x90000046  }
0xb5: {  	s29 =	simm.s32 $0x9;
	_ =	strace $0x80000048  }
0xb6: {  	_ =	swait.ge [sflag:s29], $0x1  }
0xb7: {  	[sflag:s29] =	ssyncadd.s32 $0xFFFFFFFF  }
0xb8: {  	_ =	strace $0x90000048  }
0xb9: {  	_ =	sfence  }
0xba: {  	s30 =	sld [smem:$0x0];
	_ =	sdelay $0x2  }
0xbb: {  	s31 =	sshll.u32 s1, $0xD;
	s1 =	sshrl.u32 s1, $0x2  }
0xbc: {  	s3 =	sand.u32 $0x4000, s31;
	s1 =	sadd.s32 s1, s30  }
0xbd: {  	s0 =	sor.u32 s3, s0;
	s1 =	sshll.u32 s1, $0x11  }
0xbe: {  	s0 =	sor.u32 s1, s0  }
0xbf: {  	s0 =	sadd.s32 $0x8F2B, s0  }
0xc0: {  	[sflag:s0] =	ssyncadd.remote.s32 $0x1  }
0xc1: {  	_ =	sfence.sel $0xFFFF  }
0xc2: {  	[dreg:$0x0] =	wrdreg $0xFFFFFFFF;
	(pc) =	sbr.abs _section_cstart, $3  }
0xc3: {  	[dreg:$0x1] =	wrdreg $0xFFFFFFFF  }
0xc4: {  	_ =	task.clear_ibuf [dreg:s8], $0x2FFFF;
	_ =	strace $0x9FFFFFFF  }
0xc5: {  	(tm) =	ssettm $0x7FFFFFFF  }
tec
execute0_lowered:
.L_overlay_start_1:
0x0: {  	(tag) =	ssettag $0x1  }
0x1: {  	s1 =	rddreg [dreg:$0x0]  }
0x2: {  	s2 =	rddreg [dreg:$0x1]  }
0x3: {  	s0 =	rddreg [dreg:$0x2]  }
0x4: {  	s3 =	rddreg [dreg:$0x3];
	s4 =	simm.s32 $0x0  }
0x5: {  	s5 =	srdreg.scid;
	s16 =	stileid.u32;
	s28 =	simm.s32 $0x80  }
0x6: {  	s30 =	simm.s32 $0x1FD00;
	s29 =	simm.s32 $0x0;
	[smem:$0x7FF] =	sst s4  }
0x7: {  	s5 =	sand.u32 $0x1, s5;
	s6 =	sadd.s32 $0x3400, s0;
	s9 =	smul.u32 $0x4F000, s16  }
0x8: {  	s0 =	sadd.s32 $0x3C00, s0;
	p0 =	slt.u32 s16, $0x2;
	s10 =	smul.u32 $0x13C00, s16  }
0x9: {  	s11 =	sshll.u32 s16, $0x6;
	s19 =	sshll.u32 s16, $0x9;
	_ =	strace $0x80000047  }
0xa: {  	s7 =	ssub.s32 $0x2, s5;
	s25 =	sshll.u32 s5, $0x5;
	s21 =	smul.u32 $0x13C000, s5  }
0xb: {  	s5 =	sshll.u32 s5, $0x8;
	s8 =	sshrl.u32 s7, $0x1;
	s9 =	sshrl.u32 s9, $0x2  }
0xc: {  	s12 =	sadd.s32 $0x4000, s10;
	s23 =	sadd.s32 $0x8000, s10;
	s15 =	sadd.s32 $0xC000, s10  }
0xd: {  	s20 =	sadd.s32 $0x10000, s10;
	s5 =	sor.u32 s5, s19;
	s8 =	ssub.s32 s7, s8  }
0xe: {  	s7 =	simm.s32 $0x4F;
	s9 =	sadd.s32 s9, s3;
	s13 =	sadd.s32 s12, s3  }
0xf: {  	s14 =	sadd.s32 s23, s3;
	s24 =	sadd.s32 s15, s3;
	[dreg:$0x9] =	wrdreg s9  }
0x10: {  	s26 =	sadd.s32 s20, s3;
	s10 =	sadd.s32 s10, s21;
	[dreg:$0xa] =	wrdreg s13  }
0x11: {  	s18 =	sadd.s32 s21, s20;
	s7 =	simm.s32 @!p0 $0x4E;
	[dreg:$0xb] =	wrdreg s14  }
0x12: {  	s9 =	sor.u32 $0x1C08, s11;
	[dreg:$0xc] =	wrdreg s24;
	s11 =	sor.u32 s25, s11  }
0x13: {  	[dreg:$0xd] =	wrdreg s26;
	s10 =	sshrl.u32 s10, $0x3;
	s13 =	sadd.s32 s21, s15  }
0x14: {  	s25 =	sor.u32 $0x8000, s5;
	s14 =	sadd.s32 s2, s11;
	s10 =	sadd.s32 s0, s10  }
0x15: {  	s11 =	simm.s32 $0x14400;
	s22 =	sadd.s32 $0xFFFFFFFC, s7;
	[dreg:$0x10] =	wrdreg s10  }
0x16: {  	s26 =	sshrl.u32 s25, $0x3;
	s17 =	sadd.s32 $0x400, s14;
	[dreg:$0x6] =	wrdreg s22  }
0x17: {  	s25 =	simm.s32 $0x1FC00;
	s11 =	simm.s32 @!p0 $0x13800;
	[dreg:$0xe] =	wrdreg s17  }
0x18: {  	s31 =	sadd.s32 $0x800, s14;
	s22 =	smax.u32 s8, $0x1;
	[dreg:$0x8] =	wrdreg s11  }
0x19: {  	[dreg:$0xf] =	wrdreg s31;
	s11 =	sadd.s32 s21, s12;
	s12 =	sadd.s32 s21, s23  }
0x1a: {  	s17 =	sshrl.u32 s13, $0x3;
	s21 =	sshrl.u32 s18, $0x3;
	s23 =	sor.u32 $0xA000, s5  }
0x1b: {  	s31 =	sadd.s32 s26, s2;
	s26 =	simm.s32 $0x1;
	s10 =	sshrl.u32 s11, $0x3  }
0x1c: {  	s11 =	sshrl.u32 s12, $0x3;
	s20 =	sadd.s32 s0, s17;
	s21 =	sadd.s32 s0, s21  }
0x1d: {  	s24 =	sshrl.u32 s23, $0x3;
	[dreg:$0x5] =	wrdreg s31;
	s10 =	sadd.s32 s0, s10  }
0x1e: {  	s23 =	simm.s32 $0x5;
	s15 =	sadd.s32 s0, s11;
	[dreg:$0x11] =	wrdreg s10  }
0x1f: {  	s12 =	sor.u32 $0x6000, s5;
	s0 =	sadd.s32 s24, s2;
	[dreg:$0x12] =	wrdreg s15  }
0x20: {  	s5 =	simm.s32 $0x8;
	s23 =	simm.s32 @!p0 $0x7;
	[dreg:$0x7] =	wrdreg s0  }
.LBB2_1:
0x21: {  	s0 =	rddreg [dreg:$0x9]  }
0x22: {  	s31 =	sshrl.u32 s0, $0x3  }
0x23: {  	[spmem:s31], [sflag:s9] =	dma.local [hbm:s6], $0x800  }
0x24: {  	s17 =	rddreg [dreg:$0xa]  }
0x25: {  	s0 =	sshrl.u32 s17, $0x3  }
0x26: {  	[spmem:s0], [sflag:s9] =	dma.local [hbm:s6], $0x800  }
0x27: {  	s8 =	rddreg [dreg:$0xb]  }
0x28: {  	s8 =	sshrl.u32 s8, $0x3  }
0x29: {  	[spmem:s8], [sflag:s9] =	dma.local [hbm:s6], $0x800  }
0x2a: {  	s10 =	rddreg [dreg:$0xc]  }
0x2b: {  	s10 =	sshrl.u32 s10, $0x3  }
0x2c: {  	[spmem:s10], [sflag:s9] =	dma.local [hbm:s6], $0x800  }
0x2d: {  	s11 =	rddreg [dreg:$0xd]  }
0x2e: {  	s11 =	sshrl.u32 s11, $0x3  }
0x2f: {  	[spmem:s11], [sflag:s9] =	dma.local [hbm:s6], $0x780  }
0x30: {  	[tilespmem:s25], [sflag:$0x1] =	stream.linear.gather [hbm4b:s14+s4], $0x100, $0x38;
	v63 =	vld [tilespmem:$0x0]  }
0x31: {  	_ =	swait.ge [sflag:s26], $0x100  }
0x32: {  	[sflag:s26] =	ssyncset.done $0x0  }
0x33: {  	s13 =	simm.s32 $0x13C00;
	[sflag:s26] =	ssyncadd.s32 $0xFFFFFF00  }
0x34: {  	[tilespmem:s13], [sflag:$0x2] =	stream.indirect.gather [hbm4b:s1+s28], $0x80, s25, s28, $0xb8;
	v63 =	vld [tilespmem:$0x0]  }
0x35: {  	s18 =	rddreg [dreg:$0xe]  }
0x36: {  	[tilespmem:s30], [sflag:$0x1] =	stream.linear.gather [hbm4b:s18+s4], $0x100, $0x38;
	v63 =	vld [tilespmem:$0x0]  }
0x37: {  	_ =	swait.ge [sflag:s26], $0x100  }
0x38: {  	[sflag:s26] =	ssyncset.done $0x0  }
0x39: {  	s19 =	simm.s32 $0x17C00;
	[sflag:s26] =	ssyncadd.s32 $0xFFFFFF00  }
0x3a: {  	[tilespmem:s19], [sflag:$0x3] =	stream.indirect.gather [hbm4b:s1+s28], $0x80, s30, s28, $0xb8;
	v63 =	vld [tilespmem:$0x0]  }
0x3b: {  	s15 =	simm.s32 $0x1FE00;
	s24 =	rddreg [dreg:$0xf]  }
0x3c: {  	[tilespmem:s15], [sflag:$0x1] =	stream.linear.gather [hbm4b:s24+s4], $0x100, $0x38;
	v63 =	vld [tilespmem:$0x0]  }
0x3d: {  	_ =	swait.ge [sflag:s5], $0x800  }
0x3e: {  	[sflag:s5] =	ssyncset.done $0x0  }
0x3f: {  	[sflag:s5] =	ssyncadd.s32 $0xFFFFF800  }
0x40: {  	_ =	swait.ge [sflag:s5], $0x800  }
0x41: {  	[sflag:s5] =	ssyncset.done $0x0  }
0x42: {  	[sflag:s5] =	ssyncadd.s32 $0xFFFFF800  }
0x43: {  	_ =	swait.ge [sflag:s5], $0x800  }
0x44: {  	[sflag:s5] =	ssyncset.done $0x0  }
0x45: {  	[sflag:s5] =	ssyncadd.s32 $0xFFFFF800  }
0x46: {  	_ =	swait.ge [sflag:s5], $0x800  }
0x47: {  	[sflag:s5] =	ssyncset.done $0x0  }
0x48: {  	[sflag:s5] =	ssyncadd.s32 $0xFFFFF800  }
0x49: {  	_ =	swait.ge [sflag:s5], $0x780  }
0x4a: {  	[sflag:s5] =	ssyncset.done $0x0  }
0x4b: {  	s13 =	simm.s32 $0x0;
	[sflag:s5] =	ssyncadd.s32 $0xFFFFF880  }
0x4c: {  	s24 =	smov.u32 s12;
	s15 =	simm.s32 $0x0;
	[bflag:$0x0] =	sbarrier.arrive $0xFFFF  }
.LBB2_2:
0x4d: {  	p0 =	sge.u32 s13, s7  }
0x4e: {  	s16 =	simm.s32 @!p0 $0x2  }
0x4f: {  	_ =	swait.ge @!p0 [sflag:s16], $0x4000  }
0x50: {  	s17 =	sand.u32 @!p0 $0xC00, s15;
	[sflag:s16] =	ssyncset.done @!p0 $0x0  }
0x51: {  	[sflag:s16] =	ssyncadd.s32 @!p0 $0xFFFFC000;
	s16 =	sshrl.u32 @!p0 s17, $0x2  }
0x52: {  	s18 =	simm.s32 @!p0 $0x13C00;
	s17 =	simm.s32 @!p0 $0x80;
	s16 =	sor.u32 @!p0 $0x1FC80, s16  }
0x53: {  	[spmem:s3] =	stream.indirect.scatter.add.f32 @!p0 [tilespmem:s18], [sflag:$0x5], $0x80, s16, s17, $0xb8;
	v63 =	vld [tilespmem:$0x0]  }
0x54: {  	s16 =	sadd.s32 @!p0 $0x2, s13  }
0x55: {  	p1 =	sge.u32 @!p0 s16, s7  }
0x56: {  	p1 =	por p1, p0  }
0x57: {  	s16 =	simm.s32 @!p1 $0x1  }
0x58: {  	p2 =	seq.s32 @!p0 s15, $0x0;
	_ =	swait.ge @!p1 [sflag:s16], $0x100  }
0x59: {  	p2 =	por p2, p0;
	[sflag:s16] =	ssyncset.done @!p1 $0x0  }
0x5a: {  	[sflag:s16] =	ssyncadd.s32 @!p1 $0xFFFFFF00;
	s16 =	simm.s32 @!p2 $0x7  }
0x5b: {  	s17 =	sadd.s32 @!p1 $0x800, s15;
	_ =	swait.ge @!p2 [sflag:s16], $0x4000  }
0x5c: {  	s17 =	sand.u32 @!p1 $0xC00, s17;
	[sflag:s16] =	ssyncset.done @!p2 $0x0  }
0x5d: {  	[sflag:s16] =	ssyncadd.s32 @!p2 $0xFFFFC000;
	s16 =	sshrl.u32 @!p1 s17, $0x2  }
0x5e: {  	s18 =	simm.s32 @!p1 $0x1BC00;
	s17 =	simm.s32 @!p1 $0x80;
	s16 =	sor.u32 @!p1 $0x1FC00, s16  }
0x5f: {  	[tilespmem:s18], [sflag:$0x4] =	stream.indirect.gather @!p1 [hbm4b:s1+s17], $0x80, s16, s17, $0xb8;
	v63 =	vld [tilespmem:$0x0]  }
0x60: {  	s16 =	sadd.s32 @!p0 $0x3, s13  }
0x61: {  	p1 =	sge.u32 @!p0 s16, s7  }
0x62: {  	p0 =	por p1, p0  }
0x63: {  	s16 =	sadd.s32 @!p0 $0xC00, s15  }
0x64: {  	s16 =	sand.u32 @!p0 $0xC00, s16  }
0x65: {  	s17 =	sshrl.u32 @!p0 s24, $0x3;
	s16 =	sshrl.u32 @!p0 s16, $0x2  }
0x66: {  	s18 =	simm.s32 @!p0 $0x0;
	s17 =	sadd.s32 @!p0 s2, s17;
	s16 =	sor.u32 @!p0 $0x1FC00, s16  }
0x67: {  	[tilespmem:s16], [sflag:$0x1] =	stream.linear.gather @!p0 [hbm4b:s17+s18], $0x100, $0x38;
	v63 =	vld [tilespmem:$0x0]  }
0x68: {  	s18 =	sadd.s32 $0x1, s13  }
0x69: {  	p0 =	sge.u32 s18, s7  }
0x6a: {  	s16 =	simm.s32 @!p0 $0x3  }
0x6b: {  	s17 =	sadd.s32 @!p0 $0x400, s15;
	_ =	swait.ge @!p0 [sflag:s16], $0x4000  }
0x6c: {  	s17 =	sand.u32 @!p0 $0xC00, s17;
	[sflag:s16] =	ssyncset.done @!p0 $0x0  }
0x6d: {  	[sflag:s16] =	ssyncadd.s32 @!p0 $0xFFFFC000;
	s16 =	sshrl.u32 @!p0 s17, $0x2  }
0x6e: {  	s18 =	simm.s32 @!p0 $0x17C00;
	s17 =	simm.s32 @!p0 $0x80;
	s16 =	sor.u32 @!p0 $0x1FC80, s16  }
0x6f: {  	[spmem:s3] =	stream.indirect.scatter.add.f32 @!p0 [tilespmem:s18], [sflag:$0x6], $0x80, s16, s17, $0xb8;
	v63 =	vld [tilespmem:$0x0]  }
0x70: {  	s16 =	sadd.s32 @!p0 $0x3, s13  }
0x71: {  	p1 =	sge.u32 @!p0 s16, s7  }
0x72: {  	p2 =	por !p1, p0  }
0x73: {  	s16 =	simm.s32 @!p2 $0x5  }
0x74: {  	_ =	swait.ge @!p2 [sflag:s16], $0x4000  }
0x75: {  	p1 =	por p1, p0;
	[sflag:s16] =	ssyncset.done @!p2 $0x0  }
0x76: {  	[sflag:s16] =	ssyncadd.s32 @!p2 $0xFFFFC000;
	s16 =	simm.s32 @!p1 $0x1  }
0x77: {  	_ =	swait.ge @!p1 [sflag:s16], $0x100  }
0x78: {  	[sflag:s16] =	ssyncset.done @!p1 $0x0  }
0x79: {  	[sflag:s16] =	ssyncadd.s32 @!p1 $0xFFFFFF00;
	s16 =	simm.s32 @!p1 $0x5  }
0x7a: {  	s17 =	sadd.s32 @!p1 $0xC00, s15;
	_ =	swait.ge @!p1 [sflag:s16], $0x4000  }
0x7b: {  	s17 =	sand.u32 @!p1 $0xC00, s17;
	[sflag:s16] =	ssyncset.done @!p1 $0x0  }
0x7c: {  	[sflag:s16] =	ssyncadd.s32 @!p1 $0xFFFFC000;
	s16 =	sshrl.u32 @!p1 s17, $0x2  }
0x7d: {  	s18 =	simm.s32 @!p1 $0x13C00;
	s17 =	simm.s32 @!p1 $0x80;
	s16 =	sor.u32 @!p1 $0x1FC00, s16  }
0x7e: {  	[tilespmem:s18], [sflag:$0x2] =	stream.indirect.gather @!p1 [hbm4b:s1+s17], $0x80, s16, s17, $0xb8;
	v63 =	vld [tilespmem:$0x0]  }
0x7f: {  	s16 =	sadd.s32 @!p0 $0x4, s13  }
0x80: {  	p1 =	sge.u32 @!p0 s16, s7  }
0x81: {  	p0 =	por p1, p0  }
0x82: {  	s17 =	sand.u32 @!p0 $0xC00, s15  }
0x83: {  	s19 =	sadd.s32 $0x2, s13;
	s16 =	rddreg [dreg:$0x5];
	s17 =	sshrl.u32 @!p0 s17, $0x2  }
0x84: {  	s16 =	sadd.s32 @!p0 s15, s16;
	s18 =	simm.s32 @!p0 $0x0;
	s17 =	sor.u32 @!p0 $0x1FC00, s17  }
0x85: {  	[tilespmem:s17], [sflag:$0x1] =	stream.linear.gather @!p0 [hbm4b:s16+s18], $0x100, $0x38;
	v63 =	vld [tilespmem:$0x0]  }
0x86: {  	p0 =	sge.u32 s19, s7  }
0x87: {  	s16 =	simm.s32 @!p0 $0x4  }
0x88: {  	s17 =	sadd.s32 @!p0 $0x800, s15;
	_ =	swait.ge @!p0 [sflag:s16], $0x4000  }
0x89: {  	s18 =	simm.s32 @!p0 $0x80;
	s17 =	sand.u32 @!p0 $0xC00, s17;
	[sflag:s16] =	ssyncset.done @!p0 $0x0  }
0x8a: {  	[sflag:s16] =	ssyncadd.s32 @!p0 $0xFFFFC000;
	s16 =	sshrl.u32 @!p0 s17, $0x2;
	s17 =	rddreg [dreg:$0x6]  }
0x8b: {  	s19 =	simm.s32 @!p0 $0x1BC00;
	s16 =	sor.u32 @!p0 $0x1FC80, s16;
	p1 =	sge.u32 @!p0 s13, s17  }
0x8c: {  	[spmem:s3] =	stream.indirect.scatter.add.f32 @!p0 [tilespmem:s19], [sflag:$0x7], $0x80, s16, s18, $0xb8;
	v63 =	vld [tilespmem:$0x0]  }
0x8d: {  	p2 =	por !p1, p0  }
0x8e: {  	s16 =	simm.s32 @!p2 $0x6  }
0x8f: {  	_ =	swait.ge @!p2 [sflag:s16], $0x4000  }
0x90: {  	p1 =	por p1, p0;
	[sflag:s16] =	ssyncset.done @!p2 $0x0  }
0x91: {  	[sflag:s16] =	ssyncadd.s32 @!p2 $0xFFFFC000;
	s16 =	simm.s32 @!p1 $0x1  }
0x92: {  	_ =	swait.ge @!p1 [sflag:s16], $0x100  }
0x93: {  	[sflag:s16] =	ssyncset.done @!p1 $0x0  }
0x94: {  	[sflag:s16] =	ssyncadd.s32 @!p1 $0xFFFFFF00;
	s16 =	simm.s32 @!p1 $0x6  }
0x95: {  	_ =	swait.ge @!p1 [sflag:s16], $0x4000  }
0x96: {  	s17 =	sand.u32 @!p1 $0xC00, s15;
	[sflag:s16] =	ssyncset.done @!p1 $0x0  }
0x97: {  	[sflag:s16] =	ssyncadd.s32 @!p1 $0xFFFFC000;
	s16 =	sshrl.u32 @!p1 s17, $0x2  }
0x98: {  	s18 =	simm.s32 @!p1 $0x17C00;
	s17 =	simm.s32 @!p1 $0x80;
	s16 =	sor.u32 @!p1 $0x1FC00, s16  }
0x99: {  	[tilespmem:s18], [sflag:$0x3] =	stream.indirect.gather @!p1 [hbm4b:s1+s17], $0x80, s16, s17, $0xb8;
	v63 =	vld [tilespmem:$0x0]  }
0x9a: {  	s16 =	sadd.s32 @!p0 $0x5, s13  }
0x9b: {  	p1 =	sge.u32 @!p0 s16, s7  }
0x9c: {  	p0 =	por p1, p0  }
0x9d: {  	s16 =	sadd.s32 @!p0 $0x1400, s15  }
0x9e: {  	s17 =	rddreg [dreg:$0x7];
	s16 =	sand.u32 @!p0 $0xC00, s16  }
0x9f: {  	s19 =	rddreg [dreg:$0x8];
	s17 =	sadd.s32 @!p0 s15, s17;
	s16 =	sshrl.u32 @!p0 s16, $0x2  }
0xa0: {  	s18 =	simm.s32 @!p0 $0x0;
	s15 =	sadd.s32 $0xC00, s15;
	s16 =	sor.u32 @!p0 $0x1FC00, s16  }
0xa1: {  	[tilespmem:s16], [sflag:$0x1] =	stream.linear.gather @!p0 [hbm4b:s17+s18], $0x100, $0x38;
	v63 =	vld [tilespmem:$0x0]  }
0xa2: {  	p0 =	sne.s32 s19, s15  }
.Ltmp0:
0xa3: {  	_ = 	snop;
	(pc) =	sbr.rel @p0 .LBB2_2-.Ltmp0, $2  }
0xa4: {  	_ =	sdelay $0x2  }
0xa5: {  	s24 =	sadd.s32 $0x6000, s24;
	s13 =	sadd.s32 $0x3, s13  }
0xa6: {  	_ =	swait.ge [sflag:s23], $0x4000  }
0xa7: {  	[sflag:s23] =	ssyncset.done $0x0  }
0xa8: {  	[sflag:s23] =	ssyncadd.s32 $0xFFFFC000  }
0xa9: {  	[bflag:$0x0] =	sbarrier.arrive $0xFFFF  }
0xaa: {  	s13 =	rddreg [dreg:$0x10]  }
0xab: {  	[hbm:s13], [sflag:s9] =	dma.local [spmem:s31], $0x800  }
0xac: {  	s13 =	rddreg [dreg:$0x11]  }
0xad: {  	[hbm:s13], [sflag:s9] =	dma.local [spmem:s0], $0x800  }
0xae: {  	s0 =	rddreg [dreg:$0x12]  }
0xaf: {  	[hbm:s0], [sflag:s9] =	dma.local [spmem:s8], $0x800  }
0xb0: {  	[hbm:s20], [sflag:s9] =	dma.local [spmem:s10], $0x800  }
0xb1: {  	[hbm:s21], [sflag:s9] =	dma.local [spmem:s11], $0x780  }
0xb2: {  	_ =	swait.ge [sflag:s5], $0x800  }
0xb3: {  	[sflag:s5] =	ssyncset.done $0x0  }
0xb4: {  	[sflag:s5] =	ssyncadd.s32 $0xFFFFF800  }
0xb5: {  	_ =	swait.ge [sflag:s5], $0x800  }
0xb6: {  	[sflag:s5] =	ssyncset.done $0x0  }
0xb7: {  	[sflag:s5] =	ssyncadd.s32 $0xFFFFF800  }
0xb8: {  	_ =	swait.ge [sflag:s5], $0x800  }
0xb9: {  	[sflag:s5] =	ssyncset.done $0x0  }
0xba: {  	s29 =	sadd.s32 $0x1, s29;
	[sflag:s5] =	ssyncadd.s32 $0xFFFFF800  }
0xbb: {  	p0 =	sne.s32 s29, s22;
	_ =	swait.ge [sflag:s5], $0x800  }
.Ltmp1:
0xbc: {  	[sflag:s5] =	ssyncset.done $0x0;
	(pc) =	sbr.rel @p0 .LBB2_1-.Ltmp1, $4  }
0xbd: {  	[sflag:s5] =	ssyncadd.s32 $0xFFFFF800  }
0xbe: {  	_ =	swait.ge [sflag:s5], $0x780  }
0xbf: {  	[sflag:s5] =	ssyncset.done $0x0  }
0xc0: {  	[sflag:s5] =	ssyncadd.s32 $0xFFFFF880  }
0xc1: {  	_ =	sfence.sel $0x180000  }
0xc2: {  	[bflag:$0x0] =	sbarrier.arrive $0xFFFF  }
0xc3: {  	_ =	strace $0x90000047  }
0xc4: {  	s0 =	stileid.u32;
	[bflag:$0x2] =	sbarrier.arrive $0xFFFF  }
0xc5: {  	p0 =	sne.s32 s0, $0x0;
	s0 =	rddreg [dreg:$0x4]  }
0xc6: {  	s0 =	sadd.s32 @!p0 $0x100000, s0  }
0xc7: {  	[sflag:s0] =	ssyncadd.tile.s32 @!p0 $0x1;
	_ =	shalt  }
.Lfunc_end2:
_tile_overlayer_lowered:
.L_overlay_start_2:
0xc8: {  	(tag) =	ssettag $0x2  }
0xc9: {  	s0 =	rddreg [dreg:$0x0];
	s2 =	stileid.u32  }
0xca: {  	s1 =	rddreg [dreg:$0x1];
	p0 =	sne.s32 s2, $0x0  }
0xcb: {  	s3 =	rddreg [dreg:$0x2];
	[bflag:$0x3] =	sbarrier.arrive $0xFFFF;
	s2 =	simm.s32 @!p0 $0x1C09  }
0xcc: {  	[timem:s3], [sflag:s2] =	dma.local @!p0 [hbm:s0], s1  }
0xcd: {  	s0 =	simm.s32 @!p0 $0x9  }
0xce: {  	_ =	swait.ge @!p0 [sflag:s0], s1  }
0xcf: {  	s1 =	ssub.s32 @!p0 $0x0, s1;
	[sflag:s0] =	ssyncset.done @!p0 $0x0  }
0xd0: {  	[sflag:s0] =	ssyncadd.s32 @!p0 s1  }
0xd1: {  	[bflag:$0x3] =	sbarrier.arrive $0xFFFF  }
0xd2: {  	_ =	shalt  }

</sc_bundles>
